<compile_context>
chip_gen: v7x
topology: tpu7x:2x2x1
jax: 0.10.2.dev20260603
libtpu: 0.0.44.dev20260713+nightly
codegen_flags: <defaults>
</compile_context>

<pallas_src>
import functools

import jax
import jax.numpy as jnp
from jax import lax
from jax.experimental import pallas as pl
from jax.experimental.pallas import tpu as pltpu
from jax.experimental.pallas import tpu_sc as plsc

_NC = 2
_NS = 16
_LANES = 16



def _pack_bf16(v):
    c = v.shape[1] // 2
    vi = lax.bitcast_convert_type(v, jnp.int32)
    r = lax.shift_right_arithmetic(
        vi + 0x7FFF + (lax.shift_right_arithmetic(vi, 16) & 1), 16
    )
    word = (r[:, :c] & 0xFFFF) | lax.shift_left(r[:, c:], 16)
    return lax.bitcast_convert_type(word, jnp.float32)


def _unpack_bf16(w):
    wi = lax.bitcast_convert_type(w, jnp.int32)
    lo = lax.bitcast_convert_type(lax.shift_left(wi, 16), jnp.float32)
    hi = lax.bitcast_convert_type(
        wi & jnp.int32(-0x10000), jnp.float32)
    return lo, hi


def _proj_body(x_ref, wi_ref, wj_ref, bi_ref, ti_ref, tj_ref):
    xb = x_ref[...]
    ti_ref[...] = _pack_bf16(
        jnp.dot(xb, wi_ref[...], preferred_element_type=jnp.float32)
        + bi_ref[...]
    )
    tj_ref[...] = _pack_bf16(
        jnp.dot(xb, wj_ref[...], preferred_element_type=jnp.float32)
    )


def _edge_body(gi_ref, gj_ref, ea_ref, we_ref, m_ref):
    c = m_ref.shape[1]
    lo_i, hi_i = _unpack_bf16(gi_ref[...])
    lo_j, hi_j = _unpack_bf16(gj_ref[...])
    ea = jnp.dot(ea_ref[...], we_ref[...],
                 preferred_element_type=jnp.float32)
    a = lo_i + lo_j + ea[:, :c]
    s = hi_i + hi_j + ea[:, c:]
    sig = 1.0 / (1.0 + jnp.exp(-a))
    sp = jnp.maximum(s, 0.0) + jnp.log(1.0 + jnp.exp(-jnp.abs(s)))
    m_ref[...] = sig * sp


def _mlp_body(o_ref, w1_ref, b1_ref, w2_ref, b2_ref, y_ref):
    h = jnp.maximum(
        jnp.dot(o_ref[...], w1_ref[...], preferred_element_type=jnp.float32)
        + b1_ref[...],
        0.0,
    )
    y_ref[...] = (
        jnp.dot(h, w2_ref[...], preferred_element_type=jnp.float32)
        + b2_ref[...]
    )



@functools.lru_cache(maxsize=None)
def _make_gather(E, HP, KG, NB=4):
    NW = _NC * _NS
    epw = E // NW
    nchunk = epw // KG
    ngrp = nchunk // NB
    mesh = plsc.VectorSubcoreMesh(core_axis_name="c", subcore_axis_name="s")
    out_sd = jax.ShapeDtypeStruct((E, HP), jnp.float32)

    @functools.partial(
        pl.kernel,
        out_type=(out_sd, out_sd),
        mesh=mesh,
        scratch_types=[
            pltpu.VMEM((epw,), jnp.int32),
            pltpu.VMEM((epw,), jnp.int32),
        ]
        + [pltpu.VMEM((KG, HP), jnp.float32)] * (2 * NB)
        + [pltpu.SemaphoreType.DMA] * (2 * NB),
    )
    def gather_k(ti_hbm, tj_hbm, dst_hbm, src_hbm, gi_hbm, gj_hbm,
                 idx_d, idx_s, *bufs_and_sems):
        bi = bufs_and_sems[0:NB]
        bj = bufs_and_sems[NB:2 * NB]
        sg = bufs_and_sems[2 * NB:3 * NB]
        sw = bufs_and_sems[3 * NB:4 * NB]
        wid = lax.axis_index("s") * _NC + lax.axis_index("c")
        base = wid * epw
        pltpu.sync_copy(dst_hbm.at[pl.ds(base, epw)], idx_d)
        pltpu.sync_copy(src_hbm.at[pl.ds(base, epw)], idx_s)

        def _gathers(k, b):
            sl = pl.ds(k * KG, KG)
            return (
                pltpu.async_copy(ti_hbm.at[idx_d.at[sl]], bi[b], sg[b]),
                pltpu.async_copy(tj_hbm.at[idx_s.at[sl]], bj[b], sg[b]),
            )

        def _writes(k, b):
            e0 = base + k * KG
            return (
                pltpu.async_copy(bi[b], gi_hbm.at[pl.ds(e0, KG), :], sw[b]),
                pltpu.async_copy(bj[b], gj_hbm.at[pl.ds(e0, KG), :], sw[b]),
            )

        def grp_body(g, carry):
            k0 = g * NB
            gd = [_gathers(k0 + b, b) for b in range(NB)]
            wd = []
            for b in range(NB):
                gd[b][0].wait()
                gd[b][1].wait()
                wd.append(_writes(k0 + b, b))
            for b in range(NB):
                wd[b][0].wait()
                wd[b][1].wait()
            return carry

        lax.fori_loop(0, ngrp, grp_body, 0)
        for k in range(ngrp * NB, nchunk):
            di, dj = _gathers(k, 0)
            di.wait()
            dj.wait()
            wi, wj = _writes(k, 0)
            wi.wait()
            wj.wait()

    return gather_k


@functools.lru_cache(maxsize=None)
def _make_scatter(E, N, C, CE):
    CS = C // _NC
    ept = E // _NS
    nchunk = ept // CE
    rpt = (N // _NS) // 8 * 8
    tail = N - rpt * _NS
    mesh = plsc.VectorSubcoreMesh(core_axis_name="c", subcore_axis_name="s")

    @functools.partial(
        pl.kernel,
        out_type=jax.ShapeDtypeStruct((N, C), jnp.float32),
        mesh=mesh,
        scratch_types=[
            pltpu.VMEM_SHARED((N, CS), jnp.float32),
            pltpu.VMEM((CE, CS), jnp.float32),
            pltpu.VMEM((CE, CS), jnp.float32),
            pltpu.VMEM((CE,), jnp.int32),
            pltpu.VMEM((CE,), jnp.int32),
            pltpu.SemaphoreType.DMA,
            pltpu.SemaphoreType.DMA,
            pltpu.SemaphoreType.DMA,
            pltpu.SemaphoreType.DMA,
            pltpu.SemaphoreType.DMA,
            pltpu.SemaphoreType.DMA,
        ],
    )
    def scatter_k(m_hbm, dst_hbm, x_hbm, out_hbm, acc_sh,
                  b0, b1, i0, i1, lb0, lb1, li0, li1, ss0, ss1):
        c = lax.axis_index("c")
        s = lax.axis_index("s")
        col0 = c * CS
        r0 = s * rpt
        pltpu.sync_copy(
            x_hbm.at[pl.ds(r0, rpt), pl.ds(col0, CS)],
            acc_sh.at[pl.ds(r0, rpt), :],
        )
        if tail:
            @pl.when(s == _NS - 1)
            def _init_tail():
                pltpu.sync_copy(
                    x_hbm.at[pl.ds(rpt * _NS, tail), pl.ds(col0, CS)],
                    acc_sh.at[pl.ds(rpt * _NS, tail), :],
                )
        plsc.subcore_barrier()

        def _load(k, buf, idxb, lb, li):
            e0 = s * ept + k * CE
            return (
                pltpu.async_copy(
                    m_hbm.at[pl.ds(e0, CE), pl.ds(col0, CS)], buf, lb),
                pltpu.async_copy(dst_hbm.at[pl.ds(e0, CE)], idxb, li),
            )

        npair = nchunk // 2

        def pair_body(p, carry):
            k0 = 2 * p
            k1 = k0 + 1
            dm0, dI0 = _load(k0, b0, i0, lb0, li0)
            dm1, dI1 = _load(k1, b1, i1, lb1, li1)
            dm0.wait()
            dI0.wait()
            sc0 = pltpu.async_copy(b0, acc_sh.at[i0], ss0, add=True)
            dm1.wait()
            dI1.wait()
            sc1 = pltpu.async_copy(b1, acc_sh.at[i1], ss1, add=True)
            sc0.wait()
            sc1.wait()
            return carry

        lax.fori_loop(0, npair, pair_body, 0)
        for k in range(2 * npair, nchunk):
            dm0, dI0 = _load(k, b0, i0, lb0, li0)
            dm0.wait()
            dI0.wait()
            pltpu.sync_copy(b0, acc_sh.at[i0], add=True)
        plsc.subcore_barrier()
        pltpu.sync_copy(
            acc_sh.at[pl.ds(r0, rpt), :],
            out_hbm.at[pl.ds(r0, rpt), pl.ds(col0, CS)],
        )
        if tail:
            @pl.when(s == _NS - 1)
            def _write_tail():
                pltpu.sync_copy(
                    acc_sh.at[pl.ds(rpt * _NS, tail), :],
                    out_hbm.at[pl.ds(rpt * _NS, tail), pl.ds(col0, CS)],
                )

    return scatter_k



def kernel(x, edge_index, edge_attr, W_f, b_f, W_s, b_s, W1, b1, W2, b2):
    N, C = x.shape
    E, D_E = edge_attr.shape
    H = 2 * C

    src = edge_index[0].astype(jnp.int32)
    dst = edge_index[1].astype(jnp.int32)
    W_i = jnp.concatenate([W_f[:C], W_s[:C]], axis=1)
    W_j = jnp.concatenate([W_f[C:2 * C], W_s[C:2 * C]], axis=1)
    W_e = jnp.concatenate([W_f[2 * C:], W_s[2 * C:]], axis=1)
    b_cat = jnp.concatenate([b_f, b_s])[None, :]

    BN = 1000
    t_i, t_j = pl.pallas_call(
        _proj_body,
        grid=(N // BN,),
        in_specs=[
            pl.BlockSpec((BN, C), lambda i: (i, 0)),
            pl.BlockSpec((C, H), lambda i: (0, 0)),
            pl.BlockSpec((C, H), lambda i: (0, 0)),
            pl.BlockSpec((1, H), lambda i: (0, 0)),
        ],
        out_specs=[pl.BlockSpec((BN, C), lambda i: (i, 0))] * 2,
        out_shape=[jax.ShapeDtypeStruct((N, C), jnp.float32)] * 2,
    )(x, W_i, W_j, b_cat)

    u = 32 * 40
    BE = u
    nu = E // u
    cuts = [0, (nu // 2) * u, E]
    splits = list(zip(cuts[:-1], cuts[1:]))
    nparts = len(splits)

    def _run_gather(k):
        lo, hi = splits[k]
        return _make_gather(hi - lo, C, 40)(
            t_i, t_j, dst[lo:hi], src[lo:hi])

    gs = [_run_gather(0)]
    onode = x
    for k in range(nparts):
        lo, hi = splits[k]
        ep = hi - lo
        if k + 1 < nparts:
            gs.append(_run_gather(k + 1))
        m = pl.pallas_call(
            _edge_body,
            grid=(ep // BE,),
            in_specs=[
                pl.BlockSpec((BE, C), lambda i: (i, 0)),
                pl.BlockSpec((BE, C), lambda i: (i, 0)),
                pl.BlockSpec((BE, D_E), lambda i: (i, 0)),
                pl.BlockSpec((D_E, H), lambda i: (0, 0)),
            ],
            out_specs=pl.BlockSpec((BE, C), lambda i: (i, 0)),
            out_shape=jax.ShapeDtypeStruct((ep, C), jnp.float32),
        )(gs[k][0], gs[k][1], edge_attr[lo:hi], W_e)
        onode = _make_scatter(ep, N, C, 80)(m, dst[lo:hi], onode)

    y = pl.pallas_call(
        _mlp_body,
        grid=(N // BN,),
        in_specs=[
            pl.BlockSpec((BN, C), lambda i: (i, 0)),
            pl.BlockSpec((C, C), lambda i: (0, 0)),
            pl.BlockSpec((1, C), lambda i: (0, 0)),
            pl.BlockSpec((C, C), lambda i: (0, 0)),
            pl.BlockSpec((1, C), lambda i: (0, 0)),
        ],
        out_specs=pl.BlockSpec((BN, C), lambda i: (i, 0)),
        out_shape=jax.ShapeDtypeStruct((N, C), jnp.float32),
    )(onode, W1, b1[None], W2, b2[None])
    return y

# --- scband reference (transcript-rebuilt; emitter-appended) ---
"""Pipeline reference for scband-cgconv-block-51127290692112 (READ-ONLY COPY).

The authoritative reference and input builder live on the scoring server;
editing this copy changes nothing except your own understanding.
"""

import jax, jax.numpy as jnp
import numpy as np

N = 10000
E = 160000
C = 256
D_EDGE = 16


def setup_inputs(seed: int = 0) -> dict:
    key = jax.random.key(seed)
    k = jax.random.split(key, 12)
    x = jax.random.normal(k[0], (N, C), dtype=jnp.float32)
    edge_index = jax.random.randint(k[1], (2, E), 0, N, dtype=jnp.int64)
    edge_attr = jax.random.normal(k[2], (E, D_EDGE), dtype=jnp.float32)
    zin = 2 * C + D_EDGE
    s1 = 1.0 / np.sqrt(zin)
    s2 = 1.0 / np.sqrt(C)
    W_f = jax.random.uniform(k[3], (zin, C), jnp.float32, -s1, s1)
    b_f = jax.random.uniform(k[4], (C,), jnp.float32, -s1, s1)
    W_s = jax.random.uniform(k[5], (zin, C), jnp.float32, -s1, s1)
    b_s = jax.random.uniform(k[6], (C,), jnp.float32, -s1, s1)
    W1 = jax.random.uniform(k[7], (C, C), jnp.float32, -s2, s2)
    b1 = jax.random.uniform(k[8], (C,), jnp.float32, -s2, s2)
    W2 = jax.random.uniform(k[9], (C, C), jnp.float32, -s2, s2)
    b2 = jax.random.uniform(k[10], (C,), jnp.float32, -s2, s2)
    return {"x": x, "edge_index": edge_index, "edge_attr": edge_attr,
            "W_f": W_f, "b_f": b_f, "W_s": W_s, "b_s": b_s,
            "W1": W1, "b1": b1, "W2": W2, "b2": b2}


def reference(x, edge_index, edge_attr, W_f, b_f, W_s, b_s, W1, b1, W2, b2):
    # CGConv (PyG): z = [x_i, x_j, edge_attr]; m = sigmoid(lin_f(z)) * softplus(lin_s(z));
    # aggregate sum at destination nodes; residual add with x.
    src = edge_index[0]
    dst = edge_index[1]
    x_j = jnp.take(x, src, axis=0)  # neighbor / source features
    x_i = jnp.take(x, dst, axis=0)  # center / destination features
    z = jnp.concatenate([x_i, x_j, edge_attr], axis=-1)
    m = jax.nn.sigmoid(z @ W_f + b_f) * jax.nn.softplus(z @ W_s + b_s)
    agg = jax.ops.segment_sum(m, dst, num_segments=x.shape[0])
    out = agg + x
    # MLP (feed-forward) block: Linear -> ReLU -> Linear
    h = jax.nn.relu(out @ W1 + b1)
    out = h @ W2 + b2
    return out

if __name__ == "__main__":
    import jax
    _d = setup_inputs()
    print(jax.jit(kernel)(*tuple(_d.values())))

</pallas_src>

<mosaic_0001>
#map = affine_map<(d0, d1) -> (0, 0)>
#map1 = affine_map<(d0, d1) -> (0)>
module attributes {stable_mosaic.version = 14 : i64} {
  func.func @gather_k(%arg0: i32, %arg1: i32, %arg2: memref<10000x256xf32, #tpu.memory_space<hbm>>, %arg3: memref<10000x256xf32, #tpu.memory_space<hbm>>, %arg4: memref<79360xi32, #tpu.memory_space<hbm>>, %arg5: memref<79360xi32, #tpu.memory_space<hbm>>, %arg6: memref<79360x256xf32, #tpu.memory_space<hbm>>, %arg7: memref<79360x256xf32, #tpu.memory_space<hbm>>, %arg8: memref<2480xi32, #tpu.memory_space<vmem>>, %arg9: memref<2480xi32, #tpu.memory_space<vmem>>, %arg10: memref<40x256xf32, #tpu.memory_space<vmem>>, %arg11: memref<40x256xf32, #tpu.memory_space<vmem>>, %arg12: memref<40x256xf32, #tpu.memory_space<vmem>>, %arg13: memref<40x256xf32, #tpu.memory_space<vmem>>, %arg14: memref<40x256xf32, #tpu.memory_space<vmem>>, %arg15: memref<40x256xf32, #tpu.memory_space<vmem>>, %arg16: memref<40x256xf32, #tpu.memory_space<vmem>>, %arg17: memref<40x256xf32, #tpu.memory_space<vmem>>, %arg18: memref<!tpu.dma_semaphore, #tpu.memory_space<semaphore_mem>>, %arg19: memref<!tpu.dma_semaphore, #tpu.memory_space<semaphore_mem>>, %arg20: memref<!tpu.dma_semaphore, #tpu.memory_space<semaphore_mem>>, %arg21: memref<!tpu.dma_semaphore, #tpu.memory_space<semaphore_mem>>, %arg22: memref<!tpu.dma_semaphore, #tpu.memory_space<semaphore_mem>>, %arg23: memref<!tpu.dma_semaphore, #tpu.memory_space<semaphore_mem>>, %arg24: memref<!tpu.dma_semaphore, #tpu.memory_space<semaphore_mem>>, %arg25: memref<!tpu.dma_semaphore, #tpu.memory_space<semaphore_mem>>) attributes {dimension_semantics = [#tpu.dimension_semantics<core_parallel>, #tpu.dimension_semantics<subcore_parallel>], iteration_bounds = array<i64: 2, 16>, scalar_prefetch = 0 : i64, scratch_operands = 18 : i64, tpu.core_type = #tpu.core_type<sc_vector_subcore>, window_params = [{transform_indices = #map}, {transform_indices = #map}, {transform_indices = #map1}, {transform_indices = #map1}, {transform_indices = #map}, {transform_indices = #map}]} {
    %mul3A = arith.constant 2 : i32
    %mul3A_0 = arith.muli %arg1, %mul3A : i32
    %add3A = arith.addi %mul3A_0, %arg0 : i32
    %mul3A_1 = arith.constant 2480 : i32
    %mul3A_2 = arith.muli %add3A, %mul3A_1 : i32
    "tpu.region"() ({
      %run_scoped3A = tpu.sem_alloc : memref<!tpu.dma_semaphore, #tpu.memory_space<semaphore_mem>>
      %dma_start3A_82 = tpu.memref_slice %arg4[%mul3A_2] : memref<79360xi32, #tpu.memory_space<hbm>> -> memref<2480xi32, #tpu.memory_space<hbm>>
      %dma_start3A_83 = tpu.memref_slice %arg4[%mul3A_2] : memref<79360xi32, #tpu.memory_space<hbm>> -> memref<2480xi32, #tpu.memory_space<hbm>>
      tpu.enqueue_dma source(%dma_start3A_83 : memref<2480xi32, #tpu.memory_space<hbm>>) target(%arg8 : memref<2480xi32, #tpu.memory_space<vmem>>) target_semaphore(%run_scoped3A : memref<!tpu.dma_semaphore, #tpu.memory_space<semaphore_mem>>)
      %dma_wait3A_84 = tpu.memref_slice %arg4[%mul3A_2] : memref<79360xi32, #tpu.memory_space<hbm>> -> memref<2480xi32, #tpu.memory_space<hbm>>
      %dma_wait3A_85 = tpu.memref_slice %arg4[%mul3A_2] : memref<79360xi32, #tpu.memory_space<hbm>> -> memref<2480xi32, #tpu.memory_space<hbm>>
      tpu.wait_dma2 semaphore(%run_scoped3A : memref<!tpu.dma_semaphore, #tpu.memory_space<semaphore_mem>>) src(%dma_wait3A_85 : memref<2480xi32, #tpu.memory_space<hbm>>) dst(%arg8 : memref<2480xi32, #tpu.memory_space<vmem>>)
      tpu.yield
    }) : () -> ()
    "tpu.region"() ({
      %run_scoped3A = tpu.sem_alloc : memref<!tpu.dma_semaphore, #tpu.memory_space<semaphore_mem>>
      %dma_start3A_82 = tpu.memref_slice %arg5[%mul3A_2] : memref<79360xi32, #tpu.memory_space<hbm>> -> memref<2480xi32, #tpu.memory_space<hbm>>
      %dma_start3A_83 = tpu.memref_slice %arg5[%mul3A_2] : memref<79360xi32, #tpu.memory_space<hbm>> -> memref<2480xi32, #tpu.memory_space<hbm>>
      tpu.enqueue_dma source(%dma_start3A_83 : memref<2480xi32, #tpu.memory_space<hbm>>) target(%arg9 : memref<2480xi32, #tpu.memory_space<vmem>>) target_semaphore(%run_scoped3A : memref<!tpu.dma_semaphore, #tpu.memory_space<semaphore_mem>>)
      %dma_wait3A_84 = tpu.memref_slice %arg5[%mul3A_2] : memref<79360xi32, #tpu.memory_space<hbm>> -> memref<2480xi32, #tpu.memory_space<hbm>>
      %dma_wait3A_85 = tpu.memref_slice %arg5[%mul3A_2] : memref<79360xi32, #tpu.memory_space<hbm>> -> memref<2480xi32, #tpu.memory_space<hbm>>
      tpu.wait_dma2 semaphore(%run_scoped3A : memref<!tpu.dma_semaphore, #tpu.memory_space<semaphore_mem>>) src(%dma_wait3A_85 : memref<2480xi32, #tpu.memory_space<hbm>>) dst(%arg9 : memref<2480xi32, #tpu.memory_space<vmem>>)
      tpu.yield
    }) : () -> ()
    %scan3A = arith.constant 0 : i32
    %scan3A_3 = arith.constant 0 : i32
    %scan3A_4 = arith.constant 15 : i32
    %scan3A_5 = arith.addi %scan3A_3, %scan3A_4 : i32
    %scan3A_6 = arith.constant 1 : i32
    scf.for %scan3A_82 = %scan3A_3 to %scan3A_5 step %scan3A_6  : i32 {
      %mul3A_83 = arith.constant 4 : i32
      %mul3A_84 = arith.muli %scan3A_82, %mul3A_83 : i32
      %add3A_85 = arith.constant 0 : i32
      %add3A_86 = arith.addi %mul3A_84, %add3A_85 : i32
      %mul3A_87 = arith.constant 40 : i32
      %mul3A_88 = arith.muli %add3A_86, %mul3A_87 : i32
      %dma_start3A_89 = tpu.memref_slice %arg8[%mul3A_88] : memref<2480xi32, #tpu.memory_space<vmem>> -> memref<40xi32, #tpu.memory_space<vmem>>
      %dma_start3A_90 = arith.constant 0 : i32
      %dma_start3A_91 = arith.constant 0 : i32
      %dma_start3A_92 = tpu.memref_slice %arg2[%dma_start3A_90, %dma_start3A_91] : memref<10000x256xf32, #tpu.memory_space<hbm>> -> memref<10000x256xf32, #tpu.memory_space<hbm>>
      tpu.enqueue_indirect_dma source(%dma_start3A_92 : memref<10000x256xf32, #tpu.memory_space<hbm>>) target(%arg10 : memref<40x256xf32, #tpu.memory_space<vmem>>) offsets(%dma_start3A_89 : memref<40xi32, #tpu.memory_space<vmem>>) semaphore(%arg18 : memref<!tpu.dma_semaphore, #tpu.memory_space<semaphore_mem>>)
      %dma_start3A_93 = tpu.memref_slice %arg9[%mul3A_88] : memref<2480xi32, #tpu.memory_space<vmem>> -> memref<40xi32, #tpu.memory_space<vmem>>
      %dma_start3A_94 = arith.constant 0 : i32
      %dma_start3A_95 = arith.constant 0 : i32
      %dma_start3A_96 = tpu.memref_slice %arg3[%dma_start3A_94, %dma_start3A_95] : memref<10000x256xf32, #tpu.memory_space<hbm>> -> memref<10000x256xf32, #tpu.memory_space<hbm>>
      tpu.enqueue_indirect_dma source(%dma_start3A_96 : memref<10000x256xf32, #tpu.memory_space<hbm>>) target(%arg14 : memref<40x256xf32, #tpu.memory_space<vmem>>) offsets(%dma_start3A_93 : memref<40xi32, #tpu.memory_space<vmem>>) semaphore(%arg18 : memref<!tpu.dma_semaphore, #tpu.memory_space<semaphore_mem>>)
      %add3A_97 = arith.constant 1 : i32
      %add3A_98 = arith.addi %mul3A_84, %add3A_97 : i32
      %mul3A_99 = arith.constant 40 : i32
      %mul3A_100 = arith.muli %add3A_98, %mul3A_99 : i32
      %dma_start3A_101 = tpu.memref_slice %arg8[%mul3A_100] : memref<2480xi32, #tpu.memory_space<vmem>> -> memref<40xi32, #tpu.memory_space<vmem>>
      %dma_start3A_102 = arith.constant 0 : i32
      %dma_start3A_103 = arith.constant 0 : i32
      %dma_start3A_104 = tpu.memref_slice %arg2[%dma_start3A_102, %dma_start3A_103] : memref<10000x256xf32, #tpu.memory_space<hbm>> -> memref<10000x256xf32, #tpu.memory_space<hbm>>
      tpu.enqueue_indirect_dma source(%dma_start3A_104 : memref<10000x256xf32, #tpu.memory_space<hbm>>) target(%arg11 : memref<40x256xf32, #tpu.memory_space<vmem>>) offsets(%dma_start3A_101 : memref<40xi32, #tpu.memory_space<vmem>>) semaphore(%arg19 : memref<!tpu.dma_semaphore, #tpu.memory_space<semaphore_mem>>)
      %dma_start3A_105 = tpu.memref_slice %arg9[%mul3A_100] : memref<2480xi32, #tpu.memory_space<vmem>> -> memref<40xi32, #tpu.memory_space<vmem>>
      %dma_start3A_106 = arith.constant 0 : i32
      %dma_start3A_107 = arith.constant 0 : i32
      %dma_start3A_108 = tpu.memref_slice %arg3[%dma_start3A_106, %dma_start3A_107] : memref<10000x256xf32, #tpu.memory_space<hbm>> -> memref<10000x256xf32, #tpu.memory_space<hbm>>
      tpu.enqueue_indirect_dma source(%dma_start3A_108 : memref<10000x256xf32, #tpu.memory_space<hbm>>) target(%arg15 : memref<40x256xf32, #tpu.memory_space<vmem>>) offsets(%dma_start3A_105 : memref<40xi32, #tpu.memory_space<vmem>>) semaphore(%arg19 : memref<!tpu.dma_semaphore, #tpu.memory_space<semaphore_mem>>)
      %add3A_109 = arith.constant 2 : i32
      %add3A_110 = arith.addi %mul3A_84, %add3A_109 : i32
      %mul3A_111 = arith.constant 40 : i32
      %mul3A_112 = arith.muli %add3A_110, %mul3A_111 : i32
      %dma_start3A_113 = tpu.memref_slice %arg8[%mul3A_112] : memref<2480xi32, #tpu.memory_space<vmem>> -> memref<40xi32, #tpu.memory_space<vmem>>
      %dma_start3A_114 = arith.constant 0 : i32
      %dma_start3A_115 = arith.constant 0 : i32
      %dma_start3A_116 = tpu.memref_slice %arg2[%dma_start3A_114, %dma_start3A_115] : memref<10000x256xf32, #tpu.memory_space<hbm>> -> memref<10000x256xf32, #tpu.memory_space<hbm>>
      tpu.enqueue_indirect_dma source(%dma_start3A_116 : memref<10000x256xf32, #tpu.memory_space<hbm>>) target(%arg12 : memref<40x256xf32, #tpu.memory_space<vmem>>) offsets(%dma_start3A_113 : memref<40xi32, #tpu.memory_space<vmem>>) semaphore(%arg20 : memref<!tpu.dma_semaphore, #tpu.memory_space<semaphore_mem>>)
      %dma_start3A_117 = tpu.memref_slice %arg9[%mul3A_112] : memref<2480xi32, #tpu.memory_space<vmem>> -> memref<40xi32, #tpu.memory_space<vmem>>
      %dma_start3A_118 = arith.constant 0 : i32
      %dma_start3A_119 = arith.constant 0 : i32
      %dma_start3A_120 = tpu.memref_slice %arg3[%dma_start3A_118, %dma_start3A_119] : memref<10000x256xf32, #tpu.memory_space<hbm>> -> memref<10000x256xf32, #tpu.memory_space<hbm>>
      tpu.enqueue_indirect_dma source(%dma_start3A_120 : memref<10000x256xf32, #tpu.memory_space<hbm>>) target(%arg16 : memref<40x256xf32, #tpu.memory_space<vmem>>) offsets(%dma_start3A_117 : memref<40xi32, #tpu.memory_space<vmem>>) semaphore(%arg20 : memref<!tpu.dma_semaphore, #tpu.memory_space<semaphore_mem>>)
      %add3A_121 = arith.constant 3 : i32
      %add3A_122 = arith.addi %mul3A_84, %add3A_121 : i32
      %mul3A_123 = arith.constant 40 : i32
      %mul3A_124 = arith.muli %add3A_122, %mul3A_123 : i32
      %dma_start3A_125 = tpu.memref_slice %arg8[%mul3A_124] : memref<2480xi32, #tpu.memory_space<vmem>> -> memref<40xi32, #tpu.memory_space<vmem>>
      %dma_start3A_126 = arith.constant 0 : i32
      %dma_start3A_127 = arith.constant 0 : i32
      %dma_start3A_128 = tpu.memref_slice %arg2[%dma_start3A_126, %dma_start3A_127] : memref<10000x256xf32, #tpu.memory_space<hbm>> -> memref<10000x256xf32, #tpu.memory_space<hbm>>
      tpu.enqueue_indirect_dma source(%dma_start3A_128 : memref<10000x256xf32, #tpu.memory_space<hbm>>) target(%arg13 : memref<40x256xf32, #tpu.memory_space<vmem>>) offsets(%dma_start3A_125 : memref<40xi32, #tpu.memory_space<vmem>>) semaphore(%arg21 : memref<!tpu.dma_semaphore, #tpu.memory_space<semaphore_mem>>)
      %dma_start3A_129 = tpu.memref_slice %arg9[%mul3A_124] : memref<2480xi32, #tpu.memory_space<vmem>> -> memref<40xi32, #tpu.memory_space<vmem>>
      %dma_start3A_130 = arith.constant 0 : i32
      %dma_start3A_131 = arith.constant 0 : i32
      %dma_start3A_132 = tpu.memref_slice %arg3[%dma_start3A_130, %dma_start3A_131] : memref<10000x256xf32, #tpu.memory_space<hbm>> -> memref<10000x256xf32, #tpu.memory_space<hbm>>
      tpu.enqueue_indirect_dma source(%dma_start3A_132 : memref<10000x256xf32, #tpu.memory_space<hbm>>) target(%arg17 : memref<40x256xf32, #tpu.memory_space<vmem>>) offsets(%dma_start3A_129 : memref<40xi32, #tpu.memory_space<vmem>>) semaphore(%arg21 : memref<!tpu.dma_semaphore, #tpu.memory_space<semaphore_mem>>)
      %dma_wait3A_133 = tpu.memref_slice %arg8[%mul3A_88] : memref<2480xi32, #tpu.memory_space<vmem>> -> memref<40xi32, #tpu.memory_space<vmem>>
      %dma_wait3A_134 = arith.constant 0 : i32
      %dma_wait3A_135 = arith.constant 0 : i32
      %dma_wait3A_136 = tpu.memref_slice %arg2[%dma_wait3A_134, %dma_wait3A_135] : memref<10000x256xf32, #tpu.memory_space<hbm>> -> memref<10000x256xf32, #tpu.memory_space<hbm>>
      tpu.wait_indirect_dma semaphore(%arg18 : memref<!tpu.dma_semaphore, #tpu.memory_space<semaphore_mem>>) src(%dma_wait3A_136 : memref<10000x256xf32, #tpu.memory_space<hbm>>) dst(%arg10 : memref<40x256xf32, #tpu.memory_space<vmem>>)
      %dma_wait3A_137 = tpu.memref_slice %arg9[%mul3A_88] : memref<2480xi32, #tpu.memory_space<vmem>> -> memref<40xi32, #tpu.memory_space<vmem>>
      %dma_wait3A_138 = arith.constant 0 : i32
      %dma_wait3A_139 = arith.constant 0 : i32
      %dma_wait3A_140 = tpu.memref_slice %arg3[%dma_wait3A_138, %dma_wait3A_139] : memref<10000x256xf32, #tpu.memory_space<hbm>> -> memref<10000x256xf32, #tpu.memory_space<hbm>>
      tpu.wait_indirect_dma semaphore(%arg18 : memref<!tpu.dma_semaphore, #tpu.memory_space<semaphore_mem>>) src(%dma_wait3A_140 : memref<10000x256xf32, #tpu.memory_space<hbm>>) dst(%arg14 : memref<40x256xf32, #tpu.memory_space<vmem>>)
      %add3A_141 = arith.constant 0 : i32
      %add3A_142 = arith.addi %mul3A_84, %add3A_141 : i32
      %mul3A_143 = arith.constant 40 : i32
      %mul3A_144 = arith.muli %add3A_142, %mul3A_143 : i32
      %add3A_145 = arith.addi %mul3A_2, %mul3A_144 : i32
      %dma_start3A_146 = arith.constant 0 : i32
      %dma_start3A_147 = tpu.memref_slice %arg6[%add3A_145, %dma_start3A_146] : memref<79360x256xf32, #tpu.memory_space<hbm>> -> memref<40x256xf32, #tpu.memory_space<hbm>>
      %dma_start3A_148 = arith.constant 0 : i32
      %dma_start3A_149 = tpu.memref_slice %arg6[%add3A_145, %dma_start3A_148] : memref<79360x256xf32, #tpu.memory_space<hbm>> -> memref<40x256xf32, #tpu.memory_space<hbm>>
      tpu.enqueue_dma source(%arg10 : memref<40x256xf32, #tpu.memory_space<vmem>>) target(%dma_start3A_149 : memref<40x256xf32, #tpu.memory_space<hbm>>) target_semaphore(%arg22 : memref<!tpu.dma_semaphore, #tpu.memory_space<semaphore_mem>>)
      %dma_start3A_150 = arith.constant 0 : i32
      %dma_start3A_151 = tpu.memref_slice %arg7[%add3A_145, %dma_start3A_150] : memref<79360x256xf32, #tpu.memory_space<hbm>> -> memref<40x256xf32, #tpu.memory_space<hbm>>
      %dma_start3A_152 = arith.constant 0 : i32
      %dma_start3A_153 = tpu.memref_slice %arg7[%add3A_145, %dma_start3A_152] : memref<79360x256xf32, #tpu.memory_space<hbm>> -> memref<40x256xf32, #tpu.memory_space<hbm>>
      tpu.enqueue_dma source(%arg14 : memref<40x256xf32, #tpu.memory_space<vmem>>) target(%dma_start3A_153 : memref<40x256xf32, #tpu.memory_space<hbm>>) target_semaphore(%arg22 : memref<!tpu.dma_semaphore, #tpu.memory_space<semaphore_mem>>)
      %dma_wait3A_154 = tpu.memref_slice %arg8[%mul3A_100] : memref<2480xi32, #tpu.memory_space<vmem>> -> memref<40xi32, #tpu.memory_space<vmem>>
      %dma_wait3A_155 = arith.constant 0 : i32
      %dma_wait3A_156 = arith.constant 0 : i32
      %dma_wait3A_157 = tpu.memref_slice %arg2[%dma_wait3A_155, %dma_wait3A_156] : memref<10000x256xf32, #tpu.memory_space<hbm>> -> memref<10000x256xf32, #tpu.memory_space<hbm>>
      tpu.wait_indirect_dma semaphore(%arg19 : memref<!tpu.dma_semaphore, #tpu.memory_space<semaphore_mem>>) src(%dma_wait3A_157 : memref<10000x256xf32, #tpu.memory_space<hbm>>) dst(%arg11 : memref<40x256xf32, #tpu.memory_space<vmem>>)
      %dma_wait3A_158 = tpu.memref_slice %arg9[%mul3A_100] : memref<2480xi32, #tpu.memory_space<vmem>> -> memref<40xi32, #tpu.memory_space<vmem>>
      %dma_wait3A_159 = arith.constant 0 : i32
      %dma_wait3A_160 = arith.constant 0 : i32
      %dma_wait3A_161 = tpu.memref_slice %arg3[%dma_wait3A_159, %dma_wait3A_160] : memref<10000x256xf32, #tpu.memory_space<hbm>> -> memref<10000x256xf32, #tpu.memory_space<hbm>>
      tpu.wait_indirect_dma semaphore(%arg19 : memref<!tpu.dma_semaphore, #tpu.memory_space<semaphore_mem>>) src(%dma_wait3A_161 : memref<10000x256xf32, #tpu.memory_space<hbm>>) dst(%arg15 : memref<40x256xf32, #tpu.memory_space<vmem>>)
      %add3A_162 = arith.constant 1 : i32
      %add3A_163 = arith.addi %mul3A_84, %add3A_162 : i32
      %mul3A_164 = arith.constant 40 : i32
      %mul3A_165 = arith.muli %add3A_163, %mul3A_164 : i32
      %add3A_166 = arith.addi %mul3A_2, %mul3A_165 : i32
      %dma_start3A_167 = arith.constant 0 : i32
      %dma_start3A_168 = tpu.memref_slice %arg6[%add3A_166, %dma_start3A_167] : memref<79360x256xf32, #tpu.memory_space<hbm>> -> memref<40x256xf32, #tpu.memory_space<hbm>>
      %dma_start3A_169 = arith.constant 0 : i32
      %dma_start3A_170 = tpu.memref_slice %arg6[%add3A_166, %dma_start3A_169] : memref<79360x256xf32, #tpu.memory_space<hbm>> -> memref<40x256xf32, #tpu.memory_space<hbm>>
      tpu.enqueue_dma source(%arg11 : memref<40x256xf32, #tpu.memory_space<vmem>>) target(%dma_start3A_170 : memref<40x256xf32, #tpu.memory_space<hbm>>) target_semaphore(%arg23 : memref<!tpu.dma_semaphore, #tpu.memory_space<semaphore_mem>>)
      %dma_start3A_171 = arith.constant 0 : i32
      %dma_start3A_172 = tpu.memref_slice %arg7[%add3A_166, %dma_start3A_171] : memref<79360x256xf32, #tpu.memory_space<hbm>> -> memref<40x256xf32, #tpu.memory_space<hbm>>
      %dma_start3A_173 = arith.constant 0 : i32
      %dma_start3A_174 = tpu.memref_slice %arg7[%add3A_166, %dma_start3A_173] : memref<79360x256xf32, #tpu.memory_space<hbm>> -> memref<40x256xf32, #tpu.memory_space<hbm>>
      tpu.enqueue_dma source(%arg15 : memref<40x256xf32, #tpu.memory_space<vmem>>) target(%dma_start3A_174 : memref<40x256xf32, #tpu.memory_space<hbm>>) target_semaphore(%arg23 : memref<!tpu.dma_semaphore, #tpu.memory_space<semaphore_mem>>)
      %dma_wait3A_175 = tpu.memref_slice %arg8[%mul3A_112] : memref<2480xi32, #tpu.memory_space<vmem>> -> memref<40xi32, #tpu.memory_space<vmem>>
      %dma_wait3A_176 = arith.constant 0 : i32
      %dma_wait3A_177 = arith.constant 0 : i32
      %dma_wait3A_178 = tpu.memref_slice %arg2[%dma_wait3A_176, %dma_wait3A_177] : memref<10000x256xf32, #tpu.memory_space<hbm>> -> memref<10000x256xf32, #tpu.memory_space<hbm>>
      tpu.wait_indirect_dma semaphore(%arg20 : memref<!tpu.dma_semaphore, #tpu.memory_space<semaphore_mem>>) src(%dma_wait3A_178 : memref<10000x256xf32, #tpu.memory_space<hbm>>) dst(%arg12 : memref<40x256xf32, #tpu.memory_space<vmem>>)
      %dma_wait3A_179 = tpu.memref_slice %arg9[%mul3A_112] : memref<2480xi32, #tpu.memory_space<vmem>> -> memref<40xi32, #tpu.memory_space<vmem>>
      %dma_wait3A_180 = arith.constant 0 : i32
      %dma_wait3A_181 = arith.constant 0 : i32
      %dma_wait3A_182 = tpu.memref_slice %arg3[%dma_wait3A_180, %dma_wait3A_181] : memref<10000x256xf32, #tpu.memory_space<hbm>> -> memref<10000x256xf32, #tpu.memory_space<hbm>>
      tpu.wait_indirect_dma semaphore(%arg20 : memref<!tpu.dma_semaphore, #tpu.memory_space<semaphore_mem>>) src(%dma_wait3A_182 : memref<10000x256xf32, #tpu.memory_space<hbm>>) dst(%arg16 : memref<40x256xf32, #tpu.memory_space<vmem>>)
      %add3A_183 = arith.constant 2 : i32
      %add3A_184 = arith.addi %mul3A_84, %add3A_183 : i32
      %mul3A_185 = arith.constant 40 : i32
      %mul3A_186 = arith.muli %add3A_184, %mul3A_185 : i32
      %add3A_187 = arith.addi %mul3A_2, %mul3A_186 : i32
      %dma_start3A_188 = arith.constant 0 : i32
      %dma_start3A_189 = tpu.memref_slice %arg6[%add3A_187, %dma_start3A_188] : memref<79360x256xf32, #tpu.memory_space<hbm>> -> memref<40x256xf32, #tpu.memory_space<hbm>>
      %dma_start3A_190 = arith.constant 0 : i32
      %dma_start3A_191 = tpu.memref_slice %arg6[%add3A_187, %dma_start3A_190] : memref<79360x256xf32, #tpu.memory_space<hbm>> -> memref<40x256xf32, #tpu.memory_space<hbm>>
      tpu.enqueue_dma source(%arg12 : memref<40x256xf32, #tpu.memory_space<vmem>>) target(%dma_start3A_191 : memref<40x256xf32, #tpu.memory_space<hbm>>) target_semaphore(%arg24 : memref<!tpu.dma_semaphore, #tpu.memory_space<semaphore_mem>>)
      %dma_start3A_192 = arith.constant 0 : i32
      %dma_start3A_193 = tpu.memref_slice %arg7[%add3A_187, %dma_start3A_192] : memref<79360x256xf32, #tpu.memory_space<hbm>> -> memref<40x256xf32, #tpu.memory_space<hbm>>
      %dma_start3A_194 = arith.constant 0 : i32
      %dma_start3A_195 = tpu.memref_slice %arg7[%add3A_187, %dma_start3A_194] : memref<79360x256xf32, #tpu.memory_space<hbm>> -> memref<40x256xf32, #tpu.memory_space<hbm>>
      tpu.enqueue_dma source(%arg16 : memref<40x256xf32, #tpu.memory_space<vmem>>) target(%dma_start3A_195 : memref<40x256xf32, #tpu.memory_space<hbm>>) target_semaphore(%arg24 : memref<!tpu.dma_semaphore, #tpu.memory_space<semaphore_mem>>)
      %dma_wait3A_196 = tpu.memref_slice %arg8[%mul3A_124] : memref<2480xi32, #tpu.memory_space<vmem>> -> memref<40xi32, #tpu.memory_space<vmem>>
      %dma_wait3A_197 = arith.constant 0 : i32
      %dma_wait3A_198 = arith.constant 0 : i32
      %dma_wait3A_199 = tpu.memref_slice %arg2[%dma_wait3A_197, %dma_wait3A_198] : memref<10000x256xf32, #tpu.memory_space<hbm>> -> memref<10000x256xf32, #tpu.memory_space<hbm>>
      tpu.wait_indirect_dma semaphore(%arg21 : memref<!tpu.dma_semaphore, #tpu.memory_space<semaphore_mem>>) src(%dma_wait3A_199 : memref<10000x256xf32, #tpu.memory_space<hbm>>) dst(%arg13 : memref<40x256xf32, #tpu.memory_space<vmem>>)
      %dma_wait3A_200 = tpu.memref_slice %arg9[%mul3A_124] : memref<2480xi32, #tpu.memory_space<vmem>> -> memref<40xi32, #tpu.memory_space<vmem>>
      %dma_wait3A_201 = arith.constant 0 : i32
      %dma_wait3A_202 = arith.constant 0 : i32
      %dma_wait3A_203 = tpu.memref_slice %arg3[%dma_wait3A_201, %dma_wait3A_202] : memref<10000x256xf32, #tpu.memory_space<hbm>> -> memref<10000x256xf32, #tpu.memory_space<hbm>>
      tpu.wait_indirect_dma semaphore(%arg21 : memref<!tpu.dma_semaphore, #tpu.memory_space<semaphore_mem>>) src(%dma_wait3A_203 : memref<10000x256xf32, #tpu.memory_space<hbm>>) dst(%arg17 : memref<40x256xf32, #tpu.memory_space<vmem>>)
      %add3A_204 = arith.constant 3 : i32
      %add3A_205 = arith.addi %mul3A_84, %add3A_204 : i32
      %mul3A_206 = arith.constant 40 : i32
      %mul3A_207 = arith.muli %add3A_205, %mul3A_206 : i32
      %add3A_208 = arith.addi %mul3A_2, %mul3A_207 : i32
      %dma_start3A_209 = arith.constant 0 : i32
      %dma_start3A_210 = tpu.memref_slice %arg6[%add3A_208, %dma_start3A_209] : memref<79360x256xf32, #tpu.memory_space<hbm>> -> memref<40x256xf32, #tpu.memory_space<hbm>>
      %dma_start3A_211 = arith.constant 0 : i32
      %dma_start3A_212 = tpu.memref_slice %arg6[%add3A_208, %dma_start3A_211] : memref<79360x256xf32, #tpu.memory_space<hbm>> -> memref<40x256xf32, #tpu.memory_space<hbm>>
      tpu.enqueue_dma source(%arg13 : memref<40x256xf32, #tpu.memory_space<vmem>>) target(%dma_start3A_212 : memref<40x256xf32, #tpu.memory_space<hbm>>) target_semaphore(%arg25 : memref<!tpu.dma_semaphore, #tpu.memory_space<semaphore_mem>>)
      %dma_start3A_213 = arith.constant 0 : i32
      %dma_start3A_214 = tpu.memref_slice %arg7[%add3A_208, %dma_start3A_213] : memref<79360x256xf32, #tpu.memory_space<hbm>> -> memref<40x256xf32, #tpu.memory_space<hbm>>
      %dma_start3A_215 = arith.constant 0 : i32
      %dma_start3A_216 = tpu.memref_slice %arg7[%add3A_208, %dma_start3A_215] : memref<79360x256xf32, #tpu.memory_space<hbm>> -> memref<40x256xf32, #tpu.memory_space<hbm>>
      tpu.enqueue_dma source(%arg17 : memref<40x256xf32, #tpu.memory_space<vmem>>) target(%dma_start3A_216 : memref<40x256xf32, #tpu.memory_space<hbm>>) target_semaphore(%arg25 : memref<!tpu.dma_semaphore, #tpu.memory_space<semaphore_mem>>)
      %dma_wait3A_217 = arith.constant 0 : i32
      %dma_wait3A_218 = tpu.memref_slice %arg6[%add3A_145, %dma_wait3A_217] : memref<79360x256xf32, #tpu.memory_space<hbm>> -> memref<40x256xf32, #tpu.memory_space<hbm>>
      %dma_wait3A_219 = arith.constant 0 : i32
      %dma_wait3A_220 = tpu.memref_slice %arg6[%add3A_145, %dma_wait3A_219] : memref<79360x256xf32, #tpu.memory_space<hbm>> -> memref<40x256xf32, #tpu.memory_space<hbm>>
      tpu.wait_dma2 semaphore(%arg22 : memref<!tpu.dma_semaphore, #tpu.memory_space<semaphore_mem>>) src(%arg10 : memref<40x256xf32, #tpu.memory_space<vmem>>) dst(%dma_wait3A_220 : memref<40x256xf32, #tpu.memory_space<hbm>>)
      %dma_wait3A_221 = arith.constant 0 : i32
      %dma_wait3A_222 = tpu.memref_slice %arg7[%add3A_145, %dma_wait3A_221] : memref<79360x256xf32, #tpu.memory_space<hbm>> -> memref<40x256xf32, #tpu.memory_space<hbm>>
      %dma_wait3A_223 = arith.constant 0 : i32
      %dma_wait3A_224 = tpu.memref_slice %arg7[%add3A_145, %dma_wait3A_223] : memref<79360x256xf32, #tpu.memory_space<hbm>> -> memref<40x256xf32, #tpu.memory_space<hbm>>
      tpu.wait_dma2 semaphore(%arg22 : memref<!tpu.dma_semaphore, #tpu.memory_space<semaphore_mem>>) src(%arg14 : memref<40x256xf32, #tpu.memory_space<vmem>>) dst(%dma_wait3A_224 : memref<40x256xf32, #tpu.memory_space<hbm>>)
      %dma_wait3A_225 = arith.constant 0 : i32
      %dma_wait3A_226 = tpu.memref_slice %arg6[%add3A_166, %dma_wait3A_225] : memref<79360x256xf32, #tpu.memory_space<hbm>> -> memref<40x256xf32, #tpu.memory_space<hbm>>
      %dma_wait3A_227 = arith.constant 0 : i32
      %dma_wait3A_228 = tpu.memref_slice %arg6[%add3A_166, %dma_wait3A_227] : memref<79360x256xf32, #tpu.memory_space<hbm>> -> memref<40x256xf32, #tpu.memory_space<hbm>>
      tpu.wait_dma2 semaphore(%arg23 : memref<!tpu.dma_semaphore, #tpu.memory_space<semaphore_mem>>) src(%arg11 : memref<40x256xf32, #tpu.memory_space<vmem>>) dst(%dma_wait3A_228 : memref<40x256xf32, #tpu.memory_space<hbm>>)
      %dma_wait3A_229 = arith.constant 0 : i32
      %dma_wait3A_230 = tpu.memref_slice %arg7[%add3A_166, %dma_wait3A_229] : memref<79360x256xf32, #tpu.memory_space<hbm>> -> memref<40x256xf32, #tpu.memory_space<hbm>>
      %dma_wait3A_231 = arith.constant 0 : i32
      %dma_wait3A_232 = tpu.memref_slice %arg7[%add3A_166, %dma_wait3A_231] : memref<79360x256xf32, #tpu.memory_space<hbm>> -> memref<40x256xf32, #tpu.memory_space<hbm>>
      tpu.wait_dma2 semaphore(%arg23 : memref<!tpu.dma_semaphore, #tpu.memory_space<semaphore_mem>>) src(%arg15 : memref<40x256xf32, #tpu.memory_space<vmem>>) dst(%dma_wait3A_232 : memref<40x256xf32, #tpu.memory_space<hbm>>)
      %dma_wait3A_233 = arith.constant 0 : i32
      %dma_wait3A_234 = tpu.memref_slice %arg6[%add3A_187, %dma_wait3A_233] : memref<79360x256xf32, #tpu.memory_space<hbm>> -> memref<40x256xf32, #tpu.memory_space<hbm>>
      %dma_wait3A_235 = arith.constant 0 : i32
      %dma_wait3A_236 = tpu.memref_slice %arg6[%add3A_187, %dma_wait3A_235] : memref<79360x256xf32, #tpu.memory_space<hbm>> -> memref<40x256xf32, #tpu.memory_space<hbm>>
      tpu.wait_dma2 semaphore(%arg24 : memref<!tpu.dma_semaphore, #tpu.memory_space<semaphore_mem>>) src(%arg12 : memref<40x256xf32, #tpu.memory_space<vmem>>) dst(%dma_wait3A_236 : memref<40x256xf32, #tpu.memory_space<hbm>>)
      %dma_wait3A_237 = arith.constant 0 : i32
      %dma_wait3A_238 = tpu.memref_slice %arg7[%add3A_187, %dma_wait3A_237] : memref<79360x256xf32, #tpu.memory_space<hbm>> -> memref<40x256xf32, #tpu.memory_space<hbm>>
      %dma_wait3A_239 = arith.constant 0 : i32
      %dma_wait3A_240 = tpu.memref_slice %arg7[%add3A_187, %dma_wait3A_239] : memref<79360x256xf32, #tpu.memory_space<hbm>> -> memref<40x256xf32, #tpu.memory_space<hbm>>
      tpu.wait_dma2 semaphore(%arg24 : memref<!tpu.dma_semaphore, #tpu.memory_space<semaphore_mem>>) src(%arg16 : memref<40x256xf32, #tpu.memory_space<vmem>>) dst(%dma_wait3A_240 : memref<40x256xf32, #tpu.memory_space<hbm>>)
      %dma_wait3A_241 = arith.constant 0 : i32
      %dma_wait3A_242 = tpu.memref_slice %arg6[%add3A_208, %dma_wait3A_241] : memref<79360x256xf32, #tpu.memory_space<hbm>> -> memref<40x256xf32, #tpu.memory_space<hbm>>
      %dma_wait3A_243 = arith.constant 0 : i32
      %dma_wait3A_244 = tpu.memref_slice %arg6[%add3A_208, %dma_wait3A_243] : memref<79360x256xf32, #tpu.memory_space<hbm>> -> memref<40x256xf32, #tpu.memory_space<hbm>>
      tpu.wait_dma2 semaphore(%arg25 : memref<!tpu.dma_semaphore, #tpu.memory_space<semaphore_mem>>) src(%arg13 : memref<40x256xf32, #tpu.memory_space<vmem>>) dst(%dma_wait3A_244 : memref<40x256xf32, #tpu.memory_space<hbm>>)
      %dma_wait3A_245 = arith.constant 0 : i32
      %dma_wait3A_246 = tpu.memref_slice %arg7[%add3A_208, %dma_wait3A_245] : memref<79360x256xf32, #tpu.memory_space<hbm>> -> memref<40x256xf32, #tpu.memory_space<hbm>>
      %dma_wait3A_247 = arith.constant 0 : i32
      %dma_wait3A_248 = tpu.memref_slice %arg7[%add3A_208, %dma_wait3A_247] : memref<79360x256xf32, #tpu.memory_space<hbm>> -> memref<40x256xf32, #tpu.memory_space<hbm>>
      tpu.wait_dma2 semaphore(%arg25 : memref<!tpu.dma_semaphore, #tpu.memory_space<semaphore_mem>>) src(%arg17 : memref<40x256xf32, #tpu.memory_space<vmem>>) dst(%dma_wait3A_248 : memref<40x256xf32, #tpu.memory_space<hbm>>)
    }
    %scan3A_7 = arith.constant 15 : i32
    %dma_start3A = arith.constant 2400 : i32
    %dma_start3A_8 = tpu.memref_slice %arg8[%dma_start3A] : memref<2480xi32, #tpu.memory_space<vmem>> -> memref<40xi32, #tpu.memory_space<vmem>>
    %dma_start3A_9 = arith.constant 0 : i32
    %dma_start3A_10 = arith.constant 0 : i32
    %dma_start3A_11 = tpu.memref_slice %arg2[%dma_start3A_9, %dma_start3A_10] : memref<10000x256xf32, #tpu.memory_space<hbm>> -> memref<10000x256xf32, #tpu.memory_space<hbm>>
    tpu.enqueue_indirect_dma source(%dma_start3A_11 : memref<10000x256xf32, #tpu.memory_space<hbm>>) target(%arg10 : memref<40x256xf32, #tpu.memory_space<vmem>>) offsets(%dma_start3A_8 : memref<40xi32, #tpu.memory_space<vmem>>) semaphore(%arg18 : memref<!tpu.dma_semaphore, #tpu.memory_space<semaphore_mem>>)
    %dma_start3A_12 = arith.constant 2400 : i32
    %dma_start3A_13 = tpu.memref_slice %arg9[%dma_start3A_12] : memref<2480xi32, #tpu.memory_space<vmem>> -> memref<40xi32, #tpu.memory_space<vmem>>
    %dma_start3A_14 = arith.constant 0 : i32
    %dma_start3A_15 = arith.constant 0 : i32
    %dma_start3A_16 = tpu.memref_slice %arg3[%dma_start3A_14, %dma_start3A_15] : memref<10000x256xf32, #tpu.memory_space<hbm>> -> memref<10000x256xf32, #tpu.memory_space<hbm>>
    tpu.enqueue_indirect_dma source(%dma_start3A_16 : memref<10000x256xf32, #tpu.memory_space<hbm>>) target(%arg14 : memref<40x256xf32, #tpu.memory_space<vmem>>) offsets(%dma_start3A_13 : memref<40xi32, #tpu.memory_space<vmem>>) semaphore(%arg18 : memref<!tpu.dma_semaphore, #tpu.memory_space<semaphore_mem>>)
    %dma_wait3A = arith.constant 2400 : i32
    %dma_wait3A_17 = tpu.memref_slice %arg8[%dma_wait3A] : memref<2480xi32, #tpu.memory_space<vmem>> -> memref<40xi32, #tpu.memory_space<vmem>>
    %dma_wait3A_18 = arith.constant 0 : i32
    %dma_wait3A_19 = arith.constant 0 : i32
    %dma_wait3A_20 = tpu.memref_slice %arg2[%dma_wait3A_18, %dma_wait3A_19] : memref<10000x256xf32, #tpu.memory_space<hbm>> -> memref<10000x256xf32, #tpu.memory_space<hbm>>
    tpu.wait_indirect_dma semaphore(%arg18 : memref<!tpu.dma_semaphore, #tpu.memory_space<semaphore_mem>>) src(%dma_wait3A_20 : memref<10000x256xf32, #tpu.memory_space<hbm>>) dst(%arg10 : memref<40x256xf32, #tpu.memory_space<vmem>>)
    %dma_wait3A_21 = arith.constant 2400 : i32
    %dma_wait3A_22 = tpu.memref_slice %arg9[%dma_wait3A_21] : memref<2480xi32, #tpu.memory_space<vmem>> -> memref<40xi32, #tpu.memory_space<vmem>>
    %dma_wait3A_23 = arith.constant 0 : i32
    %dma_wait3A_24 = arith.constant 0 : i32
    %dma_wait3A_25 = tpu.memref_slice %arg3[%dma_wait3A_23, %dma_wait3A_24] : memref<10000x256xf32, #tpu.memory_space<hbm>> -> memref<10000x256xf32, #tpu.memory_space<hbm>>
    tpu.wait_indirect_dma semaphore(%arg18 : memref<!tpu.dma_semaphore, #tpu.memory_space<semaphore_mem>>) src(%dma_wait3A_25 : memref<10000x256xf32, #tpu.memory_space<hbm>>) dst(%arg14 : memref<40x256xf32, #tpu.memory_space<vmem>>)
    %add3A_26 = arith.constant 2400 : i32
    %add3A_27 = arith.addi %mul3A_2, %add3A_26 : i32
    %dma_start3A_28 = arith.constant 0 : i32
    %dma_start3A_29 = tpu.memref_slice %arg6[%add3A_27, %dma_start3A_28] : memref<79360x256xf32, #tpu.memory_space<hbm>> -> memref<40x256xf32, #tpu.memory_space<hbm>>
    %dma_start3A_30 = arith.constant 0 : i32
    %dma_start3A_31 = tpu.memref_slice %arg6[%add3A_27, %dma_start3A_30] : memref<79360x256xf32, #tpu.memory_space<hbm>> -> memref<40x256xf32, #tpu.memory_space<hbm>>
    tpu.enqueue_dma source(%arg10 : memref<40x256xf32, #tpu.memory_space<vmem>>) target(%dma_start3A_31 : memref<40x256xf32, #tpu.memory_space<hbm>>) target_semaphore(%arg22 : memref<!tpu.dma_semaphore, #tpu.memory_space<semaphore_mem>>)
    %dma_start3A_32 = arith.constant 0 : i32
    %dma_start3A_33 = tpu.memref_slice %arg7[%add3A_27, %dma_start3A_32] : memref<79360x256xf32, #tpu.memory_space<hbm>> -> memref<40x256xf32, #tpu.memory_space<hbm>>
    %dma_start3A_34 = arith.constant 0 : i32
    %dma_start3A_35 = tpu.memref_slice %arg7[%add3A_27, %dma_start3A_34] : memref<79360x256xf32, #tpu.memory_space<hbm>> -> memref<40x256xf32, #tpu.memory_space<hbm>>
    tpu.enqueue_dma source(%arg14 : memref<40x256xf32, #tpu.memory_space<vmem>>) target(%dma_start3A_35 : memref<40x256xf32, #tpu.memory_space<hbm>>) target_semaphore(%arg22 : memref<!tpu.dma_semaphore, #tpu.memory_space<semaphore_mem>>)
    %dma_wait3A_36 = arith.constant 0 : i32
    %dma_wait3A_37 = tpu.memref_slice %arg6[%add3A_27, %dma_wait3A_36] : memref<79360x256xf32, #tpu.memory_space<hbm>> -> memref<40x256xf32, #tpu.memory_space<hbm>>
    %dma_wait3A_38 = arith.constant 0 : i32
    %dma_wait3A_39 = tpu.memref_slice %arg6[%add3A_27, %dma_wait3A_38] : memref<79360x256xf32, #tpu.memory_space<hbm>> -> memref<40x256xf32, #tpu.memory_space<hbm>>
    tpu.wait_dma2 semaphore(%arg22 : memref<!tpu.dma_semaphore, #tpu.memory_space<semaphore_mem>>) src(%arg10 : memref<40x256xf32, #tpu.memory_space<vmem>>) dst(%dma_wait3A_39 : memref<40x256xf32, #tpu.memory_space<hbm>>)
    %dma_wait3A_40 = arith.constant 0 : i32
    %dma_wait3A_41 = tpu.memref_slice %arg7[%add3A_27, %dma_wait3A_40] : memref<79360x256xf32, #tpu.memory_space<hbm>> -> memref<40x256xf32, #tpu.memory_space<hbm>>
    %dma_wait3A_42 = arith.constant 0 : i32
    %dma_wait3A_43 = tpu.memref_slice %arg7[%add3A_27, %dma_wait3A_42] : memref<79360x256xf32, #tpu.memory_space<hbm>> -> memref<40x256xf32, #tpu.memory_space<hbm>>
    tpu.wait_dma2 semaphore(%arg22 : memref<!tpu.dma_semaphore, #tpu.memory_space<semaphore_mem>>) src(%arg14 : memref<40x256xf32, #tpu.memory_space<vmem>>) dst(%dma_wait3A_43 : memref<40x256xf32, #tpu.memory_space<hbm>>)
    %dma_start3A_44 = arith.constant 2440 : i32
    %dma_start3A_45 = tpu.memref_slice %arg8[%dma_start3A_44] : memref<2480xi32, #tpu.memory_space<vmem>> -> memref<40xi32, #tpu.memory_space<vmem>>
    %dma_start3A_46 = arith.constant 0 : i32
    %dma_start3A_47 = arith.constant 0 : i32
    %dma_start3A_48 = tpu.memref_slice %arg2[%dma_start3A_46, %dma_start3A_47] : memref<10000x256xf32, #tpu.memory_space<hbm>> -> memref<10000x256xf32, #tpu.memory_space<hbm>>
    tpu.enqueue_indirect_dma source(%dma_start3A_48 : memref<10000x256xf32, #tpu.memory_space<hbm>>) target(%arg10 : memref<40x256xf32, #tpu.memory_space<vmem>>) offsets(%dma_start3A_45 : memref<40xi32, #tpu.memory_space<vmem>>) semaphore(%arg18 : memref<!tpu.dma_semaphore, #tpu.memory_space<semaphore_mem>>)
    %dma_start3A_49 = arith.constant 2440 : i32
    %dma_start3A_50 = tpu.memref_slice %arg9[%dma_start3A_49] : memref<2480xi32, #tpu.memory_space<vmem>> -> memref<40xi32, #tpu.memory_space<vmem>>
    %dma_start3A_51 = arith.constant 0 : i32
    %dma_start3A_52 = arith.constant 0 : i32
    %dma_start3A_53 = tpu.memref_slice %arg3[%dma_start3A_51, %dma_start3A_52] : memref<10000x256xf32, #tpu.memory_space<hbm>> -> memref<10000x256xf32, #tpu.memory_space<hbm>>
    tpu.enqueue_indirect_dma source(%dma_start3A_53 : memref<10000x256xf32, #tpu.memory_space<hbm>>) target(%arg14 : memref<40x256xf32, #tpu.memory_space<vmem>>) offsets(%dma_start3A_50 : memref<40xi32, #tpu.memory_space<vmem>>) semaphore(%arg18 : memref<!tpu.dma_semaphore, #tpu.memory_space<semaphore_mem>>)
    %dma_wait3A_54 = arith.constant 2440 : i32
    %dma_wait3A_55 = tpu.memref_slice %arg8[%dma_wait3A_54] : memref<2480xi32, #tpu.memory_space<vmem>> -> memref<40xi32, #tpu.memory_space<vmem>>
    %dma_wait3A_56 = arith.constant 0 : i32
    %dma_wait3A_57 = arith.constant 0 : i32
    %dma_wait3A_58 = tpu.memref_slice %arg2[%dma_wait3A_56, %dma_wait3A_57] : memref<10000x256xf32, #tpu.memory_space<hbm>> -> memref<10000x256xf32, #tpu.memory_space<hbm>>
    tpu.wait_indirect_dma semaphore(%arg18 : memref<!tpu.dma_semaphore, #tpu.memory_space<semaphore_mem>>) src(%dma_wait3A_58 : memref<10000x256xf32, #tpu.memory_space<hbm>>) dst(%arg10 : memref<40x256xf32, #tpu.memory_space<vmem>>)
    %dma_wait3A_59 = arith.constant 2440 : i32
    %dma_wait3A_60 = tpu.memref_slice %arg9[%dma_wait3A_59] : memref<2480xi32, #tpu.memory_space<vmem>> -> memref<40xi32, #tpu.memory_space<vmem>>
    %dma_wait3A_61 = arith.constant 0 : i32
    %dma_wait3A_62 = arith.constant 0 : i32
    %dma_wait3A_63 = tpu.memref_slice %arg3[%dma_wait3A_61, %dma_wait3A_62] : memref<10000x256xf32, #tpu.memory_space<hbm>> -> memref<10000x256xf32, #tpu.memory_space<hbm>>
    tpu.wait_indirect_dma semaphore(%arg18 : memref<!tpu.dma_semaphore, #tpu.memory_space<semaphore_mem>>) src(%dma_wait3A_63 : memref<10000x256xf32, #tpu.memory_space<hbm>>) dst(%arg14 : memref<40x256xf32, #tpu.memory_space<vmem>>)
    %add3A_64 = arith.constant 2440 : i32
    %add3A_65 = arith.addi %mul3A_2, %add3A_64 : i32
    %dma_start3A_66 = arith.constant 0 : i32
    %dma_start3A_67 = tpu.memref_slice %arg6[%add3A_65, %dma_start3A_66] : memref<79360x256xf32, #tpu.memory_space<hbm>> -> memref<40x256xf32, #tpu.memory_space<hbm>>
    %dma_start3A_68 = arith.constant 0 : i32
    %dma_start3A_69 = tpu.memref_slice %arg6[%add3A_65, %dma_start3A_68] : memref<79360x256xf32, #tpu.memory_space<hbm>> -> memref<40x256xf32, #tpu.memory_space<hbm>>
    tpu.enqueue_dma source(%arg10 : memref<40x256xf32, #tpu.memory_space<vmem>>) target(%dma_start3A_69 : memref<40x256xf32, #tpu.memory_space<hbm>>) target_semaphore(%arg22 : memref<!tpu.dma_semaphore, #tpu.memory_space<semaphore_mem>>)
    %dma_start3A_70 = arith.constant 0 : i32
    %dma_start3A_71 = tpu.memref_slice %arg7[%add3A_65, %dma_start3A_70] : memref<79360x256xf32, #tpu.memory_space<hbm>> -> memref<40x256xf32, #tpu.memory_space<hbm>>
    %dma_start3A_72 = arith.constant 0 : i32
    %dma_start3A_73 = tpu.memref_slice %arg7[%add3A_65, %dma_start3A_72] : memref<79360x256xf32, #tpu.memory_space<hbm>> -> memref<40x256xf32, #tpu.memory_space<hbm>>
    tpu.enqueue_dma source(%arg14 : memref<40x256xf32, #tpu.memory_space<vmem>>) target(%dma_start3A_73 : memref<40x256xf32, #tpu.memory_space<hbm>>) target_semaphore(%arg22 : memref<!tpu.dma_semaphore, #tpu.memory_space<semaphore_mem>>)
    %dma_wait3A_74 = arith.constant 0 : i32
    %dma_wait3A_75 = tpu.memref_slice %arg6[%add3A_65, %dma_wait3A_74] : memref<79360x256xf32, #tpu.memory_space<hbm>> -> memref<40x256xf32, #tpu.memory_space<hbm>>
    %dma_wait3A_76 = arith.constant 0 : i32
    %dma_wait3A_77 = tpu.memref_slice %arg6[%add3A_65, %dma_wait3A_76] : memref<79360x256xf32, #tpu.memory_space<hbm>> -> memref<40x256xf32, #tpu.memory_space<hbm>>
    tpu.wait_dma2 semaphore(%arg22 : memref<!tpu.dma_semaphore, #tpu.memory_space<semaphore_mem>>) src(%arg10 : memref<40x256xf32, #tpu.memory_space<vmem>>) dst(%dma_wait3A_77 : memref<40x256xf32, #tpu.memory_space<hbm>>)
    %dma_wait3A_78 = arith.constant 0 : i32
    %dma_wait3A_79 = tpu.memref_slice %arg7[%add3A_65, %dma_wait3A_78] : memref<79360x256xf32, #tpu.memory_space<hbm>> -> memref<40x256xf32, #tpu.memory_space<hbm>>
    %dma_wait3A_80 = arith.constant 0 : i32
    %dma_wait3A_81 = tpu.memref_slice %arg7[%add3A_65, %dma_wait3A_80] : memref<79360x256xf32, #tpu.memory_space<hbm>> -> memref<40x256xf32, #tpu.memory_space<hbm>>
    tpu.wait_dma2 semaphore(%arg22 : memref<!tpu.dma_semaphore, #tpu.memory_space<semaphore_mem>>) src(%arg14 : memref<40x256xf32, #tpu.memory_space<vmem>>) dst(%dma_wait3A_81 : memref<40x256xf32, #tpu.memory_space<hbm>>)
    return
  }
}

#map = affine_map<(d0, d1) -> (0, 0)>
#map1 = affine_map<(d0, d1) -> (0)>
module attributes {stable_mosaic.version = 14 : i64} {
  func.func @gather_k(%arg0: i32, %arg1: i32, %arg2: memref<10000x256xf32, #tpu.memory_space<hbm>>, %arg3: memref<10000x256xf32, #tpu.memory_space<hbm>>, %arg4: memref<80640xi32, #tpu.memory_space<hbm>>, %arg5: memref<80640xi32, #tpu.memory_space<hbm>>, %arg6: memref<80640x256xf32, #tpu.memory_space<hbm>>, %arg7: memref<80640x256xf32, #tpu.memory_space<hbm>>, %arg8: memref<2520xi32, #tpu.memory_space<vmem>>, %arg9: memref<2520xi32, #tpu.memory_space<vmem>>, %arg10: memref<40x256xf32, #tpu.memory_space<vmem>>, %arg11: memref<40x256xf32, #tpu.memory_space<vmem>>, %arg12: memref<40x256xf32, #tpu.memory_space<vmem>>, %arg13: memref<40x256xf32, #tpu.memory_space<vmem>>, %arg14: memref<40x256xf32, #tpu.memory_space<vmem>>, %arg15: memref<40x256xf32, #tpu.memory_space<vmem>>, %arg16: memref<40x256xf32, #tpu.memory_space<vmem>>, %arg17: memref<40x256xf32, #tpu.memory_space<vmem>>, %arg18: memref<!tpu.dma_semaphore, #tpu.memory_space<semaphore_mem>>, %arg19: memref<!tpu.dma_semaphore, #tpu.memory_space<semaphore_mem>>, %arg20: memref<!tpu.dma_semaphore, #tpu.memory_space<semaphore_mem>>, %arg21: memref<!tpu.dma_semaphore, #tpu.memory_space<semaphore_mem>>, %arg22: memref<!tpu.dma_semaphore, #tpu.memory_space<semaphore_mem>>, %arg23: memref<!tpu.dma_semaphore, #tpu.memory_space<semaphore_mem>>, %arg24: memref<!tpu.dma_semaphore, #tpu.memory_space<semaphore_mem>>, %arg25: memref<!tpu.dma_semaphore, #tpu.memory_space<semaphore_mem>>) attributes {dimension_semantics = [#tpu.dimension_semantics<core_parallel>, #tpu.dimension_semantics<subcore_parallel>], iteration_bounds = array<i64: 2, 16>, scalar_prefetch = 0 : i64, scratch_operands = 18 : i64, tpu.core_type = #tpu.core_type<sc_vector_subcore>, window_params = [{transform_indices = #map}, {transform_indices = #map}, {transform_indices = #map1}, {transform_indices = #map1}, {transform_indices = #map}, {transform_indices = #map}]} {
    %mul3A = arith.constant 2 : i32
    %mul3A_0 = arith.muli %arg1, %mul3A : i32
    %add3A = arith.addi %mul3A_0, %arg0 : i32
    %mul3A_1 = arith.constant 2520 : i32
    %mul3A_2 = arith.muli %add3A, %mul3A_1 : i32
    "tpu.region"() ({
      %run_scoped3A = tpu.sem_alloc : memref<!tpu.dma_semaphore, #tpu.memory_space<semaphore_mem>>
      %dma_start3A_120 = tpu.memref_slice %arg4[%mul3A_2] : memref<80640xi32, #tpu.memory_space<hbm>> -> memref<2520xi32, #tpu.memory_space<hbm>>
      %dma_start3A_121 = tpu.memref_slice %arg4[%mul3A_2] : memref<80640xi32, #tpu.memory_space<hbm>> -> memref<2520xi32, #tpu.memory_space<hbm>>
      tpu.enqueue_dma source(%dma_start3A_121 : memref<2520xi32, #tpu.memory_space<hbm>>) target(%arg8 : memref<2520xi32, #tpu.memory_space<vmem>>) target_semaphore(%run_scoped3A : memref<!tpu.dma_semaphore, #tpu.memory_space<semaphore_mem>>)
      %dma_wait3A_122 = tpu.memref_slice %arg4[%mul3A_2] : memref<80640xi32, #tpu.memory_space<hbm>> -> memref<2520xi32, #tpu.memory_space<hbm>>
      %dma_wait3A_123 = tpu.memref_slice %arg4[%mul3A_2] : memref<80640xi32, #tpu.memory_space<hbm>> -> memref<2520xi32, #tpu.memory_space<hbm>>
      tpu.wait_dma2 semaphore(%run_scoped3A : memref<!tpu.dma_semaphore, #tpu.memory_space<semaphore_mem>>) src(%dma_wait3A_123 : memref<2520xi32, #tpu.memory_space<hbm>>) dst(%arg8 : memref<2520xi32, #tpu.memory_space<vmem>>)
      tpu.yield
    }) : () -> ()
    "tpu.region"() ({
      %run_scoped3A = tpu.sem_alloc : memref<!tpu.dma_semaphore, #tpu.memory_space<semaphore_mem>>
      %dma_start3A_120 = tpu.memref_slice %arg5[%mul3A_2] : memref<80640xi32, #tpu.memory_space<hbm>> -> memref<2520xi32, #tpu.memory_space<hbm>>
      %dma_start3A_121 = tpu.memref_slice %arg5[%mul3A_2] : memref<80640xi32, #tpu.memory_space<hbm>> -> memref<2520xi32, #tpu.memory_space<hbm>>
      tpu.enqueue_dma source(%dma_start3A_121 : memref<2520xi32, #tpu.memory_space<hbm>>) target(%arg9 : memref<2520xi32, #tpu.memory_space<vmem>>) target_semaphore(%run_scoped3A : memref<!tpu.dma_semaphore, #tpu.memory_space<semaphore_mem>>)
      %dma_wait3A_122 = tpu.memref_slice %arg5[%mul3A_2] : memref<80640xi32, #tpu.memory_space<hbm>> -> memref<2520xi32, #tpu.memory_space<hbm>>
      %dma_wait3A_123 = tpu.memref_slice %arg5[%mul3A_2] : memref<80640xi32, #tpu.memory_space<hbm>> -> memref<2520xi32, #tpu.memory_space<hbm>>
      tpu.wait_dma2 semaphore(%run_scoped3A : memref<!tpu.dma_semaphore, #tpu.memory_space<semaphore_mem>>) src(%dma_wait3A_123 : memref<2520xi32, #tpu.memory_space<hbm>>) dst(%arg9 : memref<2520xi32, #tpu.memory_space<vmem>>)
      tpu.yield
    }) : () -> ()
    %scan3A = arith.constant 0 : i32
    %scan3A_3 = arith.constant 0 : i32
    %scan3A_4 = arith.constant 15 : i32
    %scan3A_5 = arith.addi %scan3A_3, %scan3A_4 : i32
    %scan3A_6 = arith.constant 1 : i32
    scf.for %scan3A_120 = %scan3A_3 to %scan3A_5 step %scan3A_6  : i32 {
      %mul3A_121 = arith.constant 4 : i32
      %mul3A_122 = arith.muli %scan3A_120, %mul3A_121 : i32
      %add3A_123 = arith.constant 0 : i32
      %add3A_124 = arith.addi %mul3A_122, %add3A_123 : i32
      %mul3A_125 = arith.constant 40 : i32
      %mul3A_126 = arith.muli %add3A_124, %mul3A_125 : i32
      %dma_start3A_127 = tpu.memref_slice %arg8[%mul3A_126] : memref<2520xi32, #tpu.memory_space<vmem>> -> memref<40xi32, #tpu.memory_space<vmem>>
      %dma_start3A_128 = arith.constant 0 : i32
      %dma_start3A_129 = arith.constant 0 : i32
      %dma_start3A_130 = tpu.memref_slice %arg2[%dma_start3A_128, %dma_start3A_129] : memref<10000x256xf32, #tpu.memory_space<hbm>> -> memref<10000x256xf32, #tpu.memory_space<hbm>>
      tpu.enqueue_indirect_dma source(%dma_start3A_130 : memref<10000x256xf32, #tpu.memory_space<hbm>>) target(%arg10 : memref<40x256xf32, #tpu.memory_space<vmem>>) offsets(%dma_start3A_127 : memref<40xi32, #tpu.memory_space<vmem>>) semaphore(%arg18 : memref<!tpu.dma_semaphore, #tpu.memory_space<semaphore_mem>>)
      %dma_start3A_131 = tpu.memref_slice %arg9[%mul3A_126] : memref<2520xi32, #tpu.memory_space<vmem>> -> memref<40xi32, #tpu.memory_space<vmem>>
      %dma_start3A_132 = arith.constant 0 : i32
      %dma_start3A_133 = arith.constant 0 : i32
      %dma_start3A_134 = tpu.memref_slice %arg3[%dma_start3A_132, %dma_start3A_133] : memref<10000x256xf32, #tpu.memory_space<hbm>> -> memref<10000x256xf32, #tpu.memory_space<hbm>>
      tpu.enqueue_indirect_dma source(%dma_start3A_134 : memref<10000x256xf32, #tpu.memory_space<hbm>>) target(%arg14 : memref<40x256xf32, #tpu.memory_space<vmem>>) offsets(%dma_start3A_131 : memref<40xi32, #tpu.memory_space<vmem>>) semaphore(%arg18 : memref<!tpu.dma_semaphore, #tpu.memory_space<semaphore_mem>>)
      %add3A_135 = arith.constant 1 : i32
      %add3A_136 = arith.addi %mul3A_122, %add3A_135 : i32
      %mul3A_137 = arith.constant 40 : i32
      %mul3A_138 = arith.muli %add3A_136, %mul3A_137 : i32
      %dma_start3A_139 = tpu.memref_slice %arg8[%mul3A_138] : memref<2520xi32, #tpu.memory_space<vmem>> -> memref<40xi32, #tpu.memory_space<vmem>>
      %dma_start3A_140 = arith.constant 0 : i32
      %dma_start3A_141 = arith.constant 0 : i32
      %dma_start3A_142 = tpu.memref_slice %arg2[%dma_start3A_140, %dma_start3A_141] : memref<10000x256xf32, #tpu.memory_space<hbm>> -> memref<10000x256xf32, #tpu.memory_space<hbm>>
      tpu.enqueue_indirect_dma source(%dma_start3A_142 : memref<10000x256xf32, #tpu.memory_space<hbm>>) target(%arg11 : memref<40x256xf32, #tpu.memory_space<vmem>>) offsets(%dma_start3A_139 : memref<40xi32, #tpu.memory_space<vmem>>) semaphore(%arg19 : memref<!tpu.dma_semaphore, #tpu.memory_space<semaphore_mem>>)
      %dma_start3A_143 = tpu.memref_slice %arg9[%mul3A_138] : memref<2520xi32, #tpu.memory_space<vmem>> -> memref<40xi32, #tpu.memory_space<vmem>>
      %dma_start3A_144 = arith.constant 0 : i32
      %dma_start3A_145 = arith.constant 0 : i32
      %dma_start3A_146 = tpu.memref_slice %arg3[%dma_start3A_144, %dma_start3A_145] : memref<10000x256xf32, #tpu.memory_space<hbm>> -> memref<10000x256xf32, #tpu.memory_space<hbm>>
      tpu.enqueue_indirect_dma source(%dma_start3A_146 : memref<10000x256xf32, #tpu.memory_space<hbm>>) target(%arg15 : memref<40x256xf32, #tpu.memory_space<vmem>>) offsets(%dma_start3A_143 : memref<40xi32, #tpu.memory_space<vmem>>) semaphore(%arg19 : memref<!tpu.dma_semaphore, #tpu.memory_space<semaphore_mem>>)
      %add3A_147 = arith.constant 2 : i32
      %add3A_148 = arith.addi %mul3A_122, %add3A_147 : i32
      %mul3A_149 = arith.constant 40 : i32
      %mul3A_150 = arith.muli %add3A_148, %mul3A_149 : i32
      %dma_start3A_151 = tpu.memref_slice %arg8[%mul3A_150] : memref<2520xi32, #tpu.memory_space<vmem>> -> memref<40xi32, #tpu.memory_space<vmem>>
      %dma_start3A_152 = arith.constant 0 : i32
      %dma_start3A_153 = arith.constant 0 : i32
      %dma_start3A_154 = tpu.memref_slice %arg2[%dma_start3A_152, %dma_start3A_153] : memref<10000x256xf32, #tpu.memory_space<hbm>> -> memref<10000x256xf32, #tpu.memory_space<hbm>>
      tpu.enqueue_indirect_dma source(%dma_start3A_154 : memref<10000x256xf32, #tpu.memory_space<hbm>>) target(%arg12 : memref<40x256xf32, #tpu.memory_space<vmem>>) offsets(%dma_start3A_151 : memref<40xi32, #tpu.memory_space<vmem>>) semaphore(%arg20 : memref<!tpu.dma_semaphore, #tpu.memory_space<semaphore_mem>>)
      %dma_start3A_155 = tpu.memref_slice %arg9[%mul3A_150] : memref<2520xi32, #tpu.memory_space<vmem>> -> memref<40xi32, #tpu.memory_space<vmem>>
      %dma_start3A_156 = arith.constant 0 : i32
      %dma_start3A_157 = arith.constant 0 : i32
      %dma_start3A_158 = tpu.memref_slice %arg3[%dma_start3A_156, %dma_start3A_157] : memref<10000x256xf32, #tpu.memory_space<hbm>> -> memref<10000x256xf32, #tpu.memory_space<hbm>>
      tpu.enqueue_indirect_dma source(%dma_start3A_158 : memref<10000x256xf32, #tpu.memory_space<hbm>>) target(%arg16 : memref<40x256xf32, #tpu.memory_space<vmem>>) offsets(%dma_start3A_155 : memref<40xi32, #tpu.memory_space<vmem>>) semaphore(%arg20 : memref<!tpu.dma_semaphore, #tpu.memory_space<semaphore_mem>>)
      %add3A_159 = arith.constant 3 : i32
      %add3A_160 = arith.addi %mul3A_122, %add3A_159 : i32
      %mul3A_161 = arith.constant 40 : i32
      %mul3A_162 = arith.muli %add3A_160, %mul3A_161 : i32
      %dma_start3A_163 = tpu.memref_slice %arg8[%mul3A_162] : memref<2520xi32, #tpu.memory_space<vmem>> -> memref<40xi32, #tpu.memory_space<vmem>>
      %dma_start3A_164 = arith.constant 0 : i32
      %dma_start3A_165 = arith.constant 0 : i32
      %dma_start3A_166 = tpu.memref_slice %arg2[%dma_start3A_164, %dma_start3A_165] : memref<10000x256xf32, #tpu.memory_space<hbm>> -> memref<10000x256xf32, #tpu.memory_space<hbm>>
      tpu.enqueue_indirect_dma source(%dma_start3A_166 : memref<10000x256xf32, #tpu.memory_space<hbm>>) target(%arg13 : memref<40x256xf32, #tpu.memory_space<vmem>>) offsets(%dma_start3A_163 : memref<40xi32, #tpu.memory_space<vmem>>) semaphore(%arg21 : memref<!tpu.dma_semaphore, #tpu.memory_space<semaphore_mem>>)
      %dma_start3A_167 = tpu.memref_slice %arg9[%mul3A_162] : memref<2520xi32, #tpu.memory_space<vmem>> -> memref<40xi32, #tpu.memory_space<vmem>>
      %dma_start3A_168 = arith.constant 0 : i32
      %dma_start3A_169 = arith.constant 0 : i32
      %dma_start3A_170 = tpu.memref_slice %arg3[%dma_start3A_168, %dma_start3A_169] : memref<10000x256xf32, #tpu.memory_space<hbm>> -> memref<10000x256xf32, #tpu.memory_space<hbm>>
      tpu.enqueue_indirect_dma source(%dma_start3A_170 : memref<10000x256xf32, #tpu.memory_space<hbm>>) target(%arg17 : memref<40x256xf32, #tpu.memory_space<vmem>>) offsets(%dma_start3A_167 : memref<40xi32, #tpu.memory_space<vmem>>) semaphore(%arg21 : memref<!tpu.dma_semaphore, #tpu.memory_space<semaphore_mem>>)
      %dma_wait3A_171 = tpu.memref_slice %arg8[%mul3A_126] : memref<2520xi32, #tpu.memory_space<vmem>> -> memref<40xi32, #tpu.memory_space<vmem>>
      %dma_wait3A_172 = arith.constant 0 : i32
      %dma_wait3A_173 = arith.constant 0 : i32
      %dma_wait3A_174 = tpu.memref_slice %arg2[%dma_wait3A_172, %dma_wait3A_173] : memref<10000x256xf32, #tpu.memory_space<hbm>> -> memref<10000x256xf32, #tpu.memory_space<hbm>>
      tpu.wait_indirect_dma semaphore(%arg18 : memref<!tpu.dma_semaphore, #tpu.memory_space<semaphore_mem>>) src(%dma_wait3A_174 : memref<10000x256xf32, #tpu.memory_space<hbm>>) dst(%arg10 : memref<40x256xf32, #tpu.memory_space<vmem>>)
      %dma_wait3A_175 = tpu.memref_slice %arg9[%mul3A_126] : memref<2520xi32, #tpu.memory_space<vmem>> -> memref<40xi32, #tpu.memory_space<vmem>>
      %dma_wait3A_176 = arith.constant 0 : i32
      %dma_wait3A_177 = arith.constant 0 : i32
      %dma_wait3A_178 = tpu.memref_slice %arg3[%dma_wait3A_176, %dma_wait3A_177] : memref<10000x256xf32, #tpu.memory_space<hbm>> -> memref<10000x256xf32, #tpu.memory_space<hbm>>
      tpu.wait_indirect_dma semaphore(%arg18 : memref<!tpu.dma_semaphore, #tpu.memory_space<semaphore_mem>>) src(%dma_wait3A_178 : memref<10000x256xf32, #tpu.memory_space<hbm>>) dst(%arg14 : memref<40x256xf32, #tpu.memory_space<vmem>>)
      %add3A_179 = arith.constant 0 : i32
      %add3A_180 = arith.addi %mul3A_122, %add3A_179 : i32
      %mul3A_181 = arith.constant 40 : i32
      %mul3A_182 = arith.muli %add3A_180, %mul3A_181 : i32
      %add3A_183 = arith.addi %mul3A_2, %mul3A_182 : i32
      %dma_start3A_184 = arith.constant 0 : i32
      %dma_start3A_185 = tpu.memref_slice %arg6[%add3A_183, %dma_start3A_184] : memref<80640x256xf32, #tpu.memory_space<hbm>> -> memref<40x256xf32, #tpu.memory_space<hbm>>
      %dma_start3A_186 = arith.constant 0 : i32
      %dma_start3A_187 = tpu.memref_slice %arg6[%add3A_183, %dma_start3A_186] : memref<80640x256xf32, #tpu.memory_space<hbm>> -> memref<40x256xf32, #tpu.memory_space<hbm>>
      tpu.enqueue_dma source(%arg10 : memref<40x256xf32, #tpu.memory_space<vmem>>) target(%dma_start3A_187 : memref<40x256xf32, #tpu.memory_space<hbm>>) target_semaphore(%arg22 : memref<!tpu.dma_semaphore, #tpu.memory_space<semaphore_mem>>)
      %dma_start3A_188 = arith.constant 0 : i32
      %dma_start3A_189 = tpu.memref_slice %arg7[%add3A_183, %dma_start3A_188] : memref<80640x256xf32, #tpu.memory_space<hbm>> -> memref<40x256xf32, #tpu.memory_space<hbm>>
      %dma_start3A_190 = arith.constant 0 : i32
      %dma_start3A_191 = tpu.memref_slice %arg7[%add3A_183, %dma_start3A_190] : memref<80640x256xf32, #tpu.memory_space<hbm>> -> memref<40x256xf32, #tpu.memory_space<hbm>>
      tpu.enqueue_dma source(%arg14 : memref<40x256xf32, #tpu.memory_space<vmem>>) target(%dma_start3A_191 : memref<40x256xf32, #tpu.memory_space<hbm>>) target_semaphore(%arg22 : memref<!tpu.dma_semaphore, #tpu.memory_space<semaphore_mem>>)
      %dma_wait3A_192 = tpu.memref_slice %arg8[%mul3A_138] : memref<2520xi32, #tpu.memory_space<vmem>> -> memref<40xi32, #tpu.memory_space<vmem>>
      %dma_wait3A_193 = arith.constant 0 : i32
      %dma_wait3A_194 = arith.constant 0 : i32
      %dma_wait3A_195 = tpu.memref_slice %arg2[%dma_wait3A_193, %dma_wait3A_194] : memref<10000x256xf32, #tpu.memory_space<hbm>> -> memref<10000x256xf32, #tpu.memory_space<hbm>>
      tpu.wait_indirect_dma semaphore(%arg19 : memref<!tpu.dma_semaphore, #tpu.memory_space<semaphore_mem>>) src(%dma_wait3A_195 : memref<10000x256xf32, #tpu.memory_space<hbm>>) dst(%arg11 : memref<40x256xf32, #tpu.memory_space<vmem>>)
      %dma_wait3A_196 = tpu.memref_slice %arg9[%mul3A_138] : memref<2520xi32, #tpu.memory_space<vmem>> -> memref<40xi32, #tpu.memory_space<vmem>>
      %dma_wait3A_197 = arith.constant 0 : i32
      %dma_wait3A_198 = arith.constant 0 : i32
      %dma_wait3A_199 = tpu.memref_slice %arg3[%dma_wait3A_197, %dma_wait3A_198] : memref<10000x256xf32, #tpu.memory_space<hbm>> -> memref<10000x256xf32, #tpu.memory_space<hbm>>
      tpu.wait_indirect_dma semaphore(%arg19 : memref<!tpu.dma_semaphore, #tpu.memory_space<semaphore_mem>>) src(%dma_wait3A_199 : memref<10000x256xf32, #tpu.memory_space<hbm>>) dst(%arg15 : memref<40x256xf32, #tpu.memory_space<vmem>>)
      %add3A_200 = arith.constant 1 : i32
      %add3A_201 = arith.addi %mul3A_122, %add3A_200 : i32
      %mul3A_202 = arith.constant 40 : i32
      %mul3A_203 = arith.muli %add3A_201, %mul3A_202 : i32
      %add3A_204 = arith.addi %mul3A_2, %mul3A_203 : i32
      %dma_start3A_205 = arith.constant 0 : i32
      %dma_start3A_206 = tpu.memref_slice %arg6[%add3A_204, %dma_start3A_205] : memref<80640x256xf32, #tpu.memory_space<hbm>> -> memref<40x256xf32, #tpu.memory_space<hbm>>
      %dma_start3A_207 = arith.constant 0 : i32
      %dma_start3A_208 = tpu.memref_slice %arg6[%add3A_204, %dma_start3A_207] : memref<80640x256xf32, #tpu.memory_space<hbm>> -> memref<40x256xf32, #tpu.memory_space<hbm>>
      tpu.enqueue_dma source(%arg11 : memref<40x256xf32, #tpu.memory_space<vmem>>) target(%dma_start3A_208 : memref<40x256xf32, #tpu.memory_space<hbm>>) target_semaphore(%arg23 : memref<!tpu.dma_semaphore, #tpu.memory_space<semaphore_mem>>)
      %dma_start3A_209 = arith.constant 0 : i32
      %dma_start3A_210 = tpu.memref_slice %arg7[%add3A_204, %dma_start3A_209] : memref<80640x256xf32, #tpu.memory_space<hbm>> -> memref<40x256xf32, #tpu.memory_space<hbm>>
      %dma_start3A_211 = arith.constant 0 : i32
      %dma_start3A_212 = tpu.memref_slice %arg7[%add3A_204, %dma_start3A_211] : memref<80640x256xf32, #tpu.memory_space<hbm>> -> memref<40x256xf32, #tpu.memory_space<hbm>>
      tpu.enqueue_dma source(%arg15 : memref<40x256xf32, #tpu.memory_space<vmem>>) target(%dma_start3A_212 : memref<40x256xf32, #tpu.memory_space<hbm>>) target_semaphore(%arg23 : memref<!tpu.dma_semaphore, #tpu.memory_space<semaphore_mem>>)
      %dma_wait3A_213 = tpu.memref_slice %arg8[%mul3A_150] : memref<2520xi32, #tpu.memory_space<vmem>> -> memref<40xi32, #tpu.memory_space<vmem>>
      %dma_wait3A_214 = arith.constant 0 : i32
      %dma_wait3A_215 = arith.constant 0 : i32
      %dma_wait3A_216 = tpu.memref_slice %arg2[%dma_wait3A_214, %dma_wait3A_215] : memref<10000x256xf32, #tpu.memory_space<hbm>> -> memref<10000x256xf32, #tpu.memory_space<hbm>>
      tpu.wait_indirect_dma semaphore(%arg20 : memref<!tpu.dma_semaphore, #tpu.memory_space<semaphore_mem>>) src(%dma_wait3A_216 : memref<10000x256xf32, #tpu.memory_space<hbm>>) dst(%arg12 : memref<40x256xf32, #tpu.memory_space<vmem>>)
      %dma_wait3A_217 = tpu.memref_slice %arg9[%mul3A_150] : memref<2520xi32, #tpu.memory_space<vmem>> -> memref<40xi32, #tpu.memory_space<vmem>>
      %dma_wait3A_218 = arith.constant 0 : i32
      %dma_wait3A_219 = arith.constant 0 : i32
      %dma_wait3A_220 = tpu.memref_slice %arg3[%dma_wait3A_218, %dma_wait3A_219] : memref<10000x256xf32, #tpu.memory_space<hbm>> -> memref<10000x256xf32, #tpu.memory_space<hbm>>
      tpu.wait_indirect_dma semaphore(%arg20 : memref<!tpu.dma_semaphore, #tpu.memory_space<semaphore_mem>>) src(%dma_wait3A_220 : memref<10000x256xf32, #tpu.memory_space<hbm>>) dst(%arg16 : memref<40x256xf32, #tpu.memory_space<vmem>>)
      %add3A_221 = arith.constant 2 : i32
      %add3A_222 = arith.addi %mul3A_122, %add3A_221 : i32
      %mul3A_223 = arith.constant 40 : i32
      %mul3A_224 = arith.muli %add3A_222, %mul3A_223 : i32
      %add3A_225 = arith.addi %mul3A_2, %mul3A_224 : i32
      %dma_start3A_226 = arith.constant 0 : i32
      %dma_start3A_227 = tpu.memref_slice %arg6[%add3A_225, %dma_start3A_226] : memref<80640x256xf32, #tpu.memory_space<hbm>> -> memref<40x256xf32, #tpu.memory_space<hbm>>
      %dma_start3A_228 = arith.constant 0 : i32
      %dma_start3A_229 = tpu.memref_slice %arg6[%add3A_225, %dma_start3A_228] : memref<80640x256xf32, #tpu.memory_space<hbm>> -> memref<40x256xf32, #tpu.memory_space<hbm>>
      tpu.enqueue_dma source(%arg12 : memref<40x256xf32, #tpu.memory_space<vmem>>) target(%dma_start3A_229 : memref<40x256xf32, #tpu.memory_space<hbm>>) target_semaphore(%arg24 : memref<!tpu.dma_semaphore, #tpu.memory_space<semaphore_mem>>)
      %dma_start3A_230 = arith.constant 0 : i32
      %dma_start3A_231 = tpu.memref_slice %arg7[%add3A_225, %dma_start3A_230] : memref<80640x256xf32, #tpu.memory_space<hbm>> -> memref<40x256xf32, #tpu.memory_space<hbm>>
      %dma_start3A_232 = arith.constant 0 : i32
      %dma_start3A_233 = tpu.memref_slice %arg7[%add3A_225, %dma_start3A_232] : memref<80640x256xf32, #tpu.memory_space<hbm>> -> memref<40x256xf32, #tpu.memory_space<hbm>>
      tpu.enqueue_dma source(%arg16 : memref<40x256xf32, #tpu.memory_space<vmem>>) target(%dma_start3A_233 : memref<40x256xf32, #tpu.memory_space<hbm>>) target_semaphore(%arg24 : memref<!tpu.dma_semaphore, #tpu.memory_space<semaphore_mem>>)
      %dma_wait3A_234 = tpu.memref_slice %arg8[%mul3A_162] : memref<2520xi32, #tpu.memory_space<vmem>> -> memref<40xi32, #tpu.memory_space<vmem>>
      %dma_wait3A_235 = arith.constant 0 : i32
      %dma_wait3A_236 = arith.constant 0 : i32
      %dma_wait3A_237 = tpu.memref_slice %arg2[%dma_wait3A_235, %dma_wait3A_236] : memref<10000x256xf32, #tpu.memory_space<hbm>> -> memref<10000x256xf32, #tpu.memory_space<hbm>>
      tpu.wait_indirect_dma semaphore(%arg21 : memref<!tpu.dma_semaphore, #tpu.memory_space<semaphore_mem>>) src(%dma_wait3A_237 : memref<10000x256xf32, #tpu.memory_space<hbm>>) dst(%arg13 : memref<40x256xf32, #tpu.memory_space<vmem>>)
      %dma_wait3A_238 = tpu.memref_slice %arg9[%mul3A_162] : memref<2520xi32, #tpu.memory_space<vmem>> -> memref<40xi32, #tpu.memory_space<vmem>>
      %dma_wait3A_239 = arith.constant 0 : i32
      %dma_wait3A_240 = arith.constant 0 : i32
      %dma_wait3A_241 = tpu.memref_slice %arg3[%dma_wait3A_239, %dma_wait3A_240] : memref<10000x256xf32, #tpu.memory_space<hbm>> -> memref<10000x256xf32, #tpu.memory_space<hbm>>
      tpu.wait_indirect_dma semaphore(%arg21 : memref<!tpu.dma_semaphore, #tpu.memory_space<semaphore_mem>>) src(%dma_wait3A_241 : memref<10000x256xf32, #tpu.memory_space<hbm>>) dst(%arg17 : memref<40x256xf32, #tpu.memory_space<vmem>>)
      %add3A_242 = arith.constant 3 : i32
      %add3A_243 = arith.addi %mul3A_122, %add3A_242 : i32
      %mul3A_244 = arith.constant 40 : i32
      %mul3A_245 = arith.muli %add3A_243, %mul3A_244 : i32
      %add3A_246 = arith.addi %mul3A_2, %mul3A_245 : i32
      %dma_start3A_247 = arith.constant 0 : i32
      %dma_start3A_248 = tpu.memref_slice %arg6[%add3A_246, %dma_start3A_247] : memref<80640x256xf32, #tpu.memory_space<hbm>> -> memref<40x256xf32, #tpu.memory_space<hbm>>
      %dma_start3A_249 = arith.constant 0 : i32
      %dma_start3A_250 = tpu.memref_slice %arg6[%add3A_246, %dma_start3A_249] : memref<80640x256xf32, #tpu.memory_space<hbm>> -> memref<40x256xf32, #tpu.memory_space<hbm>>
      tpu.enqueue_dma source(%arg13 : memref<40x256xf32, #tpu.memory_space<vmem>>) target(%dma_start3A_250 : memref<40x256xf32, #tpu.memory_space<hbm>>) target_semaphore(%arg25 : memref<!tpu.dma_semaphore, #tpu.memory_space<semaphore_mem>>)
      %dma_start3A_251 = arith.constant 0 : i32
      %dma_start3A_252 = tpu.memref_slice %arg7[%add3A_246, %dma_start3A_251] : memref<80640x256xf32, #tpu.memory_space<hbm>> -> memref<40x256xf32, #tpu.memory_space<hbm>>
      %dma_start3A_253 = arith.constant 0 : i32
      %dma_start3A_254 = tpu.memref_slice %arg7[%add3A_246, %dma_start3A_253] : memref<80640x256xf32, #tpu.memory_space<hbm>> -> memref<40x256xf32, #tpu.memory_space<hbm>>
      tpu.enqueue_dma source(%arg17 : memref<40x256xf32, #tpu.memory_space<vmem>>) target(%dma_start3A_254 : memref<40x256xf32, #tpu.memory_space<hbm>>) target_semaphore(%arg25 : memref<!tpu.dma_semaphore, #tpu.memory_space<semaphore_mem>>)
      %dma_wait3A_255 = arith.constant 0 : i32
      %dma_wait3A_256 = tpu.memref_slice %arg6[%add3A_183, %dma_wait3A_255] : memref<80640x256xf32, #tpu.memory_space<hbm>> -> memref<40x256xf32, #tpu.memory_space<hbm>>
      %dma_wait3A_257 = arith.constant 0 : i32
      %dma_wait3A_258 = tpu.memref_slice %arg6[%add3A_183, %dma_wait3A_257] : memref<80640x256xf32, #tpu.memory_space<hbm>> -> memref<40x256xf32, #tpu.memory_space<hbm>>
      tpu.wait_dma2 semaphore(%arg22 : memref<!tpu.dma_semaphore, #tpu.memory_space<semaphore_mem>>) src(%arg10 : memref<40x256xf32, #tpu.memory_space<vmem>>) dst(%dma_wait3A_258 : memref<40x256xf32, #tpu.memory_space<hbm>>)
      %dma_wait3A_259 = arith.constant 0 : i32
      %dma_wait3A_260 = tpu.memref_slice %arg7[%add3A_183, %dma_wait3A_259] : memref<80640x256xf32, #tpu.memory_space<hbm>> -> memref<40x256xf32, #tpu.memory_space<hbm>>
      %dma_wait3A_261 = arith.constant 0 : i32
      %dma_wait3A_262 = tpu.memref_slice %arg7[%add3A_183, %dma_wait3A_261] : memref<80640x256xf32, #tpu.memory_space<hbm>> -> memref<40x256xf32, #tpu.memory_space<hbm>>
      tpu.wait_dma2 semaphore(%arg22 : memref<!tpu.dma_semaphore, #tpu.memory_space<semaphore_mem>>) src(%arg14 : memref<40x256xf32, #tpu.memory_space<vmem>>) dst(%dma_wait3A_262 : memref<40x256xf32, #tpu.memory_space<hbm>>)
      %dma_wait3A_263 = arith.constant 0 : i32
      %dma_wait3A_264 = tpu.memref_slice %arg6[%add3A_204, %dma_wait3A_263] : memref<80640x256xf32, #tpu.memory_space<hbm>> -> memref<40x256xf32, #tpu.memory_space<hbm>>
      %dma_wait3A_265 = arith.constant 0 : i32
      %dma_wait3A_266 = tpu.memref_slice %arg6[%add3A_204, %dma_wait3A_265] : memref<80640x256xf32, #tpu.memory_space<hbm>> -> memref<40x256xf32, #tpu.memory_space<hbm>>
      tpu.wait_dma2 semaphore(%arg23 : memref<!tpu.dma_semaphore, #tpu.memory_space<semaphore_mem>>) src(%arg11 : memref<40x256xf32, #tpu.memory_space<vmem>>) dst(%dma_wait3A_266 : memref<40x256xf32, #tpu.memory_space<hbm>>)
      %dma_wait3A_267 = arith.constant 0 : i32
      %dma_wait3A_268 = tpu.memref_slice %arg7[%add3A_204, %dma_wait3A_267] : memref<80640x256xf32, #tpu.memory_space<hbm>> -> memref<40x256xf32, #tpu.memory_space<hbm>>
      %dma_wait3A_269 = arith.constant 0 : i32
      %dma_wait3A_270 = tpu.memref_slice %arg7[%add3A_204, %dma_wait3A_269] : memref<80640x256xf32, #tpu.memory_space<hbm>> -> memref<40x256xf32, #tpu.memory_space<hbm>>
      tpu.wait_dma2 semaphore(%arg23 : memref<!tpu.dma_semaphore, #tpu.memory_space<semaphore_mem>>) src(%arg15 : memref<40x256xf32, #tpu.memory_space<vmem>>) dst(%dma_wait3A_270 : memref<40x256xf32, #tpu.memory_space<hbm>>)
      %dma_wait3A_271 = arith.constant 0 : i32
      %dma_wait3A_272 = tpu.memref_slice %arg6[%add3A_225, %dma_wait3A_271] : memref<80640x256xf32, #tpu.memory_space<hbm>> -> memref<40x256xf32, #tpu.memory_space<hbm>>
      %dma_wait3A_273 = arith.constant 0 : i32
      %dma_wait3A_274 = tpu.memref_slice %arg6[%add3A_225, %dma_wait3A_273] : memref<80640x256xf32, #tpu.memory_space<hbm>> -> memref<40x256xf32, #tpu.memory_space<hbm>>
      tpu.wait_dma2 semaphore(%arg24 : memref<!tpu.dma_semaphore, #tpu.memory_space<semaphore_mem>>) src(%arg12 : memref<40x256xf32, #tpu.memory_space<vmem>>) dst(%dma_wait3A_274 : memref<40x256xf32, #tpu.memory_space<hbm>>)
      %dma_wait3A_275 = arith.constant 0 : i32
      %dma_wait3A_276 = tpu.memref_slice %arg7[%add3A_225, %dma_wait3A_275] : memref<80640x256xf32, #tpu.memory_space<hbm>> -> memref<40x256xf32, #tpu.memory_space<hbm>>
      %dma_wait3A_277 = arith.constant 0 : i32
      %dma_wait3A_278 = tpu.memref_slice %arg7[%add3A_225, %dma_wait3A_277] : memref<80640x256xf32, #tpu.memory_space<hbm>> -> memref<40x256xf32, #tpu.memory_space<hbm>>
      tpu.wait_dma2 semaphore(%arg24 : memref<!tpu.dma_semaphore, #tpu.memory_space<semaphore_mem>>) src(%arg16 : memref<40x256xf32, #tpu.memory_space<vmem>>) dst(%dma_wait3A_278 : memref<40x256xf32, #tpu.memory_space<hbm>>)
      %dma_wait3A_279 = arith.constant 0 : i32
      %dma_wait3A_280 = tpu.memref_slice %arg6[%add3A_246, %dma_wait3A_279] : memref<80640x256xf32, #tpu.memory_space<hbm>> -> memref<40x256xf32, #tpu.memory_space<hbm>>
      %dma_wait3A_281 = arith.constant 0 : i32
      %dma_wait3A_282 = tpu.memref_slice %arg6[%add3A_246, %dma_wait3A_281] : memref<80640x256xf32, #tpu.memory_space<hbm>> -> memref<40x256xf32, #tpu.memory_space<hbm>>
      tpu.wait_dma2 semaphore(%arg25 : memref<!tpu.dma_semaphore, #tpu.memory_space<semaphore_mem>>) src(%arg13 : memref<40x256xf32, #tpu.memory_space<vmem>>) dst(%dma_wait3A_282 : memref<40x256xf32, #tpu.memory_space<hbm>>)
      %dma_wait3A_283 = arith.constant 0 : i32
      %dma_wait3A_284 = tpu.memref_slice %arg7[%add3A_246, %dma_wait3A_283] : memref<80640x256xf32, #tpu.memory_space<hbm>> -> memref<40x256xf32, #tpu.memory_space<hbm>>
      %dma_wait3A_285 = arith.constant 0 : i32
      %dma_wait3A_286 = tpu.memref_slice %arg7[%add3A_246, %dma_wait3A_285] : memref<80640x256xf32, #tpu.memory_space<hbm>> -> memref<40x256xf32, #tpu.memory_space<hbm>>
      tpu.wait_dma2 semaphore(%arg25 : memref<!tpu.dma_semaphore, #tpu.memory_space<semaphore_mem>>) src(%arg17 : memref<40x256xf32, #tpu.memory_space<vmem>>) dst(%dma_wait3A_286 : memref<40x256xf32, #tpu.memory_space<hbm>>)
    }
    %scan3A_7 = arith.constant 15 : i32
    %dma_start3A = arith.constant 2400 : i32
    %dma_start3A_8 = tpu.memref_slice %arg8[%dma_start3A] : memref<2520xi32, #tpu.memory_space<vmem>> -> memref<40xi32, #tpu.memory_space<vmem>>
    %dma_start3A_9 = arith.constant 0 : i32
    %dma_start3A_10 = arith.constant 0 : i32
    %dma_start3A_11 = tpu.memref_slice %arg2[%dma_start3A_9, %dma_start3A_10] : memref<10000x256xf32, #tpu.memory_space<hbm>> -> memref<10000x256xf32, #tpu.memory_space<hbm>>
    tpu.enqueue_indirect_dma source(%dma_start3A_11 : memref<10000x256xf32, #tpu.memory_space<hbm>>) target(%arg10 : memref<40x256xf32, #tpu.memory_space<vmem>>) offsets(%dma_start3A_8 : memref<40xi32, #tpu.memory_space<vmem>>) semaphore(%arg18 : memref<!tpu.dma_semaphore, #tpu.memory_space<semaphore_mem>>)
    %dma_start3A_12 = arith.constant 2400 : i32
    %dma_start3A_13 = tpu.memref_slice %arg9[%dma_start3A_12] : memref<2520xi32, #tpu.memory_space<vmem>> -> memref<40xi32, #tpu.memory_space<vmem>>
    %dma_start3A_14 = arith.constant 0 : i32
    %dma_start3A_15 = arith.constant 0 : i32
    %dma_start3A_16 = tpu.memref_slice %arg3[%dma_start3A_14, %dma_start3A_15] : memref<10000x256xf32, #tpu.memory_space<hbm>> -> memref<10000x256xf32, #tpu.memory_space<hbm>>
    tpu.enqueue_indirect_dma source(%dma_start3A_16 : memref<10000x256xf32, #tpu.memory_space<hbm>>) target(%arg14 : memref<40x256xf32, #tpu.memory_space<vmem>>) offsets(%dma_start3A_13 : memref<40xi32, #tpu.memory_space<vmem>>) semaphore(%arg18 : memref<!tpu.dma_semaphore, #tpu.memory_space<semaphore_mem>>)
    %dma_wait3A = arith.constant 2400 : i32
    %dma_wait3A_17 = tpu.memref_slice %arg8[%dma_wait3A] : memref<2520xi32, #tpu.memory_space<vmem>> -> memref<40xi32, #tpu.memory_space<vmem>>
    %dma_wait3A_18 = arith.constant 0 : i32
    %dma_wait3A_19 = arith.constant 0 : i32
    %dma_wait3A_20 = tpu.memref_slice %arg2[%dma_wait3A_18, %dma_wait3A_19] : memref<10000x256xf32, #tpu.memory_space<hbm>> -> memref<10000x256xf32, #tpu.memory_space<hbm>>
    tpu.wait_indirect_dma semaphore(%arg18 : memref<!tpu.dma_semaphore, #tpu.memory_space<semaphore_mem>>) src(%dma_wait3A_20 : memref<10000x256xf32, #tpu.memory_space<hbm>>) dst(%arg10 : memref<40x256xf32, #tpu.memory_space<vmem>>)
    %dma_wait3A_21 = arith.constant 2400 : i32
    %dma_wait3A_22 = tpu.memref_slice %arg9[%dma_wait3A_21] : memref<2520xi32, #tpu.memory_space<vmem>> -> memref<40xi32, #tpu.memory_space<vmem>>
    %dma_wait3A_23 = arith.constant 0 : i32
    %dma_wait3A_24 = arith.constant 0 : i32
    %dma_wait3A_25 = tpu.memref_slice %arg3[%dma_wait3A_23, %dma_wait3A_24] : memref<10000x256xf32, #tpu.memory_space<hbm>> -> memref<10000x256xf32, #tpu.memory_space<hbm>>
    tpu.wait_indirect_dma semaphore(%arg18 : memref<!tpu.dma_semaphore, #tpu.memory_space<semaphore_mem>>) src(%dma_wait3A_25 : memref<10000x256xf32, #tpu.memory_space<hbm>>) dst(%arg14 : memref<40x256xf32, #tpu.memory_space<vmem>>)
    %add3A_26 = arith.constant 2400 : i32
    %add3A_27 = arith.addi %mul3A_2, %add3A_26 : i32
    %dma_start3A_28 = arith.constant 0 : i32
    %dma_start3A_29 = tpu.memref_slice %arg6[%add3A_27, %dma_start3A_28] : memref<80640x256xf32, #tpu.memory_space<hbm>> -> memref<40x256xf32, #tpu.memory_space<hbm>>
    %dma_start3A_30 = arith.constant 0 : i32
    %dma_start3A_31 = tpu.memref_slice %arg6[%add3A_27, %dma_start3A_30] : memref<80640x256xf32, #tpu.memory_space<hbm>> -> memref<40x256xf32, #tpu.memory_space<hbm>>
    tpu.enqueue_dma source(%arg10 : memref<40x256xf32, #tpu.memory_space<vmem>>) target(%dma_start3A_31 : memref<40x256xf32, #tpu.memory_space<hbm>>) target_semaphore(%arg22 : memref<!tpu.dma_semaphore, #tpu.memory_space<semaphore_mem>>)
    %dma_start3A_32 = arith.constant 0 : i32
    %dma_start3A_33 = tpu.memref_slice %arg7[%add3A_27, %dma_start3A_32] : memref<80640x256xf32, #tpu.memory_space<hbm>> -> memref<40x256xf32, #tpu.memory_space<hbm>>
    %dma_start3A_34 = arith.constant 0 : i32
    %dma_start3A_35 = tpu.memref_slice %arg7[%add3A_27, %dma_start3A_34] : memref<80640x256xf32, #tpu.memory_space<hbm>> -> memref<40x256xf32, #tpu.memory_space<hbm>>
    tpu.enqueue_dma source(%arg14 : memref<40x256xf32, #tpu.memory_space<vmem>>) target(%dma_start3A_35 : memref<40x256xf32, #tpu.memory_space<hbm>>) target_semaphore(%arg22 : memref<!tpu.dma_semaphore, #tpu.memory_space<semaphore_mem>>)
    %dma_wait3A_36 = arith.constant 0 : i32
    %dma_wait3A_37 = tpu.memref_slice %arg6[%add3A_27, %dma_wait3A_36] : memref<80640x256xf32, #tpu.memory_space<hbm>> -> memref<40x256xf32, #tpu.memory_space<hbm>>
    %dma_wait3A_38 = arith.constant 0 : i32
    %dma_wait3A_39 = tpu.memref_slice %arg6[%add3A_27, %dma_wait3A_38] : memref<80640x256xf32, #tpu.memory_space<hbm>> -> memref<40x256xf32, #tpu.memory_space<hbm>>
    tpu.wait_dma2 semaphore(%arg22 : memref<!tpu.dma_semaphore, #tpu.memory_space<semaphore_mem>>) src(%arg10 : memref<40x256xf32, #tpu.memory_space<vmem>>) dst(%dma_wait3A_39 : memref<40x256xf32, #tpu.memory_space<hbm>>)
    %dma_wait3A_40 = arith.constant 0 : i32
    %dma_wait3A_41 = tpu.memref_slice %arg7[%add3A_27, %dma_wait3A_40] : memref<80640x256xf32, #tpu.memory_space<hbm>> -> memref<40x256xf32, #tpu.memory_space<hbm>>
    %dma_wait3A_42 = arith.constant 0 : i32
    %dma_wait3A_43 = tpu.memref_slice %arg7[%add3A_27, %dma_wait3A_42] : memref<80640x256xf32, #tpu.memory_space<hbm>> -> memref<40x256xf32, #tpu.memory_space<hbm>>
    tpu.wait_dma2 semaphore(%arg22 : memref<!tpu.dma_semaphore, #tpu.memory_space<semaphore_mem>>) src(%arg14 : memref<40x256xf32, #tpu.memory_space<vmem>>) dst(%dma_wait3A_43 : memref<40x256xf32, #tpu.memory_space<hbm>>)
    %dma_start3A_44 = arith.constant 2440 : i32
    %dma_start3A_45 = tpu.memref_slice %arg8[%dma_start3A_44] : memref<2520xi32, #tpu.memory_space<vmem>> -> memref<40xi32, #tpu.memory_space<vmem>>
    %dma_start3A_46 = arith.constant 0 : i32
    %dma_start3A_47 = arith.constant 0 : i32
    %dma_start3A_48 = tpu.memref_slice %arg2[%dma_start3A_46, %dma_start3A_47] : memref<10000x256xf32, #tpu.memory_space<hbm>> -> memref<10000x256xf32, #tpu.memory_space<hbm>>
    tpu.enqueue_indirect_dma source(%dma_start3A_48 : memref<10000x256xf32, #tpu.memory_space<hbm>>) target(%arg10 : memref<40x256xf32, #tpu.memory_space<vmem>>) offsets(%dma_start3A_45 : memref<40xi32, #tpu.memory_space<vmem>>) semaphore(%arg18 : memref<!tpu.dma_semaphore, #tpu.memory_space<semaphore_mem>>)
    %dma_start3A_49 = arith.constant 2440 : i32
    %dma_start3A_50 = tpu.memref_slice %arg9[%dma_start3A_49] : memref<2520xi32, #tpu.memory_space<vmem>> -> memref<40xi32, #tpu.memory_space<vmem>>
    %dma_start3A_51 = arith.constant 0 : i32
    %dma_start3A_52 = arith.constant 0 : i32
    %dma_start3A_53 = tpu.memref_slice %arg3[%dma_start3A_51, %dma_start3A_52] : memref<10000x256xf32, #tpu.memory_space<hbm>> -> memref<10000x256xf32, #tpu.memory_space<hbm>>
    tpu.enqueue_indirect_dma source(%dma_start3A_53 : memref<10000x256xf32, #tpu.memory_space<hbm>>) target(%arg14 : memref<40x256xf32, #tpu.memory_space<vmem>>) offsets(%dma_start3A_50 : memref<40xi32, #tpu.memory_space<vmem>>) semaphore(%arg18 : memref<!tpu.dma_semaphore, #tpu.memory_space<semaphore_mem>>)
    %dma_wait3A_54 = arith.constant 2440 : i32
    %dma_wait3A_55 = tpu.memref_slice %arg8[%dma_wait3A_54] : memref<2520xi32, #tpu.memory_space<vmem>> -> memref<40xi32, #tpu.memory_space<vmem>>
    %dma_wait3A_56 = arith.constant 0 : i32
    %dma_wait3A_57 = arith.constant 0 : i32
    %dma_wait3A_58 = tpu.memref_slice %arg2[%dma_wait3A_56, %dma_wait3A_57] : memref<10000x256xf32, #tpu.memory_space<hbm>> -> memref<10000x256xf32, #tpu.memory_space<hbm>>
    tpu.wait_indirect_dma semaphore(%arg18 : memref<!tpu.dma_semaphore, #tpu.memory_space<semaphore_mem>>) src(%dma_wait3A_58 : memref<10000x256xf32, #tpu.memory_space<hbm>>) dst(%arg10 : memref<40x256xf32, #tpu.memory_space<vmem>>)
    %dma_wait3A_59 = arith.constant 2440 : i32
    %dma_wait3A_60 = tpu.memref_slice %arg9[%dma_wait3A_59] : memref<2520xi32, #tpu.memory_space<vmem>> -> memref<40xi32, #tpu.memory_space<vmem>>
    %dma_wait3A_61 = arith.constant 0 : i32
    %dma_wait3A_62 = arith.constant 0 : i32
    %dma_wait3A_63 = tpu.memref_slice %arg3[%dma_wait3A_61, %dma_wait3A_62] : memref<10000x256xf32, #tpu.memory_space<hbm>> -> memref<10000x256xf32, #tpu.memory_space<hbm>>
    tpu.wait_indirect_dma semaphore(%arg18 : memref<!tpu.dma_semaphore, #tpu.memory_space<semaphore_mem>>) src(%dma_wait3A_63 : memref<10000x256xf32, #tpu.memory_space<hbm>>) dst(%arg14 : memref<40x256xf32, #tpu.memory_space<vmem>>)
    %add3A_64 = arith.constant 2440 : i32
    %add3A_65 = arith.addi %mul3A_2, %add3A_64 : i32
    %dma_start3A_66 = arith.constant 0 : i32
    %dma_start3A_67 = tpu.memref_slice %arg6[%add3A_65, %dma_start3A_66] : memref<80640x256xf32, #tpu.memory_space<hbm>> -> memref<40x256xf32, #tpu.memory_space<hbm>>
    %dma_start3A_68 = arith.constant 0 : i32
    %dma_start3A_69 = tpu.memref_slice %arg6[%add3A_65, %dma_start3A_68] : memref<80640x256xf32, #tpu.memory_space<hbm>> -> memref<40x256xf32, #tpu.memory_space<hbm>>
    tpu.enqueue_dma source(%arg10 : memref<40x256xf32, #tpu.memory_space<vmem>>) target(%dma_start3A_69 : memref<40x256xf32, #tpu.memory_space<hbm>>) target_semaphore(%arg22 : memref<!tpu.dma_semaphore, #tpu.memory_space<semaphore_mem>>)
    %dma_start3A_70 = arith.constant 0 : i32
    %dma_start3A_71 = tpu.memref_slice %arg7[%add3A_65, %dma_start3A_70] : memref<80640x256xf32, #tpu.memory_space<hbm>> -> memref<40x256xf32, #tpu.memory_space<hbm>>
    %dma_start3A_72 = arith.constant 0 : i32
    %dma_start3A_73 = tpu.memref_slice %arg7[%add3A_65, %dma_start3A_72] : memref<80640x256xf32, #tpu.memory_space<hbm>> -> memref<40x256xf32, #tpu.memory_space<hbm>>
    tpu.enqueue_dma source(%arg14 : memref<40x256xf32, #tpu.memory_space<vmem>>) target(%dma_start3A_73 : memref<40x256xf32, #tpu.memory_space<hbm>>) target_semaphore(%arg22 : memref<!tpu.dma_semaphore, #tpu.memory_space<semaphore_mem>>)
    %dma_wait3A_74 = arith.constant 0 : i32
    %dma_wait3A_75 = tpu.memref_slice %arg6[%add3A_65, %dma_wait3A_74] : memref<80640x256xf32, #tpu.memory_space<hbm>> -> memref<40x256xf32, #tpu.memory_space<hbm>>
    %dma_wait3A_76 = arith.constant 0 : i32
    %dma_wait3A_77 = tpu.memref_slice %arg6[%add3A_65, %dma_wait3A_76] : memref<80640x256xf32, #tpu.memory_space<hbm>> -> memref<40x256xf32, #tpu.memory_space<hbm>>
    tpu.wait_dma2 semaphore(%arg22 : memref<!tpu.dma_semaphore, #tpu.memory_space<semaphore_mem>>) src(%arg10 : memref<40x256xf32, #tpu.memory_space<vmem>>) dst(%dma_wait3A_77 : memref<40x256xf32, #tpu.memory_space<hbm>>)
    %dma_wait3A_78 = arith.constant 0 : i32
    %dma_wait3A_79 = tpu.memref_slice %arg7[%add3A_65, %dma_wait3A_78] : memref<80640x256xf32, #tpu.memory_space<hbm>> -> memref<40x256xf32, #tpu.memory_space<hbm>>
    %dma_wait3A_80 = arith.constant 0 : i32
    %dma_wait3A_81 = tpu.memref_slice %arg7[%add3A_65, %dma_wait3A_80] : memref<80640x256xf32, #tpu.memory_space<hbm>> -> memref<40x256xf32, #tpu.memory_space<hbm>>
    tpu.wait_dma2 semaphore(%arg22 : memref<!tpu.dma_semaphore, #tpu.memory_space<semaphore_mem>>) src(%arg14 : memref<40x256xf32, #tpu.memory_space<vmem>>) dst(%dma_wait3A_81 : memref<40x256xf32, #tpu.memory_space<hbm>>)
    %dma_start3A_82 = arith.constant 2480 : i32
    %dma_start3A_83 = tpu.memref_slice %arg8[%dma_start3A_82] : memref<2520xi32, #tpu.memory_space<vmem>> -> memref<40xi32, #tpu.memory_space<vmem>>
    %dma_start3A_84 = arith.constant 0 : i32
    %dma_start3A_85 = arith.constant 0 : i32
    %dma_start3A_86 = tpu.memref_slice %arg2[%dma_start3A_84, %dma_start3A_85] : memref<10000x256xf32, #tpu.memory_space<hbm>> -> memref<10000x256xf32, #tpu.memory_space<hbm>>
    tpu.enqueue_indirect_dma source(%dma_start3A_86 : memref<10000x256xf32, #tpu.memory_space<hbm>>) target(%arg10 : memref<40x256xf32, #tpu.memory_space<vmem>>) offsets(%dma_start3A_83 : memref<40xi32, #tpu.memory_space<vmem>>) semaphore(%arg18 : memref<!tpu.dma_semaphore, #tpu.memory_space<semaphore_mem>>)
    %dma_start3A_87 = arith.constant 2480 : i32
    %dma_start3A_88 = tpu.memref_slice %arg9[%dma_start3A_87] : memref<2520xi32, #tpu.memory_space<vmem>> -> memref<40xi32, #tpu.memory_space<vmem>>
    %dma_start3A_89 = arith.constant 0 : i32
    %dma_start3A_90 = arith.constant 0 : i32
    %dma_start3A_91 = tpu.memref_slice %arg3[%dma_start3A_89, %dma_start3A_90] : memref<10000x256xf32, #tpu.memory_space<hbm>> -> memref<10000x256xf32, #tpu.memory_space<hbm>>
    tpu.enqueue_indirect_dma source(%dma_start3A_91 : memref<10000x256xf32, #tpu.memory_space<hbm>>) target(%arg14 : memref<40x256xf32, #tpu.memory_space<vmem>>) offsets(%dma_start3A_88 : memref<40xi32, #tpu.memory_space<vmem>>) semaphore(%arg18 : memref<!tpu.dma_semaphore, #tpu.memory_space<semaphore_mem>>)
    %dma_wait3A_92 = arith.constant 2480 : i32
    %dma_wait3A_93 = tpu.memref_slice %arg8[%dma_wait3A_92] : memref<2520xi32, #tpu.memory_space<vmem>> -> memref<40xi32, #tpu.memory_space<vmem>>
    %dma_wait3A_94 = arith.constant 0 : i32
    %dma_wait3A_95 = arith.constant 0 : i32
    %dma_wait3A_96 = tpu.memref_slice %arg2[%dma_wait3A_94, %dma_wait3A_95] : memref<10000x256xf32, #tpu.memory_space<hbm>> -> memref<10000x256xf32, #tpu.memory_space<hbm>>
    tpu.wait_indirect_dma semaphore(%arg18 : memref<!tpu.dma_semaphore, #tpu.memory_space<semaphore_mem>>) src(%dma_wait3A_96 : memref<10000x256xf32, #tpu.memory_space<hbm>>) dst(%arg10 : memref<40x256xf32, #tpu.memory_space<vmem>>)
    %dma_wait3A_97 = arith.constant 2480 : i32
    %dma_wait3A_98 = tpu.memref_slice %arg9[%dma_wait3A_97] : memref<2520xi32, #tpu.memory_space<vmem>> -> memref<40xi32, #tpu.memory_space<vmem>>
    %dma_wait3A_99 = arith.constant 0 : i32
    %dma_wait3A_100 = arith.constant 0 : i32
    %dma_wait3A_101 = tpu.memref_slice %arg3[%dma_wait3A_99, %dma_wait3A_100] : memref<10000x256xf32, #tpu.memory_space<hbm>> -> memref<10000x256xf32, #tpu.memory_space<hbm>>
    tpu.wait_indirect_dma semaphore(%arg18 : memref<!tpu.dma_semaphore, #tpu.memory_space<semaphore_mem>>) src(%dma_wait3A_101 : memref<10000x256xf32, #tpu.memory_space<hbm>>) dst(%arg14 : memref<40x256xf32, #tpu.memory_space<vmem>>)
    %add3A_102 = arith.constant 2480 : i32
    %add3A_103 = arith.addi %mul3A_2, %add3A_102 : i32
    %dma_start3A_104 = arith.constant 0 : i32
    %dma_start3A_105 = tpu.memref_slice %arg6[%add3A_103, %dma_start3A_104] : memref<80640x256xf32, #tpu.memory_space<hbm>> -> memref<40x256xf32, #tpu.memory_space<hbm>>
    %dma_start3A_106 = arith.constant 0 : i32
    %dma_start3A_107 = tpu.memref_slice %arg6[%add3A_103, %dma_start3A_106] : memref<80640x256xf32, #tpu.memory_space<hbm>> -> memref<40x256xf32, #tpu.memory_space<hbm>>
    tpu.enqueue_dma source(%arg10 : memref<40x256xf32, #tpu.memory_space<vmem>>) target(%dma_start3A_107 : memref<40x256xf32, #tpu.memory_space<hbm>>) target_semaphore(%arg22 : memref<!tpu.dma_semaphore, #tpu.memory_space<semaphore_mem>>)
    %dma_start3A_108 = arith.constant 0 : i32
    %dma_start3A_109 = tpu.memref_slice %arg7[%add3A_103, %dma_start3A_108] : memref<80640x256xf32, #tpu.memory_space<hbm>> -> memref<40x256xf32, #tpu.memory_space<hbm>>
    %dma_start3A_110 = arith.constant 0 : i32
    %dma_start3A_111 = tpu.memref_slice %arg7[%add3A_103, %dma_start3A_110] : memref<80640x256xf32, #tpu.memory_space<hbm>> -> memref<40x256xf32, #tpu.memory_space<hbm>>
    tpu.enqueue_dma source(%arg14 : memref<40x256xf32, #tpu.memory_space<vmem>>) target(%dma_start3A_111 : memref<40x256xf32, #tpu.memory_space<hbm>>) target_semaphore(%arg22 : memref<!tpu.dma_semaphore, #tpu.memory_space<semaphore_mem>>)
    %dma_wait3A_112 = arith.constant 0 : i32
    %dma_wait3A_113 = tpu.memref_slice %arg6[%add3A_103, %dma_wait3A_112] : memref<80640x256xf32, #tpu.memory_space<hbm>> -> memref<40x256xf32, #tpu.memory_space<hbm>>
    %dma_wait3A_114 = arith.constant 0 : i32
    %dma_wait3A_115 = tpu.memref_slice %arg6[%add3A_103, %dma_wait3A_114] : memref<80640x256xf32, #tpu.memory_space<hbm>> -> memref<40x256xf32, #tpu.memory_space<hbm>>
    tpu.wait_dma2 semaphore(%arg22 : memref<!tpu.dma_semaphore, #tpu.memory_space<semaphore_mem>>) src(%arg10 : memref<40x256xf32, #tpu.memory_space<vmem>>) dst(%dma_wait3A_115 : memref<40x256xf32, #tpu.memory_space<hbm>>)
    %dma_wait3A_116 = arith.constant 0 : i32
    %dma_wait3A_117 = tpu.memref_slice %arg7[%add3A_103, %dma_wait3A_116] : memref<80640x256xf32, #tpu.memory_space<hbm>> -> memref<40x256xf32, #tpu.memory_space<hbm>>
    %dma_wait3A_118 = arith.constant 0 : i32
    %dma_wait3A_119 = tpu.memref_slice %arg7[%add3A_103, %dma_wait3A_118] : memref<80640x256xf32, #tpu.memory_space<hbm>> -> memref<40x256xf32, #tpu.memory_space<hbm>>
    tpu.wait_dma2 semaphore(%arg22 : memref<!tpu.dma_semaphore, #tpu.memory_space<semaphore_mem>>) src(%arg14 : memref<40x256xf32, #tpu.memory_space<vmem>>) dst(%dma_wait3A_119 : memref<40x256xf32, #tpu.memory_space<hbm>>)
    return
  }
}

#map = affine_map<(d0, d1) -> (0, 0)>
#map1 = affine_map<(d0, d1) -> (0)>
module attributes {stable_mosaic.version = 14 : i64} {
  func.func @scatter_k(%arg0: i32, %arg1: i32, %arg2: memref<79360x256xf32, #tpu.memory_space<hbm>>, %arg3: memref<79360xi32, #tpu.memory_space<hbm>>, %arg4: memref<10000x256xf32, #tpu.memory_space<hbm>>, %arg5: memref<10000x256xf32, #tpu.memory_space<hbm>>, %arg6: memref<10000x128xf32, #tpu.memory_space<vmem_shared>>, %arg7: memref<80x128xf32, #tpu.memory_space<vmem>>, %arg8: memref<80x128xf32, #tpu.memory_space<vmem>>, %arg9: memref<80xi32, #tpu.memory_space<vmem>>, %arg10: memref<80xi32, #tpu.memory_space<vmem>>, %arg11: memref<!tpu.dma_semaphore, #tpu.memory_space<semaphore_mem>>, %arg12: memref<!tpu.dma_semaphore, #tpu.memory_space<semaphore_mem>>, %arg13: memref<!tpu.dma_semaphore, #tpu.memory_space<semaphore_mem>>, %arg14: memref<!tpu.dma_semaphore, #tpu.memory_space<semaphore_mem>>, %arg15: memref<!tpu.dma_semaphore, #tpu.memory_space<semaphore_mem>>, %arg16: memref<!tpu.dma_semaphore, #tpu.memory_space<semaphore_mem>>) attributes {dimension_semantics = [#tpu.dimension_semantics<core_parallel>, #tpu.dimension_semantics<subcore_parallel>], iteration_bounds = array<i64: 2, 16>, scalar_prefetch = 0 : i64, scratch_operands = 11 : i64, tpu.core_type = #tpu.core_type<sc_vector_subcore>, window_params = [{transform_indices = #map}, {transform_indices = #map1}, {transform_indices = #map}, {transform_indices = #map}]} {
    %mul3A = arith.constant 128 : i32
    %mul3A_0 = arith.muli %arg0, %mul3A : i32
    %mul3A_1 = arith.constant 624 : i32
    %mul3A_2 = arith.muli %arg1, %mul3A_1 : i32
    "tpu.region"() ({
      %run_scoped3A = tpu.sem_alloc : memref<!tpu.dma_semaphore, #tpu.memory_space<semaphore_mem>>
      %dma_start3A = arith.constant 0 : i32
      %dma_start3A_16 = tpu.memref_slice %arg6[%mul3A_2, %dma_start3A] : memref<10000x128xf32, #tpu.memory_space<vmem_shared>> -> memref<624x128xf32, #tpu.memory_space<vmem_shared>>
      %dma_start3A_17 = tpu.memref_slice %arg4[%mul3A_2, %mul3A_0] : memref<10000x256xf32, #tpu.memory_space<hbm>> -> memref<624x128xf32, #tpu.memory_space<hbm>>
      tpu.enqueue_dma source(%dma_start3A_17 : memref<624x128xf32, #tpu.memory_space<hbm>>) target(%dma_start3A_16 : memref<624x128xf32, #tpu.memory_space<vmem_shared>>) target_semaphore(%run_scoped3A : memref<!tpu.dma_semaphore, #tpu.memory_space<semaphore_mem>>)
      %dma_wait3A = arith.constant 0 : i32
      %dma_wait3A_18 = tpu.memref_slice %arg6[%mul3A_2, %dma_wait3A] : memref<10000x128xf32, #tpu.memory_space<vmem_shared>> -> memref<624x128xf32, #tpu.memory_space<vmem_shared>>
      %dma_wait3A_19 = tpu.memref_slice %arg4[%mul3A_2, %mul3A_0] : memref<10000x256xf32, #tpu.memory_space<hbm>> -> memref<624x128xf32, #tpu.memory_space<hbm>>
      tpu.wait_dma2 semaphore(%run_scoped3A : memref<!tpu.dma_semaphore, #tpu.memory_space<semaphore_mem>>) src(%dma_wait3A_19 : memref<624x128xf32, #tpu.memory_space<hbm>>) dst(%dma_wait3A_18 : memref<624x128xf32, #tpu.memory_space<vmem_shared>>)
      tpu.yield
    }) : () -> ()
    %eq3A = arith.constant 15 : i32
    %eq3A_3 = arith.cmpi eq, %arg1, %eq3A : i32
    %convert_element_type3A = arith.extui %eq3A_3 : i1 to i32
    %cond3A = arith.constant 0 : i32
    %cond3A_4 = arith.cmpi ne, %convert_element_type3A, %cond3A : i32
    scf.if %cond3A_4 {
      "tpu.region"() ({
        %run_scoped3A = tpu.sem_alloc : memref<!tpu.dma_semaphore, #tpu.memory_space<semaphore_mem>>
        %dma_start3A = arith.constant 9984 : i32
        %dma_start3A_16 = arith.constant 0 : i32
        %dma_start3A_17 = tpu.memref_slice %arg6[%dma_start3A, %dma_start3A_16] : memref<10000x128xf32, #tpu.memory_space<vmem_shared>> -> memref<16x128xf32, #tpu.memory_space<vmem_shared>>
        %dma_start3A_18 = arith.constant 9984 : i32
        %dma_start3A_19 = tpu.memref_slice %arg4[%dma_start3A_18, %mul3A_0] : memref<10000x256xf32, #tpu.memory_space<hbm>> -> memref<16x128xf32, #tpu.memory_space<hbm>>
        tpu.enqueue_dma source(%dma_start3A_19 : memref<16x128xf32, #tpu.memory_space<hbm>>) target(%dma_start3A_17 : memref<16x128xf32, #tpu.memory_space<vmem_shared>>) target_semaphore(%run_scoped3A : memref<!tpu.dma_semaphore, #tpu.memory_space<semaphore_mem>>)
        %dma_wait3A = arith.constant 9984 : i32
        %dma_wait3A_20 = arith.constant 0 : i32
        %dma_wait3A_21 = tpu.memref_slice %arg6[%dma_wait3A, %dma_wait3A_20] : memref<10000x128xf32, #tpu.memory_space<vmem_shared>> -> memref<16x128xf32, #tpu.memory_space<vmem_shared>>
        %dma_wait3A_22 = arith.constant 9984 : i32
        %dma_wait3A_23 = tpu.memref_slice %arg4[%dma_wait3A_22, %mul3A_0] : memref<10000x256xf32, #tpu.memory_space<hbm>> -> memref<16x128xf32, #tpu.memory_space<hbm>>
        tpu.wait_dma2 semaphore(%run_scoped3A : memref<!tpu.dma_semaphore, #tpu.memory_space<semaphore_mem>>) src(%dma_wait3A_23 : memref<16x128xf32, #tpu.memory_space<hbm>>) dst(%dma_wait3A_21 : memref<16x128xf32, #tpu.memory_space<vmem_shared>>)
        tpu.yield
      }) : () -> ()
    } else {
    }
    %barrier3A = arith.constant 0 : index
    tpu.barrier barrier_id(%barrier3A)
    %scan3A = arith.constant 0 : i32
    %scan3A_5 = arith.constant 0 : i32
    %scan3A_6 = arith.constant 31 : i32
    %scan3A_7 = arith.addi %scan3A_5, %scan3A_6 : i32
    %scan3A_8 = arith.constant 1 : i32
    scf.for %scan3A_16 = %scan3A_5 to %scan3A_7 step %scan3A_8  : i32 {
      %mul3A_17 = arith.constant 2 : i32
      %mul3A_18 = arith.muli %mul3A_17, %scan3A_16 : i32
      %add3A = arith.constant 1 : i32
      %add3A_19 = arith.addi %mul3A_18, %add3A : i32
      %mul3A_20 = arith.constant 4960 : i32
      %mul3A_21 = arith.muli %arg1, %mul3A_20 : i32
      %mul3A_22 = arith.constant 80 : i32
      %mul3A_23 = arith.muli %mul3A_18, %mul3A_22 : i32
      %add3A_24 = arith.addi %mul3A_21, %mul3A_23 : i32
      %dma_start3A = tpu.memref_slice %arg2[%add3A_24, %mul3A_0] : memref<79360x256xf32, #tpu.memory_space<hbm>> -> memref<80x128xf32, #tpu.memory_space<hbm>>
      %dma_start3A_25 = tpu.memref_slice %arg2[%add3A_24, %mul3A_0] : memref<79360x256xf32, #tpu.memory_space<hbm>> -> memref<80x128xf32, #tpu.memory_space<hbm>>
      tpu.enqueue_dma source(%dma_start3A_25 : memref<80x128xf32, #tpu.memory_space<hbm>>) target(%arg7 : memref<80x128xf32, #tpu.memory_space<vmem>>) target_semaphore(%arg11 : memref<!tpu.dma_semaphore, #tpu.memory_space<semaphore_mem>>)
      %dma_start3A_26 = tpu.memref_slice %arg3[%add3A_24] : memref<79360xi32, #tpu.memory_space<hbm>> -> memref<80xi32, #tpu.memory_space<hbm>>
      %dma_start3A_27 = tpu.memref_slice %arg3[%add3A_24] : memref<79360xi32, #tpu.memory_space<hbm>> -> memref<80xi32, #tpu.memory_space<hbm>>
      tpu.enqueue_dma source(%dma_start3A_27 : memref<80xi32, #tpu.memory_space<hbm>>) target(%arg9 : memref<80xi32, #tpu.memory_space<vmem>>) target_semaphore(%arg13 : memref<!tpu.dma_semaphore, #tpu.memory_space<semaphore_mem>>)
      %mul3A_28 = arith.constant 4960 : i32
      %mul3A_29 = arith.muli %arg1, %mul3A_28 : i32
      %mul3A_30 = arith.constant 80 : i32
      %mul3A_31 = arith.muli %add3A_19, %mul3A_30 : i32
      %add3A_32 = arith.addi %mul3A_29, %mul3A_31 : i32
      %dma_start3A_33 = tpu.memref_slice %arg2[%add3A_32, %mul3A_0] : memref<79360x256xf32, #tpu.memory_space<hbm>> -> memref<80x128xf32, #tpu.memory_space<hbm>>
      %dma_start3A_34 = tpu.memref_slice %arg2[%add3A_32, %mul3A_0] : memref<79360x256xf32, #tpu.memory_space<hbm>> -> memref<80x128xf32, #tpu.memory_space<hbm>>
      tpu.enqueue_dma source(%dma_start3A_34 : memref<80x128xf32, #tpu.memory_space<hbm>>) target(%arg8 : memref<80x128xf32, #tpu.memory_space<vmem>>) target_semaphore(%arg12 : memref<!tpu.dma_semaphore, #tpu.memory_space<semaphore_mem>>)
      %dma_start3A_35 = tpu.memref_slice %arg3[%add3A_32] : memref<79360xi32, #tpu.memory_space<hbm>> -> memref<80xi32, #tpu.memory_space<hbm>>
      %dma_start3A_36 = tpu.memref_slice %arg3[%add3A_32] : memref<79360xi32, #tpu.memory_space<hbm>> -> memref<80xi32, #tpu.memory_space<hbm>>
      tpu.enqueue_dma source(%dma_start3A_36 : memref<80xi32, #tpu.memory_space<hbm>>) target(%arg10 : memref<80xi32, #tpu.memory_space<vmem>>) target_semaphore(%arg14 : memref<!tpu.dma_semaphore, #tpu.memory_space<semaphore_mem>>)
      %dma_wait3A = tpu.memref_slice %arg2[%add3A_24, %mul3A_0] : memref<79360x256xf32, #tpu.memory_space<hbm>> -> memref<80x128xf32, #tpu.memory_space<hbm>>
      %dma_wait3A_37 = tpu.memref_slice %arg2[%add3A_24, %mul3A_0] : memref<79360x256xf32, #tpu.memory_space<hbm>> -> memref<80x128xf32, #tpu.memory_space<hbm>>
      tpu.wait_dma2 semaphore(%arg11 : memref<!tpu.dma_semaphore, #tpu.memory_space<semaphore_mem>>) src(%dma_wait3A_37 : memref<80x128xf32, #tpu.memory_space<hbm>>) dst(%arg7 : memref<80x128xf32, #tpu.memory_space<vmem>>)
      %dma_wait3A_38 = tpu.memref_slice %arg3[%add3A_24] : memref<79360xi32, #tpu.memory_space<hbm>> -> memref<80xi32, #tpu.memory_space<hbm>>
      %dma_wait3A_39 = tpu.memref_slice %arg3[%add3A_24] : memref<79360xi32, #tpu.memory_space<hbm>> -> memref<80xi32, #tpu.memory_space<hbm>>
      tpu.wait_dma2 semaphore(%arg13 : memref<!tpu.dma_semaphore, #tpu.memory_space<semaphore_mem>>) src(%dma_wait3A_39 : memref<80xi32, #tpu.memory_space<hbm>>) dst(%arg9 : memref<80xi32, #tpu.memory_space<vmem>>)
      %dma_start3A_40 = arith.constant 0 : i32
      %dma_start3A_41 = arith.constant 0 : i32
      %dma_start3A_42 = tpu.memref_slice %arg6[%dma_start3A_40, %dma_start3A_41] : memref<10000x128xf32, #tpu.memory_space<vmem_shared>> -> memref<10000x128xf32, #tpu.memory_space<vmem_shared>>
      tpu.enqueue_indirect_dma source(%arg7 : memref<80x128xf32, #tpu.memory_space<vmem>>) target(%dma_start3A_42 : memref<10000x128xf32, #tpu.memory_space<vmem_shared>>) offsets(%arg9 : memref<80xi32, #tpu.memory_space<vmem>>) semaphore(%arg15 : memref<!tpu.dma_semaphore, #tpu.memory_space<semaphore_mem>>) {add = true}
      %dma_wait3A_43 = tpu.memref_slice %arg2[%add3A_32, %mul3A_0] : memref<79360x256xf32, #tpu.memory_space<hbm>> -> memref<80x128xf32, #tpu.memory_space<hbm>>
      %dma_wait3A_44 = tpu.memref_slice %arg2[%add3A_32, %mul3A_0] : memref<79360x256xf32, #tpu.memory_space<hbm>> -> memref<80x128xf32, #tpu.memory_space<hbm>>
      tpu.wait_dma2 semaphore(%arg12 : memref<!tpu.dma_semaphore, #tpu.memory_space<semaphore_mem>>) src(%dma_wait3A_44 : memref<80x128xf32, #tpu.memory_space<hbm>>) dst(%arg8 : memref<80x128xf32, #tpu.memory_space<vmem>>)
      %dma_wait3A_45 = tpu.memref_slice %arg3[%add3A_32] : memref<79360xi32, #tpu.memory_space<hbm>> -> memref<80xi32, #tpu.memory_space<hbm>>
      %dma_wait3A_46 = tpu.memref_slice %arg3[%add3A_32] : memref<79360xi32, #tpu.memory_space<hbm>> -> memref<80xi32, #tpu.memory_space<hbm>>
      tpu.wait_dma2 semaphore(%arg14 : memref<!tpu.dma_semaphore, #tpu.memory_space<semaphore_mem>>) src(%dma_wait3A_46 : memref<80xi32, #tpu.memory_space<hbm>>) dst(%arg10 : memref<80xi32, #tpu.memory_space<vmem>>)
      %dma_start3A_47 = arith.constant 0 : i32
      %dma_start3A_48 = arith.constant 0 : i32
      %dma_start3A_49 = tpu.memref_slice %arg6[%dma_start3A_47, %dma_start3A_48] : memref<10000x128xf32, #tpu.memory_space<vmem_shared>> -> memref<10000x128xf32, #tpu.memory_space<vmem_shared>>
      tpu.enqueue_indirect_dma source(%arg8 : memref<80x128xf32, #tpu.memory_space<vmem>>) target(%dma_start3A_49 : memref<10000x128xf32, #tpu.memory_space<vmem_shared>>) offsets(%arg10 : memref<80xi32, #tpu.memory_space<vmem>>) semaphore(%arg16 : memref<!tpu.dma_semaphore, #tpu.memory_space<semaphore_mem>>) {add = true}
      %dma_wait3A_50 = arith.constant 0 : i32
      %dma_wait3A_51 = arith.constant 0 : i32
      %dma_wait3A_52 = tpu.memref_slice %arg6[%dma_wait3A_50, %dma_wait3A_51] : memref<10000x128xf32, #tpu.memory_space<vmem_shared>> -> memref<10000x128xf32, #tpu.memory_space<vmem_shared>>
      tpu.wait_indirect_dma semaphore(%arg15 : memref<!tpu.dma_semaphore, #tpu.memory_space<semaphore_mem>>) src(%arg7 : memref<80x128xf32, #tpu.memory_space<vmem>>) dst(%dma_wait3A_52 : memref<10000x128xf32, #tpu.memory_space<vmem_shared>>)
      %dma_wait3A_53 = arith.constant 0 : i32
      %dma_wait3A_54 = arith.constant 0 : i32
      %dma_wait3A_55 = tpu.memref_slice %arg6[%dma_wait3A_53, %dma_wait3A_54] : memref<10000x128xf32, #tpu.memory_space<vmem_shared>> -> memref<10000x128xf32, #tpu.memory_space<vmem_shared>>
      tpu.wait_indirect_dma semaphore(%arg16 : memref<!tpu.dma_semaphore, #tpu.memory_space<semaphore_mem>>) src(%arg8 : memref<80x128xf32, #tpu.memory_space<vmem>>) dst(%dma_wait3A_55 : memref<10000x128xf32, #tpu.memory_space<vmem_shared>>)
    }
    %scan3A_9 = arith.constant 31 : i32
    %barrier3A_10 = arith.constant 0 : index
    tpu.barrier barrier_id(%barrier3A_10)
    "tpu.region"() ({
      %run_scoped3A = tpu.sem_alloc : memref<!tpu.dma_semaphore, #tpu.memory_space<semaphore_mem>>
      %dma_start3A = tpu.memref_slice %arg5[%mul3A_2, %mul3A_0] : memref<10000x256xf32, #tpu.memory_space<hbm>> -> memref<624x128xf32, #tpu.memory_space<hbm>>
      %dma_start3A_16 = arith.constant 0 : i32
      %dma_start3A_17 = tpu.memref_slice %arg6[%mul3A_2, %dma_start3A_16] : memref<10000x128xf32, #tpu.memory_space<vmem_shared>> -> memref<624x128xf32, #tpu.memory_space<vmem_shared>>
      tpu.enqueue_dma source(%dma_start3A_17 : memref<624x128xf32, #tpu.memory_space<vmem_shared>>) target(%dma_start3A : memref<624x128xf32, #tpu.memory_space<hbm>>) target_semaphore(%run_scoped3A : memref<!tpu.dma_semaphore, #tpu.memory_space<semaphore_mem>>)
      %dma_wait3A = tpu.memref_slice %arg5[%mul3A_2, %mul3A_0] : memref<10000x256xf32, #tpu.memory_space<hbm>> -> memref<624x128xf32, #tpu.memory_space<hbm>>
      %dma_wait3A_18 = arith.constant 0 : i32
      %dma_wait3A_19 = tpu.memref_slice %arg6[%mul3A_2, %dma_wait3A_18] : memref<10000x128xf32, #tpu.memory_space<vmem_shared>> -> memref<624x128xf32, #tpu.memory_space<vmem_shared>>
      tpu.wait_dma2 semaphore(%run_scoped3A : memref<!tpu.dma_semaphore, #tpu.memory_space<semaphore_mem>>) src(%dma_wait3A_19 : memref<624x128xf32, #tpu.memory_space<vmem_shared>>) dst(%dma_wait3A : memref<624x128xf32, #tpu.memory_space<hbm>>)
      tpu.yield
    }) : () -> ()
    %eq3A_11 = arith.constant 15 : i32
    %eq3A_12 = arith.cmpi eq, %arg1, %eq3A_11 : i32
    %convert_element_type3A_13 = arith.extui %eq3A_12 : i1 to i32
    %cond3A_14 = arith.constant 0 : i32
    %cond3A_15 = arith.cmpi ne, %convert_element_type3A_13, %cond3A_14 : i32
    scf.if %cond3A_15 {
      "tpu.region"() ({
        %run_scoped3A = tpu.sem_alloc : memref<!tpu.dma_semaphore, #tpu.memory_space<semaphore_mem>>
        %dma_start3A = arith.constant 9984 : i32
        %dma_start3A_16 = tpu.memref_slice %arg5[%dma_start3A, %mul3A_0] : memref<10000x256xf32, #tpu.memory_space<hbm>> -> memref<16x128xf32, #tpu.memory_space<hbm>>
        %dma_start3A_17 = arith.constant 9984 : i32
        %dma_start3A_18 = arith.constant 0 : i32
        %dma_start3A_19 = tpu.memref_slice %arg6[%dma_start3A_17, %dma_start3A_18] : memref<10000x128xf32, #tpu.memory_space<vmem_shared>> -> memref<16x128xf32, #tpu.memory_space<vmem_shared>>
        tpu.enqueue_dma source(%dma_start3A_19 : memref<16x128xf32, #tpu.memory_space<vmem_shared>>) target(%dma_start3A_16 : memref<16x128xf32, #tpu.memory_space<hbm>>) target_semaphore(%run_scoped3A : memref<!tpu.dma_semaphore, #tpu.memory_space<semaphore_mem>>)
        %dma_wait3A = arith.constant 9984 : i32
        %dma_wait3A_20 = tpu.memref_slice %arg5[%dma_wait3A, %mul3A_0] : memref<10000x256xf32, #tpu.memory_space<hbm>> -> memref<16x128xf32, #tpu.memory_space<hbm>>
        %dma_wait3A_21 = arith.constant 9984 : i32
        %dma_wait3A_22 = arith.constant 0 : i32
        %dma_wait3A_23 = tpu.memref_slice %arg6[%dma_wait3A_21, %dma_wait3A_22] : memref<10000x128xf32, #tpu.memory_space<vmem_shared>> -> memref<16x128xf32, #tpu.memory_space<vmem_shared>>
        tpu.wait_dma2 semaphore(%run_scoped3A : memref<!tpu.dma_semaphore, #tpu.memory_space<semaphore_mem>>) src(%dma_wait3A_23 : memref<16x128xf32, #tpu.memory_space<vmem_shared>>) dst(%dma_wait3A_20 : memref<16x128xf32, #tpu.memory_space<hbm>>)
        tpu.yield
      }) : () -> ()
    } else {
    }
    return
  }
}

#map = affine_map<(d0, d1) -> (0, 0)>
#map1 = affine_map<(d0, d1) -> (0)>
module attributes {stable_mosaic.version = 14 : i64} {
  func.func @scatter_k(%arg0: i32, %arg1: i32, %arg2: memref<80640x256xf32, #tpu.memory_space<hbm>>, %arg3: memref<80640xi32, #tpu.memory_space<hbm>>, %arg4: memref<10000x256xf32, #tpu.memory_space<hbm>>, %arg5: memref<10000x256xf32, #tpu.memory_space<hbm>>, %arg6: memref<10000x128xf32, #tpu.memory_space<vmem_shared>>, %arg7: memref<80x128xf32, #tpu.memory_space<vmem>>, %arg8: memref<80x128xf32, #tpu.memory_space<vmem>>, %arg9: memref<80xi32, #tpu.memory_space<vmem>>, %arg10: memref<80xi32, #tpu.memory_space<vmem>>, %arg11: memref<!tpu.dma_semaphore, #tpu.memory_space<semaphore_mem>>, %arg12: memref<!tpu.dma_semaphore, #tpu.memory_space<semaphore_mem>>, %arg13: memref<!tpu.dma_semaphore, #tpu.memory_space<semaphore_mem>>, %arg14: memref<!tpu.dma_semaphore, #tpu.memory_space<semaphore_mem>>, %arg15: memref<!tpu.dma_semaphore, #tpu.memory_space<semaphore_mem>>, %arg16: memref<!tpu.dma_semaphore, #tpu.memory_space<semaphore_mem>>) attributes {dimension_semantics = [#tpu.dimension_semantics<core_parallel>, #tpu.dimension_semantics<subcore_parallel>], iteration_bounds = array<i64: 2, 16>, scalar_prefetch = 0 : i64, scratch_operands = 11 : i64, tpu.core_type = #tpu.core_type<sc_vector_subcore>, window_params = [{transform_indices = #map}, {transform_indices = #map1}, {transform_indices = #map}, {transform_indices = #map}]} {
    %mul3A = arith.constant 128 : i32
    %mul3A_0 = arith.muli %arg0, %mul3A : i32
    %mul3A_1 = arith.constant 624 : i32
    %mul3A_2 = arith.muli %arg1, %mul3A_1 : i32
    "tpu.region"() ({
      %run_scoped3A = tpu.sem_alloc : memref<!tpu.dma_semaphore, #tpu.memory_space<semaphore_mem>>
      %dma_start3A_25 = arith.constant 0 : i32
      %dma_start3A_26 = tpu.memref_slice %arg6[%mul3A_2, %dma_start3A_25] : memref<10000x128xf32, #tpu.memory_space<vmem_shared>> -> memref<624x128xf32, #tpu.memory_space<vmem_shared>>
      %dma_start3A_27 = tpu.memref_slice %arg4[%mul3A_2, %mul3A_0] : memref<10000x256xf32, #tpu.memory_space<hbm>> -> memref<624x128xf32, #tpu.memory_space<hbm>>
      tpu.enqueue_dma source(%dma_start3A_27 : memref<624x128xf32, #tpu.memory_space<hbm>>) target(%dma_start3A_26 : memref<624x128xf32, #tpu.memory_space<vmem_shared>>) target_semaphore(%run_scoped3A : memref<!tpu.dma_semaphore, #tpu.memory_space<semaphore_mem>>)
      %dma_wait3A_28 = arith.constant 0 : i32
      %dma_wait3A_29 = tpu.memref_slice %arg6[%mul3A_2, %dma_wait3A_28] : memref<10000x128xf32, #tpu.memory_space<vmem_shared>> -> memref<624x128xf32, #tpu.memory_space<vmem_shared>>
      %dma_wait3A_30 = tpu.memref_slice %arg4[%mul3A_2, %mul3A_0] : memref<10000x256xf32, #tpu.memory_space<hbm>> -> memref<624x128xf32, #tpu.memory_space<hbm>>
      tpu.wait_dma2 semaphore(%run_scoped3A : memref<!tpu.dma_semaphore, #tpu.memory_space<semaphore_mem>>) src(%dma_wait3A_30 : memref<624x128xf32, #tpu.memory_space<hbm>>) dst(%dma_wait3A_29 : memref<624x128xf32, #tpu.memory_space<vmem_shared>>)
      tpu.yield
    }) : () -> ()
    %eq3A = arith.constant 15 : i32
    %eq3A_3 = arith.cmpi eq, %arg1, %eq3A : i32
    %convert_element_type3A = arith.extui %eq3A_3 : i1 to i32
    %cond3A = arith.constant 0 : i32
    %cond3A_4 = arith.cmpi ne, %convert_element_type3A, %cond3A : i32
    scf.if %cond3A_4 {
      "tpu.region"() ({
        %run_scoped3A = tpu.sem_alloc : memref<!tpu.dma_semaphore, #tpu.memory_space<semaphore_mem>>
        %dma_start3A_25 = arith.constant 9984 : i32
        %dma_start3A_26 = arith.constant 0 : i32
        %dma_start3A_27 = tpu.memref_slice %arg6[%dma_start3A_25, %dma_start3A_26] : memref<10000x128xf32, #tpu.memory_space<vmem_shared>> -> memref<16x128xf32, #tpu.memory_space<vmem_shared>>
        %dma_start3A_28 = arith.constant 9984 : i32
        %dma_start3A_29 = tpu.memref_slice %arg4[%dma_start3A_28, %mul3A_0] : memref<10000x256xf32, #tpu.memory_space<hbm>> -> memref<16x128xf32, #tpu.memory_space<hbm>>
        tpu.enqueue_dma source(%dma_start3A_29 : memref<16x128xf32, #tpu.memory_space<hbm>>) target(%dma_start3A_27 : memref<16x128xf32, #tpu.memory_space<vmem_shared>>) target_semaphore(%run_scoped3A : memref<!tpu.dma_semaphore, #tpu.memory_space<semaphore_mem>>)
        %dma_wait3A_30 = arith.constant 9984 : i32
        %dma_wait3A_31 = arith.constant 0 : i32
        %dma_wait3A_32 = tpu.memref_slice %arg6[%dma_wait3A_30, %dma_wait3A_31] : memref<10000x128xf32, #tpu.memory_space<vmem_shared>> -> memref<16x128xf32, #tpu.memory_space<vmem_shared>>
        %dma_wait3A_33 = arith.constant 9984 : i32
        %dma_wait3A_34 = tpu.memref_slice %arg4[%dma_wait3A_33, %mul3A_0] : memref<10000x256xf32, #tpu.memory_space<hbm>> -> memref<16x128xf32, #tpu.memory_space<hbm>>
        tpu.wait_dma2 semaphore(%run_scoped3A : memref<!tpu.dma_semaphore, #tpu.memory_space<semaphore_mem>>) src(%dma_wait3A_34 : memref<16x128xf32, #tpu.memory_space<hbm>>) dst(%dma_wait3A_32 : memref<16x128xf32, #tpu.memory_space<vmem_shared>>)
        tpu.yield
      }) : () -> ()
    } else {
    }
    %barrier3A = arith.constant 0 : index
    tpu.barrier barrier_id(%barrier3A)
    %scan3A = arith.constant 0 : i32
    %scan3A_5 = arith.constant 0 : i32
    %scan3A_6 = arith.constant 31 : i32
    %scan3A_7 = arith.addi %scan3A_5, %scan3A_6 : i32
    %scan3A_8 = arith.constant 1 : i32
    scf.for %scan3A_25 = %scan3A_5 to %scan3A_7 step %scan3A_8  : i32 {
      %mul3A_26 = arith.constant 2 : i32
      %mul3A_27 = arith.muli %mul3A_26, %scan3A_25 : i32
      %add3A_28 = arith.constant 1 : i32
      %add3A_29 = arith.addi %mul3A_27, %add3A_28 : i32
      %mul3A_30 = arith.constant 5040 : i32
      %mul3A_31 = arith.muli %arg1, %mul3A_30 : i32
      %mul3A_32 = arith.constant 80 : i32
      %mul3A_33 = arith.muli %mul3A_27, %mul3A_32 : i32
      %add3A_34 = arith.addi %mul3A_31, %mul3A_33 : i32
      %dma_start3A_35 = tpu.memref_slice %arg2[%add3A_34, %mul3A_0] : memref<80640x256xf32, #tpu.memory_space<hbm>> -> memref<80x128xf32, #tpu.memory_space<hbm>>
      %dma_start3A_36 = tpu.memref_slice %arg2[%add3A_34, %mul3A_0] : memref<80640x256xf32, #tpu.memory_space<hbm>> -> memref<80x128xf32, #tpu.memory_space<hbm>>
      tpu.enqueue_dma source(%dma_start3A_36 : memref<80x128xf32, #tpu.memory_space<hbm>>) target(%arg7 : memref<80x128xf32, #tpu.memory_space<vmem>>) target_semaphore(%arg11 : memref<!tpu.dma_semaphore, #tpu.memory_space<semaphore_mem>>)
      %dma_start3A_37 = tpu.memref_slice %arg3[%add3A_34] : memref<80640xi32, #tpu.memory_space<hbm>> -> memref<80xi32, #tpu.memory_space<hbm>>
      %dma_start3A_38 = tpu.memref_slice %arg3[%add3A_34] : memref<80640xi32, #tpu.memory_space<hbm>> -> memref<80xi32, #tpu.memory_space<hbm>>
      tpu.enqueue_dma source(%dma_start3A_38 : memref<80xi32, #tpu.memory_space<hbm>>) target(%arg9 : memref<80xi32, #tpu.memory_space<vmem>>) target_semaphore(%arg13 : memref<!tpu.dma_semaphore, #tpu.memory_space<semaphore_mem>>)
      %mul3A_39 = arith.constant 5040 : i32
      %mul3A_40 = arith.muli %arg1, %mul3A_39 : i32
      %mul3A_41 = arith.constant 80 : i32
      %mul3A_42 = arith.muli %add3A_29, %mul3A_41 : i32
      %add3A_43 = arith.addi %mul3A_40, %mul3A_42 : i32
      %dma_start3A_44 = tpu.memref_slice %arg2[%add3A_43, %mul3A_0] : memref<80640x256xf32, #tpu.memory_space<hbm>> -> memref<80x128xf32, #tpu.memory_space<hbm>>
      %dma_start3A_45 = tpu.memref_slice %arg2[%add3A_43, %mul3A_0] : memref<80640x256xf32, #tpu.memory_space<hbm>> -> memref<80x128xf32, #tpu.memory_space<hbm>>
      tpu.enqueue_dma source(%dma_start3A_45 : memref<80x128xf32, #tpu.memory_space<hbm>>) target(%arg8 : memref<80x128xf32, #tpu.memory_space<vmem>>) target_semaphore(%arg12 : memref<!tpu.dma_semaphore, #tpu.memory_space<semaphore_mem>>)
      %dma_start3A_46 = tpu.memref_slice %arg3[%add3A_43] : memref<80640xi32, #tpu.memory_space<hbm>> -> memref<80xi32, #tpu.memory_space<hbm>>
      %dma_start3A_47 = tpu.memref_slice %arg3[%add3A_43] : memref<80640xi32, #tpu.memory_space<hbm>> -> memref<80xi32, #tpu.memory_space<hbm>>
      tpu.enqueue_dma source(%dma_start3A_47 : memref<80xi32, #tpu.memory_space<hbm>>) target(%arg10 : memref<80xi32, #tpu.memory_space<vmem>>) target_semaphore(%arg14 : memref<!tpu.dma_semaphore, #tpu.memory_space<semaphore_mem>>)
      %dma_wait3A_48 = tpu.memref_slice %arg2[%add3A_34, %mul3A_0] : memref<80640x256xf32, #tpu.memory_space<hbm>> -> memref<80x128xf32, #tpu.memory_space<hbm>>
      %dma_wait3A_49 = tpu.memref_slice %arg2[%add3A_34, %mul3A_0] : memref<80640x256xf32, #tpu.memory_space<hbm>> -> memref<80x128xf32, #tpu.memory_space<hbm>>
      tpu.wait_dma2 semaphore(%arg11 : memref<!tpu.dma_semaphore, #tpu.memory_space<semaphore_mem>>) src(%dma_wait3A_49 : memref<80x128xf32, #tpu.memory_space<hbm>>) dst(%arg7 : memref<80x128xf32, #tpu.memory_space<vmem>>)
      %dma_wait3A_50 = tpu.memref_slice %arg3[%add3A_34] : memref<80640xi32, #tpu.memory_space<hbm>> -> memref<80xi32, #tpu.memory_space<hbm>>
      %dma_wait3A_51 = tpu.memref_slice %arg3[%add3A_34] : memref<80640xi32, #tpu.memory_space<hbm>> -> memref<80xi32, #tpu.memory_space<hbm>>
      tpu.wait_dma2 semaphore(%arg13 : memref<!tpu.dma_semaphore, #tpu.memory_space<semaphore_mem>>) src(%dma_wait3A_51 : memref<80xi32, #tpu.memory_space<hbm>>) dst(%arg9 : memref<80xi32, #tpu.memory_space<vmem>>)
      %dma_start3A_52 = arith.constant 0 : i32
      %dma_start3A_53 = arith.constant 0 : i32
      %dma_start3A_54 = tpu.memref_slice %arg6[%dma_start3A_52, %dma_start3A_53] : memref<10000x128xf32, #tpu.memory_space<vmem_shared>> -> memref<10000x128xf32, #tpu.memory_space<vmem_shared>>
      tpu.enqueue_indirect_dma source(%arg7 : memref<80x128xf32, #tpu.memory_space<vmem>>) target(%dma_start3A_54 : memref<10000x128xf32, #tpu.memory_space<vmem_shared>>) offsets(%arg9 : memref<80xi32, #tpu.memory_space<vmem>>) semaphore(%arg15 : memref<!tpu.dma_semaphore, #tpu.memory_space<semaphore_mem>>) {add = true}
      %dma_wait3A_55 = tpu.memref_slice %arg2[%add3A_43, %mul3A_0] : memref<80640x256xf32, #tpu.memory_space<hbm>> -> memref<80x128xf32, #tpu.memory_space<hbm>>
      %dma_wait3A_56 = tpu.memref_slice %arg2[%add3A_43, %mul3A_0] : memref<80640x256xf32, #tpu.memory_space<hbm>> -> memref<80x128xf32, #tpu.memory_space<hbm>>
      tpu.wait_dma2 semaphore(%arg12 : memref<!tpu.dma_semaphore, #tpu.memory_space<semaphore_mem>>) src(%dma_wait3A_56 : memref<80x128xf32, #tpu.memory_space<hbm>>) dst(%arg8 : memref<80x128xf32, #tpu.memory_space<vmem>>)
      %dma_wait3A_57 = tpu.memref_slice %arg3[%add3A_43] : memref<80640xi32, #tpu.memory_space<hbm>> -> memref<80xi32, #tpu.memory_space<hbm>>
      %dma_wait3A_58 = tpu.memref_slice %arg3[%add3A_43] : memref<80640xi32, #tpu.memory_space<hbm>> -> memref<80xi32, #tpu.memory_space<hbm>>
      tpu.wait_dma2 semaphore(%arg14 : memref<!tpu.dma_semaphore, #tpu.memory_space<semaphore_mem>>) src(%dma_wait3A_58 : memref<80xi32, #tpu.memory_space<hbm>>) dst(%arg10 : memref<80xi32, #tpu.memory_space<vmem>>)
      %dma_start3A_59 = arith.constant 0 : i32
      %dma_start3A_60 = arith.constant 0 : i32
      %dma_start3A_61 = tpu.memref_slice %arg6[%dma_start3A_59, %dma_start3A_60] : memref<10000x128xf32, #tpu.memory_space<vmem_shared>> -> memref<10000x128xf32, #tpu.memory_space<vmem_shared>>
      tpu.enqueue_indirect_dma source(%arg8 : memref<80x128xf32, #tpu.memory_space<vmem>>) target(%dma_start3A_61 : memref<10000x128xf32, #tpu.memory_space<vmem_shared>>) offsets(%arg10 : memref<80xi32, #tpu.memory_space<vmem>>) semaphore(%arg16 : memref<!tpu.dma_semaphore, #tpu.memory_space<semaphore_mem>>) {add = true}
      %dma_wait3A_62 = arith.constant 0 : i32
      %dma_wait3A_63 = arith.constant 0 : i32
      %dma_wait3A_64 = tpu.memref_slice %arg6[%dma_wait3A_62, %dma_wait3A_63] : memref<10000x128xf32, #tpu.memory_space<vmem_shared>> -> memref<10000x128xf32, #tpu.memory_space<vmem_shared>>
      tpu.wait_indirect_dma semaphore(%arg15 : memref<!tpu.dma_semaphore, #tpu.memory_space<semaphore_mem>>) src(%arg7 : memref<80x128xf32, #tpu.memory_space<vmem>>) dst(%dma_wait3A_64 : memref<10000x128xf32, #tpu.memory_space<vmem_shared>>)
      %dma_wait3A_65 = arith.constant 0 : i32
      %dma_wait3A_66 = arith.constant 0 : i32
      %dma_wait3A_67 = tpu.memref_slice %arg6[%dma_wait3A_65, %dma_wait3A_66] : memref<10000x128xf32, #tpu.memory_space<vmem_shared>> -> memref<10000x128xf32, #tpu.memory_space<vmem_shared>>
      tpu.wait_indirect_dma semaphore(%arg16 : memref<!tpu.dma_semaphore, #tpu.memory_space<semaphore_mem>>) src(%arg8 : memref<80x128xf32, #tpu.memory_space<vmem>>) dst(%dma_wait3A_67 : memref<10000x128xf32, #tpu.memory_space<vmem_shared>>)
    }
    %scan3A_9 = arith.constant 31 : i32
    %mul3A_10 = arith.constant 5040 : i32
    %mul3A_11 = arith.muli %arg1, %mul3A_10 : i32
    %add3A = arith.constant 4960 : i32
    %add3A_12 = arith.addi %mul3A_11, %add3A : i32
    %dma_start3A = tpu.memref_slice %arg2[%add3A_12, %mul3A_0] : memref<80640x256xf32, #tpu.memory_space<hbm>> -> memref<80x128xf32, #tpu.memory_space<hbm>>
    %dma_start3A_13 = tpu.memref_slice %arg2[%add3A_12, %mul3A_0] : memref<80640x256xf32, #tpu.memory_space<hbm>> -> memref<80x128xf32, #tpu.memory_space<hbm>>
    tpu.enqueue_dma source(%dma_start3A_13 : memref<80x128xf32, #tpu.memory_space<hbm>>) target(%arg7 : memref<80x128xf32, #tpu.memory_space<vmem>>) target_semaphore(%arg11 : memref<!tpu.dma_semaphore, #tpu.memory_space<semaphore_mem>>)
    %dma_start3A_14 = tpu.memref_slice %arg3[%add3A_12] : memref<80640xi32, #tpu.memory_space<hbm>> -> memref<80xi32, #tpu.memory_space<hbm>>
    %dma_start3A_15 = tpu.memref_slice %arg3[%add3A_12] : memref<80640xi32, #tpu.memory_space<hbm>> -> memref<80xi32, #tpu.memory_space<hbm>>
    tpu.enqueue_dma source(%dma_start3A_15 : memref<80xi32, #tpu.memory_space<hbm>>) target(%arg9 : memref<80xi32, #tpu.memory_space<vmem>>) target_semaphore(%arg13 : memref<!tpu.dma_semaphore, #tpu.memory_space<semaphore_mem>>)
    %dma_wait3A = tpu.memref_slice %arg2[%add3A_12, %mul3A_0] : memref<80640x256xf32, #tpu.memory_space<hbm>> -> memref<80x128xf32, #tpu.memory_space<hbm>>
    %dma_wait3A_16 = tpu.memref_slice %arg2[%add3A_12, %mul3A_0] : memref<80640x256xf32, #tpu.memory_space<hbm>> -> memref<80x128xf32, #tpu.memory_space<hbm>>
    tpu.wait_dma2 semaphore(%arg11 : memref<!tpu.dma_semaphore, #tpu.memory_space<semaphore_mem>>) src(%dma_wait3A_16 : memref<80x128xf32, #tpu.memory_space<hbm>>) dst(%arg7 : memref<80x128xf32, #tpu.memory_space<vmem>>)
    %dma_wait3A_17 = tpu.memref_slice %arg3[%add3A_12] : memref<80640xi32, #tpu.memory_space<hbm>> -> memref<80xi32, #tpu.memory_space<hbm>>
    %dma_wait3A_18 = tpu.memref_slice %arg3[%add3A_12] : memref<80640xi32, #tpu.memory_space<hbm>> -> memref<80xi32, #tpu.memory_space<hbm>>
    tpu.wait_dma2 semaphore(%arg13 : memref<!tpu.dma_semaphore, #tpu.memory_space<semaphore_mem>>) src(%dma_wait3A_18 : memref<80xi32, #tpu.memory_space<hbm>>) dst(%arg9 : memref<80xi32, #tpu.memory_space<vmem>>)
    "tpu.region"() ({
      %run_scoped3A = tpu.sem_alloc : memref<!tpu.dma_semaphore, #tpu.memory_space<semaphore_mem>>
      %dma_start3A_25 = arith.constant 0 : i32
      %dma_start3A_26 = arith.constant 0 : i32
      %dma_start3A_27 = tpu.memref_slice %arg6[%dma_start3A_25, %dma_start3A_26] : memref<10000x128xf32, #tpu.memory_space<vmem_shared>> -> memref<10000x128xf32, #tpu.memory_space<vmem_shared>>
      tpu.enqueue_indirect_dma source(%arg7 : memref<80x128xf32, #tpu.memory_space<vmem>>) target(%dma_start3A_27 : memref<10000x128xf32, #tpu.memory_space<vmem_shared>>) offsets(%arg9 : memref<80xi32, #tpu.memory_space<vmem>>) semaphore(%run_scoped3A : memref<!tpu.dma_semaphore, #tpu.memory_space<semaphore_mem>>) {add = true}
      %dma_wait3A_28 = arith.constant 0 : i32
      %dma_wait3A_29 = arith.constant 0 : i32
      %dma_wait3A_30 = tpu.memref_slice %arg6[%dma_wait3A_28, %dma_wait3A_29] : memref<10000x128xf32, #tpu.memory_space<vmem_shared>> -> memref<10000x128xf32, #tpu.memory_space<vmem_shared>>
      tpu.wait_indirect_dma semaphore(%run_scoped3A : memref<!tpu.dma_semaphore, #tpu.memory_space<semaphore_mem>>) src(%arg7 : memref<80x128xf32, #tpu.memory_space<vmem>>) dst(%dma_wait3A_30 : memref<10000x128xf32, #tpu.memory_space<vmem_shared>>)
      tpu.yield
    }) : () -> ()
    %barrier3A_19 = arith.constant 0 : index
    tpu.barrier barrier_id(%barrier3A_19)
    "tpu.region"() ({
      %run_scoped3A = tpu.sem_alloc : memref<!tpu.dma_semaphore, #tpu.memory_space<semaphore_mem>>
      %dma_start3A_25 = tpu.memref_slice %arg5[%mul3A_2, %mul3A_0] : memref<10000x256xf32, #tpu.memory_space<hbm>> -> memref<624x128xf32, #tpu.memory_space<hbm>>
      %dma_start3A_26 = arith.constant 0 : i32
      %dma_start3A_27 = tpu.memref_slice %arg6[%mul3A_2, %dma_start3A_26] : memref<10000x128xf32, #tpu.memory_space<vmem_shared>> -> memref<624x128xf32, #tpu.memory_space<vmem_shared>>
      tpu.enqueue_dma source(%dma_start3A_27 : memref<624x128xf32, #tpu.memory_space<vmem_shared>>) target(%dma_start3A_25 : memref<624x128xf32, #tpu.memory_space<hbm>>) target_semaphore(%run_scoped3A : memref<!tpu.dma_semaphore, #tpu.memory_space<semaphore_mem>>)
      %dma_wait3A_28 = tpu.memref_slice %arg5[%mul3A_2, %mul3A_0] : memref<10000x256xf32, #tpu.memory_space<hbm>> -> memref<624x128xf32, #tpu.memory_space<hbm>>
      %dma_wait3A_29 = arith.constant 0 : i32
      %dma_wait3A_30 = tpu.memref_slice %arg6[%mul3A_2, %dma_wait3A_29] : memref<10000x128xf32, #tpu.memory_space<vmem_shared>> -> memref<624x128xf32, #tpu.memory_space<vmem_shared>>
      tpu.wait_dma2 semaphore(%run_scoped3A : memref<!tpu.dma_semaphore, #tpu.memory_space<semaphore_mem>>) src(%dma_wait3A_30 : memref<624x128xf32, #tpu.memory_space<vmem_shared>>) dst(%dma_wait3A_28 : memref<624x128xf32, #tpu.memory_space<hbm>>)
      tpu.yield
    }) : () -> ()
    %eq3A_20 = arith.constant 15 : i32
    %eq3A_21 = arith.cmpi eq, %arg1, %eq3A_20 : i32
    %convert_element_type3A_22 = arith.extui %eq3A_21 : i1 to i32
    %cond3A_23 = arith.constant 0 : i32
    %cond3A_24 = arith.cmpi ne, %convert_element_type3A_22, %cond3A_23 : i32
    scf.if %cond3A_24 {
      "tpu.region"() ({
        %run_scoped3A = tpu.sem_alloc : memref<!tpu.dma_semaphore, #tpu.memory_space<semaphore_mem>>
        %dma_start3A_25 = arith.constant 9984 : i32
        %dma_start3A_26 = tpu.memref_slice %arg5[%dma_start3A_25, %mul3A_0] : memref<10000x256xf32, #tpu.memory_space<hbm>> -> memref<16x128xf32, #tpu.memory_space<hbm>>
        %dma_start3A_27 = arith.constant 9984 : i32
        %dma_start3A_28 = arith.constant 0 : i32
        %dma_start3A_29 = tpu.memref_slice %arg6[%dma_start3A_27, %dma_start3A_28] : memref<10000x128xf32, #tpu.memory_space<vmem_shared>> -> memref<16x128xf32, #tpu.memory_space<vmem_shared>>
        tpu.enqueue_dma source(%dma_start3A_29 : memref<16x128xf32, #tpu.memory_space<vmem_shared>>) target(%dma_start3A_26 : memref<16x128xf32, #tpu.memory_space<hbm>>) target_semaphore(%run_scoped3A : memref<!tpu.dma_semaphore, #tpu.memory_space<semaphore_mem>>)
        %dma_wait3A_30 = arith.constant 9984 : i32
        %dma_wait3A_31 = tpu.memref_slice %arg5[%dma_wait3A_30, %mul3A_0] : memref<10000x256xf32, #tpu.memory_space<hbm>> -> memref<16x128xf32, #tpu.memory_space<hbm>>
        %dma_wait3A_32 = arith.constant 9984 : i32
        %dma_wait3A_33 = arith.constant 0 : i32
        %dma_wait3A_34 = tpu.memref_slice %arg6[%dma_wait3A_32, %dma_wait3A_33] : memref<10000x128xf32, #tpu.memory_space<vmem_shared>> -> memref<16x128xf32, #tpu.memory_space<vmem_shared>>
        tpu.wait_dma2 semaphore(%run_scoped3A : memref<!tpu.dma_semaphore, #tpu.memory_space<semaphore_mem>>) src(%dma_wait3A_34 : memref<16x128xf32, #tpu.memory_space<vmem_shared>>) dst(%dma_wait3A_31 : memref<16x128xf32, #tpu.memory_space<hbm>>)
        tpu.yield
      }) : () -> ()
    } else {
    }
    return
  }
}

module attributes {stable_mosaic.version = 14 : i64} {
  func.func @_proj_body(%arg0: i32, %arg1: memref<1000x256xf32, #tpu.memory_space<vmem>>, %arg2: memref<256x512xf32, #tpu.memory_space<vmem>>, %arg3: memref<256x512xf32, #tpu.memory_space<vmem>>, %arg4: memref<1x512xf32, #tpu.memory_space<vmem>>, %arg5: memref<1000x256xf32, #tpu.memory_space<vmem>>, %arg6: memref<1000x256xf32, #tpu.memory_space<vmem>>) attributes {dimension_semantics = [#tpu.dimension_semantics<arbitrary>], iteration_bounds = array<i64: 10>, scalar_prefetch = 0 : i64, scratch_operands = 0 : i64, tpu.core_type = #tpu.core_type<tc>, window_params = [{transform_indices = @transform_0, window_bounds = array<i64: 1000, 256>}, {pipeline_mode = #tpu.pipeline_mode<synchronous>, transform_indices = @transform_1, window_bounds = array<i64: 256, 512>}, {pipeline_mode = #tpu.pipeline_mode<synchronous>, transform_indices = @transform_2, window_bounds = array<i64: 256, 512>}, {pipeline_mode = #tpu.pipeline_mode<synchronous>, transform_indices = @transform_3, window_bounds = array<i64: 1, 512>}, {transform_indices = @transform_4, window_bounds = array<i64: 1000, 256>}, {transform_indices = @transform_5, window_bounds = array<i64: 1000, 256>}]} {
    %get3A = arith.constant 0 : index
    %get3A_0 = arith.constant 0 : index
    %get3A_1 = vector.load %arg1[%get3A, %get3A_0] : memref<1000x256xf32, #tpu.memory_space<vmem>>, vector<1000x256xf32>
    %get3A_2 = arith.constant 0 : index
    %get3A_3 = arith.constant 0 : index
    %get3A_4 = vector.load %arg2[%get3A_2, %get3A_3] : memref<256x512xf32, #tpu.memory_space<vmem>>, vector<256x512xf32>
    %dot_general3A = arith.constant dense<0.000000e+00> : vector<1000x512xf32>
    %dot_general3A_5 = tpu.matmul %get3A_1, %get3A_4, %dot_general3A {dimension_numbers = #tpu.dot_dimension_numbers<[1], [0], [0], [1], [0, 0, 1, 1], [], []>, transpose_lhs_hint = false} : vector<1000x256xf32>, vector<256x512xf32>, vector<1000x512xf32> -> vector<1000x512xf32>
    %get3A_6 = arith.constant 0 : index
    %get3A_7 = arith.constant 0 : index
    %get3A_8 = vector.load %arg4[%get3A_6, %get3A_7] : memref<1x512xf32, #tpu.memory_space<vmem>>, vector<1x512xf32>
    %add3A = vector.broadcast %get3A_8 : vector<1x512xf32> to vector<1000x512xf32>
    %add3A_9 = arith.addf %dot_general3A_5, %add3A : vector<1000x512xf32>
    %bitcast_convert_type3A = tpu.bitcast %add3A_9 : vector<1000x512xf32> -> vector<1000x512xi32>
    %add3A_10 = arith.constant 32767 : i32
    %add3A_11 = vector.broadcast %add3A_10 : i32 to vector<1000x512xi32>
    %add3A_12 = arith.addi %bitcast_convert_type3A, %add3A_11 : vector<1000x512xi32>
    %shift_right_arithmetic3A = arith.constant 16 : i32
    %shift_right_arithmetic3A_13 = vector.broadcast %shift_right_arithmetic3A : i32 to vector<1000x512xi32>
    %shift_right_arithmetic3A_14 = arith.shrsi %bitcast_convert_type3A, %shift_right_arithmetic3A_13 : vector<1000x512xi32>
    %and3A = arith.constant 1 : i32
    %and3A_15 = vector.broadcast %and3A : i32 to vector<1000x512xi32>
    %and3A_16 = arith.andi %shift_right_arithmetic3A_14, %and3A_15 : vector<1000x512xi32>
    %add3A_17 = arith.addi %add3A_12, %and3A_16 : vector<1000x512xi32>
    %shift_right_arithmetic3A_18 = arith.constant 16 : i32
    %shift_right_arithmetic3A_19 = vector.broadcast %shift_right_arithmetic3A_18 : i32 to vector<1000x512xi32>
    %shift_right_arithmetic3A_20 = arith.shrsi %add3A_17, %shift_right_arithmetic3A_19 : vector<1000x512xi32>
    %slice3A = vector.extract_strided_slice %shift_right_arithmetic3A_20 {offsets = [0, 0], sizes = [1000, 256], strides = [1, 1]} : vector<1000x512xi32> to vector<1000x256xi32>
    %and3A_21 = arith.constant 65535 : i32
    %and3A_22 = vector.broadcast %and3A_21 : i32 to vector<1000x256xi32>
    %and3A_23 = arith.andi %slice3A, %and3A_22 : vector<1000x256xi32>
    %slice3A_24 = vector.extract_strided_slice %shift_right_arithmetic3A_20 {offsets = [0, 256], sizes = [1000, 256], strides = [1, 1]} : vector<1000x512xi32> to vector<1000x256xi32>
    %shift_left3A = arith.constant 16 : i32
    %shift_left3A_25 = vector.broadcast %shift_left3A : i32 to vector<1000x256xi32>
    %shift_left3A_26 = arith.shli %slice3A_24, %shift_left3A_25 : vector<1000x256xi32>
    %or3A = arith.ori %and3A_23, %shift_left3A_26 : vector<1000x256xi32>
    %bitcast_convert_type3A_27 = tpu.bitcast %or3A : vector<1000x256xi32> -> vector<1000x256xf32>
    %swap3A = arith.constant 0 : index
    %swap3A_28 = arith.constant 0 : index
    %swap3A_29 = vector.load %arg5[%swap3A, %swap3A_28] : memref<1000x256xf32, #tpu.memory_space<vmem>>, vector<1000x256xf32>
    tpu.vector_store %arg5[%swap3A, %swap3A_28], %bitcast_convert_type3A_27 {strides = array<i32>} : memref<1000x256xf32, #tpu.memory_space<vmem>>, vector<1000x256xf32>,
    %get3A_30 = arith.constant 0 : index
    %get3A_31 = arith.constant 0 : index
    %get3A_32 = vector.load %arg3[%get3A_30, %get3A_31] : memref<256x512xf32, #tpu.memory_space<vmem>>, vector<256x512xf32>
    %dot_general3A_33 = arith.constant dense<0.000000e+00> : vector<1000x512xf32>
    %dot_general3A_34 = tpu.matmul %get3A_1, %get3A_32, %dot_general3A_33 {dimension_numbers = #tpu.dot_dimension_numbers<[1], [0], [0], [1], [0, 0, 1, 1], [], []>, transpose_lhs_hint = false} : vector<1000x256xf32>, vector<256x512xf32>, vector<1000x512xf32> -> vector<1000x512xf32>
    %bitcast_convert_type3A_35 = tpu.bitcast %dot_general3A_34 : vector<1000x512xf32> -> vector<1000x512xi32>
    %add3A_36 = arith.constant 32767 : i32
    %add3A_37 = vector.broadcast %add3A_36 : i32 to vector<1000x512xi32>
    %add3A_38 = arith.addi %bitcast_convert_type3A_35, %add3A_37 : vector<1000x512xi32>
    %shift_right_arithmetic3A_39 = arith.constant 16 : i32
    %shift_right_arithmetic3A_40 = vector.broadcast %shift_right_arithmetic3A_39 : i32 to vector<1000x512xi32>
    %shift_right_arithmetic3A_41 = arith.shrsi %bitcast_convert_type3A_35, %shift_right_arithmetic3A_40 : vector<1000x512xi32>
    %and3A_42 = arith.constant 1 : i32
    %and3A_43 = vector.broadcast %and3A_42 : i32 to vector<1000x512xi32>
    %and3A_44 = arith.andi %shift_right_arithmetic3A_41, %and3A_43 : vector<1000x512xi32>
    %add3A_45 = arith.addi %add3A_38, %and3A_44 : vector<1000x512xi32>
    %shift_right_arithmetic3A_46 = arith.constant 16 : i32
    %shift_right_arithmetic3A_47 = vector.broadcast %shift_right_arithmetic3A_46 : i32 to vector<1000x512xi32>
    %shift_right_arithmetic3A_48 = arith.shrsi %add3A_45, %shift_right_arithmetic3A_47 : vector<1000x512xi32>
    %slice3A_49 = vector.extract_strided_slice %shift_right_arithmetic3A_48 {offsets = [0, 0], sizes = [1000, 256], strides = [1, 1]} : vector<1000x512xi32> to vector<1000x256xi32>
    %and3A_50 = arith.constant 65535 : i32
    %and3A_51 = vector.broadcast %and3A_50 : i32 to vector<1000x256xi32>
    %and3A_52 = arith.andi %slice3A_49, %and3A_51 : vector<1000x256xi32>
    %slice3A_53 = vector.extract_strided_slice %shift_right_arithmetic3A_48 {offsets = [0, 256], sizes = [1000, 256], strides = [1, 1]} : vector<1000x512xi32> to vector<1000x256xi32>
    %shift_left3A_54 = arith.constant 16 : i32
    %shift_left3A_55 = vector.broadcast %shift_left3A_54 : i32 to vector<1000x256xi32>
    %shift_left3A_56 = arith.shli %slice3A_53, %shift_left3A_55 : vector<1000x256xi32>
    %or3A_57 = arith.ori %and3A_52, %shift_left3A_56 : vector<1000x256xi32>
    %bitcast_convert_type3A_58 = tpu.bitcast %or3A_57 : vector<1000x256xi32> -> vector<1000x256xf32>
    %swap3A_59 = arith.constant 0 : index
    %swap3A_60 = arith.constant 0 : index
    %swap3A_61 = vector.load %arg6[%swap3A_59, %swap3A_60] : memref<1000x256xf32, #tpu.memory_space<vmem>>, vector<1000x256xf32>
    tpu.vector_store %arg6[%swap3A_59, %swap3A_60], %bitcast_convert_type3A_58 {strides = array<i32>} : memref<1000x256xf32, #tpu.memory_space<vmem>>, vector<1000x256xf32>,
    return
  }
  func.func @transform_0(%arg0: i32) -> (i32, i32) {
    %c0_i32 = arith.constant 0 : i32
    %c0_i32_0 = arith.constant 0 : i32
    return %arg0, %c0_i32 : i32, i32
  }
  func.func @transform_1(%arg0: i32) -> (i32, i32) {
    %c0_i32 = arith.constant 0 : i32
    %c0_i32_0 = arith.constant 0 : i32
    %c0_i32_1 = arith.constant 0 : i32
    return %c0_i32, %c0_i32_0 : i32, i32
  }
  func.func @transform_2(%arg0: i32) -> (i32, i32) {
    %c0_i32 = arith.constant 0 : i32
    %c0_i32_0 = arith.constant 0 : i32
    %c0_i32_1 = arith.constant 0 : i32
    return %c0_i32, %c0_i32_0 : i32, i32
  }
  func.func @transform_3(%arg0: i32) -> (i32, i32) {
    %c0_i32 = arith.constant 0 : i32
    %c0_i32_0 = arith.constant 0 : i32
    %c0_i32_1 = arith.constant 0 : i32
    return %c0_i32, %c0_i32_0 : i32, i32
  }
  func.func @transform_4(%arg0: i32) -> (i32, i32) {
    %c0_i32 = arith.constant 0 : i32
    %c0_i32_0 = arith.constant 0 : i32
    return %arg0, %c0_i32 : i32, i32
  }
  func.func @transform_5(%arg0: i32) -> (i32, i32) {
    %c0_i32 = arith.constant 0 : i32
    %c0_i32_0 = arith.constant 0 : i32
    return %arg0, %c0_i32 : i32, i32
  }
}

module attributes {stable_mosaic.version = 14 : i64} {
  func.func @_edge_body(%arg0: i32, %arg1: memref<1280x256xf32, #tpu.memory_space<vmem>>, %arg2: memref<1280x256xf32, #tpu.memory_space<vmem>>, %arg3: memref<1280x16xf32, #tpu.memory_space<vmem>>, %arg4: memref<16x512xf32, #tpu.memory_space<vmem>>, %arg5: memref<1280x256xf32, #tpu.memory_space<vmem>>) attributes {dimension_semantics = [#tpu.dimension_semantics<arbitrary>], iteration_bounds = array<i64: 62>, scalar_prefetch = 0 : i64, scratch_operands = 0 : i64, tpu.core_type = #tpu.core_type<tc>, window_params = [{transform_indices = @transform_0, window_bounds = array<i64: 1280, 256>}, {transform_indices = @transform_1, window_bounds = array<i64: 1280, 256>}, {transform_indices = @transform_2, window_bounds = array<i64: 1280, 16>}, {pipeline_mode = #tpu.pipeline_mode<synchronous>, transform_indices = @transform_3, window_bounds = array<i64: 16, 512>}, {transform_indices = @transform_4, window_bounds = array<i64: 1280, 256>}]} {
    %get3A = arith.constant 0 : index
    %get3A_0 = arith.constant 0 : index
    %get3A_1 = vector.load %arg1[%get3A, %get3A_0] : memref<1280x256xf32, #tpu.memory_space<vmem>>, vector<1280x256xf32>
    %bitcast_convert_type3A = tpu.bitcast %get3A_1 : vector<1280x256xf32> -> vector<1280x256xi32>
    %shift_left3A = arith.constant 16 : i32
    %shift_left3A_2 = vector.broadcast %shift_left3A : i32 to vector<1280x256xi32>
    %shift_left3A_3 = arith.shli %bitcast_convert_type3A, %shift_left3A_2 : vector<1280x256xi32>
    %bitcast_convert_type3A_4 = tpu.bitcast %shift_left3A_3 : vector<1280x256xi32> -> vector<1280x256xf32>
    %and3A = arith.constant -65536 : i32
    %and3A_5 = vector.broadcast %and3A : i32 to vector<1280x256xi32>
    %and3A_6 = arith.andi %bitcast_convert_type3A, %and3A_5 : vector<1280x256xi32>
    %bitcast_convert_type3A_7 = tpu.bitcast %and3A_6 : vector<1280x256xi32> -> vector<1280x256xf32>
    %get3A_8 = arith.constant 0 : index
    %get3A_9 = arith.constant 0 : index
    %get3A_10 = vector.load %arg2[%get3A_8, %get3A_9] : memref<1280x256xf32, #tpu.memory_space<vmem>>, vector<1280x256xf32>
    %bitcast_convert_type3A_11 = tpu.bitcast %get3A_10 : vector<1280x256xf32> -> vector<1280x256xi32>
    %shift_left3A_12 = arith.constant 16 : i32
    %shift_left3A_13 = vector.broadcast %shift_left3A_12 : i32 to vector<1280x256xi32>
    %shift_left3A_14 = arith.shli %bitcast_convert_type3A_11, %shift_left3A_13 : vector<1280x256xi32>
    %bitcast_convert_type3A_15 = tpu.bitcast %shift_left3A_14 : vector<1280x256xi32> -> vector<1280x256xf32>
    %and3A_16 = arith.constant -65536 : i32
    %and3A_17 = vector.broadcast %and3A_16 : i32 to vector<1280x256xi32>
    %and3A_18 = arith.andi %bitcast_convert_type3A_11, %and3A_17 : vector<1280x256xi32>
    %bitcast_convert_type3A_19 = tpu.bitcast %and3A_18 : vector<1280x256xi32> -> vector<1280x256xf32>
    %get3A_20 = arith.constant 0 : index
    %get3A_21 = arith.constant 0 : index
    %get3A_22 = vector.load %arg3[%get3A_20, %get3A_21] : memref<1280x16xf32, #tpu.memory_space<vmem>>, vector<1280x16xf32>
    %get3A_23 = arith.constant 0 : index
    %get3A_24 = arith.constant 0 : index
    %get3A_25 = vector.load %arg4[%get3A_23, %get3A_24] : memref<16x512xf32, #tpu.memory_space<vmem>>, vector<16x512xf32>
    %dot_general3A = arith.constant dense<0.000000e+00> : vector<1280x512xf32>
    %dot_general3A_26 = tpu.matmul %get3A_22, %get3A_25, %dot_general3A {dimension_numbers = #tpu.dot_dimension_numbers<[1], [0], [0], [1], [0, 0, 1, 1], [], []>, transpose_lhs_hint = false} : vector<1280x16xf32>, vector<16x512xf32>, vector<1280x512xf32> -> vector<1280x512xf32>
    %add3A = arith.addf %bitcast_convert_type3A_4, %bitcast_convert_type3A_15 : vector<1280x256xf32>
    %slice3A = vector.extract_strided_slice %dot_general3A_26 {offsets = [0, 0], sizes = [1280, 256], strides = [1, 1]} : vector<1280x512xf32> to vector<1280x256xf32>
    %add3A_27 = arith.addf %add3A, %slice3A : vector<1280x256xf32>
    %add3A_28 = arith.addf %bitcast_convert_type3A_7, %bitcast_convert_type3A_19 : vector<1280x256xf32>
    %slice3A_29 = vector.extract_strided_slice %dot_general3A_26 {offsets = [0, 256], sizes = [1280, 256], strides = [1, 1]} : vector<1280x512xf32> to vector<1280x256xf32>
    %add3A_30 = arith.addf %add3A_28, %slice3A_29 : vector<1280x256xf32>
    %neg3A = arith.constant 0.000000e+00 : f32
    %neg3A_31 = vector.broadcast %neg3A : f32 to vector<1280x256xf32>
    %neg3A_32 = arith.subf %neg3A_31, %add3A_27 : vector<1280x256xf32>
    %exp3A = math.exp %neg3A_32 : vector<1280x256xf32>
    %add3A_33 = arith.constant 1.000000e+00 : f32
    %add3A_34 = vector.broadcast %add3A_33 : f32 to vector<1280x256xf32>
    %add3A_35 = arith.addf %add3A_34, %exp3A : vector<1280x256xf32>
    %div3A = arith.constant 1.000000e+00 : f32
    %div3A_36 = vector.broadcast %div3A : f32 to vector<1280x256xf32>
    %div3A_37 = arith.divf %div3A_36, %add3A_35 : vector<1280x256xf32>
    %max3A = arith.constant 0.000000e+00 : f32
    %max3A_38 = vector.broadcast %max3A : f32 to vector<1280x256xf32>
    %max3A_39 = arith.maximumf %add3A_30, %max3A_38 : vector<1280x256xf32>
    %abs3A = math.absf %add3A_30 : vector<1280x256xf32>
    %neg3A_40 = arith.constant 0.000000e+00 : f32
    %neg3A_41 = vector.broadcast %neg3A_40 : f32 to vector<1280x256xf32>
    %neg3A_42 = arith.subf %neg3A_41, %abs3A : vector<1280x256xf32>
    %exp3A_43 = math.exp %neg3A_42 : vector<1280x256xf32>
    %add3A_44 = arith.constant 1.000000e+00 : f32
    %add3A_45 = vector.broadcast %add3A_44 : f32 to vector<1280x256xf32>
    %add3A_46 = arith.addf %add3A_45, %exp3A_43 : vector<1280x256xf32>
    %log3A = math.log %add3A_46 : vector<1280x256xf32>
    %add3A_47 = arith.addf %max3A_39, %log3A : vector<1280x256xf32>
    %mul3A = arith.mulf %div3A_37, %add3A_47 : vector<1280x256xf32>
    %swap3A = arith.constant 0 : index
    %swap3A_48 = arith.constant 0 : index
    %swap3A_49 = vector.load %arg5[%swap3A, %swap3A_48] : memref<1280x256xf32, #tpu.memory_space<vmem>>, vector<1280x256xf32>
    tpu.vector_store %arg5[%swap3A, %swap3A_48], %mul3A {strides = array<i32>} : memref<1280x256xf32, #tpu.memory_space<vmem>>, vector<1280x256xf32>,
    return
  }
  func.func @transform_0(%arg0: i32) -> (i32, i32) {
    %c0_i32 = arith.constant 0 : i32
    %c0_i32_0 = arith.constant 0 : i32
    return %arg0, %c0_i32 : i32, i32
  }
  func.func @transform_1(%arg0: i32) -> (i32, i32) {
    %c0_i32 = arith.constant 0 : i32
    %c0_i32_0 = arith.constant 0 : i32
    return %arg0, %c0_i32 : i32, i32
  }
  func.func @transform_2(%arg0: i32) -> (i32, i32) {
    %c0_i32 = arith.constant 0 : i32
    %c0_i32_0 = arith.constant 0 : i32
    return %arg0, %c0_i32 : i32, i32
  }
  func.func @transform_3(%arg0: i32) -> (i32, i32) {
    %c0_i32 = arith.constant 0 : i32
    %c0_i32_0 = arith.constant 0 : i32
    %c0_i32_1 = arith.constant 0 : i32
    return %c0_i32, %c0_i32_0 : i32, i32
  }
  func.func @transform_4(%arg0: i32) -> (i32, i32) {
    %c0_i32 = arith.constant 0 : i32
    %c0_i32_0 = arith.constant 0 : i32
    return %arg0, %c0_i32 : i32, i32
  }
}

module attributes {stable_mosaic.version = 14 : i64} {
  func.func @_edge_body(%arg0: i32, %arg1: memref<1280x256xf32, #tpu.memory_space<vmem>>, %arg2: memref<1280x256xf32, #tpu.memory_space<vmem>>, %arg3: memref<1280x16xf32, #tpu.memory_space<vmem>>, %arg4: memref<16x512xf32, #tpu.memory_space<vmem>>, %arg5: memref<1280x256xf32, #tpu.memory_space<vmem>>) attributes {dimension_semantics = [#tpu.dimension_semantics<arbitrary>], iteration_bounds = array<i64: 63>, scalar_prefetch = 0 : i64, scratch_operands = 0 : i64, tpu.core_type = #tpu.core_type<tc>, window_params = [{transform_indices = @transform_0, window_bounds = array<i64: 1280, 256>}, {transform_indices = @transform_1, window_bounds = array<i64: 1280, 256>}, {transform_indices = @transform_2, window_bounds = array<i64: 1280, 16>}, {pipeline_mode = #tpu.pipeline_mode<synchronous>, transform_indices = @transform_3, window_bounds = array<i64: 16, 512>}, {transform_indices = @transform_4, window_bounds = array<i64: 1280, 256>}]} {
    %get3A = arith.constant 0 : index
    %get3A_0 = arith.constant 0 : index
    %get3A_1 = vector.load %arg1[%get3A, %get3A_0] : memref<1280x256xf32, #tpu.memory_space<vmem>>, vector<1280x256xf32>
    %bitcast_convert_type3A = tpu.bitcast %get3A_1 : vector<1280x256xf32> -> vector<1280x256xi32>
    %shift_left3A = arith.constant 16 : i32
    %shift_left3A_2 = vector.broadcast %shift_left3A : i32 to vector<1280x256xi32>
    %shift_left3A_3 = arith.shli %bitcast_convert_type3A, %shift_left3A_2 : vector<1280x256xi32>
    %bitcast_convert_type3A_4 = tpu.bitcast %shift_left3A_3 : vector<1280x256xi32> -> vector<1280x256xf32>
    %and3A = arith.constant -65536 : i32
    %and3A_5 = vector.broadcast %and3A : i32 to vector<1280x256xi32>
    %and3A_6 = arith.andi %bitcast_convert_type3A, %and3A_5 : vector<1280x256xi32>
    %bitcast_convert_type3A_7 = tpu.bitcast %and3A_6 : vector<1280x256xi32> -> vector<1280x256xf32>
    %get3A_8 = arith.constant 0 : index
    %get3A_9 = arith.constant 0 : index
    %get3A_10 = vector.load %arg2[%get3A_8, %get3A_9] : memref<1280x256xf32, #tpu.memory_space<vmem>>, vector<1280x256xf32>
    %bitcast_convert_type3A_11 = tpu.bitcast %get3A_10 : vector<1280x256xf32> -> vector<1280x256xi32>
    %shift_left3A_12 = arith.constant 16 : i32
    %shift_left3A_13 = vector.broadcast %shift_left3A_12 : i32 to vector<1280x256xi32>
    %shift_left3A_14 = arith.shli %bitcast_convert_type3A_11, %shift_left3A_13 : vector<1280x256xi32>
    %bitcast_convert_type3A_15 = tpu.bitcast %shift_left3A_14 : vector<1280x256xi32> -> vector<1280x256xf32>
    %and3A_16 = arith.constant -65536 : i32
    %and3A_17 = vector.broadcast %and3A_16 : i32 to vector<1280x256xi32>
    %and3A_18 = arith.andi %bitcast_convert_type3A_11, %and3A_17 : vector<1280x256xi32>
    %bitcast_convert_type3A_19 = tpu.bitcast %and3A_18 : vector<1280x256xi32> -> vector<1280x256xf32>
    %get3A_20 = arith.constant 0 : index
    %get3A_21 = arith.constant 0 : index
    %get3A_22 = vector.load %arg3[%get3A_20, %get3A_21] : memref<1280x16xf32, #tpu.memory_space<vmem>>, vector<1280x16xf32>
    %get3A_23 = arith.constant 0 : index
    %get3A_24 = arith.constant 0 : index
    %get3A_25 = vector.load %arg4[%get3A_23, %get3A_24] : memref<16x512xf32, #tpu.memory_space<vmem>>, vector<16x512xf32>
    %dot_general3A = arith.constant dense<0.000000e+00> : vector<1280x512xf32>
    %dot_general3A_26 = tpu.matmul %get3A_22, %get3A_25, %dot_general3A {dimension_numbers = #tpu.dot_dimension_numbers<[1], [0], [0], [1], [0, 0, 1, 1], [], []>, transpose_lhs_hint = false} : vector<1280x16xf32>, vector<16x512xf32>, vector<1280x512xf32> -> vector<1280x512xf32>
    %add3A = arith.addf %bitcast_convert_type3A_4, %bitcast_convert_type3A_15 : vector<1280x256xf32>
    %slice3A = vector.extract_strided_slice %dot_general3A_26 {offsets = [0, 0], sizes = [1280, 256], strides = [1, 1]} : vector<1280x512xf32> to vector<1280x256xf32>
    %add3A_27 = arith.addf %add3A, %slice3A : vector<1280x256xf32>
    %add3A_28 = arith.addf %bitcast_convert_type3A_7, %bitcast_convert_type3A_19 : vector<1280x256xf32>
    %slice3A_29 = vector.extract_strided_slice %dot_general3A_26 {offsets = [0, 256], sizes = [1280, 256], strides = [1, 1]} : vector<1280x512xf32> to vector<1280x256xf32>
    %add3A_30 = arith.addf %add3A_28, %slice3A_29 : vector<1280x256xf32>
    %neg3A = arith.constant 0.000000e+00 : f32
    %neg3A_31 = vector.broadcast %neg3A : f32 to vector<1280x256xf32>
    %neg3A_32 = arith.subf %neg3A_31, %add3A_27 : vector<1280x256xf32>
    %exp3A = math.exp %neg3A_32 : vector<1280x256xf32>
    %add3A_33 = arith.constant 1.000000e+00 : f32
    %add3A_34 = vector.broadcast %add3A_33 : f32 to vector<1280x256xf32>
    %add3A_35 = arith.addf %add3A_34, %exp3A : vector<1280x256xf32>
    %div3A = arith.constant 1.000000e+00 : f32
    %div3A_36 = vector.broadcast %div3A : f32 to vector<1280x256xf32>
    %div3A_37 = arith.divf %div3A_36, %add3A_35 : vector<1280x256xf32>
    %max3A = arith.constant 0.000000e+00 : f32
    %max3A_38 = vector.broadcast %max3A : f32 to vector<1280x256xf32>
    %max3A_39 = arith.maximumf %add3A_30, %max3A_38 : vector<1280x256xf32>
    %abs3A = math.absf %add3A_30 : vector<1280x256xf32>
    %neg3A_40 = arith.constant 0.000000e+00 : f32
    %neg3A_41 = vector.broadcast %neg3A_40 : f32 to vector<1280x256xf32>
    %neg3A_42 = arith.subf %neg3A_41, %abs3A : vector<1280x256xf32>
    %exp3A_43 = math.exp %neg3A_42 : vector<1280x256xf32>
    %add3A_44 = arith.constant 1.000000e+00 : f32
    %add3A_45 = vector.broadcast %add3A_44 : f32 to vector<1280x256xf32>
    %add3A_46 = arith.addf %add3A_45, %exp3A_43 : vector<1280x256xf32>
    %log3A = math.log %add3A_46 : vector<1280x256xf32>
    %add3A_47 = arith.addf %max3A_39, %log3A : vector<1280x256xf32>
    %mul3A = arith.mulf %div3A_37, %add3A_47 : vector<1280x256xf32>
    %swap3A = arith.constant 0 : index
    %swap3A_48 = arith.constant 0 : index
    %swap3A_49 = vector.load %arg5[%swap3A, %swap3A_48] : memref<1280x256xf32, #tpu.memory_space<vmem>>, vector<1280x256xf32>
    tpu.vector_store %arg5[%swap3A, %swap3A_48], %mul3A {strides = array<i32>} : memref<1280x256xf32, #tpu.memory_space<vmem>>, vector<1280x256xf32>,
    return
  }
  func.func @transform_0(%arg0: i32) -> (i32, i32) {
    %c0_i32 = arith.constant 0 : i32
    %c0_i32_0 = arith.constant 0 : i32
    return %arg0, %c0_i32 : i32, i32
  }
  func.func @transform_1(%arg0: i32) -> (i32, i32) {
    %c0_i32 = arith.constant 0 : i32
    %c0_i32_0 = arith.constant 0 : i32
    return %arg0, %c0_i32 : i32, i32
  }
  func.func @transform_2(%arg0: i32) -> (i32, i32) {
    %c0_i32 = arith.constant 0 : i32
    %c0_i32_0 = arith.constant 0 : i32
    return %arg0, %c0_i32 : i32, i32
  }
  func.func @transform_3(%arg0: i32) -> (i32, i32) {
    %c0_i32 = arith.constant 0 : i32
    %c0_i32_0 = arith.constant 0 : i32
    %c0_i32_1 = arith.constant 0 : i32
    return %c0_i32, %c0_i32_0 : i32, i32
  }
  func.func @transform_4(%arg0: i32) -> (i32, i32) {
    %c0_i32 = arith.constant 0 : i32
    %c0_i32_0 = arith.constant 0 : i32
    return %arg0, %c0_i32 : i32, i32
  }
}

module attributes {stable_mosaic.version = 14 : i64} {
  func.func @_mlp_body(%arg0: i32, %arg1: memref<1000x256xf32, #tpu.memory_space<vmem>>, %arg2: memref<256x256xf32, #tpu.memory_space<vmem>>, %arg3: memref<1x256xf32, #tpu.memory_space<vmem>>, %arg4: memref<256x256xf32, #tpu.memory_space<vmem>>, %arg5: memref<1x256xf32, #tpu.memory_space<vmem>>, %arg6: memref<1000x256xf32, #tpu.memory_space<vmem>>) attributes {dimension_semantics = [#tpu.dimension_semantics<arbitrary>], iteration_bounds = array<i64: 10>, scalar_prefetch = 0 : i64, scratch_operands = 0 : i64, tpu.core_type = #tpu.core_type<tc>, window_params = [{transform_indices = @transform_0, window_bounds = array<i64: 1000, 256>}, {pipeline_mode = #tpu.pipeline_mode<synchronous>, transform_indices = @transform_1, window_bounds = array<i64: 256, 256>}, {pipeline_mode = #tpu.pipeline_mode<synchronous>, transform_indices = @transform_2, window_bounds = array<i64: 1, 256>}, {pipeline_mode = #tpu.pipeline_mode<synchronous>, transform_indices = @transform_3, window_bounds = array<i64: 256, 256>}, {pipeline_mode = #tpu.pipeline_mode<synchronous>, transform_indices = @transform_4, window_bounds = array<i64: 1, 256>}, {transform_indices = @transform_5, window_bounds = array<i64: 1000, 256>}]} {
    %get3A = arith.constant 0 : index
    %get3A_0 = arith.constant 0 : index
    %get3A_1 = vector.load %arg1[%get3A, %get3A_0] : memref<1000x256xf32, #tpu.memory_space<vmem>>, vector<1000x256xf32>
    %get3A_2 = arith.constant 0 : index
    %get3A_3 = arith.constant 0 : index
    %get3A_4 = vector.load %arg2[%get3A_2, %get3A_3] : memref<256x256xf32, #tpu.memory_space<vmem>>, vector<256x256xf32>
    %dot_general3A = arith.constant dense<0.000000e+00> : vector<1000x256xf32>
    %dot_general3A_5 = tpu.matmul %get3A_1, %get3A_4, %dot_general3A {dimension_numbers = #tpu.dot_dimension_numbers<[1], [0], [0], [1], [0, 0, 1, 1], [], []>, transpose_lhs_hint = false} : vector<1000x256xf32>, vector<256x256xf32>, vector<1000x256xf32> -> vector<1000x256xf32>
    %get3A_6 = arith.constant 0 : index
    %get3A_7 = arith.constant 0 : index
    %get3A_8 = vector.load %arg3[%get3A_6, %get3A_7] : memref<1x256xf32, #tpu.memory_space<vmem>>, vector<1x256xf32>
    %add3A = vector.broadcast %get3A_8 : vector<1x256xf32> to vector<1000x256xf32>
    %add3A_9 = arith.addf %dot_general3A_5, %add3A : vector<1000x256xf32>
    %max3A = arith.constant 0.000000e+00 : f32
    %max3A_10 = vector.broadcast %max3A : f32 to vector<1000x256xf32>
    %max3A_11 = arith.maximumf %add3A_9, %max3A_10 : vector<1000x256xf32>
    %get3A_12 = arith.constant 0 : index
    %get3A_13 = arith.constant 0 : index
    %get3A_14 = vector.load %arg4[%get3A_12, %get3A_13] : memref<256x256xf32, #tpu.memory_space<vmem>>, vector<256x256xf32>
    %dot_general3A_15 = arith.constant dense<0.000000e+00> : vector<1000x256xf32>
    %dot_general3A_16 = tpu.matmul %max3A_11, %get3A_14, %dot_general3A_15 {dimension_numbers = #tpu.dot_dimension_numbers<[1], [0], [0], [1], [0, 0, 1, 1], [], []>, transpose_lhs_hint = false} : vector<1000x256xf32>, vector<256x256xf32>, vector<1000x256xf32> -> vector<1000x256xf32>
    %get3A_17 = arith.constant 0 : index
    %get3A_18 = arith.constant 0 : index
    %get3A_19 = vector.load %arg5[%get3A_17, %get3A_18] : memref<1x256xf32, #tpu.memory_space<vmem>>, vector<1x256xf32>
    %add3A_20 = vector.broadcast %get3A_19 : vector<1x256xf32> to vector<1000x256xf32>
    %add3A_21 = arith.addf %dot_general3A_16, %add3A_20 : vector<1000x256xf32>
    %swap3A = arith.constant 0 : index
    %swap3A_22 = arith.constant 0 : index
    %swap3A_23 = vector.load %arg6[%swap3A, %swap3A_22] : memref<1000x256xf32, #tpu.memory_space<vmem>>, vector<1000x256xf32>
    tpu.vector_store %arg6[%swap3A, %swap3A_22], %add3A_21 {strides = array<i32>} : memref<1000x256xf32, #tpu.memory_space<vmem>>, vector<1000x256xf32>,
    return
  }
  func.func @transform_0(%arg0: i32) -> (i32, i32) {
    %c0_i32 = arith.constant 0 : i32
    %c0_i32_0 = arith.constant 0 : i32
    return %arg0, %c0_i32 : i32, i32
  }
  func.func @transform_1(%arg0: i32) -> (i32, i32) {
    %c0_i32 = arith.constant 0 : i32
    %c0_i32_0 = arith.constant 0 : i32
    %c0_i32_1 = arith.constant 0 : i32
    return %c0_i32, %c0_i32_0 : i32, i32
  }
  func.func @transform_2(%arg0: i32) -> (i32, i32) {
    %c0_i32 = arith.constant 0 : i32
    %c0_i32_0 = arith.constant 0 : i32
    %c0_i32_1 = arith.constant 0 : i32
    return %c0_i32, %c0_i32_0 : i32, i32
  }
  func.func @transform_3(%arg0: i32) -> (i32, i32) {
    %c0_i32 = arith.constant 0 : i32
    %c0_i32_0 = arith.constant 0 : i32
    %c0_i32_1 = arith.constant 0 : i32
    return %c0_i32, %c0_i32_0 : i32, i32
  }
  func.func @transform_4(%arg0: i32) -> (i32, i32) {
    %c0_i32 = arith.constant 0 : i32
    %c0_i32_0 = arith.constant 0 : i32
    %c0_i32_1 = arith.constant 0 : i32
    return %c0_i32, %c0_i32_0 : i32, i32
  }
  func.func @transform_5(%arg0: i32) -> (i32, i32) {
    %c0_i32 = arith.constant 0 : i32
    %c0_i32_0 = arith.constant 0 : i32
    return %arg0, %c0_i32 : i32, i32
  }
}

</mosaic_0001>

<sc_bundles>
// kernel: kernel.10.cloned.1.call-start
scs
__scs_entry_jumppad:
0x0: {  	(pc) =	sbr.rel $0x88, $3  }
0x1: {  	(tag) =	ssettag $0x0;
	lr =	simm.s32 $0x1  }
0x2: {  	[smem:$0x3F96] =	sst lr;
	_ =	strace $0xD0000000  }
0x3: {  	_ = 	snop  }
0x4: {  	_ = 	snop  }
0x5: {  	_ = 	snop  }
0x6: {  	_ = 	snop  }
0x7: {  	_ = 	snop  }
__scs_overlays_trampoline_lowered:
0x8: {  	[smem:$0x3FA5] =	sst s0  }
0x9: {  	[smem:$0x3FA6] =	sst s1  }
0xa: {  	[smem:$0x3FA7] =	sst s2  }
0xb: {  	[smem:$0x3FA8] =	sst s3  }
0xc: {  	[smem:$0x3FA9] =	sst s4  }
0xd: {  	[smem:$0x3FAA] =	sst s5  }
0xe: {  	[smem:$0x3FAB] =	sst s6  }
0xf: {  	[smem:$0x3FAC] =	sst s7  }
0x10: {  	[smem:$0x3FAD] =	sst s8  }
0x11: {  	[smem:$0x3FAE] =	sst s9;
	s0 =	simm.s32 @!p0 $0x0  }
0x12: {  	s1 =	sld [smem:$0x3F94];
	s0 =	simm.s32 @p0 $0x1  }
0x13: {  	[smem:$0x3FAF] =	sst s0;
	s0 =	simm.s32 @!p1 $0x0  }
0x14: {  	s2 =	sld [smem:$0x3F93];
	s0 =	simm.s32 @p1 $0x1  }
0x15: {  	[smem:$0x3FB0] =	sst s0;
	s0 =	simm.s32 @!p2 $0x0  }
0x16: {  	s3 =	sld [smem:$0x3FDB];
	s0 =	simm.s32 @p2 $0x1  }
0x17: {  	s4 =	simm.s32 $0x1BF5;
	[smem:$0x3FB2] =	sst s0  }
0x18: {  	s0 =	sld [smem:$0x3F95];
	_ =	swait.ge [sflag:s4], $0x0  }
0x19: {  	s7 =	sld [smem:$0x3F96]  }
0x1a: {  	s8 =	sadd.s32 $0xFFFFE003, lr  }
0x1b: {  	s9 =	sadd.s32 $0xFFFFFEF7, lr;
	s5 =	simm.s32 $0xFFFFFFFF;
	p2 =	slt.u32 s8, $0xFFFFF086  }
0x1c: {  	p1 =	slt.u32 s9, $0xF7A;
	s5 =	simm.s32 @!p2 $0x0  }
0x1d: {  	s5 =	simm.s32 @p1 $0x1;
	p0 =	seq.s32 s7, s2  }
0x1e: {  	s7 =	smul.u32 @!p0 $0xF7A, s2;
	p2 =	seq.s32 @!p0 s5, $0x0  }
0x1f: {  	s9 =	smul.u32 $0xF7A, s1;
	s8 =	simm.s32 @!p0 $0x1BF5;
	p2 =	por !p2, p0  }
0x20: {  	[sflag:s8] =	ssyncset.s32 @!p0 $0xFFFFF086;
	s6 =	sadd.s32 @!p0 s3, s7;
	s7 =	simm.s32 @!p0 $0x108  }
0x21: {  	s3 =	sadd.s32 s3, s9;
	s6 =	sadd.s32 @!p0 $0x88, s6;
	s7 =	simm.s32 @p2 $0x1082  }
0x22: {  	[simem:s7], [sflag:s8] =	dma.local @!p0 [hbm:s6], $0xF7A  }
0x23: {  	s9 =	sor.u32 $0xD0000000, s2;
	s6 =	simm.s32 $0x108;
	_ =	swait.ge @!p0 [sflag:s8], $0x0  }
0x24: {  	s3 =	sadd.s32 $0x88, s3;
	s6 =	simm.s32 @!p1 $0x1082;
	[sflag:s4] =	ssyncset.s32 $0xFFFFF086  }
0x25: {  	[simem:s6], [sflag:s4] =	dma.local [hbm:s3], $0xF7A  }
0x26: {  	[smem:$0x3F96] =	sst s1;
	(tag) =	ssettag s2;
	_ =	strace s9  }
0x27: {  	s1 =	sld [smem:$0x3FA6]  }
0x28: {  	s2 =	sld [smem:$0x3FA7]  }
0x29: {  	s4 =	sld [smem:$0x3FA9]  }
0x2a: {  	p0 =	seq.s32 s5, $0x0;
	s5 =	sld [smem:$0x3FAA]  }
0x2b: {  	s6 =	sld [smem:$0x3FAB]  }
0x2c: {  	s7 =	sld [smem:$0x3FAC]  }
0x2d: {  	s3 =	simm.s32 $0x108;
	s8 =	sld [smem:$0x3FAD]  }
0x2e: {  	s3 =	simm.s32 @!p0 $0x1082;
	s9 =	sld [smem:$0x3FAE]  }
0x2f: {  	lr =	sadd.s32 s0, s3;
	s0 =	sld [smem:$0x3FA5]  }
0x30: {  	s3 =	sld [smem:$0x3FA8]  }
0x31: {  	[smem:$0x3FB1] =	sst s10  }
0x32: {  	s10 =	sld [smem:$0x3FAF];
	_ =	sdelay $0x3  }
0x33: {  	p0 =	seq.s32 s10, $0x1;
	s10 =	sld [smem:$0x3FB1];
	_ =	sdelay $0x3  }
0x34: {  	[smem:$0x3FB1] =	sst s10  }
0x35: {  	s10 =	sld [smem:$0x3FB0];
	_ =	sdelay $0x3  }
0x36: {  	p1 =	seq.s32 s10, $0x1;
	s10 =	sld [smem:$0x3FB1];
	_ =	sdelay $0x3  }
0x37: {  	[smem:$0x3FB1] =	sst s10  }
0x38: {  	s10 =	sld [smem:$0x3FB2]  }
0x39: {  	_ = 	snop;
	(pc) =	sbr.ind lr, $3  }
0x3a: {  	_ = 	snop  }
0x3b: {  	_ = 	snop  }
0x3c: {  	p2 =	seq.s32 s10, $0x1;
	s10 =	sld [smem:$0x3FB1]  }
0x3d: {  	_ =	shalt  }
0x3e: {  	_ =	shalt  }
0x3f: {  	_ =	shalt  }
0x40: {  	_ =	shalt  }
0x41: {  	_ =	shalt  }
0x42: {  	_ =	shalt  }
0x43: {  	_ =	shalt  }
0x44: {  	_ =	shalt  }
0x45: {  	_ =	shalt  }
0x46: {  	_ =	shalt  }
0x47: {  	_ =	shalt  }
0x48: {  	_ =	shalt  }
0x49: {  	_ =	shalt  }
0x4a: {  	_ =	shalt  }
0x4b: {  	_ =	shalt  }
0x4c: {  	_ =	shalt  }
0x4d: {  	_ =	shalt  }
0x4e: {  	_ =	shalt  }
0x4f: {  	_ =	shalt  }
0x50: {  	_ =	shalt  }
0x51: {  	_ =	shalt  }
0x52: {  	_ =	shalt  }
0x53: {  	_ =	shalt  }
0x54: {  	_ =	shalt  }
0x55: {  	_ =	shalt  }
0x56: {  	_ =	shalt  }
0x57: {  	_ =	shalt  }
0x58: {  	_ =	shalt  }
0x59: {  	_ =	shalt  }
0x5a: {  	_ =	shalt  }
0x5b: {  	_ =	shalt  }
0x5c: {  	_ =	shalt  }
0x5d: {  	_ =	shalt  }
0x5e: {  	_ =	shalt  }
0x5f: {  	_ =	shalt  }
0x60: {  	_ =	shalt  }
0x61: {  	_ =	shalt  }
0x62: {  	_ =	shalt  }
0x63: {  	_ =	shalt  }
0x64: {  	_ =	shalt  }
0x65: {  	_ =	shalt  }
0x66: {  	_ =	shalt  }
0x67: {  	_ =	shalt  }
0x68: {  	_ =	shalt  }
0x69: {  	_ =	shalt  }
0x6a: {  	_ =	shalt  }
0x6b: {  	_ =	shalt  }
0x6c: {  	_ =	shalt  }
0x6d: {  	_ =	shalt  }
0x6e: {  	_ =	shalt  }
0x6f: {  	_ =	shalt  }
0x70: {  	_ =	shalt  }
0x71: {  	_ =	shalt  }
0x72: {  	_ =	shalt  }
0x73: {  	_ =	shalt  }
0x74: {  	_ =	shalt  }
0x75: {  	_ =	shalt  }
0x76: {  	_ =	shalt  }
0x77: {  	_ =	shalt  }
0x78: {  	_ =	shalt  }
0x79: {  	_ =	shalt  }
0x7a: {  	_ =	shalt  }
0x7b: {  	_ =	shalt  }
0x7c: {  	_ =	shalt  }
0x7d: {  	_ =	shalt  }
0x7e: {  	_ =	shalt  }
0x7f: {  	_ =	shalt  }
0x80: {  	_ =	shalt  }
0x81: {  	_ =	shalt  }
0x82: {  	_ =	shalt  }
0x83: {  	_ =	shalt  }
0x84: {  	_ =	shalt  }
0x85: {  	_ =	shalt  }
0x86: {  	_ =	shalt  }
0x87: {  	_ =	shalt  }
.Lfunc_end0:
.L_simem_size_0:
called_computation_lowered:
.L_overlay_start_0:
0x88: {  	s2 =	sld [smem:$0x3FD9]  }
0x89: {  	s3 =	sld [smem:$0x3FFE];
	_ =	sdelay $0x1  }
0x8a: {  	s1 =	srdreg.scid  }
0x8b: {  	s0 =	sand.u32 $0x1, s1  }
0x8c: {  	s17 =	sshll.u32 s0, $0xA;
	s2 =	sadd.s32 s3, s2  }
0x8d: {  	s2 =	sadd.s32 s2, s17  }
0x8e: {  	[smem:$0x3FBD] =	sst s2  }
0x8f: {  	_ = 	snop  }
0x90: {  	s2 =	sld [smem:$0x3FD0];
	(tm) =	ssettm $0x1  }
0x91: {  	s18 =	sld [smem:$0x3FFB];
	_ =	sdelay $0x3  }
0x92: {  	_ =	strace s18  }
0x93: {  	s3 =	sld [smem:$0x3FFC];
	_ =	sdelay $0x3  }
0x94: {  	_ =	strace s3  }
0x95: {  	s3 =	sld [smem:$0x3FFD];
	_ =	sdelay $0x3  }
0x96: {  	_ =	strace s3  }
0x97: {  	_ =	strace $0x8FFFFFFF  }
0x98: {  	s19 =	sld [smem:$0x3FDB];
	_ =	sdelay $0x1  }
0x99: {  	s4 =	simm.s32 $_scs_section_size  }
0x9a: {  	s5 =	simm.s32 $_size__tile_overlayer_lowered;
	s6 =	simm.s32 $_tile_overlayer_lowered  }
0x9b: {  	s22 =	simm.s32 $0x1BFF;
	s21 =	sshll.u32 s6, $0x1;
	s3 =	sadd.s32 s4, s19  }
0x9c: {  	s7 =	simm.s32 $0x0;
	s20 =	sshll.u32 s5, $0x1;
	s5 =	sadd.s32 s21, s3  }
0x9d: {  	[timem:s7], [sflag:s22] =	dma.local [hbm:s5], s20  }
0x9e: {  	_ =	swait.ge [sflag:s22], s20  }
0x9f: {  	s4 =	ssub.s32 $0x0, s20;
	[sflag:s22] =	ssyncset.done $0x0  }
0xa0: {  	[sflag:s22] =	ssyncadd.s32 s4;
	_ =	sdelay $0x1  }
0xa1: {  	s23 =	simm.s32 $0x1B8B  }
0xa2: {  	_ =	swait.ge [sflag:s23], $0x1  }
0xa3: {  	[sflag:s23] =	ssyncset.done $0x0  }
0xa4: {  	s25 =	simm.s32 $0x1B8E;
	s24 =	sld [smem:$0x3FFE];
	[sflag:s23] =	ssyncadd.s32 $0xFFFFFFFF  }
0xa5: {  	s26 =	simm.s32 $execute0_lowered;
	[smem:$0x3FD2] =	sst s25  }
0xa6: {  	s5 =	sshll.u32 s26, $0x1;
	_ =	strace $0x80000046;
	[dreg:$0x1] =	wrdreg $0xFFFFFFFF  }
0xa7: {  	s28 =	simm.s32 $_size_execute0_lowered;
	s3 =	sadd.s32 s3, s5;
	[dreg:$0x0] =	wrdreg $0x0  }
0xa8: {  	s5 =	sshll.u32 s28, $0x1;
	[dreg:$0x2] =	wrdreg s3  }
0xa9: {  	[dreg:$0x3] =	wrdreg s5  }
0xaa: {  	[dreg:$0x4] =	wrdreg $0xC0  }
0xab: {  	_ =	task [dreg:s7], $0x5FFFF  }
0xac: {  	[dreg:$0x1] =	wrdreg $0xFFFFFFFF  }
0xad: {  	[dreg:$0x0] =	wrdreg $0x60  }
0xae: {  	[dreg:$0x2] =	wrdreg s2  }
0xaf: {  	[dreg:$0x3] =	wrdreg s24  }
0xb0: {  	[dreg:$0x4] =	wrdreg $0xA  }
0xb1: {  	_ =	task.clear_ibuf [dreg:s7], $0x5FFFF;
	_ =	strace $0x90000046  }
0xb2: {  	s29 =	simm.s32 $0xA;
	_ =	strace $0x80000048  }
0xb3: {  	_ =	swait.ge [sflag:s29], $0x1  }
0xb4: {  	[sflag:s29] =	ssyncadd.s32 $0xFFFFFFFF  }
0xb5: {  	_ =	strace $0x90000048  }
0xb6: {  	_ =	sfence  }
0xb7: {  	s30 =	sld [smem:$0x0];
	_ =	sdelay $0x2  }
0xb8: {  	s31 =	sshll.u32 s1, $0xD;
	s1 =	sshrl.u32 s1, $0x2  }
0xb9: {  	s3 =	sand.u32 $0x4000, s31;
	s1 =	sadd.s32 s1, s30  }
0xba: {  	s0 =	sor.u32 s3, s0;
	s1 =	sshll.u32 s1, $0x11  }
0xbb: {  	s0 =	sor.u32 s1, s0  }
0xbc: {  	s0 =	sadd.s32 $0x8F2B, s0  }
0xbd: {  	[sflag:s0] =	ssyncadd.remote.s32 $0x1  }
0xbe: {  	_ =	sfence.sel $0xFFFF  }
0xbf: {  	[dreg:$0x0] =	wrdreg $0xFFFFFFFF;
	(pc) =	sbr.abs _section_cstart, $3  }
0xc0: {  	[dreg:$0x1] =	wrdreg $0xFFFFFFFF  }
0xc1: {  	_ =	task.clear_ibuf [dreg:s7], $0x2FFFF;
	_ =	strace $0x9FFFFFFF  }
0xc2: {  	(tm) =	ssettm $0x7FFFFFFF  }
0xc3: {  	_ =	shalt  }
tec
execute0_lowered:
.L_overlay_start_1:
0x0: {  	(tag) =	ssettag $0x1  }
0x1: {  	s2 =	rddreg [dreg:$0x0];
	s0 =	srdreg.scid  }
0x2: {  	s7 =	stileid.u32;
	s1 =	rddreg [dreg:$0x1]  }
0x3: {  	s3 =	simm.s32 $0x0;
	s19 =	simm.s32 $0x4400;
	s20 =	simm.s32 $0x4C00  }
0x4: {  	s21 =	simm.s32 $0x5400;
	s22 =	simm.s32 $0x5C00;
	[smem:$0x7FF] =	sst s3  }
0x5: {  	s24 =	simm.s32 $0xE400;
	_ =	strace $0x80000047;
	[dreg:$0x5] =	wrdreg s19  }
0x6: {  	s26 =	simm.s32 $0xEC00;
	s12 =	simm.s32 $0x7400;
	[dreg:$0x6] =	wrdreg s20  }
0x7: {  	s13 =	simm.s32 $0x7C00;
	s14 =	simm.s32 $0x8400;
	[dreg:$0x7] =	wrdreg s21  }
0x8: {  	s15 =	simm.s32 $0x10C00;
	s16 =	simm.s32 $0x11400;
	[dreg:$0x8] =	wrdreg s22  }
0x9: {  	s17 =	simm.s32 $0x11C00;
	s28 =	simm.s32 $0x10400;
	[dreg:$0x9] =	wrdreg s24  }
0xa: {  	s29 =	simm.s32 $0x8C00;
	s30 =	simm.s32 $0x12C00;
	[dreg:$0xa] =	wrdreg s26  }
0xb: {  	s31 =	simm.s32 $0x1;
	s0 =	sand.u32 $0x1, s0;
	[dreg:$0xe] =	wrdreg s12  }
0xc: {  	s4 =	sshll.u32 s7, $0x1;
	s7 =	smul.u32 $0x26C00, s7;
	[dreg:$0xf] =	wrdreg s13  }
0xd: {  	s8 =	sadd.s32 $0x56000, s1;
	s5 =	sor.u32 s0, s4;
	[dreg:$0x10] =	wrdreg s14  }
0xe: {  	s4 =	sadd.s32 $0x7E00, s1;
	s9 =	smul.u32 $0x13600, s0;
	[dreg:$0x11] =	wrdreg s15  }
0xf: {  	s0 =	ssub.s32 $0x2, s0;
	s14 =	simm.s32 $0x1400;
	[dreg:$0x12] =	wrdreg s16  }
0x10: {  	s15 =	simm.s32 $0x1C00;
	s16 =	simm.s32 $0x2400;
	[dreg:$0x13] =	wrdreg s17  }
0x11: {  	s17 =	simm.s32 $0x2C00;
	s19 =	simm.s32 $0x9400;
	s20 =	simm.s32 $0x9C00  }
0x12: {  	s21 =	simm.s32 $0xA400;
	s22 =	simm.s32 $0xAC00;
	s24 =	simm.s32 $0x13C00  }
0x13: {  	s26 =	simm.s32 $0x14C00;
	s13 =	simm.s32 $0x4;
	[dreg:$0x15] =	wrdreg s19  }
0x14: {  	s6 =	smul.u32 $0x9B0, s5;
	s10 =	sadd.s32 s7, s8;
	[dreg:$0x16] =	wrdreg s20  }
0x15: {  	s11 =	sshrl.u32 s0, $0x1;
	s5 =	smul.u32 $0x9B000, s5;
	[dreg:$0x17] =	wrdreg s21  }
0x16: {  	s19 =	simm.s32 $0xB400;
	s20 =	simm.s32 $0xBC00;
	[dreg:$0x18] =	wrdreg s22  }
0x17: {  	s21 =	simm.s32 $0xC400;
	s22 =	simm.s32 $0xCC00;
	[dreg:$0x1a] =	wrdreg s24  }
0x18: {  	s24 =	simm.s32 $0x3C00;
	[dreg:$0x1c] =	wrdreg s26;
	s26 =	simm.s32 $0x6400  }
0x19: {  	s10 =	sadd.s32 s9, s10;
	s0 =	ssub.s32 s0, s11;
	s11 =	simm.s32 $0x6C00  }
0x1a: {  	s6 =	sshrl.u32 s6, $0x3;
	[dreg:$0x3] =	wrdreg s10;
	s5 =	sshrl.u32 s5, $0x3  }
0x1b: {  	[dreg:$0xd] =	wrdreg s11;
	s0 =	smax.u32 s0, $0x1;
	s6 =	sadd.s32 s6, s1  }
0x1c: {  	s1 =	sadd.s32 $0x2C2000, s1;
	[smem:$0x7FD] =	sst s0;
	s18 =	sadd.s32 $0x5600, s6  }
0x1d: {  	s23 =	sadd.s32 $0x12C00, s5;
	s6 =	sadd.s32 $0x2E00, s6;
	[dreg:$0x1d] =	wrdreg s18  }
0x1e: {  	s5 =	sadd.s32 $0x13100, s5;
	s25 =	sadd.s32 s8, s23;
	[dreg:$0x1e] =	wrdreg s6  }
0x1f: {  	s7 =	sadd.s32 s7, s1;
	s10 =	sadd.s32 s8, s5;
	[dreg:$0x1f] =	wrdreg s25  }
0x20: {  	s0 =	simm.s32 $0x3;
	s7 =	sadd.s32 s9, s7;
	[smem:$0x7FB] =	sst s10  }
0x21: {  	s8 =	simm.s32 $0x8;
	s9 =	simm.s32 $0xFC00;
	[dreg:$0x4] =	wrdreg s7  }
0x22: {  	s18 =	simm.s32 $0x12400;
	s25 =	simm.s32 $0x14400;
	[dreg:$0xc] =	wrdreg s9  }
0x23: {  	s6 =	simm.s32 $0x6;
	s10 =	simm.s32 $0x0;
	[dreg:$0x14] =	wrdreg s18  }
0x24: {  	s7 =	sadd.s32 s1, s23;
	s1 =	sadd.s32 s1, s5;
	[dreg:$0x1b] =	wrdreg s25  }
0x25: {  	s18 =	simm.s32 $0x3400;
	s23 =	simm.s32 $0x13400;
	[smem:$0x7FA] =	sst s7  }
0x26: {  	v2 =	vlaneseq.u32;
	s25 =	simm.s32 $0xDC00;
	s5 =	simm.s32 $0x5;
	[smem:$0x7FC] =	sst s1  }
0x27: {  	vm0 =	vmmov $0xffff;
	v1 =	vshrl.u32 v2, $0x3;
	s7 =	simm.s32 $0xF400;
	[dreg:$0x19] =	wrdreg s23;
	s23 =	simm.s32 $0xD400  }
0x28: {  	v0 =	vand.u32 $0x7, v2;
	v2 =	vor.u32 $0x8, v2;
	v1 =	vmul.u32 $0x8, v1;
	s1 =	simm.s32 $0x2;
	[dreg:$0xb] =	wrdreg s7;
	s7 =	simm.s32 $0x7  }
.LBB2_1:
0x29: {  	[smem:$0x7F9] =	sst s10  }
0x2a: {  	s9 =	rddreg [dreg:$0x1d];
	s10 =	simm.s32 $0x9  }
0x2b: {  	[tilespmem:s3], [sflag:$0x9] =	stream.linear.gather [hbm4b:s9+s3], $0x9B0, $0x38;
	[tilespmem:$0x15400] =	vst v63  }
0x2c: {  	_ =	swait.ge [sflag:s10], $0x9B0  }
0x2d: {  	[sflag:s10] =	ssyncset.done $0x0  }
0x2e: {  	s11 =	simm.s32 $0xA00;
	s12 =	rddreg [dreg:$0x1e];
	[sflag:s10] =	ssyncadd.s32 $0xFFFFF650  }
0x2f: {  	[tilespmem:s11], [sflag:$0x9] =	stream.linear.gather [hbm4b:s12+s3], $0x9B0, $0x38;
	[tilespmem:$0x15400] =	vst v63  }
0x30: {  	_ =	swait.ge [sflag:s10], $0x9B0  }
0x31: {  	s11 =	simm.s32 $0x50;
	[sflag:s10] =	ssyncset.done $0x0  }
0x32: {  	s12 =	simm.s32 $0x0;
	[sflag:s10] =	ssyncadd.s32 $0xFFFFF650;
	s10 =	simm.s32 $0xA50  }
.LBB2_2:
0x33: {  	v3 =	vld [tilespmem:s11+$0xFFFFFFB0];
	_ =	sdelay $0x4  }
0x34: {  	v4 =	vshll.u32 v3, $0x1  }
0x35: {  	v3 =	vand.u32 $0x7, v3;
	v4 =	vand.u32 $0xFFFFFFF0, v4  }
0x36: {  	v3 =	vor.u32 v3, v4  }
0x37: {  	v4 =	vperm.xlane v3, v0;
	_ =	sdelay $0x1  }
0x38: {  	v3 =	vperm.xlane v3, v2;
	v4 =	vadd.s32 v1, v4;
	_ =	sdelay $0x1  }
0x39: {  	v3 =	vadd.s32 v1, v3;
	_ =	sdelay $0x2  }
0x3a: {  	[tilespmem:s14], [sflag:$0x1] =	stream.indirect_vreg.gather [hbm4b:s2+s3], $0x80, v4, vm0, $0xb8;
	[tilespmem:$0x15400] =	vst v63  }
0x3b: {  	_ = 	snop  }
0x3c: {  	[tilespmem:s15], [sflag:$0x1] =	stream.indirect_vreg.gather [hbm4b:s2+s3], $0x80, v3, vm0, $0xb8;
	[tilespmem:$0x15400] =	vst v63  }
0x3d: {  	v3 =	vld [tilespmem:s11+$0xFFFFFFC0];
	_ =	sdelay $0x4  }
0x3e: {  	v41 =	vshll.u32 v3, $0x1  }
0x3f: {  	v3 =	vand.u32 $0x7, v3;
	v4 =	vand.u32 $0xFFFFFFF0, v41  }
0x40: {  	v3 =	vor.u32 v3, v4  }
0x41: {  	v4 =	vperm.xlane v3, v0;
	_ =	sdelay $0x1  }
0x42: {  	v3 =	vperm.xlane v3, v2;
	v4 =	vadd.s32 v1, v4;
	_ =	sdelay $0x1  }
0x43: {  	v3 =	vadd.s32 v1, v3;
	_ =	sdelay $0x2  }
0x44: {  	[tilespmem:s16], [sflag:$0x1] =	stream.indirect_vreg.gather [hbm4b:s2+s3], $0x80, v4, vm0, $0xb8;
	[tilespmem:$0x15400] =	vst v63  }
0x45: {  	_ = 	snop  }
0x46: {  	[tilespmem:s17], [sflag:$0x1] =	stream.indirect_vreg.gather [hbm4b:s2+s3], $0x80, v3, vm0, $0xb8;
	[tilespmem:$0x15400] =	vst v63  }
0x47: {  	v3 =	vld.msk [tilespmem:s11+$0xFFFFFFD0], $0xff;
	_ =	sdelay $0x4  }
0x48: {  	v42 =	vshll.u32 v3, $0x1  }
0x49: {  	v3 =	vand.u32 $0x7, v3;
	v4 =	vand.u32 $0xFFFFFFF0, v42  }
0x4a: {  	v3 =	vor.u32 v3, v4  }
0x4b: {  	v3 =	vperm.xlane v3, v0;
	_ =	sdelay $0x1  }
0x4c: {  	v3 =	vadd.s32 v1, v3;
	_ =	sdelay $0x4  }
0x4d: {  	[tilespmem:s18], [sflag:$0x1] =	stream.indirect_vreg.gather [hbm4b:s2+s3], $0x80, v3, vm0, $0xb8;
	[tilespmem:$0x15400] =	vst v63  }
0x4e: {  	v3 =	vld [tilespmem:s10+$0xFFFFFFB0];
	_ =	sdelay $0x4  }
0x4f: {  	v43 =	vshll.u32 v3, $0x1  }
0x50: {  	v3 =	vand.u32 $0x7, v3;
	v4 =	vand.u32 $0xFFFFFFF0, v43  }
0x51: {  	v3 =	vor.u32 v3, v4  }
0x52: {  	v4 =	vperm.xlane v3, v0;
	_ =	sdelay $0x1  }
0x53: {  	v3 =	vperm.xlane v3, v2;
	v4 =	vadd.s32 v1, v4;
	_ =	sdelay $0x1  }
0x54: {  	v3 =	vadd.s32 v1, v3;
	_ =	sdelay $0x2  }
0x55: {  	[tilespmem:s19], [sflag:$0x1] =	stream.indirect_vreg.gather [hbm4b:s4+s3], $0x80, v4, vm0, $0xb8;
	[tilespmem:$0x15400] =	vst v63  }
0x56: {  	_ = 	snop  }
0x57: {  	[tilespmem:s20], [sflag:$0x1] =	stream.indirect_vreg.gather [hbm4b:s4+s3], $0x80, v3, vm0, $0xb8;
	[tilespmem:$0x15400] =	vst v63  }
0x58: {  	v3 =	vld [tilespmem:s10+$0xFFFFFFC0];
	_ =	sdelay $0x4  }
0x59: {  	v44 =	vshll.u32 v3, $0x1  }
0x5a: {  	v3 =	vand.u32 $0x7, v3;
	v4 =	vand.u32 $0xFFFFFFF0, v44  }
0x5b: {  	v3 =	vor.u32 v3, v4  }
0x5c: {  	v4 =	vperm.xlane v3, v0;
	_ =	sdelay $0x1  }
0x5d: {  	v3 =	vperm.xlane v3, v2;
	v4 =	vadd.s32 v1, v4;
	_ =	sdelay $0x1  }
0x5e: {  	v3 =	vadd.s32 v1, v3;
	_ =	sdelay $0x2  }
0x5f: {  	[tilespmem:s21], [sflag:$0x1] =	stream.indirect_vreg.gather [hbm4b:s4+s3], $0x80, v4, vm0, $0xb8;
	[tilespmem:$0x15400] =	vst v63  }
0x60: {  	_ = 	snop  }
0x61: {  	[tilespmem:s22], [sflag:$0x1] =	stream.indirect_vreg.gather [hbm4b:s4+s3], $0x80, v3, vm0, $0xb8;
	[tilespmem:$0x15400] =	vst v63  }
0x62: {  	v3 =	vld.msk [tilespmem:s10+$0xFFFFFFD0], $0xff;
	_ =	sdelay $0x4  }
0x63: {  	v45 =	vshll.u32 v3, $0x1  }
0x64: {  	v3 =	vand.u32 $0x7, v3;
	v4 =	vand.u32 $0xFFFFFFF0, v45  }
0x65: {  	v3 =	vor.u32 v3, v4  }
0x66: {  	v3 =	vperm.xlane v3, v0;
	_ =	sdelay $0x1  }
0x67: {  	v3 =	vadd.s32 v1, v3;
	_ =	sdelay $0x4  }
0x68: {  	[tilespmem:s23], [sflag:$0x1] =	stream.indirect_vreg.gather [hbm4b:s4+s3], $0x80, v3, vm0, $0xb8;
	[tilespmem:$0x15400] =	vst v63  }
0x69: {  	v3 =	vld [tilespmem:s11+$0xFFFFFFD8];
	_ =	sdelay $0x4  }
0x6a: {  	v46 =	vshll.u32 v3, $0x1  }
0x6b: {  	v3 =	vand.u32 $0x7, v3;
	v4 =	vand.u32 $0xFFFFFFF0, v46  }
0x6c: {  	v3 =	vor.u32 v3, v4  }
0x6d: {  	v4 =	vperm.xlane v3, v0;
	_ =	sdelay $0x1  }
0x6e: {  	v3 =	vperm.xlane v3, v2;
	v4 =	vadd.s32 v1, v4;
	_ =	sdelay $0x1  }
0x6f: {  	v3 =	vadd.s32 v1, v3;
	_ =	sdelay $0x2  }
0x70: {  	[tilespmem:s24], [sflag:$0x2] =	stream.indirect_vreg.gather [hbm4b:s2+s3], $0x80, v4, vm0, $0xb8;
	[tilespmem:$0x15400] =	vst v63  }
0x71: {  	s9 =	rddreg [dreg:$0x5]  }
0x72: {  	[tilespmem:s9], [sflag:$0x2] =	stream.indirect_vreg.gather [hbm4b:s2+s3], $0x80, v3, vm0, $0xb8;
	[tilespmem:$0x15400] =	vst v63  }
0x73: {  	v3 =	vld [tilespmem:s11+$0xFFFFFFE8];
	_ =	sdelay $0x4  }
0x74: {  	v47 =	vshll.u32 v3, $0x1  }
0x75: {  	v3 =	vand.u32 $0x7, v3;
	v4 =	vand.u32 $0xFFFFFFF0, v47  }
0x76: {  	v3 =	vor.u32 v3, v4  }
0x77: {  	v4 =	vperm.xlane v3, v0;
	_ =	sdelay $0x1  }
0x78: {  	v3 =	vperm.xlane v3, v2;
	v4 =	vadd.s32 v1, v4;
	_ =	sdelay $0x1  }
0x79: {  	v3 =	vadd.s32 v1, v3;
	_ =	sdelay $0x1  }
0x7a: {  	s15 =	rddreg [dreg:$0x6]  }
0x7b: {  	[tilespmem:s15], [sflag:$0x2] =	stream.indirect_vreg.gather [hbm4b:s2+s3], $0x80, v4, vm0, $0xb8;
	[tilespmem:$0x15400] =	vst v63  }
0x7c: {  	s16 =	rddreg [dreg:$0x7]  }
0x7d: {  	[tilespmem:s16], [sflag:$0x2] =	stream.indirect_vreg.gather [hbm4b:s2+s3], $0x80, v3, vm0, $0xb8;
	[tilespmem:$0x15400] =	vst v63  }
0x7e: {  	v3 =	vld.msk [tilespmem:s11+$0xFFFFFFF8], $0xff;
	_ =	sdelay $0x4  }
0x7f: {  	v48 =	vshll.u32 v3, $0x1  }
0x80: {  	v3 =	vand.u32 $0x7, v3;
	v4 =	vand.u32 $0xFFFFFFF0, v48  }
0x81: {  	v3 =	vor.u32 v3, v4  }
0x82: {  	v3 =	vperm.xlane v3, v0;
	_ =	sdelay $0x1  }
0x83: {  	v3 =	vadd.s32 v1, v3;
	_ =	sdelay $0x3  }
0x84: {  	s15 =	rddreg [dreg:$0x8]  }
0x85: {  	[tilespmem:s15], [sflag:$0x2] =	stream.indirect_vreg.gather [hbm4b:s2+s3], $0x80, v3, vm0, $0xb8;
	[tilespmem:$0x15400] =	vst v63  }
0x86: {  	v3 =	vld [tilespmem:s10+$0xFFFFFFD8];
	_ =	sdelay $0x4  }
0x87: {  	v49 =	vshll.u32 v3, $0x1  }
0x88: {  	v3 =	vand.u32 $0x7, v3;
	v4 =	vand.u32 $0xFFFFFFF0, v49  }
0x89: {  	v3 =	vor.u32 v3, v4  }
0x8a: {  	v4 =	vperm.xlane v3, v0;
	_ =	sdelay $0x1  }
0x8b: {  	v3 =	vperm.xlane v3, v2;
	v4 =	vadd.s32 v1, v4;
	_ =	sdelay $0x1  }
0x8c: {  	v3 =	vadd.s32 v1, v3;
	_ =	sdelay $0x2  }
0x8d: {  	[tilespmem:s25], [sflag:$0x2] =	stream.indirect_vreg.gather [hbm4b:s4+s3], $0x80, v4, vm0, $0xb8;
	[tilespmem:$0x15400] =	vst v63  }
0x8e: {  	s16 =	rddreg [dreg:$0x9]  }
0x8f: {  	[tilespmem:s16], [sflag:$0x2] =	stream.indirect_vreg.gather [hbm4b:s4+s3], $0x80, v3, vm0, $0xb8;
	[tilespmem:$0x15400] =	vst v63  }
0x90: {  	v3 =	vld [tilespmem:s10+$0xFFFFFFE8];
	_ =	sdelay $0x4  }
0x91: {  	v50 =	vshll.u32 v3, $0x1  }
0x92: {  	v3 =	vand.u32 $0x7, v3;
	v4 =	vand.u32 $0xFFFFFFF0, v50  }
0x93: {  	v3 =	vor.u32 v3, v4  }
0x94: {  	v4 =	vperm.xlane v3, v0;
	_ =	sdelay $0x1  }
0x95: {  	v3 =	vperm.xlane v3, v2;
	v4 =	vadd.s32 v1, v4;
	_ =	sdelay $0x1  }
0x96: {  	v3 =	vadd.s32 v1, v3;
	_ =	sdelay $0x1  }
0x97: {  	s15 =	rddreg [dreg:$0xa]  }
0x98: {  	[tilespmem:s15], [sflag:$0x2] =	stream.indirect_vreg.gather [hbm4b:s4+s3], $0x80, v4, vm0, $0xb8;
	[tilespmem:$0x15400] =	vst v63  }
0x99: {  	s16 =	rddreg [dreg:$0xb]  }
0x9a: {  	[tilespmem:s16], [sflag:$0x2] =	stream.indirect_vreg.gather [hbm4b:s4+s3], $0x80, v3, vm0, $0xb8;
	[tilespmem:$0x15400] =	vst v63  }
0x9b: {  	v3 =	vld.msk [tilespmem:s10+$0xFFFFFFF8], $0xff;
	_ =	sdelay $0x4  }
0x9c: {  	v51 =	vshll.u32 v3, $0x1  }
0x9d: {  	v3 =	vand.u32 $0x7, v3;
	v4 =	vand.u32 $0xFFFFFFF0, v51  }
0x9e: {  	v3 =	vor.u32 v3, v4  }
0x9f: {  	v3 =	vperm.xlane v3, v0;
	_ =	sdelay $0x1  }
0xa0: {  	v3 =	vadd.s32 v1, v3;
	_ =	sdelay $0x3  }
0xa1: {  	s15 =	rddreg [dreg:$0xc]  }
0xa2: {  	[tilespmem:s15], [sflag:$0x2] =	stream.indirect_vreg.gather [hbm4b:s4+s3], $0x80, v3, vm0, $0xb8;
	[tilespmem:$0x15400] =	vst v63  }
0xa3: {  	v3 =	vld [tilespmem:s11+$0x0];
	_ =	sdelay $0x4  }
0xa4: {  	v52 =	vshll.u32 v3, $0x1  }
0xa5: {  	v3 =	vand.u32 $0x7, v3;
	v4 =	vand.u32 $0xFFFFFFF0, v52  }
0xa6: {  	v3 =	vor.u32 v3, v4  }
0xa7: {  	v4 =	vperm.xlane v3, v0;
	_ =	sdelay $0x1  }
0xa8: {  	v3 =	vperm.xlane v3, v2;
	v4 =	vadd.s32 v1, v4;
	_ =	sdelay $0x1  }
0xa9: {  	v3 =	vadd.s32 v1, v3;
	_ =	sdelay $0x2  }
0xaa: {  	[tilespmem:s26], [sflag:$0x3] =	stream.indirect_vreg.gather [hbm4b:s2+s3], $0x80, v4, vm0, $0xb8;
	[tilespmem:$0x15400] =	vst v63  }
0xab: {  	s16 =	rddreg [dreg:$0xd]  }
0xac: {  	[tilespmem:s16], [sflag:$0x3] =	stream.indirect_vreg.gather [hbm4b:s2+s3], $0x80, v3, vm0, $0xb8;
	[tilespmem:$0x15400] =	vst v63  }
0xad: {  	v3 =	vld [tilespmem:s11+$0x10];
	_ =	sdelay $0x4  }
0xae: {  	v53 =	vshll.u32 v3, $0x1  }
0xaf: {  	v3 =	vand.u32 $0x7, v3;
	v4 =	vand.u32 $0xFFFFFFF0, v53  }
0xb0: {  	v3 =	vor.u32 v3, v4  }
0xb1: {  	v4 =	vperm.xlane v3, v0;
	_ =	sdelay $0x1  }
0xb2: {  	v3 =	vperm.xlane v3, v2;
	v4 =	vadd.s32 v1, v4;
	_ =	sdelay $0x1  }
0xb3: {  	v3 =	vadd.s32 v1, v3;
	_ =	sdelay $0x1  }
0xb4: {  	s15 =	rddreg [dreg:$0xe]  }
0xb5: {  	[tilespmem:s15], [sflag:$0x3] =	stream.indirect_vreg.gather [hbm4b:s2+s3], $0x80, v4, vm0, $0xb8;
	[tilespmem:$0x15400] =	vst v63  }
0xb6: {  	s16 =	rddreg [dreg:$0xf]  }
0xb7: {  	[tilespmem:s16], [sflag:$0x3] =	stream.indirect_vreg.gather [hbm4b:s2+s3], $0x80, v3, vm0, $0xb8;
	[tilespmem:$0x15400] =	vst v63  }
0xb8: {  	v3 =	vld.msk [tilespmem:s11+$0x20], $0xff;
	_ =	sdelay $0x4  }
0xb9: {  	v54 =	vshll.u32 v3, $0x1  }
0xba: {  	v3 =	vand.u32 $0x7, v3;
	v4 =	vand.u32 $0xFFFFFFF0, v54  }
0xbb: {  	v3 =	vor.u32 v3, v4  }
0xbc: {  	v3 =	vperm.xlane v3, v0;
	_ =	sdelay $0x1  }
0xbd: {  	v3 =	vadd.s32 v1, v3;
	_ =	sdelay $0x3  }
0xbe: {  	s15 =	rddreg [dreg:$0x10]  }
0xbf: {  	[tilespmem:s15], [sflag:$0x3] =	stream.indirect_vreg.gather [hbm4b:s2+s3], $0x80, v3, vm0, $0xb8;
	[tilespmem:$0x15400] =	vst v63  }
0xc0: {  	v3 =	vld [tilespmem:s10+$0x0];
	_ =	sdelay $0x4  }
0xc1: {  	v55 =	vshll.u32 v3, $0x1  }
0xc2: {  	v3 =	vand.u32 $0x7, v3;
	v4 =	vand.u32 $0xFFFFFFF0, v55  }
0xc3: {  	v3 =	vor.u32 v3, v4  }
0xc4: {  	v4 =	vperm.xlane v3, v0;
	_ =	sdelay $0x1  }
0xc5: {  	v3 =	vperm.xlane v3, v2;
	v4 =	vadd.s32 v1, v4;
	_ =	sdelay $0x1  }
0xc6: {  	v3 =	vadd.s32 v1, v3;
	_ =	sdelay $0x2  }
0xc7: {  	[tilespmem:s28], [sflag:$0x3] =	stream.indirect_vreg.gather [hbm4b:s4+s3], $0x80, v4, vm0, $0xb8;
	[tilespmem:$0x15400] =	vst v63  }
0xc8: {  	s16 =	rddreg [dreg:$0x11]  }
0xc9: {  	[tilespmem:s16], [sflag:$0x3] =	stream.indirect_vreg.gather [hbm4b:s4+s3], $0x80, v3, vm0, $0xb8;
	[tilespmem:$0x15400] =	vst v63  }
0xca: {  	v3 =	vld [tilespmem:s10+$0x10];
	_ =	sdelay $0x4  }
0xcb: {  	v56 =	vshll.u32 v3, $0x1  }
0xcc: {  	v3 =	vand.u32 $0x7, v3;
	v4 =	vand.u32 $0xFFFFFFF0, v56  }
0xcd: {  	v3 =	vor.u32 v3, v4  }
0xce: {  	v4 =	vperm.xlane v3, v0;
	_ =	sdelay $0x1  }
0xcf: {  	v3 =	vperm.xlane v3, v2;
	v4 =	vadd.s32 v1, v4;
	_ =	sdelay $0x1  }
0xd0: {  	v3 =	vadd.s32 v1, v3;
	_ =	sdelay $0x1  }
0xd1: {  	s15 =	rddreg [dreg:$0x12]  }
0xd2: {  	[tilespmem:s15], [sflag:$0x3] =	stream.indirect_vreg.gather [hbm4b:s4+s3], $0x80, v4, vm0, $0xb8;
	[tilespmem:$0x15400] =	vst v63  }
0xd3: {  	s16 =	rddreg [dreg:$0x13]  }
0xd4: {  	[tilespmem:s16], [sflag:$0x3] =	stream.indirect_vreg.gather [hbm4b:s4+s3], $0x80, v3, vm0, $0xb8;
	[tilespmem:$0x15400] =	vst v63  }
0xd5: {  	v3 =	vld.msk [tilespmem:s10+$0x20], $0xff;
	_ =	sdelay $0x4  }
0xd6: {  	v57 =	vshll.u32 v3, $0x1  }
0xd7: {  	v3 =	vand.u32 $0x7, v3;
	v4 =	vand.u32 $0xFFFFFFF0, v57  }
0xd8: {  	v3 =	vor.u32 v3, v4  }
0xd9: {  	v3 =	vperm.xlane v3, v0;
	_ =	sdelay $0x1  }
0xda: {  	v3 =	vadd.s32 v1, v3;
	_ =	sdelay $0x3  }
0xdb: {  	s15 =	rddreg [dreg:$0x14]  }
0xdc: {  	[tilespmem:s15], [sflag:$0x3] =	stream.indirect_vreg.gather [hbm4b:s4+s3], $0x80, v3, vm0, $0xb8;
	[tilespmem:$0x15400] =	vst v63  }
0xdd: {  	v3 =	vld [tilespmem:s11+$0x28];
	_ =	sdelay $0x4  }
0xde: {  	v58 =	vshll.u32 v3, $0x1  }
0xdf: {  	v3 =	vand.u32 $0x7, v3;
	v4 =	vand.u32 $0xFFFFFFF0, v58  }
0xe0: {  	v3 =	vor.u32 v3, v4  }
0xe1: {  	v4 =	vperm.xlane v3, v0;
	_ =	sdelay $0x1  }
0xe2: {  	v3 =	vperm.xlane v3, v2;
	v4 =	vadd.s32 v1, v4;
	_ =	sdelay $0x1  }
0xe3: {  	v3 =	vadd.s32 v1, v3;
	_ =	sdelay $0x2  }
0xe4: {  	[tilespmem:s29], [sflag:$0x4] =	stream.indirect_vreg.gather [hbm4b:s2+s3], $0x80, v4, vm0, $0xb8;
	[tilespmem:$0x15400] =	vst v63  }
0xe5: {  	s16 =	rddreg [dreg:$0x15]  }
0xe6: {  	[tilespmem:s16], [sflag:$0x4] =	stream.indirect_vreg.gather [hbm4b:s2+s3], $0x80, v3, vm0, $0xb8;
	[tilespmem:$0x15400] =	vst v63  }
0xe7: {  	v3 =	vld [tilespmem:s11+$0x38];
	_ =	sdelay $0x4  }
0xe8: {  	v59 =	vshll.u32 v3, $0x1  }
0xe9: {  	v3 =	vand.u32 $0x7, v3;
	v4 =	vand.u32 $0xFFFFFFF0, v59  }
0xea: {  	v3 =	vor.u32 v3, v4  }
0xeb: {  	v4 =	vperm.xlane v3, v0;
	_ =	sdelay $0x1  }
0xec: {  	v3 =	vperm.xlane v3, v2;
	v4 =	vadd.s32 v1, v4;
	_ =	sdelay $0x1  }
0xed: {  	v3 =	vadd.s32 v1, v3;
	_ =	sdelay $0x1  }
0xee: {  	s15 =	rddreg [dreg:$0x16]  }
0xef: {  	[tilespmem:s15], [sflag:$0x4] =	stream.indirect_vreg.gather [hbm4b:s2+s3], $0x80, v4, vm0, $0xb8;
	[tilespmem:$0x15400] =	vst v63  }
0xf0: {  	s16 =	rddreg [dreg:$0x17]  }
0xf1: {  	[tilespmem:s16], [sflag:$0x4] =	stream.indirect_vreg.gather [hbm4b:s2+s3], $0x80, v3, vm0, $0xb8;
	[tilespmem:$0x15400] =	vst v63  }
0xf2: {  	v3 =	vld.msk [tilespmem:s11+$0x48], $0xff;
	_ =	sdelay $0x4  }
0xf3: {  	v60 =	vshll.u32 v3, $0x1  }
0xf4: {  	v3 =	vand.u32 $0x7, v3;
	v4 =	vand.u32 $0xFFFFFFF0, v60  }
0xf5: {  	v3 =	vor.u32 v3, v4  }
0xf6: {  	v3 =	vperm.xlane v3, v0;
	_ =	sdelay $0x1  }
0xf7: {  	v3 =	vadd.s32 v1, v3;
	_ =	sdelay $0x3  }
0xf8: {  	s15 =	rddreg [dreg:$0x18]  }
0xf9: {  	[tilespmem:s15], [sflag:$0x4] =	stream.indirect_vreg.gather [hbm4b:s2+s3], $0x80, v3, vm0, $0xb8;
	[tilespmem:$0x15400] =	vst v63  }
0xfa: {  	v3 =	vld [tilespmem:s10+$0x28];
	_ =	sdelay $0x4  }
0xfb: {  	v61 =	vshll.u32 v3, $0x1  }
0xfc: {  	v3 =	vand.u32 $0x7, v3;
	v4 =	vand.u32 $0xFFFFFFF0, v61  }
0xfd: {  	v3 =	vor.u32 v3, v4  }
0xfe: {  	v4 =	vperm.xlane v3, v0;
	_ =	sdelay $0x1  }
0xff: {  	v3 =	vperm.xlane v3, v2;
	v4 =	vadd.s32 v1, v4;
	_ =	sdelay $0x1  }
0x100: {  	v3 =	vadd.s32 v1, v3;
	_ =	sdelay $0x2  }
0x101: {  	[tilespmem:s30], [sflag:$0x4] =	stream.indirect_vreg.gather [hbm4b:s4+s3], $0x80, v4, vm0, $0xb8;
	[tilespmem:$0x15400] =	vst v63  }
0x102: {  	s16 =	rddreg [dreg:$0x19]  }
0x103: {  	[tilespmem:s16], [sflag:$0x4] =	stream.indirect_vreg.gather [hbm4b:s4+s3], $0x80, v3, vm0, $0xb8;
	[tilespmem:$0x15400] =	vst v63  }
0x104: {  	v3 =	vld [tilespmem:s10+$0x38];
	_ =	sdelay $0x4  }
0x105: {  	v62 =	vshll.u32 v3, $0x1  }
0x106: {  	v3 =	vand.u32 $0x7, v3;
	v4 =	vand.u32 $0xFFFFFFF0, v62  }
0x107: {  	v3 =	vor.u32 v3, v4  }
0x108: {  	v4 =	vperm.xlane v3, v0;
	_ =	sdelay $0x1  }
0x109: {  	v3 =	vperm.xlane v3, v2;
	v4 =	vadd.s32 v1, v4;
	_ =	sdelay $0x1  }
0x10a: {  	v3 =	vadd.s32 v1, v3;
	_ =	sdelay $0x1  }
0x10b: {  	s15 =	rddreg [dreg:$0x1a]  }
0x10c: {  	[tilespmem:s15], [sflag:$0x4] =	stream.indirect_vreg.gather [hbm4b:s4+s3], $0x80, v4, vm0, $0xb8;
	[tilespmem:$0x15400] =	vst v63  }
0x10d: {  	s16 =	rddreg [dreg:$0x1b]  }
0x10e: {  	[tilespmem:s16], [sflag:$0x4] =	stream.indirect_vreg.gather [hbm4b:s4+s3], $0x80, v3, vm0, $0xb8;
	[tilespmem:$0x15400] =	vst v63  }
0x10f: {  	v3 =	vld.msk [tilespmem:s10+$0x48], $0xff;
	_ =	sdelay $0x4  }
0x110: {  	v63 =	vshll.u32 v3, $0x1  }
0x111: {  	v3 =	vand.u32 $0x7, v3;
	v4 =	vand.u32 $0xFFFFFFF0, v63  }
0x112: {  	v3 =	vor.u32 v3, v4  }
0x113: {  	v3 =	vperm.xlane v3, v0;
	_ =	sdelay $0x1  }
0x114: {  	v3 =	vadd.s32 v1, v3;
	_ =	sdelay $0x3  }
0x115: {  	s16 =	rddreg [dreg:$0x1c]  }
0x116: {  	[tilespmem:s16], [sflag:$0x4] =	stream.indirect_vreg.gather [hbm4b:s4+s3], $0x80, v3, vm0, $0xb8;
	[tilespmem:$0x15400] =	vst v63  }
0x117: {  	_ =	swait.ge [sflag:s31], $0x2800  }
0x118: {  	[sflag:s31] =	ssyncset.done $0x0  }
0x119: {  	[sflag:s31] =	ssyncadd.s32 $0xFFFFD800  }
0x11a: {  	_ =	swait.ge [sflag:s31], $0x2800  }
0x11b: {  	s15 =	rddreg [dreg:$0x3];
	[sflag:s31] =	ssyncset.done $0x0  }
0x11c: {  	s16 =	rddreg [dreg:$0x4];
	[sflag:s31] =	ssyncadd.s32 $0xFFFFD800;
	s9 =	sadd.s32 s12, s15  }
0x11d: {  	[hbm4b:s9+s3] =	stream.linear.scatter [tilespmem:s14], [sflag:$0x5], $0x2800, $0x38;
	[tilespmem:$0x15400] =	vst v63  }
0x11e: {  	s15 =	sadd.s32 s12, s16  }
0x11f: {  	[hbm4b:s15+s3] =	stream.linear.scatter [tilespmem:s19], [sflag:$0x5], $0x2800, $0x38;
	[tilespmem:$0x15400] =	vst v63  }
0x120: {  	_ =	swait.ge [sflag:s1], $0x2800  }
0x121: {  	[sflag:s1] =	ssyncset.done $0x0  }
0x122: {  	[sflag:s1] =	ssyncadd.s32 $0xFFFFD800  }
0x123: {  	_ =	swait.ge [sflag:s1], $0x2800  }
0x124: {  	[sflag:s1] =	ssyncset.done $0x0  }
0x125: {  	s16 =	sadd.s32 $0x500, s9;
	[sflag:s1] =	ssyncadd.s32 $0xFFFFD800  }
0x126: {  	[hbm4b:s16+s3] =	stream.linear.scatter [tilespmem:s24], [sflag:$0x6], $0x2800, $0x38;
	[tilespmem:$0x15400] =	vst v63  }
0x127: {  	s16 =	sadd.s32 $0x500, s15  }
0x128: {  	[hbm4b:s16+s3] =	stream.linear.scatter [tilespmem:s25], [sflag:$0x6], $0x2800, $0x38;
	[tilespmem:$0x15400] =	vst v63  }
0x129: {  	_ =	swait.ge [sflag:s0], $0x2800  }
0x12a: {  	[sflag:s0] =	ssyncset.done $0x0  }
0x12b: {  	[sflag:s0] =	ssyncadd.s32 $0xFFFFD800  }
0x12c: {  	_ =	swait.ge [sflag:s0], $0x2800  }
0x12d: {  	[sflag:s0] =	ssyncset.done $0x0  }
0x12e: {  	s16 =	sadd.s32 $0xA00, s9;
	[sflag:s0] =	ssyncadd.s32 $0xFFFFD800  }
0x12f: {  	[hbm4b:s16+s3] =	stream.linear.scatter [tilespmem:s26], [sflag:$0x7], $0x2800, $0x38;
	[tilespmem:$0x15400] =	vst v63  }
0x130: {  	s16 =	sadd.s32 $0xA00, s15  }
0x131: {  	[hbm4b:s16+s3] =	stream.linear.scatter [tilespmem:s28], [sflag:$0x7], $0x2800, $0x38;
	[tilespmem:$0x15400] =	vst v63  }
0x132: {  	_ =	swait.ge [sflag:s13], $0x2800  }
0x133: {  	[sflag:s13] =	ssyncset.done $0x0  }
0x134: {  	[sflag:s13] =	ssyncadd.s32 $0xFFFFD800  }
0x135: {  	_ =	swait.ge [sflag:s13], $0x2800  }
0x136: {  	[sflag:s13] =	ssyncset.done $0x0  }
0x137: {  	s9 =	sadd.s32 $0xF00, s9;
	[sflag:s13] =	ssyncadd.s32 $0xFFFFD800  }
0x138: {  	[hbm4b:s9+s3] =	stream.linear.scatter [tilespmem:s29], [sflag:$0x8], $0x2800, $0x38;
	[tilespmem:$0x15400] =	vst v63  }
0x139: {  	s9 =	sadd.s32 $0xF00, s15  }
0x13a: {  	[hbm4b:s9+s3] =	stream.linear.scatter [tilespmem:s30], [sflag:$0x8], $0x2800, $0x38;
	[tilespmem:$0x15400] =	vst v63  }
0x13b: {  	_ =	swait.ge [sflag:s5], $0x2800  }
0x13c: {  	[sflag:s5] =	ssyncset.done $0x0  }
0x13d: {  	[sflag:s5] =	ssyncadd.s32 $0xFFFFD800  }
0x13e: {  	_ =	swait.ge [sflag:s5], $0x2800  }
0x13f: {  	[sflag:s5] =	ssyncset.done $0x0  }
0x140: {  	[sflag:s5] =	ssyncadd.s32 $0xFFFFD800  }
0x141: {  	_ =	swait.ge [sflag:s6], $0x2800  }
0x142: {  	[sflag:s6] =	ssyncset.done $0x0  }
0x143: {  	[sflag:s6] =	ssyncadd.s32 $0xFFFFD800  }
0x144: {  	_ =	swait.ge [sflag:s6], $0x2800  }
0x145: {  	[sflag:s6] =	ssyncset.done $0x0  }
0x146: {  	[sflag:s6] =	ssyncadd.s32 $0xFFFFD800  }
0x147: {  	_ =	swait.ge [sflag:s7], $0x2800  }
0x148: {  	[sflag:s7] =	ssyncset.done $0x0  }
0x149: {  	[sflag:s7] =	ssyncadd.s32 $0xFFFFD800  }
0x14a: {  	_ =	swait.ge [sflag:s7], $0x2800  }
0x14b: {  	[sflag:s7] =	ssyncset.done $0x0  }
0x14c: {  	[sflag:s7] =	ssyncadd.s32 $0xFFFFD800  }
0x14d: {  	p0 =	sne.s32 s12, $0x11800;
	_ =	swait.ge [sflag:s8], $0x2800  }
.Ltmp0:
0x14e: {  	[sflag:s8] =	ssyncset.done $0x0;
	(pc) =	sbr.rel @p0 .LBB2_2-.Ltmp0, $4  }
0x14f: {  	[sflag:s8] =	ssyncadd.s32 $0xFFFFD800  }
0x150: {  	s11 =	sadd.s32 $0xA0, s11;
	_ =	swait.ge [sflag:s8], $0x2800  }
0x151: {  	s10 =	sadd.s32 $0xA0, s10;
	s12 =	sadd.s32 $0x1400, s12;
	[sflag:s8] =	ssyncset.done $0x0  }
0x152: {  	s16 =	simm.s32 $0x2400;
	s15 =	simm.s32 $0x1C00;
	[sflag:s8] =	ssyncadd.s32 $0xFFFFD800  }
0x153: {  	v3 =	vld [tilespmem:$0x960];
	_ =	sdelay $0x4  }
0x154: {  	v4 =	vshll.u32 v3, $0x1  }
0x155: {  	v3 =	vand.u32 $0x7, v3;
	v4 =	vand.u32 $0xFFFFFFF0, v4  }
0x156: {  	v3 =	vor.u32 v3, v4  }
0x157: {  	v4 =	vperm.xlane v3, v0;
	_ =	sdelay $0x1  }
0x158: {  	v3 =	vperm.xlane v3, v2;
	v4 =	vadd.s32 v1, v4;
	_ =	sdelay $0x1  }
0x159: {  	v3 =	vadd.s32 v1, v3;
	_ =	sdelay $0x2  }
0x15a: {  	[tilespmem:s14], [sflag:$0x1] =	stream.indirect_vreg.gather [hbm4b:s2+s3], $0x80, v4, vm0, $0xb8;
	[tilespmem:$0x15400] =	vst v63  }
0x15b: {  	_ = 	snop  }
0x15c: {  	[tilespmem:s15], [sflag:$0x1] =	stream.indirect_vreg.gather [hbm4b:s2+s3], $0x80, v3, vm0, $0xb8;
	[tilespmem:$0x15400] =	vst v63  }
0x15d: {  	v3 =	vld [tilespmem:$0x970];
	_ =	sdelay $0x4  }
0x15e: {  	v53 =	vshll.u32 v3, $0x1  }
0x15f: {  	v3 =	vand.u32 $0x7, v3;
	v4 =	vand.u32 $0xFFFFFFF0, v53  }
0x160: {  	v3 =	vor.u32 v3, v4  }
0x161: {  	v4 =	vperm.xlane v3, v0;
	_ =	sdelay $0x1  }
0x162: {  	v3 =	vperm.xlane v3, v2;
	v4 =	vadd.s32 v1, v4;
	_ =	sdelay $0x1  }
0x163: {  	v3 =	vadd.s32 v1, v3;
	_ =	sdelay $0x2  }
0x164: {  	[tilespmem:s16], [sflag:$0x1] =	stream.indirect_vreg.gather [hbm4b:s2+s3], $0x80, v4, vm0, $0xb8;
	[tilespmem:$0x15400] =	vst v63  }
0x165: {  	_ = 	snop  }
0x166: {  	[tilespmem:s17], [sflag:$0x1] =	stream.indirect_vreg.gather [hbm4b:s2+s3], $0x80, v3, vm0, $0xb8;
	[tilespmem:$0x15400] =	vst v63  }
0x167: {  	v3 =	vld.msk [tilespmem:$0x980], $0xff;
	_ =	sdelay $0x4  }
0x168: {  	v54 =	vshll.u32 v3, $0x1  }
0x169: {  	v3 =	vand.u32 $0x7, v3;
	v4 =	vand.u32 $0xFFFFFFF0, v54  }
0x16a: {  	v3 =	vor.u32 v3, v4  }
0x16b: {  	v3 =	vperm.xlane v3, v0;
	_ =	sdelay $0x1  }
0x16c: {  	v3 =	vadd.s32 v1, v3;
	_ =	sdelay $0x4  }
0x16d: {  	[tilespmem:s18], [sflag:$0x1] =	stream.indirect_vreg.gather [hbm4b:s2+s3], $0x80, v3, vm0, $0xb8;
	[tilespmem:$0x15400] =	vst v63  }
0x16e: {  	v3 =	vld [tilespmem:$0x1360];
	_ =	sdelay $0x4  }
0x16f: {  	v55 =	vshll.u32 v3, $0x1  }
0x170: {  	v3 =	vand.u32 $0x7, v3;
	v4 =	vand.u32 $0xFFFFFFF0, v55  }
0x171: {  	v3 =	vor.u32 v3, v4  }
0x172: {  	v4 =	vperm.xlane v3, v0;
	_ =	sdelay $0x1  }
0x173: {  	v3 =	vperm.xlane v3, v2;
	v4 =	vadd.s32 v1, v4;
	_ =	sdelay $0x1  }
0x174: {  	v3 =	vadd.s32 v1, v3;
	_ =	sdelay $0x2  }
0x175: {  	[tilespmem:s19], [sflag:$0x1] =	stream.indirect_vreg.gather [hbm4b:s4+s3], $0x80, v4, vm0, $0xb8;
	[tilespmem:$0x15400] =	vst v63  }
0x176: {  	_ = 	snop  }
0x177: {  	[tilespmem:s20], [sflag:$0x1] =	stream.indirect_vreg.gather [hbm4b:s4+s3], $0x80, v3, vm0, $0xb8;
	[tilespmem:$0x15400] =	vst v63  }
0x178: {  	v3 =	vld [tilespmem:$0x1370];
	_ =	sdelay $0x4  }
0x179: {  	v56 =	vshll.u32 v3, $0x1  }
0x17a: {  	v3 =	vand.u32 $0x7, v3;
	v4 =	vand.u32 $0xFFFFFFF0, v56  }
0x17b: {  	v3 =	vor.u32 v3, v4  }
0x17c: {  	v4 =	vperm.xlane v3, v0;
	_ =	sdelay $0x1  }
0x17d: {  	v3 =	vperm.xlane v3, v2;
	v4 =	vadd.s32 v1, v4;
	_ =	sdelay $0x1  }
0x17e: {  	v3 =	vadd.s32 v1, v3;
	_ =	sdelay $0x2  }
0x17f: {  	[tilespmem:s21], [sflag:$0x1] =	stream.indirect_vreg.gather [hbm4b:s4+s3], $0x80, v4, vm0, $0xb8;
	[tilespmem:$0x15400] =	vst v63  }
0x180: {  	_ = 	snop  }
0x181: {  	[tilespmem:s22], [sflag:$0x1] =	stream.indirect_vreg.gather [hbm4b:s4+s3], $0x80, v3, vm0, $0xb8;
	[tilespmem:$0x15400] =	vst v63  }
0x182: {  	v3 =	vld.msk [tilespmem:$0x1380], $0xff;
	_ =	sdelay $0x4  }
0x183: {  	v57 =	vshll.u32 v3, $0x1  }
0x184: {  	v3 =	vand.u32 $0x7, v3;
	v4 =	vand.u32 $0xFFFFFFF0, v57  }
0x185: {  	v3 =	vor.u32 v3, v4  }
0x186: {  	v3 =	vperm.xlane v3, v0;
	_ =	sdelay $0x1  }
0x187: {  	v3 =	vadd.s32 v1, v3;
	_ =	sdelay $0x4  }
0x188: {  	[tilespmem:s23], [sflag:$0x1] =	stream.indirect_vreg.gather [hbm4b:s4+s3], $0x80, v3, vm0, $0xb8;
	[tilespmem:$0x15400] =	vst v63  }
0x189: {  	_ =	swait.ge [sflag:s31], $0x2800  }
0x18a: {  	[sflag:s31] =	ssyncset.done $0x0  }
0x18b: {  	[sflag:s31] =	ssyncadd.s32 $0xFFFFD800  }
0x18c: {  	_ =	swait.ge [sflag:s31], $0x2800  }
0x18d: {  	[sflag:s31] =	ssyncset.done $0x0;
	s9 =	rddreg [dreg:$0x1f]  }
0x18e: {  	s12 =	sld [smem:$0x7FA];
	[sflag:s31] =	ssyncadd.s32 $0xFFFFD800  }
0x18f: {  	[hbm4b:s9+s3] =	stream.linear.scatter [tilespmem:s14], [sflag:$0x5], $0x2800, $0x38;
	[tilespmem:$0x15400] =	vst v63  }
0x190: {  	_ = 	snop  }
0x191: {  	[hbm4b:s12+s3] =	stream.linear.scatter [tilespmem:s19], [sflag:$0x5], $0x2800, $0x38;
	[tilespmem:$0x15400] =	vst v63  }
0x192: {  	_ =	swait.ge [sflag:s5], $0x2800  }
0x193: {  	[sflag:s5] =	ssyncset.done $0x0  }
0x194: {  	[sflag:s5] =	ssyncadd.s32 $0xFFFFD800  }
0x195: {  	_ =	swait.ge [sflag:s5], $0x2800  }
0x196: {  	[sflag:s5] =	ssyncset.done $0x0  }
0x197: {  	[sflag:s5] =	ssyncadd.s32 $0xFFFFD800  }
0x198: {  	v3 =	vld [tilespmem:$0x988];
	_ =	sdelay $0x4  }
0x199: {  	v58 =	vshll.u32 v3, $0x1  }
0x19a: {  	v3 =	vand.u32 $0x7, v3;
	v4 =	vand.u32 $0xFFFFFFF0, v58  }
0x19b: {  	v3 =	vor.u32 v3, v4  }
0x19c: {  	v4 =	vperm.xlane v3, v0;
	_ =	sdelay $0x1  }
0x19d: {  	v3 =	vperm.xlane v3, v2;
	v4 =	vadd.s32 v1, v4;
	_ =	sdelay $0x1  }
0x19e: {  	v3 =	vadd.s32 v1, v3;
	_ =	sdelay $0x2  }
0x19f: {  	[tilespmem:s14], [sflag:$0x1] =	stream.indirect_vreg.gather [hbm4b:s2+s3], $0x80, v4, vm0, $0xb8;
	[tilespmem:$0x15400] =	vst v63  }
0x1a0: {  	_ = 	snop  }
0x1a1: {  	[tilespmem:s15], [sflag:$0x1] =	stream.indirect_vreg.gather [hbm4b:s2+s3], $0x80, v3, vm0, $0xb8;
	[tilespmem:$0x15400] =	vst v63  }
0x1a2: {  	v3 =	vld [tilespmem:$0x998];
	_ =	sdelay $0x4  }
0x1a3: {  	v59 =	vshll.u32 v3, $0x1  }
0x1a4: {  	v3 =	vand.u32 $0x7, v3;
	v4 =	vand.u32 $0xFFFFFFF0, v59  }
0x1a5: {  	v3 =	vor.u32 v3, v4  }
0x1a6: {  	v4 =	vperm.xlane v3, v0;
	_ =	sdelay $0x1  }
0x1a7: {  	v3 =	vperm.xlane v3, v2;
	v4 =	vadd.s32 v1, v4;
	_ =	sdelay $0x1  }
0x1a8: {  	v3 =	vadd.s32 v1, v3;
	_ =	sdelay $0x2  }
0x1a9: {  	[tilespmem:s16], [sflag:$0x1] =	stream.indirect_vreg.gather [hbm4b:s2+s3], $0x80, v4, vm0, $0xb8;
	[tilespmem:$0x15400] =	vst v63  }
0x1aa: {  	_ = 	snop  }
0x1ab: {  	[tilespmem:s17], [sflag:$0x1] =	stream.indirect_vreg.gather [hbm4b:s2+s3], $0x80, v3, vm0, $0xb8;
	[tilespmem:$0x15400] =	vst v63  }
0x1ac: {  	v3 =	vld.msk [tilespmem:$0x9A8], $0xff;
	_ =	sdelay $0x4  }
0x1ad: {  	v60 =	vshll.u32 v3, $0x1  }
0x1ae: {  	v3 =	vand.u32 $0x7, v3;
	v4 =	vand.u32 $0xFFFFFFF0, v60  }
0x1af: {  	v3 =	vor.u32 v3, v4  }
0x1b0: {  	v3 =	vperm.xlane v3, v0;
	_ =	sdelay $0x1  }
0x1b1: {  	v3 =	vadd.s32 v1, v3;
	_ =	sdelay $0x4  }
0x1b2: {  	[tilespmem:s18], [sflag:$0x1] =	stream.indirect_vreg.gather [hbm4b:s2+s3], $0x80, v3, vm0, $0xb8;
	[tilespmem:$0x15400] =	vst v63  }
0x1b3: {  	v3 =	vld [tilespmem:$0x1388];
	_ =	sdelay $0x4  }
0x1b4: {  	v61 =	vshll.u32 v3, $0x1  }
0x1b5: {  	v3 =	vand.u32 $0x7, v3;
	v4 =	vand.u32 $0xFFFFFFF0, v61  }
0x1b6: {  	v3 =	vor.u32 v3, v4  }
0x1b7: {  	v4 =	vperm.xlane v3, v0;
	_ =	sdelay $0x1  }
0x1b8: {  	v3 =	vperm.xlane v3, v2;
	v4 =	vadd.s32 v1, v4;
	_ =	sdelay $0x1  }
0x1b9: {  	v3 =	vadd.s32 v1, v3;
	_ =	sdelay $0x2  }
0x1ba: {  	[tilespmem:s19], [sflag:$0x1] =	stream.indirect_vreg.gather [hbm4b:s4+s3], $0x80, v4, vm0, $0xb8;
	[tilespmem:$0x15400] =	vst v63  }
0x1bb: {  	_ = 	snop  }
0x1bc: {  	[tilespmem:s20], [sflag:$0x1] =	stream.indirect_vreg.gather [hbm4b:s4+s3], $0x80, v3, vm0, $0xb8;
	[tilespmem:$0x15400] =	vst v63  }
0x1bd: {  	v3 =	vld [tilespmem:$0x1398];
	_ =	sdelay $0x4  }
0x1be: {  	v62 =	vshll.u32 v3, $0x1  }
0x1bf: {  	v3 =	vand.u32 $0x7, v3;
	v4 =	vand.u32 $0xFFFFFFF0, v62  }
0x1c0: {  	v3 =	vor.u32 v3, v4  }
0x1c1: {  	v4 =	vperm.xlane v3, v0;
	_ =	sdelay $0x1  }
0x1c2: {  	v3 =	vperm.xlane v3, v2;
	v4 =	vadd.s32 v1, v4;
	_ =	sdelay $0x1  }
0x1c3: {  	v3 =	vadd.s32 v1, v3;
	_ =	sdelay $0x2  }
0x1c4: {  	[tilespmem:s21], [sflag:$0x1] =	stream.indirect_vreg.gather [hbm4b:s4+s3], $0x80, v4, vm0, $0xb8;
	[tilespmem:$0x15400] =	vst v63  }
0x1c5: {  	_ = 	snop  }
0x1c6: {  	[tilespmem:s22], [sflag:$0x1] =	stream.indirect_vreg.gather [hbm4b:s4+s3], $0x80, v3, vm0, $0xb8;
	[tilespmem:$0x15400] =	vst v63  }
0x1c7: {  	v3 =	vld.msk [tilespmem:$0x13A8], $0xff;
	_ =	sdelay $0x4  }
0x1c8: {  	v63 =	vshll.u32 v3, $0x1  }
0x1c9: {  	v3 =	vand.u32 $0x7, v3;
	v4 =	vand.u32 $0xFFFFFFF0, v63  }
0x1ca: {  	v3 =	vor.u32 v3, v4  }
0x1cb: {  	v3 =	vperm.xlane v3, v0;
	_ =	sdelay $0x1  }
0x1cc: {  	v3 =	vadd.s32 v1, v3;
	_ =	sdelay $0x4  }
0x1cd: {  	[tilespmem:s23], [sflag:$0x1] =	stream.indirect_vreg.gather [hbm4b:s4+s3], $0x80, v3, vm0, $0xb8;
	[tilespmem:$0x15400] =	vst v63  }
0x1ce: {  	_ =	swait.ge [sflag:s31], $0x2800  }
0x1cf: {  	[sflag:s31] =	ssyncset.done $0x0  }
0x1d0: {  	[sflag:s31] =	ssyncadd.s32 $0xFFFFD800  }
0x1d1: {  	_ =	swait.ge [sflag:s31], $0x2800  }
0x1d2: {  	s10 =	sld [smem:$0x7FB]  }
0x1d3: {  	[sflag:s31] =	ssyncset.done $0x0  }
0x1d4: {  	s11 =	sld [smem:$0x7FC];
	[sflag:s31] =	ssyncadd.s32 $0xFFFFD800  }
0x1d5: {  	[hbm4b:s10+s3] =	stream.linear.scatter [tilespmem:s14], [sflag:$0x5], $0x2800, $0x38;
	[tilespmem:$0x15400] =	vst v63  }
0x1d6: {  	_ = 	snop  }
0x1d7: {  	[hbm4b:s11+s3] =	stream.linear.scatter [tilespmem:s19], [sflag:$0x5], $0x2800, $0x38;
	[tilespmem:$0x15400] =	vst v63  }
0x1d8: {  	_ =	swait.ge [sflag:s5], $0x2800  }
0x1d9: {  	[sflag:s5] =	ssyncset.done $0x0  }
0x1da: {  	[sflag:s5] =	ssyncadd.s32 $0xFFFFD800  }
0x1db: {  	_ =	swait.ge [sflag:s5], $0x2800  }
0x1dc: {  	s10 =	sld [smem:$0x7F9]  }
0x1dd: {  	s12 =	sld [smem:$0x7FD];
	_ =	sdelay $0x1  }
0x1de: {  	s10 =	sadd.s32 $0x1, s10  }
0x1df: {  	p0 =	sne.s32 s10, s12  }
.Ltmp1:
0x1e0: {  	_ = 	snop;
	(pc) =	sbr.rel @p0 .LBB2_1-.Ltmp1, $3  }
0x1e1: {  	_ =	sdelay $0x1  }
0x1e2: {  	[sflag:s5] =	ssyncset.done $0x0  }
0x1e3: {  	[sflag:s5] =	ssyncadd.s32 $0xFFFFD800  }
0x1e4: {  	_ =	sfence.sel $0x180000  }
0x1e5: {  	[bflag:$0x0] =	sbarrier.arrive $0xFFFF  }
0x1e6: {  	_ =	strace $0x90000047  }
0x1e7: {  	s0 =	stileid.u32;
	[bflag:$0x2] =	sbarrier.arrive $0xFFFF  }
0x1e8: {  	p0 =	sne.s32 s0, $0x0;
	s0 =	rddreg [dreg:$0x2]  }
0x1e9: {  	s0 =	sadd.s32 @!p0 $0x100000, s0  }
0x1ea: {  	[sflag:s0] =	ssyncadd.tile.s32 @!p0 $0x1;
	_ =	shalt  }
.Lfunc_end2:
_tile_overlayer_lowered:
.L_overlay_start_2:
0x1eb: {  	(tag) =	ssettag $0x2  }
0x1ec: {  	s0 =	rddreg [dreg:$0x0];
	s2 =	stileid.u32  }
0x1ed: {  	s1 =	rddreg [dreg:$0x1];
	p0 =	sne.s32 s2, $0x0  }
0x1ee: {  	s3 =	rddreg [dreg:$0x2];
	[bflag:$0x3] =	sbarrier.arrive $0xFFFF;
	s2 =	simm.s32 @!p0 $0x1C09  }
0x1ef: {  	[timem:s3], [sflag:s2] =	dma.local @!p0 [hbm:s0], s1  }
0x1f0: {  	s0 =	simm.s32 @!p0 $0x9  }
0x1f1: {  	_ =	swait.ge @!p0 [sflag:s0], s1  }
0x1f2: {  	s1 =	ssub.s32 @!p0 $0x0, s1;
	[sflag:s0] =	ssyncset.done @!p0 $0x0  }
0x1f3: {  	[sflag:s0] =	ssyncadd.s32 @!p0 s1  }
0x1f4: {  	[bflag:$0x3] =	sbarrier.arrive $0xFFFF  }
0x1f5: {  	_ =	shalt  }

// kernel: kernel.13.cloned.1.call-start
scs
__scs_entry_jumppad:
0x0: {  	(pc) =	sbr.rel $0x88, $3  }
0x1: {  	(tag) =	ssettag $0x0;
	lr =	simm.s32 $0x1  }
0x2: {  	[smem:$0x3F96] =	sst lr;
	_ =	strace $0xD0000000  }
0x3: {  	_ = 	snop  }
0x4: {  	_ = 	snop  }
0x5: {  	_ = 	snop  }
0x6: {  	_ = 	snop  }
0x7: {  	_ = 	snop  }
__scs_overlays_trampoline_lowered:
0x8: {  	[smem:$0x3FA5] =	sst s0  }
0x9: {  	[smem:$0x3FA6] =	sst s1  }
0xa: {  	[smem:$0x3FA7] =	sst s2  }
0xb: {  	[smem:$0x3FA8] =	sst s3  }
0xc: {  	[smem:$0x3FA9] =	sst s4  }
0xd: {  	[smem:$0x3FAA] =	sst s5  }
0xe: {  	[smem:$0x3FAB] =	sst s6  }
0xf: {  	[smem:$0x3FAC] =	sst s7  }
0x10: {  	[smem:$0x3FAD] =	sst s8  }
0x11: {  	[smem:$0x3FAE] =	sst s9;
	s0 =	simm.s32 @!p0 $0x0  }
0x12: {  	s1 =	sld [smem:$0x3F94];
	s0 =	simm.s32 @p0 $0x1  }
0x13: {  	[smem:$0x3FAF] =	sst s0;
	s0 =	simm.s32 @!p1 $0x0  }
0x14: {  	s2 =	sld [smem:$0x3F93];
	s0 =	simm.s32 @p1 $0x1  }
0x15: {  	[smem:$0x3FB0] =	sst s0;
	s0 =	simm.s32 @!p2 $0x0  }
0x16: {  	s3 =	sld [smem:$0x3FDB];
	s0 =	simm.s32 @p2 $0x1  }
0x17: {  	s4 =	simm.s32 $0x1BF5;
	[smem:$0x3FB2] =	sst s0  }
0x18: {  	s0 =	sld [smem:$0x3F95];
	_ =	swait.ge [sflag:s4], $0x0  }
0x19: {  	s7 =	sld [smem:$0x3F96]  }
0x1a: {  	s8 =	sadd.s32 $0xFFFFE003, lr  }
0x1b: {  	s9 =	sadd.s32 $0xFFFFFEF7, lr;
	s5 =	simm.s32 $0xFFFFFFFF;
	p2 =	slt.u32 s8, $0xFFFFF086  }
0x1c: {  	p1 =	slt.u32 s9, $0xF7A;
	s5 =	simm.s32 @!p2 $0x0  }
0x1d: {  	s5 =	simm.s32 @p1 $0x1;
	p0 =	seq.s32 s7, s2  }
0x1e: {  	s7 =	smul.u32 @!p0 $0xF7A, s2;
	p2 =	seq.s32 @!p0 s5, $0x0  }
0x1f: {  	s9 =	smul.u32 $0xF7A, s1;
	s8 =	simm.s32 @!p0 $0x1BF5;
	p2 =	por !p2, p0  }
0x20: {  	[sflag:s8] =	ssyncset.s32 @!p0 $0xFFFFF086;
	s6 =	sadd.s32 @!p0 s3, s7;
	s7 =	simm.s32 @!p0 $0x108  }
0x21: {  	s3 =	sadd.s32 s3, s9;
	s6 =	sadd.s32 @!p0 $0x88, s6;
	s7 =	simm.s32 @p2 $0x1082  }
0x22: {  	[simem:s7], [sflag:s8] =	dma.local @!p0 [hbm:s6], $0xF7A  }
0x23: {  	s9 =	sor.u32 $0xD0000000, s2;
	s6 =	simm.s32 $0x108;
	_ =	swait.ge @!p0 [sflag:s8], $0x0  }
0x24: {  	s3 =	sadd.s32 $0x88, s3;
	s6 =	simm.s32 @!p1 $0x1082;
	[sflag:s4] =	ssyncset.s32 $0xFFFFF086  }
0x25: {  	[simem:s6], [sflag:s4] =	dma.local [hbm:s3], $0xF7A  }
0x26: {  	[smem:$0x3F96] =	sst s1;
	(tag) =	ssettag s2;
	_ =	strace s9  }
0x27: {  	s1 =	sld [smem:$0x3FA6]  }
0x28: {  	s2 =	sld [smem:$0x3FA7]  }
0x29: {  	s4 =	sld [smem:$0x3FA9]  }
0x2a: {  	p0 =	seq.s32 s5, $0x0;
	s5 =	sld [smem:$0x3FAA]  }
0x2b: {  	s6 =	sld [smem:$0x3FAB]  }
0x2c: {  	s7 =	sld [smem:$0x3FAC]  }
0x2d: {  	s3 =	simm.s32 $0x108;
	s8 =	sld [smem:$0x3FAD]  }
0x2e: {  	s3 =	simm.s32 @!p0 $0x1082;
	s9 =	sld [smem:$0x3FAE]  }
0x2f: {  	lr =	sadd.s32 s0, s3;
	s0 =	sld [smem:$0x3FA5]  }
0x30: {  	s3 =	sld [smem:$0x3FA8]  }
0x31: {  	[smem:$0x3FB1] =	sst s10  }
0x32: {  	s10 =	sld [smem:$0x3FAF];
	_ =	sdelay $0x3  }
0x33: {  	p0 =	seq.s32 s10, $0x1;
	s10 =	sld [smem:$0x3FB1];
	_ =	sdelay $0x3  }
0x34: {  	[smem:$0x3FB1] =	sst s10  }
0x35: {  	s10 =	sld [smem:$0x3FB0];
	_ =	sdelay $0x3  }
0x36: {  	p1 =	seq.s32 s10, $0x1;
	s10 =	sld [smem:$0x3FB1];
	_ =	sdelay $0x3  }
0x37: {  	[smem:$0x3FB1] =	sst s10  }
0x38: {  	s10 =	sld [smem:$0x3FB2]  }
0x39: {  	_ = 	snop;
	(pc) =	sbr.ind lr, $3  }
0x3a: {  	_ = 	snop  }
0x3b: {  	_ = 	snop  }
0x3c: {  	p2 =	seq.s32 s10, $0x1;
	s10 =	sld [smem:$0x3FB1]  }
0x3d: {  	_ =	shalt  }
0x3e: {  	_ =	shalt  }
0x3f: {  	_ =	shalt  }
0x40: {  	_ =	shalt  }
0x41: {  	_ =	shalt  }
0x42: {  	_ =	shalt  }
0x43: {  	_ =	shalt  }
0x44: {  	_ =	shalt  }
0x45: {  	_ =	shalt  }
0x46: {  	_ =	shalt  }
0x47: {  	_ =	shalt  }
0x48: {  	_ =	shalt  }
0x49: {  	_ =	shalt  }
0x4a: {  	_ =	shalt  }
0x4b: {  	_ =	shalt  }
0x4c: {  	_ =	shalt  }
0x4d: {  	_ =	shalt  }
0x4e: {  	_ =	shalt  }
0x4f: {  	_ =	shalt  }
0x50: {  	_ =	shalt  }
0x51: {  	_ =	shalt  }
0x52: {  	_ =	shalt  }
0x53: {  	_ =	shalt  }
0x54: {  	_ =	shalt  }
0x55: {  	_ =	shalt  }
0x56: {  	_ =	shalt  }
0x57: {  	_ =	shalt  }
0x58: {  	_ =	shalt  }
0x59: {  	_ =	shalt  }
0x5a: {  	_ =	shalt  }
0x5b: {  	_ =	shalt  }
0x5c: {  	_ =	shalt  }
0x5d: {  	_ =	shalt  }
0x5e: {  	_ =	shalt  }
0x5f: {  	_ =	shalt  }
0x60: {  	_ =	shalt  }
0x61: {  	_ =	shalt  }
0x62: {  	_ =	shalt  }
0x63: {  	_ =	shalt  }
0x64: {  	_ =	shalt  }
0x65: {  	_ =	shalt  }
0x66: {  	_ =	shalt  }
0x67: {  	_ =	shalt  }
0x68: {  	_ =	shalt  }
0x69: {  	_ =	shalt  }
0x6a: {  	_ =	shalt  }
0x6b: {  	_ =	shalt  }
0x6c: {  	_ =	shalt  }
0x6d: {  	_ =	shalt  }
0x6e: {  	_ =	shalt  }
0x6f: {  	_ =	shalt  }
0x70: {  	_ =	shalt  }
0x71: {  	_ =	shalt  }
0x72: {  	_ =	shalt  }
0x73: {  	_ =	shalt  }
0x74: {  	_ =	shalt  }
0x75: {  	_ =	shalt  }
0x76: {  	_ =	shalt  }
0x77: {  	_ =	shalt  }
0x78: {  	_ =	shalt  }
0x79: {  	_ =	shalt  }
0x7a: {  	_ =	shalt  }
0x7b: {  	_ =	shalt  }
0x7c: {  	_ =	shalt  }
0x7d: {  	_ =	shalt  }
0x7e: {  	_ =	shalt  }
0x7f: {  	_ =	shalt  }
0x80: {  	_ =	shalt  }
0x81: {  	_ =	shalt  }
0x82: {  	_ =	shalt  }
0x83: {  	_ =	shalt  }
0x84: {  	_ =	shalt  }
0x85: {  	_ =	shalt  }
0x86: {  	_ =	shalt  }
0x87: {  	_ =	shalt  }
.Lfunc_end0:
.L_simem_size_0:
called_computation.1_lowered:
.L_overlay_start_0:
0x88: {  	s2 =	sld [smem:$0x3FD9]  }
0x89: {  	s3 =	sld [smem:$0x3FFE];
	_ =	sdelay $0x1  }
0x8a: {  	s1 =	srdreg.scid  }
0x8b: {  	s0 =	sand.u32 $0x1, s1  }
0x8c: {  	s17 =	sshll.u32 s0, $0xA;
	s2 =	sadd.s32 s3, s2  }
0x8d: {  	s2 =	sadd.s32 s2, s17  }
0x8e: {  	[smem:$0x3FBD] =	sst s2  }
0x8f: {  	_ = 	snop  }
0x90: {  	s18 =	sld [smem:$0x3FD0];
	(tm) =	ssettm $0x1  }
0x91: {  	s19 =	sld [smem:$0x3FFB];
	_ =	sdelay $0x3  }
0x92: {  	_ =	strace s19  }
0x93: {  	s2 =	sld [smem:$0x3FFC];
	_ =	sdelay $0x3  }
0x94: {  	_ =	strace s2  }
0x95: {  	s2 =	sld [smem:$0x3FFD];
	_ =	sdelay $0x3  }
0x96: {  	_ =	strace s2  }
0x97: {  	_ =	strace $0x8FFFFFFF  }
0x98: {  	s20 =	sld [smem:$0x3FDB];
	_ =	sdelay $0x1  }
0x99: {  	s4 =	simm.s32 $_scs_section_size  }
0x9a: {  	s5 =	simm.s32 $_size__tile_overlayer_lowered;
	s6 =	simm.s32 $_tile_overlayer_lowered  }
0x9b: {  	s7 =	simm.s32 $0x1BFF;
	s21 =	sshll.u32 s6, $0x1;
	s4 =	sadd.s32 s4, s20  }
0x9c: {  	s22 =	simm.s32 $0x0;
	s5 =	sshll.u32 s5, $0x1;
	s6 =	sadd.s32 s21, s4  }
0x9d: {  	[timem:s22], [sflag:s7] =	dma.local [hbm:s6], s5  }
0x9e: {  	_ =	swait.ge [sflag:s7], s5  }
0x9f: {  	s5 =	ssub.s32 $0x0, s5;
	[sflag:s7] =	ssyncset.done $0x0  }
0xa0: {  	[sflag:s7] =	ssyncadd.s32 s5;
	_ =	sdelay $0x1  }
0xa1: {  	s23 =	simm.s32 $0x1B8B  }
0xa2: {  	_ =	swait.ge [sflag:s23], $0x1  }
0xa3: {  	[sflag:s23] =	ssyncset.done $0x0  }
0xa4: {  	[sflag:s23] =	ssyncadd.s32 $0xFFFFFFFF  }
0xa5: {  	s5 =	sld [smem:$0x0]  }
0xa6: {  	s6 =	sand.u32 $0xFFFFFFFE, s1  }
0xa7: {  	p0 =	sne.s32 s1, s6  }
0xa8: {  	s6 =	sshll.u32 @p0 s6, $0xE  }
0xa9: {  	s6 =	sadd.s32 @p0 $0x11B8D, s6;
	s7 =	sshll.u32 @p0 s5, $0x11  }
0xaa: {  	s6 =	sor.u32 @p0 s7, s6  }
0xab: {  	[sflag:s6] =	ssyncadd.remote.s32 @p0 $0x1;
	_ =	sdelay $0x1  }
0xac: {  	s6 =	simm.s32 @p0 $0x1B8D  }
0xad: {  	_ =	swait.eq @p0 [sflag:s6], $0x1  }
0xae: {  	[sflag:s6] =	ssyncadd.s32 @p0 $0xFFFFFFFF  }
0xaf: {  	s7 =	sshll.u32 @!p0 s1, $0xE  }
0xb0: {  	s7 =	sor.u32 @!p0 $0x4000, s7;
	s6 =	simm.s32 @!p0 $0x1B8D  }
0xb1: {  	s5 =	sshll.u32 @!p0 s5, $0x11;
	s7 =	sadd.s32 @!p0 $0x11B8D, s7;
	_ =	swait.eq @!p0 [sflag:s6], $0x1  }
0xb2: {  	s5 =	sor.u32 @!p0 s5, s7;
	[sflag:s6] =	ssyncadd.s32 @!p0 $0xFFFFFFFF  }
0xb3: {  	s25 =	simm.s32 $0x1B8E;
	s24 =	sld [smem:$0x3FFE];
	[sflag:s5] =	ssyncadd.remote.s32 @!p0 $0x1  }
0xb4: {  	s26 =	simm.s32 $execute0_lowered;
	[smem:$0x3FD2] =	sst s25  }
0xb5: {  	s6 =	sshll.u32 s26, $0x1;
	_ =	strace $0x80000049;
	[dreg:$0x1] =	wrdreg $0xFFFFFFFF  }
0xb6: {  	s28 =	simm.s32 $_size_execute0_lowered;
	s4 =	sadd.s32 s4, s6;
	[dreg:$0x0] =	wrdreg $0x0  }
0xb7: {  	s6 =	sshll.u32 s28, $0x1;
	[dreg:$0x2] =	wrdreg s4  }
0xb8: {  	[dreg:$0x3] =	wrdreg s6  }
0xb9: {  	[dreg:$0x4] =	wrdreg $0xC0  }
0xba: {  	_ =	task [dreg:s22], $0x5FFFF  }
0xbb: {  	[dreg:$0x1] =	wrdreg $0xFFFFFFFF  }
0xbc: {  	[dreg:$0x0] =	wrdreg $0x60  }
0xbd: {  	[dreg:$0x2] =	wrdreg s18  }
0xbe: {  	[dreg:$0x3] =	wrdreg s24  }
0xbf: {  	[dreg:$0x4] =	wrdreg $0x9  }
0xc0: {  	_ =	task.clear_ibuf [dreg:s22], $0x5FFFF;
	_ =	strace $0x90000049  }
0xc1: {  	s29 =	simm.s32 $0x9;
	_ =	strace $0x8000004B  }
0xc2: {  	_ =	swait.ge [sflag:s29], $0x1  }
0xc3: {  	[sflag:s29] =	ssyncadd.s32 $0xFFFFFFFF  }
0xc4: {  	_ =	strace $0x9000004B  }
0xc5: {  	_ =	sfence  }
0xc6: {  	s30 =	sld [smem:$0x0];
	_ =	sdelay $0x2  }
0xc7: {  	s31 =	sshll.u32 s1, $0xD;
	s1 =	sshrl.u32 s1, $0x2  }
0xc8: {  	s4 =	sand.u32 $0x4000, s31;
	s1 =	sadd.s32 s1, s30  }
0xc9: {  	s0 =	sor.u32 s4, s0;
	s1 =	sshll.u32 s1, $0x11  }
0xca: {  	s0 =	sor.u32 s1, s0  }
0xcb: {  	s0 =	sadd.s32 $0x8F2B, s0  }
0xcc: {  	[sflag:s0] =	ssyncadd.remote.s32 $0x1  }
0xcd: {  	_ =	sfence.sel $0xFFFF  }
0xce: {  	[dreg:$0x0] =	wrdreg $0xFFFFFFFF;
	(pc) =	sbr.abs _section_cstart, $3  }
0xcf: {  	[dreg:$0x1] =	wrdreg $0xFFFFFFFF  }
0xd0: {  	_ =	task.clear_ibuf [dreg:s22], $0x2FFFF;
	_ =	strace $0x9FFFFFFF  }
0xd1: {  	(tm) =	ssettm $0x7FFFFFFF  }
tec
execute0_lowered:
.L_overlay_start_1:
0x0: {  	(tag) =	ssettag $0x1  }
0x1: {  	s2 =	rddreg [dreg:$0x0]  }
0x2: {  	s0 =	srdreg.scid;
	s7 =	stileid.u32  }
0x3: {  	s1 =	rddreg [dreg:$0x1];
	s3 =	simm.s32 $0x0;
	s15 =	simm.s32 $0x4400  }
0x4: {  	s16 =	simm.s32 $0x4C00;
	s17 =	simm.s32 $0x5400;
	s18 =	simm.s32 $0x5C00  }
0x5: {  	s20 =	simm.s32 $0xE400;
	s22 =	simm.s32 $0xEC00;
	[smem:$0x7FF] =	sst s3  }
0x6: {  	s23 =	simm.s32 $0xF400;
	_ =	strace $0x8000004A;
	[dreg:$0x5] =	wrdreg s15  }
0x7: {  	s25 =	simm.s32 $0xFC00;
	s12 =	simm.s32 $0x7C00;
	[dreg:$0x6] =	wrdreg s16  }
0x8: {  	s28 =	simm.s32 $0xDC00;
	s29 =	simm.s32 $0x6400;
	[dreg:$0x7] =	wrdreg s17  }
0x9: {  	s30 =	simm.s32 $0x10400;
	s31 =	simm.s32 $0x8C00;
	[dreg:$0x8] =	wrdreg s18  }
0xa: {  	s0 =	sand.u32 $0x1, s0;
	s4 =	sshll.u32 s7, $0x1;
	[dreg:$0x9] =	wrdreg s20  }
0xb: {  	s7 =	smul.u32 $0x27600, s7;
	s8 =	sadd.s32 $0x533000, s1;
	[dreg:$0xa] =	wrdreg s22  }
0xc: {  	s5 =	sor.u32 s0, s4;
	s4 =	sadd.s32 $0x7E00, s1;
	[dreg:$0xb] =	wrdreg s23  }
0xd: {  	s9 =	smul.u32 $0x13B00, s0;
	s0 =	ssub.s32 $0x2, s0;
	[dreg:$0xc] =	wrdreg s25  }
0xe: {  	[dreg:$0xf] =	wrdreg s12;
	s15 =	simm.s32 $0x10C00;
	s16 =	simm.s32 $0x11400  }
0xf: {  	s17 =	simm.s32 $0x11C00;
	s18 =	simm.s32 $0x12400;
	s20 =	simm.s32 $0x9C00  }
0x10: {  	s22 =	simm.s32 $0xAC00;
	s23 =	simm.s32 $0x13400;
	[dreg:$0x11] =	wrdreg s15  }
0x11: {  	s25 =	simm.s32 $0x14400;
	s12 =	simm.s32 $0x0;
	[dreg:$0x12] =	wrdreg s16  }
0x12: {  	s6 =	smul.u32 $0x9D8, s5;
	s10 =	sadd.s32 s7, s8;
	[dreg:$0x13] =	wrdreg s17  }
0x13: {  	s11 =	sshrl.u32 s0, $0x1;
	s5 =	smul.u32 $0x9D800, s5;
	[dreg:$0x14] =	wrdreg s18  }
0x14: {  	s16 =	simm.s32 $0x1400;
	s17 =	simm.s32 $0x1C00;
	[dreg:$0x16] =	wrdreg s20  }
0x15: {  	s18 =	simm.s32 $0x2400;
	s20 =	simm.s32 $0x3400;
	[dreg:$0x18] =	wrdreg s22  }
0x16: {  	[dreg:$0x19] =	wrdreg s23;
	s22 =	simm.s32 $0xBC00;
	s23 =	simm.s32 $0xC400  }
0x17: {  	[dreg:$0x1b] =	wrdreg s25;
	s10 =	sadd.s32 s9, s10;
	s0 =	ssub.s32 s0, s11  }
0x18: {  	s11 =	simm.s32 $0x7400;
	s6 =	sshrl.u32 s6, $0x3;
	[dreg:$0x3] =	wrdreg s10  }
0x19: {  	s5 =	sshrl.u32 s5, $0x3;
	s10 =	simm.s32 $0x6C00;
	[dreg:$0xe] =	wrdreg s11  }
0x1a: {  	s0 =	smax.u32 s0, $0x1;
	s6 =	sadd.s32 s6, s1;
	[dreg:$0xd] =	wrdreg s10  }
0x1b: {  	s1 =	sadd.s32 $0x7A9000, s1;
	[smem:$0x7FD] =	sst s0;
	s14 =	sadd.s32 $0x52E000, s6  }
0x1c: {  	s19 =	sadd.s32 $0x12C00, s5;
	s6 =	sadd.s32 $0x530800, s6;
	[dreg:$0x1d] =	wrdreg s14  }
0x1d: {  	s24 =	sadd.s32 $0x13100, s5;
	s21 =	sadd.s32 s8, s19;
	[dreg:$0x1e] =	wrdreg s6  }
0x1e: {  	s5 =	sadd.s32 $0x13600, s5;
	s26 =	sadd.s32 s8, s24;
	[dreg:$0x1f] =	wrdreg s21  }
0x1f: {  	s7 =	sadd.s32 s7, s1;
	s13 =	sadd.s32 s8, s5;
	[smem:$0x7F9] =	sst s26  }
0x20: {  	s25 =	simm.s32 $0xD400;
	s7 =	sadd.s32 s9, s7;
	[smem:$0x7FB] =	sst s13  }
0x21: {  	s15 =	simm.s32 $0x2;
	s14 =	simm.s32 $0x8400;
	[dreg:$0x4] =	wrdreg s7  }
0x22: {  	s0 =	simm.s32 $0x1;
	s21 =	simm.s32 $0xA400;
	[dreg:$0x10] =	wrdreg s14  }
0x23: {  	s10 =	simm.s32 $0x8;
	s26 =	simm.s32 $0x14C00;
	[dreg:$0x17] =	wrdreg s21  }
0x24: {  	s8 =	simm.s32 $0x6;
	s7 =	sadd.s32 s1, s19;
	[dreg:$0x1c] =	wrdreg s26  }
0x25: {  	s6 =	simm.s32 $0x4;
	s19 =	simm.s32 $0x9400;
	[smem:$0x7F8] =	sst s7  }
0x26: {  	s9 =	simm.s32 $0x7;
	s7 =	sadd.s32 s1, s24;
	[dreg:$0x15] =	wrdreg s19  }
0x27: {  	s21 =	simm.s32 $0xB400;
	s1 =	sadd.s32 s1, s5;
	[smem:$0x7FA] =	sst s7  }
0x28: {  	v2 =	vlaneseq.u32;
	s26 =	simm.s32 $0x3C00;
	s24 =	simm.s32 $0x13C00;
	[smem:$0x7FC] =	sst s1  }
0x29: {  	vm0 =	vmmov $0xffff;
	v1 =	vshrl.u32 v2, $0x3;
	s19 =	simm.s32 $0x2C00;
	s5 =	simm.s32 $0x3;
	[dreg:$0x1a] =	wrdreg s24  }
0x2a: {  	v0 =	vand.u32 $0x7, v2;
	v2 =	vor.u32 $0x8, v2;
	v1 =	vmul.u32 $0x8, v1;
	s24 =	simm.s32 $0xCC00;
	s1 =	simm.s32 $0x12C00;
	s7 =	simm.s32 $0x5  }
.LBB2_1:
0x2b: {  	[smem:$0x7F7] =	sst s12  }
0x2c: {  	s11 =	rddreg [dreg:$0x1d];
	s12 =	simm.s32 $0x9  }
0x2d: {  	[tilespmem:s3], [sflag:$0x9] =	stream.linear.gather [hbm4b:s11+s3], $0x9D8, $0x38;
	[tilespmem:$0x15400] =	vst v63  }
0x2e: {  	_ =	swait.ge [sflag:s12], $0x9D8  }
0x2f: {  	[sflag:s12] =	ssyncset.done $0x0  }
0x30: {  	s13 =	simm.s32 $0xA00;
	s14 =	rddreg [dreg:$0x1e];
	[sflag:s12] =	ssyncadd.s32 $0xFFFFF628  }
0x31: {  	[tilespmem:s13], [sflag:$0x9] =	stream.linear.gather [hbm4b:s14+s3], $0x9D8, $0x38;
	[tilespmem:$0x15400] =	vst v63  }
0x32: {  	_ =	swait.ge [sflag:s12], $0x9D8  }
0x33: {  	s13 =	simm.s32 $0x50;
	[sflag:s12] =	ssyncset.done $0x0  }
0x34: {  	s14 =	simm.s32 $0x0;
	[sflag:s12] =	ssyncadd.s32 $0xFFFFF628;
	s12 =	simm.s32 $0xA50  }
.LBB2_2:
0x35: {  	v3 =	vld [tilespmem:s13+$0xFFFFFFB0];
	_ =	sdelay $0x4  }
0x36: {  	v4 =	vshll.u32 v3, $0x1  }
0x37: {  	v3 =	vand.u32 $0x7, v3;
	v4 =	vand.u32 $0xFFFFFFF0, v4  }
0x38: {  	v3 =	vor.u32 v3, v4  }
0x39: {  	v4 =	vperm.xlane v3, v0;
	_ =	sdelay $0x1  }
0x3a: {  	v3 =	vperm.xlane v3, v2;
	v4 =	vadd.s32 v1, v4;
	_ =	sdelay $0x1  }
0x3b: {  	v3 =	vadd.s32 v1, v3;
	_ =	sdelay $0x2  }
0x3c: {  	[tilespmem:s16], [sflag:$0x1] =	stream.indirect_vreg.gather [hbm4b:s2+s3], $0x80, v4, vm0, $0xb8;
	[tilespmem:$0x15400] =	vst v63  }
0x3d: {  	_ = 	snop  }
0x3e: {  	[tilespmem:s17], [sflag:$0x1] =	stream.indirect_vreg.gather [hbm4b:s2+s3], $0x80, v3, vm0, $0xb8;
	[tilespmem:$0x15400] =	vst v63  }
0x3f: {  	v3 =	vld [tilespmem:s13+$0xFFFFFFC0];
	_ =	sdelay $0x4  }
0x40: {  	v41 =	vshll.u32 v3, $0x1  }
0x41: {  	v3 =	vand.u32 $0x7, v3;
	v4 =	vand.u32 $0xFFFFFFF0, v41  }
0x42: {  	v3 =	vor.u32 v3, v4  }
0x43: {  	v4 =	vperm.xlane v3, v0;
	_ =	sdelay $0x1  }
0x44: {  	v3 =	vperm.xlane v3, v2;
	v4 =	vadd.s32 v1, v4;
	_ =	sdelay $0x1  }
0x45: {  	v3 =	vadd.s32 v1, v3;
	_ =	sdelay $0x2  }
0x46: {  	[tilespmem:s18], [sflag:$0x1] =	stream.indirect_vreg.gather [hbm4b:s2+s3], $0x80, v4, vm0, $0xb8;
	[tilespmem:$0x15400] =	vst v63  }
0x47: {  	_ = 	snop  }
0x48: {  	[tilespmem:s19], [sflag:$0x1] =	stream.indirect_vreg.gather [hbm4b:s2+s3], $0x80, v3, vm0, $0xb8;
	[tilespmem:$0x15400] =	vst v63  }
0x49: {  	v3 =	vld.msk [tilespmem:s13+$0xFFFFFFD0], $0xff;
	_ =	sdelay $0x4  }
0x4a: {  	v42 =	vshll.u32 v3, $0x1  }
0x4b: {  	v3 =	vand.u32 $0x7, v3;
	v4 =	vand.u32 $0xFFFFFFF0, v42  }
0x4c: {  	v3 =	vor.u32 v3, v4  }
0x4d: {  	v3 =	vperm.xlane v3, v0;
	_ =	sdelay $0x1  }
0x4e: {  	v3 =	vadd.s32 v1, v3;
	_ =	sdelay $0x4  }
0x4f: {  	[tilespmem:s20], [sflag:$0x1] =	stream.indirect_vreg.gather [hbm4b:s2+s3], $0x80, v3, vm0, $0xb8;
	[tilespmem:$0x15400] =	vst v63  }
0x50: {  	v3 =	vld [tilespmem:s12+$0xFFFFFFB0];
	_ =	sdelay $0x4  }
0x51: {  	v43 =	vshll.u32 v3, $0x1  }
0x52: {  	v3 =	vand.u32 $0x7, v3;
	v4 =	vand.u32 $0xFFFFFFF0, v43  }
0x53: {  	v3 =	vor.u32 v3, v4  }
0x54: {  	v4 =	vperm.xlane v3, v0;
	_ =	sdelay $0x1  }
0x55: {  	v3 =	vperm.xlane v3, v2;
	v4 =	vadd.s32 v1, v4;
	_ =	sdelay $0x1  }
0x56: {  	v3 =	vadd.s32 v1, v3;
	_ =	sdelay $0x2  }
0x57: {  	[tilespmem:s21], [sflag:$0x1] =	stream.indirect_vreg.gather [hbm4b:s4+s3], $0x80, v4, vm0, $0xb8;
	[tilespmem:$0x15400] =	vst v63  }
0x58: {  	_ = 	snop  }
0x59: {  	[tilespmem:s22], [sflag:$0x1] =	stream.indirect_vreg.gather [hbm4b:s4+s3], $0x80, v3, vm0, $0xb8;
	[tilespmem:$0x15400] =	vst v63  }
0x5a: {  	v3 =	vld [tilespmem:s12+$0xFFFFFFC0];
	_ =	sdelay $0x4  }
0x5b: {  	v44 =	vshll.u32 v3, $0x1  }
0x5c: {  	v3 =	vand.u32 $0x7, v3;
	v4 =	vand.u32 $0xFFFFFFF0, v44  }
0x5d: {  	v3 =	vor.u32 v3, v4  }
0x5e: {  	v4 =	vperm.xlane v3, v0;
	_ =	sdelay $0x1  }
0x5f: {  	v3 =	vperm.xlane v3, v2;
	v4 =	vadd.s32 v1, v4;
	_ =	sdelay $0x1  }
0x60: {  	v3 =	vadd.s32 v1, v3;
	_ =	sdelay $0x2  }
0x61: {  	[tilespmem:s23], [sflag:$0x1] =	stream.indirect_vreg.gather [hbm4b:s4+s3], $0x80, v4, vm0, $0xb8;
	[tilespmem:$0x15400] =	vst v63  }
0x62: {  	_ = 	snop  }
0x63: {  	[tilespmem:s24], [sflag:$0x1] =	stream.indirect_vreg.gather [hbm4b:s4+s3], $0x80, v3, vm0, $0xb8;
	[tilespmem:$0x15400] =	vst v63  }
0x64: {  	v3 =	vld.msk [tilespmem:s12+$0xFFFFFFD0], $0xff;
	_ =	sdelay $0x4  }
0x65: {  	v45 =	vshll.u32 v3, $0x1  }
0x66: {  	v3 =	vand.u32 $0x7, v3;
	v4 =	vand.u32 $0xFFFFFFF0, v45  }
0x67: {  	v3 =	vor.u32 v3, v4  }
0x68: {  	v3 =	vperm.xlane v3, v0;
	_ =	sdelay $0x1  }
0x69: {  	v3 =	vadd.s32 v1, v3;
	_ =	sdelay $0x4  }
0x6a: {  	[tilespmem:s25], [sflag:$0x1] =	stream.indirect_vreg.gather [hbm4b:s4+s3], $0x80, v3, vm0, $0xb8;
	[tilespmem:$0x15400] =	vst v63  }
0x6b: {  	v3 =	vld [tilespmem:s13+$0xFFFFFFD8];
	_ =	sdelay $0x4  }
0x6c: {  	v46 =	vshll.u32 v3, $0x1  }
0x6d: {  	v3 =	vand.u32 $0x7, v3;
	v4 =	vand.u32 $0xFFFFFFF0, v46  }
0x6e: {  	v3 =	vor.u32 v3, v4  }
0x6f: {  	v4 =	vperm.xlane v3, v0;
	_ =	sdelay $0x1  }
0x70: {  	v3 =	vperm.xlane v3, v2;
	v4 =	vadd.s32 v1, v4;
	_ =	sdelay $0x1  }
0x71: {  	v3 =	vadd.s32 v1, v3;
	_ =	sdelay $0x2  }
0x72: {  	[tilespmem:s26], [sflag:$0x2] =	stream.indirect_vreg.gather [hbm4b:s2+s3], $0x80, v4, vm0, $0xb8;
	[tilespmem:$0x15400] =	vst v63  }
0x73: {  	s11 =	rddreg [dreg:$0x5]  }
0x74: {  	[tilespmem:s11], [sflag:$0x2] =	stream.indirect_vreg.gather [hbm4b:s2+s3], $0x80, v3, vm0, $0xb8;
	[tilespmem:$0x15400] =	vst v63  }
0x75: {  	v3 =	vld [tilespmem:s13+$0xFFFFFFE8];
	_ =	sdelay $0x4  }
0x76: {  	v47 =	vshll.u32 v3, $0x1  }
0x77: {  	v3 =	vand.u32 $0x7, v3;
	v4 =	vand.u32 $0xFFFFFFF0, v47  }
0x78: {  	v3 =	vor.u32 v3, v4  }
0x79: {  	v4 =	vperm.xlane v3, v0;
	_ =	sdelay $0x1  }
0x7a: {  	v3 =	vperm.xlane v3, v2;
	v4 =	vadd.s32 v1, v4;
	_ =	sdelay $0x1  }
0x7b: {  	v3 =	vadd.s32 v1, v3;
	_ =	sdelay $0x1  }
0x7c: {  	s17 =	rddreg [dreg:$0x6]  }
0x7d: {  	[tilespmem:s17], [sflag:$0x2] =	stream.indirect_vreg.gather [hbm4b:s2+s3], $0x80, v4, vm0, $0xb8;
	[tilespmem:$0x15400] =	vst v63  }
0x7e: {  	s18 =	rddreg [dreg:$0x7]  }
0x7f: {  	[tilespmem:s18], [sflag:$0x2] =	stream.indirect_vreg.gather [hbm4b:s2+s3], $0x80, v3, vm0, $0xb8;
	[tilespmem:$0x15400] =	vst v63  }
0x80: {  	v3 =	vld.msk [tilespmem:s13+$0xFFFFFFF8], $0xff;
	_ =	sdelay $0x4  }
0x81: {  	v48 =	vshll.u32 v3, $0x1  }
0x82: {  	v3 =	vand.u32 $0x7, v3;
	v4 =	vand.u32 $0xFFFFFFF0, v48  }
0x83: {  	v3 =	vor.u32 v3, v4  }
0x84: {  	v3 =	vperm.xlane v3, v0;
	_ =	sdelay $0x1  }
0x85: {  	v3 =	vadd.s32 v1, v3;
	_ =	sdelay $0x3  }
0x86: {  	s17 =	rddreg [dreg:$0x8]  }
0x87: {  	[tilespmem:s17], [sflag:$0x2] =	stream.indirect_vreg.gather [hbm4b:s2+s3], $0x80, v3, vm0, $0xb8;
	[tilespmem:$0x15400] =	vst v63  }
0x88: {  	v3 =	vld [tilespmem:s12+$0xFFFFFFD8];
	_ =	sdelay $0x4  }
0x89: {  	v49 =	vshll.u32 v3, $0x1  }
0x8a: {  	v3 =	vand.u32 $0x7, v3;
	v4 =	vand.u32 $0xFFFFFFF0, v49  }
0x8b: {  	v3 =	vor.u32 v3, v4  }
0x8c: {  	v4 =	vperm.xlane v3, v0;
	_ =	sdelay $0x1  }
0x8d: {  	v3 =	vperm.xlane v3, v2;
	v4 =	vadd.s32 v1, v4;
	_ =	sdelay $0x1  }
0x8e: {  	v3 =	vadd.s32 v1, v3;
	_ =	sdelay $0x2  }
0x8f: {  	[tilespmem:s28], [sflag:$0x2] =	stream.indirect_vreg.gather [hbm4b:s4+s3], $0x80, v4, vm0, $0xb8;
	[tilespmem:$0x15400] =	vst v63  }
0x90: {  	s18 =	rddreg [dreg:$0x9]  }
0x91: {  	[tilespmem:s18], [sflag:$0x2] =	stream.indirect_vreg.gather [hbm4b:s4+s3], $0x80, v3, vm0, $0xb8;
	[tilespmem:$0x15400] =	vst v63  }
0x92: {  	v3 =	vld [tilespmem:s12+$0xFFFFFFE8];
	_ =	sdelay $0x4  }
0x93: {  	v50 =	vshll.u32 v3, $0x1  }
0x94: {  	v3 =	vand.u32 $0x7, v3;
	v4 =	vand.u32 $0xFFFFFFF0, v50  }
0x95: {  	v3 =	vor.u32 v3, v4  }
0x96: {  	v4 =	vperm.xlane v3, v0;
	_ =	sdelay $0x1  }
0x97: {  	v3 =	vperm.xlane v3, v2;
	v4 =	vadd.s32 v1, v4;
	_ =	sdelay $0x1  }
0x98: {  	v3 =	vadd.s32 v1, v3;
	_ =	sdelay $0x1  }
0x99: {  	s17 =	rddreg [dreg:$0xa]  }
0x9a: {  	[tilespmem:s17], [sflag:$0x2] =	stream.indirect_vreg.gather [hbm4b:s4+s3], $0x80, v4, vm0, $0xb8;
	[tilespmem:$0x15400] =	vst v63  }
0x9b: {  	s18 =	rddreg [dreg:$0xb]  }
0x9c: {  	[tilespmem:s18], [sflag:$0x2] =	stream.indirect_vreg.gather [hbm4b:s4+s3], $0x80, v3, vm0, $0xb8;
	[tilespmem:$0x15400] =	vst v63  }
0x9d: {  	v3 =	vld.msk [tilespmem:s12+$0xFFFFFFF8], $0xff;
	_ =	sdelay $0x4  }
0x9e: {  	v51 =	vshll.u32 v3, $0x1  }
0x9f: {  	v3 =	vand.u32 $0x7, v3;
	v4 =	vand.u32 $0xFFFFFFF0, v51  }
0xa0: {  	v3 =	vor.u32 v3, v4  }
0xa1: {  	v3 =	vperm.xlane v3, v0;
	_ =	sdelay $0x1  }
0xa2: {  	v3 =	vadd.s32 v1, v3;
	_ =	sdelay $0x3  }
0xa3: {  	s17 =	rddreg [dreg:$0xc]  }
0xa4: {  	[tilespmem:s17], [sflag:$0x2] =	stream.indirect_vreg.gather [hbm4b:s4+s3], $0x80, v3, vm0, $0xb8;
	[tilespmem:$0x15400] =	vst v63  }
0xa5: {  	v3 =	vld [tilespmem:s13+$0x0];
	_ =	sdelay $0x4  }
0xa6: {  	v52 =	vshll.u32 v3, $0x1  }
0xa7: {  	v3 =	vand.u32 $0x7, v3;
	v4 =	vand.u32 $0xFFFFFFF0, v52  }
0xa8: {  	v3 =	vor.u32 v3, v4  }
0xa9: {  	v4 =	vperm.xlane v3, v0;
	_ =	sdelay $0x1  }
0xaa: {  	v3 =	vperm.xlane v3, v2;
	v4 =	vadd.s32 v1, v4;
	_ =	sdelay $0x1  }
0xab: {  	v3 =	vadd.s32 v1, v3;
	_ =	sdelay $0x2  }
0xac: {  	[tilespmem:s29], [sflag:$0x3] =	stream.indirect_vreg.gather [hbm4b:s2+s3], $0x80, v4, vm0, $0xb8;
	[tilespmem:$0x15400] =	vst v63  }
0xad: {  	s18 =	rddreg [dreg:$0xd]  }
0xae: {  	[tilespmem:s18], [sflag:$0x3] =	stream.indirect_vreg.gather [hbm4b:s2+s3], $0x80, v3, vm0, $0xb8;
	[tilespmem:$0x15400] =	vst v63  }
0xaf: {  	v3 =	vld [tilespmem:s13+$0x10];
	_ =	sdelay $0x4  }
0xb0: {  	v53 =	vshll.u32 v3, $0x1  }
0xb1: {  	v3 =	vand.u32 $0x7, v3;
	v4 =	vand.u32 $0xFFFFFFF0, v53  }
0xb2: {  	v3 =	vor.u32 v3, v4  }
0xb3: {  	v4 =	vperm.xlane v3, v0;
	_ =	sdelay $0x1  }
0xb4: {  	v3 =	vperm.xlane v3, v2;
	v4 =	vadd.s32 v1, v4;
	_ =	sdelay $0x1  }
0xb5: {  	v3 =	vadd.s32 v1, v3;
	_ =	sdelay $0x1  }
0xb6: {  	s17 =	rddreg [dreg:$0xe]  }
0xb7: {  	[tilespmem:s17], [sflag:$0x3] =	stream.indirect_vreg.gather [hbm4b:s2+s3], $0x80, v4, vm0, $0xb8;
	[tilespmem:$0x15400] =	vst v63  }
0xb8: {  	s18 =	rddreg [dreg:$0xf]  }
0xb9: {  	[tilespmem:s18], [sflag:$0x3] =	stream.indirect_vreg.gather [hbm4b:s2+s3], $0x80, v3, vm0, $0xb8;
	[tilespmem:$0x15400] =	vst v63  }
0xba: {  	v3 =	vld.msk [tilespmem:s13+$0x20], $0xff;
	_ =	sdelay $0x4  }
0xbb: {  	v54 =	vshll.u32 v3, $0x1  }
0xbc: {  	v3 =	vand.u32 $0x7, v3;
	v4 =	vand.u32 $0xFFFFFFF0, v54  }
0xbd: {  	v3 =	vor.u32 v3, v4  }
0xbe: {  	v3 =	vperm.xlane v3, v0;
	_ =	sdelay $0x1  }
0xbf: {  	v3 =	vadd.s32 v1, v3;
	_ =	sdelay $0x3  }
0xc0: {  	s17 =	rddreg [dreg:$0x10]  }
0xc1: {  	[tilespmem:s17], [sflag:$0x3] =	stream.indirect_vreg.gather [hbm4b:s2+s3], $0x80, v3, vm0, $0xb8;
	[tilespmem:$0x15400] =	vst v63  }
0xc2: {  	v3 =	vld [tilespmem:s12+$0x0];
	_ =	sdelay $0x4  }
0xc3: {  	v55 =	vshll.u32 v3, $0x1  }
0xc4: {  	v3 =	vand.u32 $0x7, v3;
	v4 =	vand.u32 $0xFFFFFFF0, v55  }
0xc5: {  	v3 =	vor.u32 v3, v4  }
0xc6: {  	v4 =	vperm.xlane v3, v0;
	_ =	sdelay $0x1  }
0xc7: {  	v3 =	vperm.xlane v3, v2;
	v4 =	vadd.s32 v1, v4;
	_ =	sdelay $0x1  }
0xc8: {  	v3 =	vadd.s32 v1, v3;
	_ =	sdelay $0x2  }
0xc9: {  	[tilespmem:s30], [sflag:$0x3] =	stream.indirect_vreg.gather [hbm4b:s4+s3], $0x80, v4, vm0, $0xb8;
	[tilespmem:$0x15400] =	vst v63  }
0xca: {  	s18 =	rddreg [dreg:$0x11]  }
0xcb: {  	[tilespmem:s18], [sflag:$0x3] =	stream.indirect_vreg.gather [hbm4b:s4+s3], $0x80, v3, vm0, $0xb8;
	[tilespmem:$0x15400] =	vst v63  }
0xcc: {  	v3 =	vld [tilespmem:s12+$0x10];
	_ =	sdelay $0x4  }
0xcd: {  	v56 =	vshll.u32 v3, $0x1  }
0xce: {  	v3 =	vand.u32 $0x7, v3;
	v4 =	vand.u32 $0xFFFFFFF0, v56  }
0xcf: {  	v3 =	vor.u32 v3, v4  }
0xd0: {  	v4 =	vperm.xlane v3, v0;
	_ =	sdelay $0x1  }
0xd1: {  	v3 =	vperm.xlane v3, v2;
	v4 =	vadd.s32 v1, v4;
	_ =	sdelay $0x1  }
0xd2: {  	v3 =	vadd.s32 v1, v3;
	_ =	sdelay $0x1  }
0xd3: {  	s17 =	rddreg [dreg:$0x12]  }
0xd4: {  	[tilespmem:s17], [sflag:$0x3] =	stream.indirect_vreg.gather [hbm4b:s4+s3], $0x80, v4, vm0, $0xb8;
	[tilespmem:$0x15400] =	vst v63  }
0xd5: {  	s18 =	rddreg [dreg:$0x13]  }
0xd6: {  	[tilespmem:s18], [sflag:$0x3] =	stream.indirect_vreg.gather [hbm4b:s4+s3], $0x80, v3, vm0, $0xb8;
	[tilespmem:$0x15400] =	vst v63  }
0xd7: {  	v3 =	vld.msk [tilespmem:s12+$0x20], $0xff;
	_ =	sdelay $0x4  }
0xd8: {  	v57 =	vshll.u32 v3, $0x1  }
0xd9: {  	v3 =	vand.u32 $0x7, v3;
	v4 =	vand.u32 $0xFFFFFFF0, v57  }
0xda: {  	v3 =	vor.u32 v3, v4  }
0xdb: {  	v3 =	vperm.xlane v3, v0;
	_ =	sdelay $0x1  }
0xdc: {  	v3 =	vadd.s32 v1, v3;
	_ =	sdelay $0x3  }
0xdd: {  	s17 =	rddreg [dreg:$0x14]  }
0xde: {  	[tilespmem:s17], [sflag:$0x3] =	stream.indirect_vreg.gather [hbm4b:s4+s3], $0x80, v3, vm0, $0xb8;
	[tilespmem:$0x15400] =	vst v63  }
0xdf: {  	v3 =	vld [tilespmem:s13+$0x28];
	_ =	sdelay $0x4  }
0xe0: {  	v58 =	vshll.u32 v3, $0x1  }
0xe1: {  	v3 =	vand.u32 $0x7, v3;
	v4 =	vand.u32 $0xFFFFFFF0, v58  }
0xe2: {  	v3 =	vor.u32 v3, v4  }
0xe3: {  	v4 =	vperm.xlane v3, v0;
	_ =	sdelay $0x1  }
0xe4: {  	v3 =	vperm.xlane v3, v2;
	v4 =	vadd.s32 v1, v4;
	_ =	sdelay $0x1  }
0xe5: {  	v3 =	vadd.s32 v1, v3;
	_ =	sdelay $0x2  }
0xe6: {  	[tilespmem:s31], [sflag:$0x4] =	stream.indirect_vreg.gather [hbm4b:s2+s3], $0x80, v4, vm0, $0xb8;
	[tilespmem:$0x15400] =	vst v63  }
0xe7: {  	s18 =	rddreg [dreg:$0x15]  }
0xe8: {  	[tilespmem:s18], [sflag:$0x4] =	stream.indirect_vreg.gather [hbm4b:s2+s3], $0x80, v3, vm0, $0xb8;
	[tilespmem:$0x15400] =	vst v63  }
0xe9: {  	v3 =	vld [tilespmem:s13+$0x38];
	_ =	sdelay $0x4  }
0xea: {  	v59 =	vshll.u32 v3, $0x1  }
0xeb: {  	v3 =	vand.u32 $0x7, v3;
	v4 =	vand.u32 $0xFFFFFFF0, v59  }
0xec: {  	v3 =	vor.u32 v3, v4  }
0xed: {  	v4 =	vperm.xlane v3, v0;
	_ =	sdelay $0x1  }
0xee: {  	v3 =	vperm.xlane v3, v2;
	v4 =	vadd.s32 v1, v4;
	_ =	sdelay $0x1  }
0xef: {  	v3 =	vadd.s32 v1, v3;
	_ =	sdelay $0x1  }
0xf0: {  	s17 =	rddreg [dreg:$0x16]  }
0xf1: {  	[tilespmem:s17], [sflag:$0x4] =	stream.indirect_vreg.gather [hbm4b:s2+s3], $0x80, v4, vm0, $0xb8;
	[tilespmem:$0x15400] =	vst v63  }
0xf2: {  	s18 =	rddreg [dreg:$0x17]  }
0xf3: {  	[tilespmem:s18], [sflag:$0x4] =	stream.indirect_vreg.gather [hbm4b:s2+s3], $0x80, v3, vm0, $0xb8;
	[tilespmem:$0x15400] =	vst v63  }
0xf4: {  	v3 =	vld.msk [tilespmem:s13+$0x48], $0xff;
	_ =	sdelay $0x4  }
0xf5: {  	v60 =	vshll.u32 v3, $0x1  }
0xf6: {  	v3 =	vand.u32 $0x7, v3;
	v4 =	vand.u32 $0xFFFFFFF0, v60  }
0xf7: {  	v3 =	vor.u32 v3, v4  }
0xf8: {  	v3 =	vperm.xlane v3, v0;
	_ =	sdelay $0x1  }
0xf9: {  	v3 =	vadd.s32 v1, v3;
	_ =	sdelay $0x3  }
0xfa: {  	s17 =	rddreg [dreg:$0x18]  }
0xfb: {  	[tilespmem:s17], [sflag:$0x4] =	stream.indirect_vreg.gather [hbm4b:s2+s3], $0x80, v3, vm0, $0xb8;
	[tilespmem:$0x15400] =	vst v63  }
0xfc: {  	v3 =	vld [tilespmem:s12+$0x28];
	_ =	sdelay $0x4  }
0xfd: {  	v61 =	vshll.u32 v3, $0x1  }
0xfe: {  	v3 =	vand.u32 $0x7, v3;
	v4 =	vand.u32 $0xFFFFFFF0, v61  }
0xff: {  	v3 =	vor.u32 v3, v4  }
0x100: {  	v4 =	vperm.xlane v3, v0;
	_ =	sdelay $0x1  }
0x101: {  	v3 =	vperm.xlane v3, v2;
	v4 =	vadd.s32 v1, v4;
	_ =	sdelay $0x1  }
0x102: {  	v3 =	vadd.s32 v1, v3;
	_ =	sdelay $0x2  }
0x103: {  	[tilespmem:s1], [sflag:$0x4] =	stream.indirect_vreg.gather [hbm4b:s4+s3], $0x80, v4, vm0, $0xb8;
	[tilespmem:$0x15400] =	vst v63  }
0x104: {  	s18 =	rddreg [dreg:$0x19]  }
0x105: {  	[tilespmem:s18], [sflag:$0x4] =	stream.indirect_vreg.gather [hbm4b:s4+s3], $0x80, v3, vm0, $0xb8;
	[tilespmem:$0x15400] =	vst v63  }
0x106: {  	v3 =	vld [tilespmem:s12+$0x38];
	_ =	sdelay $0x4  }
0x107: {  	v62 =	vshll.u32 v3, $0x1  }
0x108: {  	v3 =	vand.u32 $0x7, v3;
	v4 =	vand.u32 $0xFFFFFFF0, v62  }
0x109: {  	v3 =	vor.u32 v3, v4  }
0x10a: {  	v4 =	vperm.xlane v3, v0;
	_ =	sdelay $0x1  }
0x10b: {  	v3 =	vperm.xlane v3, v2;
	v4 =	vadd.s32 v1, v4;
	_ =	sdelay $0x1  }
0x10c: {  	v3 =	vadd.s32 v1, v3;
	_ =	sdelay $0x1  }
0x10d: {  	s17 =	rddreg [dreg:$0x1a]  }
0x10e: {  	[tilespmem:s17], [sflag:$0x4] =	stream.indirect_vreg.gather [hbm4b:s4+s3], $0x80, v4, vm0, $0xb8;
	[tilespmem:$0x15400] =	vst v63  }
0x10f: {  	s18 =	rddreg [dreg:$0x1b]  }
0x110: {  	[tilespmem:s18], [sflag:$0x4] =	stream.indirect_vreg.gather [hbm4b:s4+s3], $0x80, v3, vm0, $0xb8;
	[tilespmem:$0x15400] =	vst v63  }
0x111: {  	v3 =	vld.msk [tilespmem:s12+$0x48], $0xff;
	_ =	sdelay $0x4  }
0x112: {  	v63 =	vshll.u32 v3, $0x1  }
0x113: {  	v3 =	vand.u32 $0x7, v3;
	v4 =	vand.u32 $0xFFFFFFF0, v63  }
0x114: {  	v3 =	vor.u32 v3, v4  }
0x115: {  	v3 =	vperm.xlane v3, v0;
	_ =	sdelay $0x1  }
0x116: {  	v3 =	vadd.s32 v1, v3;
	_ =	sdelay $0x3  }
0x117: {  	s18 =	rddreg [dreg:$0x1c]  }
0x118: {  	[tilespmem:s18], [sflag:$0x4] =	stream.indirect_vreg.gather [hbm4b:s4+s3], $0x80, v3, vm0, $0xb8;
	[tilespmem:$0x15400] =	vst v63  }
0x119: {  	_ =	swait.ge [sflag:s0], $0x2800  }
0x11a: {  	[sflag:s0] =	ssyncset.done $0x0  }
0x11b: {  	[sflag:s0] =	ssyncadd.s32 $0xFFFFD800  }
0x11c: {  	_ =	swait.ge [sflag:s0], $0x2800  }
0x11d: {  	s17 =	rddreg [dreg:$0x3];
	[sflag:s0] =	ssyncset.done $0x0  }
0x11e: {  	s18 =	rddreg [dreg:$0x4];
	[sflag:s0] =	ssyncadd.s32 $0xFFFFD800;
	s11 =	sadd.s32 s14, s17  }
0x11f: {  	[hbm4b:s11+s3] =	stream.linear.scatter [tilespmem:s16], [sflag:$0x5], $0x2800, $0x38;
	[tilespmem:$0x15400] =	vst v63  }
0x120: {  	s17 =	sadd.s32 s14, s18  }
0x121: {  	[hbm4b:s17+s3] =	stream.linear.scatter [tilespmem:s21], [sflag:$0x5], $0x2800, $0x38;
	[tilespmem:$0x15400] =	vst v63  }
0x122: {  	_ =	swait.ge [sflag:s15], $0x2800  }
0x123: {  	[sflag:s15] =	ssyncset.done $0x0  }
0x124: {  	[sflag:s15] =	ssyncadd.s32 $0xFFFFD800  }
0x125: {  	_ =	swait.ge [sflag:s15], $0x2800  }
0x126: {  	[sflag:s15] =	ssyncset.done $0x0  }
0x127: {  	s18 =	sadd.s32 $0x500, s11;
	[sflag:s15] =	ssyncadd.s32 $0xFFFFD800  }
0x128: {  	[hbm4b:s18+s3] =	stream.linear.scatter [tilespmem:s26], [sflag:$0x6], $0x2800, $0x38;
	[tilespmem:$0x15400] =	vst v63  }
0x129: {  	s18 =	sadd.s32 $0x500, s17  }
0x12a: {  	[hbm4b:s18+s3] =	stream.linear.scatter [tilespmem:s28], [sflag:$0x6], $0x2800, $0x38;
	[tilespmem:$0x15400] =	vst v63  }
0x12b: {  	_ =	swait.ge [sflag:s5], $0x2800  }
0x12c: {  	[sflag:s5] =	ssyncset.done $0x0  }
0x12d: {  	[sflag:s5] =	ssyncadd.s32 $0xFFFFD800  }
0x12e: {  	_ =	swait.ge [sflag:s5], $0x2800  }
0x12f: {  	[sflag:s5] =	ssyncset.done $0x0  }
0x130: {  	s18 =	sadd.s32 $0xA00, s11;
	[sflag:s5] =	ssyncadd.s32 $0xFFFFD800  }
0x131: {  	[hbm4b:s18+s3] =	stream.linear.scatter [tilespmem:s29], [sflag:$0x7], $0x2800, $0x38;
	[tilespmem:$0x15400] =	vst v63  }
0x132: {  	s18 =	sadd.s32 $0xA00, s17  }
0x133: {  	[hbm4b:s18+s3] =	stream.linear.scatter [tilespmem:s30], [sflag:$0x7], $0x2800, $0x38;
	[tilespmem:$0x15400] =	vst v63  }
0x134: {  	_ =	swait.ge [sflag:s6], $0x2800  }
0x135: {  	[sflag:s6] =	ssyncset.done $0x0  }
0x136: {  	[sflag:s6] =	ssyncadd.s32 $0xFFFFD800  }
0x137: {  	_ =	swait.ge [sflag:s6], $0x2800  }
0x138: {  	[sflag:s6] =	ssyncset.done $0x0  }
0x139: {  	s11 =	sadd.s32 $0xF00, s11;
	[sflag:s6] =	ssyncadd.s32 $0xFFFFD800  }
0x13a: {  	[hbm4b:s11+s3] =	stream.linear.scatter [tilespmem:s31], [sflag:$0x8], $0x2800, $0x38;
	[tilespmem:$0x15400] =	vst v63  }
0x13b: {  	s11 =	sadd.s32 $0xF00, s17  }
0x13c: {  	[hbm4b:s11+s3] =	stream.linear.scatter [tilespmem:s1], [sflag:$0x8], $0x2800, $0x38;
	[tilespmem:$0x15400] =	vst v63  }
0x13d: {  	_ =	swait.ge [sflag:s7], $0x2800  }
0x13e: {  	[sflag:s7] =	ssyncset.done $0x0  }
0x13f: {  	[sflag:s7] =	ssyncadd.s32 $0xFFFFD800  }
0x140: {  	_ =	swait.ge [sflag:s7], $0x2800  }
0x141: {  	[sflag:s7] =	ssyncset.done $0x0  }
0x142: {  	[sflag:s7] =	ssyncadd.s32 $0xFFFFD800  }
0x143: {  	_ =	swait.ge [sflag:s8], $0x2800  }
0x144: {  	[sflag:s8] =	ssyncset.done $0x0  }
0x145: {  	[sflag:s8] =	ssyncadd.s32 $0xFFFFD800  }
0x146: {  	_ =	swait.ge [sflag:s8], $0x2800  }
0x147: {  	[sflag:s8] =	ssyncset.done $0x0  }
0x148: {  	[sflag:s8] =	ssyncadd.s32 $0xFFFFD800  }
0x149: {  	_ =	swait.ge [sflag:s9], $0x2800  }
0x14a: {  	[sflag:s9] =	ssyncset.done $0x0  }
0x14b: {  	[sflag:s9] =	ssyncadd.s32 $0xFFFFD800  }
0x14c: {  	_ =	swait.ge [sflag:s9], $0x2800  }
0x14d: {  	[sflag:s9] =	ssyncset.done $0x0  }
0x14e: {  	[sflag:s9] =	ssyncadd.s32 $0xFFFFD800  }
0x14f: {  	p0 =	sne.s32 s14, $0x11800;
	_ =	swait.ge [sflag:s10], $0x2800  }
.Ltmp0:
0x150: {  	[sflag:s10] =	ssyncset.done $0x0;
	(pc) =	sbr.rel @p0 .LBB2_2-.Ltmp0, $4  }
0x151: {  	[sflag:s10] =	ssyncadd.s32 $0xFFFFD800  }
0x152: {  	s13 =	sadd.s32 $0xA0, s13;
	_ =	swait.ge [sflag:s10], $0x2800  }
0x153: {  	s12 =	sadd.s32 $0xA0, s12;
	s14 =	sadd.s32 $0x1400, s14;
	[sflag:s10] =	ssyncset.done $0x0  }
0x154: {  	s18 =	simm.s32 $0x2400;
	s17 =	simm.s32 $0x1C00;
	[sflag:s10] =	ssyncadd.s32 $0xFFFFD800  }
0x155: {  	v3 =	vld [tilespmem:$0x960];
	_ =	sdelay $0x4  }
0x156: {  	v4 =	vshll.u32 v3, $0x1  }
0x157: {  	v3 =	vand.u32 $0x7, v3;
	v4 =	vand.u32 $0xFFFFFFF0, v4  }
0x158: {  	v3 =	vor.u32 v3, v4  }
0x159: {  	v4 =	vperm.xlane v3, v0;
	_ =	sdelay $0x1  }
0x15a: {  	v3 =	vperm.xlane v3, v2;
	v4 =	vadd.s32 v1, v4;
	_ =	sdelay $0x1  }
0x15b: {  	v3 =	vadd.s32 v1, v3;
	_ =	sdelay $0x2  }
0x15c: {  	[tilespmem:s16], [sflag:$0x1] =	stream.indirect_vreg.gather [hbm4b:s2+s3], $0x80, v4, vm0, $0xb8;
	[tilespmem:$0x15400] =	vst v63  }
0x15d: {  	_ = 	snop  }
0x15e: {  	[tilespmem:s17], [sflag:$0x1] =	stream.indirect_vreg.gather [hbm4b:s2+s3], $0x80, v3, vm0, $0xb8;
	[tilespmem:$0x15400] =	vst v63  }
0x15f: {  	v3 =	vld [tilespmem:$0x970];
	_ =	sdelay $0x4  }
0x160: {  	v47 =	vshll.u32 v3, $0x1  }
0x161: {  	v3 =	vand.u32 $0x7, v3;
	v4 =	vand.u32 $0xFFFFFFF0, v47  }
0x162: {  	v3 =	vor.u32 v3, v4  }
0x163: {  	v4 =	vperm.xlane v3, v0;
	_ =	sdelay $0x1  }
0x164: {  	v3 =	vperm.xlane v3, v2;
	v4 =	vadd.s32 v1, v4;
	_ =	sdelay $0x1  }
0x165: {  	v3 =	vadd.s32 v1, v3;
	_ =	sdelay $0x2  }
0x166: {  	[tilespmem:s18], [sflag:$0x1] =	stream.indirect_vreg.gather [hbm4b:s2+s3], $0x80, v4, vm0, $0xb8;
	[tilespmem:$0x15400] =	vst v63  }
0x167: {  	_ = 	snop  }
0x168: {  	[tilespmem:s19], [sflag:$0x1] =	stream.indirect_vreg.gather [hbm4b:s2+s3], $0x80, v3, vm0, $0xb8;
	[tilespmem:$0x15400] =	vst v63  }
0x169: {  	v3 =	vld.msk [tilespmem:$0x980], $0xff;
	_ =	sdelay $0x4  }
0x16a: {  	v48 =	vshll.u32 v3, $0x1  }
0x16b: {  	v3 =	vand.u32 $0x7, v3;
	v4 =	vand.u32 $0xFFFFFFF0, v48  }
0x16c: {  	v3 =	vor.u32 v3, v4  }
0x16d: {  	v3 =	vperm.xlane v3, v0;
	_ =	sdelay $0x1  }
0x16e: {  	v3 =	vadd.s32 v1, v3;
	_ =	sdelay $0x4  }
0x16f: {  	[tilespmem:s20], [sflag:$0x1] =	stream.indirect_vreg.gather [hbm4b:s2+s3], $0x80, v3, vm0, $0xb8;
	[tilespmem:$0x15400] =	vst v63  }
0x170: {  	v3 =	vld [tilespmem:$0x1360];
	_ =	sdelay $0x4  }
0x171: {  	v49 =	vshll.u32 v3, $0x1  }
0x172: {  	v3 =	vand.u32 $0x7, v3;
	v4 =	vand.u32 $0xFFFFFFF0, v49  }
0x173: {  	v3 =	vor.u32 v3, v4  }
0x174: {  	v4 =	vperm.xlane v3, v0;
	_ =	sdelay $0x1  }
0x175: {  	v3 =	vperm.xlane v3, v2;
	v4 =	vadd.s32 v1, v4;
	_ =	sdelay $0x1  }
0x176: {  	v3 =	vadd.s32 v1, v3;
	_ =	sdelay $0x2  }
0x177: {  	[tilespmem:s21], [sflag:$0x1] =	stream.indirect_vreg.gather [hbm4b:s4+s3], $0x80, v4, vm0, $0xb8;
	[tilespmem:$0x15400] =	vst v63  }
0x178: {  	_ = 	snop  }
0x179: {  	[tilespmem:s22], [sflag:$0x1] =	stream.indirect_vreg.gather [hbm4b:s4+s3], $0x80, v3, vm0, $0xb8;
	[tilespmem:$0x15400] =	vst v63  }
0x17a: {  	v3 =	vld [tilespmem:$0x1370];
	_ =	sdelay $0x4  }
0x17b: {  	v50 =	vshll.u32 v3, $0x1  }
0x17c: {  	v3 =	vand.u32 $0x7, v3;
	v4 =	vand.u32 $0xFFFFFFF0, v50  }
0x17d: {  	v3 =	vor.u32 v3, v4  }
0x17e: {  	v4 =	vperm.xlane v3, v0;
	_ =	sdelay $0x1  }
0x17f: {  	v3 =	vperm.xlane v3, v2;
	v4 =	vadd.s32 v1, v4;
	_ =	sdelay $0x1  }
0x180: {  	v3 =	vadd.s32 v1, v3;
	_ =	sdelay $0x2  }
0x181: {  	[tilespmem:s23], [sflag:$0x1] =	stream.indirect_vreg.gather [hbm4b:s4+s3], $0x80, v4, vm0, $0xb8;
	[tilespmem:$0x15400] =	vst v63  }
0x182: {  	_ = 	snop  }
0x183: {  	[tilespmem:s24], [sflag:$0x1] =	stream.indirect_vreg.gather [hbm4b:s4+s3], $0x80, v3, vm0, $0xb8;
	[tilespmem:$0x15400] =	vst v63  }
0x184: {  	v3 =	vld.msk [tilespmem:$0x1380], $0xff;
	_ =	sdelay $0x4  }
0x185: {  	v51 =	vshll.u32 v3, $0x1  }
0x186: {  	v3 =	vand.u32 $0x7, v3;
	v4 =	vand.u32 $0xFFFFFFF0, v51  }
0x187: {  	v3 =	vor.u32 v3, v4  }
0x188: {  	v3 =	vperm.xlane v3, v0;
	_ =	sdelay $0x1  }
0x189: {  	v3 =	vadd.s32 v1, v3;
	_ =	sdelay $0x4  }
0x18a: {  	[tilespmem:s25], [sflag:$0x1] =	stream.indirect_vreg.gather [hbm4b:s4+s3], $0x80, v3, vm0, $0xb8;
	[tilespmem:$0x15400] =	vst v63  }
0x18b: {  	_ =	swait.ge [sflag:s0], $0x2800  }
0x18c: {  	[sflag:s0] =	ssyncset.done $0x0  }
0x18d: {  	[sflag:s0] =	ssyncadd.s32 $0xFFFFD800  }
0x18e: {  	_ =	swait.ge [sflag:s0], $0x2800  }
0x18f: {  	[sflag:s0] =	ssyncset.done $0x0;
	s11 =	rddreg [dreg:$0x1f]  }
0x190: {  	s12 =	sld [smem:$0x7F8];
	[sflag:s0] =	ssyncadd.s32 $0xFFFFD800  }
0x191: {  	[hbm4b:s11+s3] =	stream.linear.scatter [tilespmem:s16], [sflag:$0x5], $0x2800, $0x38;
	[tilespmem:$0x15400] =	vst v63  }
0x192: {  	_ = 	snop  }
0x193: {  	[hbm4b:s12+s3] =	stream.linear.scatter [tilespmem:s21], [sflag:$0x5], $0x2800, $0x38;
	[tilespmem:$0x15400] =	vst v63  }
0x194: {  	_ =	swait.ge [sflag:s7], $0x2800  }
0x195: {  	[sflag:s7] =	ssyncset.done $0x0  }
0x196: {  	[sflag:s7] =	ssyncadd.s32 $0xFFFFD800  }
0x197: {  	_ =	swait.ge [sflag:s7], $0x2800  }
0x198: {  	[sflag:s7] =	ssyncset.done $0x0  }
0x199: {  	[sflag:s7] =	ssyncadd.s32 $0xFFFFD800  }
0x19a: {  	v3 =	vld [tilespmem:$0x988];
	_ =	sdelay $0x4  }
0x19b: {  	v52 =	vshll.u32 v3, $0x1  }
0x19c: {  	v3 =	vand.u32 $0x7, v3;
	v4 =	vand.u32 $0xFFFFFFF0, v52  }
0x19d: {  	v3 =	vor.u32 v3, v4  }
0x19e: {  	v4 =	vperm.xlane v3, v0;
	_ =	sdelay $0x1  }
0x19f: {  	v3 =	vperm.xlane v3, v2;
	v4 =	vadd.s32 v1, v4;
	_ =	sdelay $0x1  }
0x1a0: {  	v3 =	vadd.s32 v1, v3;
	_ =	sdelay $0x2  }
0x1a1: {  	[tilespmem:s16], [sflag:$0x1] =	stream.indirect_vreg.gather [hbm4b:s2+s3], $0x80, v4, vm0, $0xb8;
	[tilespmem:$0x15400] =	vst v63  }
0x1a2: {  	_ = 	snop  }
0x1a3: {  	[tilespmem:s17], [sflag:$0x1] =	stream.indirect_vreg.gather [hbm4b:s2+s3], $0x80, v3, vm0, $0xb8;
	[tilespmem:$0x15400] =	vst v63  }
0x1a4: {  	v3 =	vld [tilespmem:$0x998];
	_ =	sdelay $0x4  }
0x1a5: {  	v53 =	vshll.u32 v3, $0x1  }
0x1a6: {  	v3 =	vand.u32 $0x7, v3;
	v4 =	vand.u32 $0xFFFFFFF0, v53  }
0x1a7: {  	v3 =	vor.u32 v3, v4  }
0x1a8: {  	v4 =	vperm.xlane v3, v0;
	_ =	sdelay $0x1  }
0x1a9: {  	v3 =	vperm.xlane v3, v2;
	v4 =	vadd.s32 v1, v4;
	_ =	sdelay $0x1  }
0x1aa: {  	v3 =	vadd.s32 v1, v3;
	_ =	sdelay $0x2  }
0x1ab: {  	[tilespmem:s18], [sflag:$0x1] =	stream.indirect_vreg.gather [hbm4b:s2+s3], $0x80, v4, vm0, $0xb8;
	[tilespmem:$0x15400] =	vst v63  }
0x1ac: {  	_ = 	snop  }
0x1ad: {  	[tilespmem:s19], [sflag:$0x1] =	stream.indirect_vreg.gather [hbm4b:s2+s3], $0x80, v3, vm0, $0xb8;
	[tilespmem:$0x15400] =	vst v63  }
0x1ae: {  	v3 =	vld.msk [tilespmem:$0x9A8], $0xff;
	_ =	sdelay $0x4  }
0x1af: {  	v54 =	vshll.u32 v3, $0x1  }
0x1b0: {  	v3 =	vand.u32 $0x7, v3;
	v4 =	vand.u32 $0xFFFFFFF0, v54  }
0x1b1: {  	v3 =	vor.u32 v3, v4  }
0x1b2: {  	v3 =	vperm.xlane v3, v0;
	_ =	sdelay $0x1  }
0x1b3: {  	v3 =	vadd.s32 v1, v3;
	_ =	sdelay $0x4  }
0x1b4: {  	[tilespmem:s20], [sflag:$0x1] =	stream.indirect_vreg.gather [hbm4b:s2+s3], $0x80, v3, vm0, $0xb8;
	[tilespmem:$0x15400] =	vst v63  }
0x1b5: {  	v3 =	vld [tilespmem:$0x1388];
	_ =	sdelay $0x4  }
0x1b6: {  	v55 =	vshll.u32 v3, $0x1  }
0x1b7: {  	v3 =	vand.u32 $0x7, v3;
	v4 =	vand.u32 $0xFFFFFFF0, v55  }
0x1b8: {  	v3 =	vor.u32 v3, v4  }
0x1b9: {  	v4 =	vperm.xlane v3, v0;
	_ =	sdelay $0x1  }
0x1ba: {  	v3 =	vperm.xlane v3, v2;
	v4 =	vadd.s32 v1, v4;
	_ =	sdelay $0x1  }
0x1bb: {  	v3 =	vadd.s32 v1, v3;
	_ =	sdelay $0x2  }
0x1bc: {  	[tilespmem:s21], [sflag:$0x1] =	stream.indirect_vreg.gather [hbm4b:s4+s3], $0x80, v4, vm0, $0xb8;
	[tilespmem:$0x15400] =	vst v63  }
0x1bd: {  	_ = 	snop  }
0x1be: {  	[tilespmem:s22], [sflag:$0x1] =	stream.indirect_vreg.gather [hbm4b:s4+s3], $0x80, v3, vm0, $0xb8;
	[tilespmem:$0x15400] =	vst v63  }
0x1bf: {  	v3 =	vld [tilespmem:$0x1398];
	_ =	sdelay $0x4  }
0x1c0: {  	v56 =	vshll.u32 v3, $0x1  }
0x1c1: {  	v3 =	vand.u32 $0x7, v3;
	v4 =	vand.u32 $0xFFFFFFF0, v56  }
0x1c2: {  	v3 =	vor.u32 v3, v4  }
0x1c3: {  	v4 =	vperm.xlane v3, v0;
	_ =	sdelay $0x1  }
0x1c4: {  	v3 =	vperm.xlane v3, v2;
	v4 =	vadd.s32 v1, v4;
	_ =	sdelay $0x1  }
0x1c5: {  	v3 =	vadd.s32 v1, v3;
	_ =	sdelay $0x2  }
0x1c6: {  	[tilespmem:s23], [sflag:$0x1] =	stream.indirect_vreg.gather [hbm4b:s4+s3], $0x80, v4, vm0, $0xb8;
	[tilespmem:$0x15400] =	vst v63  }
0x1c7: {  	_ = 	snop  }
0x1c8: {  	[tilespmem:s24], [sflag:$0x1] =	stream.indirect_vreg.gather [hbm4b:s4+s3], $0x80, v3, vm0, $0xb8;
	[tilespmem:$0x15400] =	vst v63  }
0x1c9: {  	v3 =	vld.msk [tilespmem:$0x13A8], $0xff;
	_ =	sdelay $0x4  }
0x1ca: {  	v57 =	vshll.u32 v3, $0x1  }
0x1cb: {  	v3 =	vand.u32 $0x7, v3;
	v4 =	vand.u32 $0xFFFFFFF0, v57  }
0x1cc: {  	v3 =	vor.u32 v3, v4  }
0x1cd: {  	v3 =	vperm.xlane v3, v0;
	_ =	sdelay $0x1  }
0x1ce: {  	v3 =	vadd.s32 v1, v3;
	_ =	sdelay $0x4  }
0x1cf: {  	[tilespmem:s25], [sflag:$0x1] =	stream.indirect_vreg.gather [hbm4b:s4+s3], $0x80, v3, vm0, $0xb8;
	[tilespmem:$0x15400] =	vst v63  }
0x1d0: {  	_ =	swait.ge [sflag:s0], $0x2800  }
0x1d1: {  	[sflag:s0] =	ssyncset.done $0x0  }
0x1d2: {  	[sflag:s0] =	ssyncadd.s32 $0xFFFFD800  }
0x1d3: {  	_ =	swait.ge [sflag:s0], $0x2800  }
0x1d4: {  	s13 =	sld [smem:$0x7F9]  }
0x1d5: {  	[sflag:s0] =	ssyncset.done $0x0  }
0x1d6: {  	s14 =	sld [smem:$0x7FA];
	[sflag:s0] =	ssyncadd.s32 $0xFFFFD800  }
0x1d7: {  	[hbm4b:s13+s3] =	stream.linear.scatter [tilespmem:s16], [sflag:$0x5], $0x2800, $0x38;
	[tilespmem:$0x15400] =	vst v63  }
0x1d8: {  	_ = 	snop  }
0x1d9: {  	[hbm4b:s14+s3] =	stream.linear.scatter [tilespmem:s21], [sflag:$0x5], $0x2800, $0x38;
	[tilespmem:$0x15400] =	vst v63  }
0x1da: {  	_ =	swait.ge [sflag:s7], $0x2800  }
0x1db: {  	[sflag:s7] =	ssyncset.done $0x0  }
0x1dc: {  	[sflag:s7] =	ssyncadd.s32 $0xFFFFD800  }
0x1dd: {  	_ =	swait.ge [sflag:s7], $0x2800  }
0x1de: {  	[sflag:s7] =	ssyncset.done $0x0  }
0x1df: {  	[sflag:s7] =	ssyncadd.s32 $0xFFFFD800  }
0x1e0: {  	v3 =	vld [tilespmem:$0x9B0];
	_ =	sdelay $0x4  }
0x1e1: {  	v58 =	vshll.u32 v3, $0x1  }
0x1e2: {  	v3 =	vand.u32 $0x7, v3;
	v4 =	vand.u32 $0xFFFFFFF0, v58  }
0x1e3: {  	v3 =	vor.u32 v3, v4  }
0x1e4: {  	v4 =	vperm.xlane v3, v0;
	_ =	sdelay $0x1  }
0x1e5: {  	v3 =	vperm.xlane v3, v2;
	v4 =	vadd.s32 v1, v4;
	_ =	sdelay $0x1  }
0x1e6: {  	v3 =	vadd.s32 v1, v3;
	_ =	sdelay $0x2  }
0x1e7: {  	[tilespmem:s16], [sflag:$0x1] =	stream.indirect_vreg.gather [hbm4b:s2+s3], $0x80, v4, vm0, $0xb8;
	[tilespmem:$0x15400] =	vst v63  }
0x1e8: {  	_ = 	snop  }
0x1e9: {  	[tilespmem:s17], [sflag:$0x1] =	stream.indirect_vreg.gather [hbm4b:s2+s3], $0x80, v3, vm0, $0xb8;
	[tilespmem:$0x15400] =	vst v63  }
0x1ea: {  	v3 =	vld [tilespmem:$0x9C0];
	_ =	sdelay $0x4  }
0x1eb: {  	v59 =	vshll.u32 v3, $0x1  }
0x1ec: {  	v3 =	vand.u32 $0x7, v3;
	v4 =	vand.u32 $0xFFFFFFF0, v59  }
0x1ed: {  	v3 =	vor.u32 v3, v4  }
0x1ee: {  	v4 =	vperm.xlane v3, v0;
	_ =	sdelay $0x1  }
0x1ef: {  	v3 =	vperm.xlane v3, v2;
	v4 =	vadd.s32 v1, v4;
	_ =	sdelay $0x1  }
0x1f0: {  	v3 =	vadd.s32 v1, v3;
	_ =	sdelay $0x2  }
0x1f1: {  	[tilespmem:s18], [sflag:$0x1] =	stream.indirect_vreg.gather [hbm4b:s2+s3], $0x80, v4, vm0, $0xb8;
	[tilespmem:$0x15400] =	vst v63  }
0x1f2: {  	_ = 	snop  }
0x1f3: {  	[tilespmem:s19], [sflag:$0x1] =	stream.indirect_vreg.gather [hbm4b:s2+s3], $0x80, v3, vm0, $0xb8;
	[tilespmem:$0x15400] =	vst v63  }
0x1f4: {  	v3 =	vld.msk [tilespmem:$0x9D0], $0xff;
	_ =	sdelay $0x4  }
0x1f5: {  	v60 =	vshll.u32 v3, $0x1  }
0x1f6: {  	v3 =	vand.u32 $0x7, v3;
	v4 =	vand.u32 $0xFFFFFFF0, v60  }
0x1f7: {  	v3 =	vor.u32 v3, v4  }
0x1f8: {  	v3 =	vperm.xlane v3, v0;
	_ =	sdelay $0x1  }
0x1f9: {  	v3 =	vadd.s32 v1, v3;
	_ =	sdelay $0x4  }
0x1fa: {  	[tilespmem:s20], [sflag:$0x1] =	stream.indirect_vreg.gather [hbm4b:s2+s3], $0x80, v3, vm0, $0xb8;
	[tilespmem:$0x15400] =	vst v63  }
0x1fb: {  	v3 =	vld [tilespmem:$0x13B0];
	_ =	sdelay $0x4  }
0x1fc: {  	v61 =	vshll.u32 v3, $0x1  }
0x1fd: {  	v3 =	vand.u32 $0x7, v3;
	v4 =	vand.u32 $0xFFFFFFF0, v61  }
0x1fe: {  	v3 =	vor.u32 v3, v4  }
0x1ff: {  	v4 =	vperm.xlane v3, v0;
	_ =	sdelay $0x1  }
0x200: {  	v3 =	vperm.xlane v3, v2;
	v4 =	vadd.s32 v1, v4;
	_ =	sdelay $0x1  }
0x201: {  	v3 =	vadd.s32 v1, v3;
	_ =	sdelay $0x2  }
0x202: {  	[tilespmem:s21], [sflag:$0x1] =	stream.indirect_vreg.gather [hbm4b:s4+s3], $0x80, v4, vm0, $0xb8;
	[tilespmem:$0x15400] =	vst v63  }
0x203: {  	_ = 	snop  }
0x204: {  	[tilespmem:s22], [sflag:$0x1] =	stream.indirect_vreg.gather [hbm4b:s4+s3], $0x80, v3, vm0, $0xb8;
	[tilespmem:$0x15400] =	vst v63  }
0x205: {  	v3 =	vld [tilespmem:$0x13C0];
	_ =	sdelay $0x4  }
0x206: {  	v62 =	vshll.u32 v3, $0x1  }
0x207: {  	v3 =	vand.u32 $0x7, v3;
	v4 =	vand.u32 $0xFFFFFFF0, v62  }
0x208: {  	v3 =	vor.u32 v3, v4  }
0x209: {  	v4 =	vperm.xlane v3, v0;
	_ =	sdelay $0x1  }
0x20a: {  	v3 =	vperm.xlane v3, v2;
	v4 =	vadd.s32 v1, v4;
	_ =	sdelay $0x1  }
0x20b: {  	v3 =	vadd.s32 v1, v3;
	_ =	sdelay $0x2  }
0x20c: {  	[tilespmem:s23], [sflag:$0x1] =	stream.indirect_vreg.gather [hbm4b:s4+s3], $0x80, v4, vm0, $0xb8;
	[tilespmem:$0x15400] =	vst v63  }
0x20d: {  	_ = 	snop  }
0x20e: {  	[tilespmem:s24], [sflag:$0x1] =	stream.indirect_vreg.gather [hbm4b:s4+s3], $0x80, v3, vm0, $0xb8;
	[tilespmem:$0x15400] =	vst v63  }
0x20f: {  	v3 =	vld.msk [tilespmem:$0x13D0], $0xff;
	_ =	sdelay $0x4  }
0x210: {  	v63 =	vshll.u32 v3, $0x1  }
0x211: {  	v3 =	vand.u32 $0x7, v3;
	v4 =	vand.u32 $0xFFFFFFF0, v63  }
0x212: {  	v3 =	vor.u32 v3, v4  }
0x213: {  	v3 =	vperm.xlane v3, v0;
	_ =	sdelay $0x1  }
0x214: {  	v3 =	vadd.s32 v1, v3;
	_ =	sdelay $0x4  }
0x215: {  	[tilespmem:s25], [sflag:$0x1] =	stream.indirect_vreg.gather [hbm4b:s4+s3], $0x80, v3, vm0, $0xb8;
	[tilespmem:$0x15400] =	vst v63  }
0x216: {  	_ =	swait.ge [sflag:s0], $0x2800  }
0x217: {  	[sflag:s0] =	ssyncset.done $0x0  }
0x218: {  	[sflag:s0] =	ssyncadd.s32 $0xFFFFD800  }
0x219: {  	_ =	swait.ge [sflag:s0], $0x2800  }
0x21a: {  	s12 =	sld [smem:$0x7FB]  }
0x21b: {  	[sflag:s0] =	ssyncset.done $0x0  }
0x21c: {  	s13 =	sld [smem:$0x7FC];
	[sflag:s0] =	ssyncadd.s32 $0xFFFFD800  }
0x21d: {  	[hbm4b:s12+s3] =	stream.linear.scatter [tilespmem:s16], [sflag:$0x5], $0x2800, $0x38;
	[tilespmem:$0x15400] =	vst v63  }
0x21e: {  	_ = 	snop  }
0x21f: {  	[hbm4b:s13+s3] =	stream.linear.scatter [tilespmem:s21], [sflag:$0x5], $0x2800, $0x38;
	[tilespmem:$0x15400] =	vst v63  }
0x220: {  	_ =	swait.ge [sflag:s7], $0x2800  }
0x221: {  	[sflag:s7] =	ssyncset.done $0x0  }
0x222: {  	[sflag:s7] =	ssyncadd.s32 $0xFFFFD800  }
0x223: {  	_ =	swait.ge [sflag:s7], $0x2800  }
0x224: {  	s12 =	sld [smem:$0x7F7]  }
0x225: {  	s14 =	sld [smem:$0x7FD];
	_ =	sdelay $0x1  }
0x226: {  	s12 =	sadd.s32 $0x1, s12  }
0x227: {  	p0 =	sne.s32 s12, s14  }
.Ltmp1:
0x228: {  	_ = 	snop;
	(pc) =	sbr.rel @p0 .LBB2_1-.Ltmp1, $3  }
0x229: {  	_ =	sdelay $0x1  }
0x22a: {  	[sflag:s7] =	ssyncset.done $0x0  }
0x22b: {  	[sflag:s7] =	ssyncadd.s32 $0xFFFFD800  }
0x22c: {  	_ =	sfence.sel $0x180000  }
0x22d: {  	[bflag:$0x0] =	sbarrier.arrive $0xFFFF  }
0x22e: {  	_ =	strace $0x9000004A  }
0x22f: {  	s0 =	stileid.u32;
	[bflag:$0x2] =	sbarrier.arrive $0xFFFF  }
0x230: {  	p0 =	sne.s32 s0, $0x0;
	s0 =	rddreg [dreg:$0x2]  }
0x231: {  	s0 =	sadd.s32 @!p0 $0x100000, s0  }
0x232: {  	[sflag:s0] =	ssyncadd.tile.s32 @!p0 $0x1;
	_ =	shalt  }
.Lfunc_end2:
_tile_overlayer_lowered:
.L_overlay_start_2:
0x233: {  	(tag) =	ssettag $0x2  }
0x234: {  	s0 =	rddreg [dreg:$0x0];
	s2 =	stileid.u32  }
0x235: {  	s1 =	rddreg [dreg:$0x1];
	p0 =	sne.s32 s2, $0x0  }
0x236: {  	s3 =	rddreg [dreg:$0x2];
	[bflag:$0x3] =	sbarrier.arrive $0xFFFF;
	s2 =	simm.s32 @!p0 $0x1C09  }
0x237: {  	[timem:s3], [sflag:s2] =	dma.local @!p0 [hbm:s0], s1  }
0x238: {  	s0 =	simm.s32 @!p0 $0x9  }
0x239: {  	_ =	swait.ge @!p0 [sflag:s0], s1  }
0x23a: {  	s1 =	ssub.s32 @!p0 $0x0, s1;
	[sflag:s0] =	ssyncset.done @!p0 $0x0  }
0x23b: {  	[sflag:s0] =	ssyncadd.s32 @!p0 s1  }
0x23c: {  	[bflag:$0x3] =	sbarrier.arrive $0xFFFF  }
0x23d: {  	_ =	shalt  }

// kernel: kernel.16.cloned.1.call-start
scs
__scs_entry_jumppad:
0x0: {  	(pc) =	sbr.rel $0x88, $3  }
0x1: {  	(tag) =	ssettag $0x0;
	lr =	simm.s32 $0x1  }
0x2: {  	[smem:$0x3F96] =	sst lr;
	_ =	strace $0xD0000000  }
0x3: {  	_ = 	snop  }
0x4: {  	_ = 	snop  }
0x5: {  	_ = 	snop  }
0x6: {  	_ = 	snop  }
0x7: {  	_ = 	snop  }
__scs_overlays_trampoline_lowered:
0x8: {  	[smem:$0x3FA5] =	sst s0  }
0x9: {  	[smem:$0x3FA6] =	sst s1  }
0xa: {  	[smem:$0x3FA7] =	sst s2  }
0xb: {  	[smem:$0x3FA8] =	sst s3  }
0xc: {  	[smem:$0x3FA9] =	sst s4  }
0xd: {  	[smem:$0x3FAA] =	sst s5  }
0xe: {  	[smem:$0x3FAB] =	sst s6  }
0xf: {  	[smem:$0x3FAC] =	sst s7  }
0x10: {  	[smem:$0x3FAD] =	sst s8  }
0x11: {  	[smem:$0x3FAE] =	sst s9;
	s0 =	simm.s32 @!p0 $0x0  }
0x12: {  	s1 =	sld [smem:$0x3F94];
	s0 =	simm.s32 @p0 $0x1  }
0x13: {  	[smem:$0x3FAF] =	sst s0;
	s0 =	simm.s32 @!p1 $0x0  }
0x14: {  	s2 =	sld [smem:$0x3F93];
	s0 =	simm.s32 @p1 $0x1  }
0x15: {  	[smem:$0x3FB0] =	sst s0;
	s0 =	simm.s32 @!p2 $0x0  }
0x16: {  	s3 =	sld [smem:$0x3FDB];
	s0 =	simm.s32 @p2 $0x1  }
0x17: {  	s4 =	simm.s32 $0x1BF5;
	[smem:$0x3FB2] =	sst s0  }
0x18: {  	s0 =	sld [smem:$0x3F95];
	_ =	swait.ge [sflag:s4], $0x0  }
0x19: {  	s7 =	sld [smem:$0x3F96]  }
0x1a: {  	s8 =	sadd.s32 $0xFFFFE003, lr  }
0x1b: {  	s9 =	sadd.s32 $0xFFFFFEF7, lr;
	s5 =	simm.s32 $0xFFFFFFFF;
	p2 =	slt.u32 s8, $0xFFFFF086  }
0x1c: {  	p1 =	slt.u32 s9, $0xF7A;
	s5 =	simm.s32 @!p2 $0x0  }
0x1d: {  	s5 =	simm.s32 @p1 $0x1;
	p0 =	seq.s32 s7, s2  }
0x1e: {  	s7 =	smul.u32 @!p0 $0xF7A, s2;
	p2 =	seq.s32 @!p0 s5, $0x0  }
0x1f: {  	s9 =	smul.u32 $0xF7A, s1;
	s8 =	simm.s32 @!p0 $0x1BF5;
	p2 =	por !p2, p0  }
0x20: {  	[sflag:s8] =	ssyncset.s32 @!p0 $0xFFFFF086;
	s6 =	sadd.s32 @!p0 s3, s7;
	s7 =	simm.s32 @!p0 $0x108  }
0x21: {  	s3 =	sadd.s32 s3, s9;
	s6 =	sadd.s32 @!p0 $0x88, s6;
	s7 =	simm.s32 @p2 $0x1082  }
0x22: {  	[simem:s7], [sflag:s8] =	dma.local @!p0 [hbm:s6], $0xF7A  }
0x23: {  	s9 =	sor.u32 $0xD0000000, s2;
	s6 =	simm.s32 $0x108;
	_ =	swait.ge @!p0 [sflag:s8], $0x0  }
0x24: {  	s3 =	sadd.s32 $0x88, s3;
	s6 =	simm.s32 @!p1 $0x1082;
	[sflag:s4] =	ssyncset.s32 $0xFFFFF086  }
0x25: {  	[simem:s6], [sflag:s4] =	dma.local [hbm:s3], $0xF7A  }
0x26: {  	[smem:$0x3F96] =	sst s1;
	(tag) =	ssettag s2;
	_ =	strace s9  }
0x27: {  	s1 =	sld [smem:$0x3FA6]  }
0x28: {  	s2 =	sld [smem:$0x3FA7]  }
0x29: {  	s4 =	sld [smem:$0x3FA9]  }
0x2a: {  	p0 =	seq.s32 s5, $0x0;
	s5 =	sld [smem:$0x3FAA]  }
0x2b: {  	s6 =	sld [smem:$0x3FAB]  }
0x2c: {  	s7 =	sld [smem:$0x3FAC]  }
0x2d: {  	s3 =	simm.s32 $0x108;
	s8 =	sld [smem:$0x3FAD]  }
0x2e: {  	s3 =	simm.s32 @!p0 $0x1082;
	s9 =	sld [smem:$0x3FAE]  }
0x2f: {  	lr =	sadd.s32 s0, s3;
	s0 =	sld [smem:$0x3FA5]  }
0x30: {  	s3 =	sld [smem:$0x3FA8]  }
0x31: {  	[smem:$0x3FB1] =	sst s10  }
0x32: {  	s10 =	sld [smem:$0x3FAF];
	_ =	sdelay $0x3  }
0x33: {  	p0 =	seq.s32 s10, $0x1;
	s10 =	sld [smem:$0x3FB1];
	_ =	sdelay $0x3  }
0x34: {  	[smem:$0x3FB1] =	sst s10  }
0x35: {  	s10 =	sld [smem:$0x3FB0];
	_ =	sdelay $0x3  }
0x36: {  	p1 =	seq.s32 s10, $0x1;
	s10 =	sld [smem:$0x3FB1];
	_ =	sdelay $0x3  }
0x37: {  	[smem:$0x3FB1] =	sst s10  }
0x38: {  	s10 =	sld [smem:$0x3FB2]  }
0x39: {  	_ = 	snop;
	(pc) =	sbr.ind lr, $3  }
0x3a: {  	_ = 	snop  }
0x3b: {  	_ = 	snop  }
0x3c: {  	p2 =	seq.s32 s10, $0x1;
	s10 =	sld [smem:$0x3FB1]  }
0x3d: {  	_ =	shalt  }
0x3e: {  	_ =	shalt  }
0x3f: {  	_ =	shalt  }
0x40: {  	_ =	shalt  }
0x41: {  	_ =	shalt  }
0x42: {  	_ =	shalt  }
0x43: {  	_ =	shalt  }
0x44: {  	_ =	shalt  }
0x45: {  	_ =	shalt  }
0x46: {  	_ =	shalt  }
0x47: {  	_ =	shalt  }
0x48: {  	_ =	shalt  }
0x49: {  	_ =	shalt  }
0x4a: {  	_ =	shalt  }
0x4b: {  	_ =	shalt  }
0x4c: {  	_ =	shalt  }
0x4d: {  	_ =	shalt  }
0x4e: {  	_ =	shalt  }
0x4f: {  	_ =	shalt  }
0x50: {  	_ =	shalt  }
0x51: {  	_ =	shalt  }
0x52: {  	_ =	shalt  }
0x53: {  	_ =	shalt  }
0x54: {  	_ =	shalt  }
0x55: {  	_ =	shalt  }
0x56: {  	_ =	shalt  }
0x57: {  	_ =	shalt  }
0x58: {  	_ =	shalt  }
0x59: {  	_ =	shalt  }
0x5a: {  	_ =	shalt  }
0x5b: {  	_ =	shalt  }
0x5c: {  	_ =	shalt  }
0x5d: {  	_ =	shalt  }
0x5e: {  	_ =	shalt  }
0x5f: {  	_ =	shalt  }
0x60: {  	_ =	shalt  }
0x61: {  	_ =	shalt  }
0x62: {  	_ =	shalt  }
0x63: {  	_ =	shalt  }
0x64: {  	_ =	shalt  }
0x65: {  	_ =	shalt  }
0x66: {  	_ =	shalt  }
0x67: {  	_ =	shalt  }
0x68: {  	_ =	shalt  }
0x69: {  	_ =	shalt  }
0x6a: {  	_ =	shalt  }
0x6b: {  	_ =	shalt  }
0x6c: {  	_ =	shalt  }
0x6d: {  	_ =	shalt  }
0x6e: {  	_ =	shalt  }
0x6f: {  	_ =	shalt  }
0x70: {  	_ =	shalt  }
0x71: {  	_ =	shalt  }
0x72: {  	_ =	shalt  }
0x73: {  	_ =	shalt  }
0x74: {  	_ =	shalt  }
0x75: {  	_ =	shalt  }
0x76: {  	_ =	shalt  }
0x77: {  	_ =	shalt  }
0x78: {  	_ =	shalt  }
0x79: {  	_ =	shalt  }
0x7a: {  	_ =	shalt  }
0x7b: {  	_ =	shalt  }
0x7c: {  	_ =	shalt  }
0x7d: {  	_ =	shalt  }
0x7e: {  	_ =	shalt  }
0x7f: {  	_ =	shalt  }
0x80: {  	_ =	shalt  }
0x81: {  	_ =	shalt  }
0x82: {  	_ =	shalt  }
0x83: {  	_ =	shalt  }
0x84: {  	_ =	shalt  }
0x85: {  	_ =	shalt  }
0x86: {  	_ =	shalt  }
0x87: {  	_ =	shalt  }
.Lfunc_end0:
.L_simem_size_0:
called_computation.2_lowered:
.L_overlay_start_0:
0x88: {  	s2 =	sld [smem:$0x3FD9]  }
0x89: {  	s3 =	sld [smem:$0x3FFE];
	_ =	sdelay $0x1  }
0x8a: {  	s1 =	srdreg.scid  }
0x8b: {  	s0 =	sand.u32 $0x1, s1  }
0x8c: {  	s17 =	sshll.u32 s0, $0xA;
	s2 =	sadd.s32 s3, s2  }
0x8d: {  	s2 =	sadd.s32 s2, s17  }
0x8e: {  	[smem:$0x3FBD] =	sst s2  }
0x8f: {  	_ = 	snop  }
0x90: {  	s18 =	sld [smem:$0x3FC9];
	(tm) =	ssettm $0x1  }
0x91: {  	s19 =	sld [smem:$0x3FFB];
	_ =	sdelay $0x3  }
0x92: {  	_ =	strace s19  }
0x93: {  	s2 =	sld [smem:$0x3FFC];
	_ =	sdelay $0x3  }
0x94: {  	_ =	strace s2  }
0x95: {  	s2 =	sld [smem:$0x3FFD];
	_ =	sdelay $0x3  }
0x96: {  	_ =	strace s2  }
0x97: {  	_ =	strace $0x8FFFFFFF  }
0x98: {  	s20 =	sld [smem:$0x3FDB];
	_ =	sdelay $0x1  }
0x99: {  	s4 =	simm.s32 $_scs_section_size  }
0x9a: {  	s5 =	simm.s32 $_size__tile_overlayer_lowered;
	s6 =	simm.s32 $_tile_overlayer_lowered  }
0x9b: {  	s7 =	simm.s32 $0x1BFF;
	s21 =	sshll.u32 s6, $0x1;
	s4 =	sadd.s32 s4, s20  }
0x9c: {  	s22 =	simm.s32 $0x0;
	s5 =	sshll.u32 s5, $0x1;
	s6 =	sadd.s32 s21, s4  }
0x9d: {  	[timem:s22], [sflag:s7] =	dma.local [hbm:s6], s5  }
0x9e: {  	_ =	swait.ge [sflag:s7], s5  }
0x9f: {  	s5 =	ssub.s32 $0x0, s5;
	[sflag:s7] =	ssyncset.done $0x0  }
0xa0: {  	[sflag:s7] =	ssyncadd.s32 s5;
	_ =	sdelay $0x1  }
0xa1: {  	s23 =	simm.s32 $0x1B8B  }
0xa2: {  	_ =	swait.ge [sflag:s23], $0x1  }
0xa3: {  	[sflag:s23] =	ssyncset.done $0x0  }
0xa4: {  	[sflag:s23] =	ssyncadd.s32 $0xFFFFFFFF  }
0xa5: {  	s5 =	sld [smem:$0x0]  }
0xa6: {  	s6 =	sand.u32 $0xFFFFFFFE, s1  }
0xa7: {  	p0 =	sne.s32 s1, s6  }
0xa8: {  	s6 =	sshll.u32 @p0 s6, $0xE  }
0xa9: {  	s6 =	sadd.s32 @p0 $0x11B8D, s6;
	s7 =	sshll.u32 @p0 s5, $0x11  }
0xaa: {  	s6 =	sor.u32 @p0 s7, s6  }
0xab: {  	[sflag:s6] =	ssyncadd.remote.s32 @p0 $0x1;
	_ =	sdelay $0x1  }
0xac: {  	s6 =	simm.s32 @p0 $0x1B8D  }
0xad: {  	_ =	swait.eq @p0 [sflag:s6], $0x1  }
0xae: {  	[sflag:s6] =	ssyncadd.s32 @p0 $0xFFFFFFFF  }
0xaf: {  	s7 =	sshll.u32 @!p0 s1, $0xE  }
0xb0: {  	s7 =	sor.u32 @!p0 $0x4000, s7;
	s6 =	simm.s32 @!p0 $0x1B8D  }
0xb1: {  	s5 =	sshll.u32 @!p0 s5, $0x11;
	s7 =	sadd.s32 @!p0 $0x11B8D, s7;
	_ =	swait.eq @!p0 [sflag:s6], $0x1  }
0xb2: {  	s5 =	sor.u32 @!p0 s5, s7;
	[sflag:s6] =	ssyncadd.s32 @!p0 $0xFFFFFFFF  }
0xb3: {  	s25 =	simm.s32 $0x1B8E;
	s24 =	sld [smem:$0x3FFE];
	[sflag:s5] =	ssyncadd.remote.s32 @!p0 $0x1  }
0xb4: {  	s26 =	simm.s32 $execute0_lowered;
	[smem:$0x3FD2] =	sst s25  }
0xb5: {  	s6 =	sshll.u32 s26, $0x1;
	_ =	strace $0x8000004C;
	[dreg:$0x1] =	wrdreg $0xFFFFFFFF  }
0xb6: {  	s28 =	simm.s32 $_size_execute0_lowered;
	s4 =	sadd.s32 s4, s6;
	[dreg:$0x0] =	wrdreg $0x0  }
0xb7: {  	s6 =	sshll.u32 s28, $0x1;
	[dreg:$0x2] =	wrdreg s4  }
0xb8: {  	[dreg:$0x3] =	wrdreg s6  }
0xb9: {  	[dreg:$0x4] =	wrdreg $0xC0  }
0xba: {  	_ =	task [dreg:s22], $0x5FFFF  }
0xbb: {  	[dreg:$0x1] =	wrdreg $0xFFFFFFFF  }
0xbc: {  	[dreg:$0x0] =	wrdreg $0x60  }
0xbd: {  	[dreg:$0x2] =	wrdreg s24  }
0xbe: {  	[dreg:$0x3] =	wrdreg s18  }
0xbf: {  	[dreg:$0x4] =	wrdreg $0x0  }
0xc0: {  	[dreg:$0x5] =	wrdreg $0xA  }
0xc1: {  	_ =	task.clear_ibuf [dreg:s22], $0x6FFFF;
	_ =	strace $0x9000004C  }
0xc2: {  	s29 =	simm.s32 $0xA;
	_ =	strace $0x8000004E  }
0xc3: {  	_ =	swait.ge [sflag:s29], $0x1  }
0xc4: {  	[sflag:s29] =	ssyncadd.s32 $0xFFFFFFFF  }
0xc5: {  	_ =	strace $0x9000004E  }
0xc6: {  	_ =	sfence  }
0xc7: {  	s30 =	sld [smem:$0x0];
	_ =	sdelay $0x2  }
0xc8: {  	s31 =	sshll.u32 s1, $0xD;
	s1 =	sshrl.u32 s1, $0x2  }
0xc9: {  	s4 =	sand.u32 $0x4000, s31;
	s1 =	sadd.s32 s1, s30  }
0xca: {  	s0 =	sor.u32 s4, s0;
	s1 =	sshll.u32 s1, $0x11  }
0xcb: {  	s0 =	sor.u32 s1, s0  }
0xcc: {  	s0 =	sadd.s32 $0x8F2B, s0  }
0xcd: {  	[sflag:s0] =	ssyncadd.remote.s32 $0x1  }
0xce: {  	_ =	sfence.sel $0xFFFF  }
0xcf: {  	[dreg:$0x0] =	wrdreg $0xFFFFFFFF;
	(pc) =	sbr.abs _section_cstart, $3  }
0xd0: {  	[dreg:$0x1] =	wrdreg $0xFFFFFFFF  }
0xd1: {  	_ =	task.clear_ibuf [dreg:s22], $0x2FFFF;
	_ =	strace $0x9FFFFFFF  }
0xd2: {  	(tm) =	ssettm $0x7FFFFFFF  }
0xd3: {  	_ =	shalt  }
tec
execute0_lowered:
.L_overlay_start_1:
0x0: {  	(tag) =	ssettag $0x1  }
0x1: {  	s0 =	rddreg [dreg:$0x0]  }
0x2: {  	s1 =	rddreg [dreg:$0x1]  }
0x3: {  	s2 =	rddreg [dreg:$0x2];
	s3 =	simm.s32 $0x0;
	s14 =	stileid.u32  }
0x4: {  	s5 =	srdreg.scid;
	s15 =	simm.s32 $0x80;
	s16 =	simm.s32 $0x100  }
0x5: {  	s17 =	simm.s32 $0x7;
	s28 =	simm.s32 $0x50;
	s29 =	simm.s32 $0x2  }
0x6: {  	s30 =	simm.s32 $0x4;
	s31 =	simm.s32 $0x5;
	s4 =	smul.u32 $0x26C, s14  }
0x7: {  	[smem:$0x7FF] =	sst s3;
	s6 =	sadd.s32 $0xB55000, s0;
	s7 =	smul.u32 $0x27000, s14  }
0x8: {  	s5 =	sand.u32 $0x1, s5;
	s8 =	smul.u32 $0x4E000, s14;
	s19 =	sshll.u32 s14, $0x6  }
0x9: {  	s12 =	smul.u32 $0x136000, s14;
	p0 =	sne.s32 s14, $0xF;
	_ =	strace $0x8000004D  }
0xa: {  	s9 =	sshll.u32 s5, $0xA;
	s10 =	ssub.s32 $0x2, s5;
	s20 =	sshll.u32 s5, $0x7  }
0xb: {  	s5 =	sor.u32 $0x1C07, s19;
	s19 =	simm.s32 $0x400;
	s4 =	sadd.s32 s4, s0  }
0xc: {  	s0 =	sadd.s32 $0xA1F000, s0;
	s7 =	sor.u32 s9, s7;
	s11 =	sshrl.u32 s10, $0x1  }
0xd: {  	s8 =	sshrl.u32 s8, $0x2;
	s22 =	sor.u32 s9, s12;
	s9 =	simm.s32 $0x8  }
0xe: {  	s7 =	sshrl.u32 s7, $0x3;
	s10 =	ssub.s32 s10, s11;
	s13 =	sadd.s32 s8, s2  }
0xf: {  	s21 =	sadd.s32 s20, s0;
	s24 =	sadd.s32 $0x5000, s22;
	s26 =	sshrl.u32 s22, $0x3  }
0x10: {  	s22 =	simm.s32 $0x18880;
	s18 =	sadd.s32 s1, s7;
	s1 =	sadd.s32 s20, s1  }
0x11: {  	s0 =	sadd.s32 s0, s7;
	s23 =	sadd.s32 $0x4E000, s21;
	s25 =	smax.u32 s10, $0x1  }
0x12: {  	s10 =	sadd.s32 $0x560A, s4;
	s12 =	sadd.s32 s26, s6;
	[dreg:$0x4] =	wrdreg s18  }
0x13: {  	s13 =	sshrl.u32 s13, $0x3;
	s20 =	simm.s32 $0x800;
	[dreg:$0x6] =	wrdreg s0  }
0x14: {  	s21 =	simm.s32 $0x13880;
	s26 =	simm.s32 $0x3;
	[dreg:$0x7] =	wrdreg s23  }
0x15: {  	s18 =	sadd.s32 $0x138000, s2;
	s1 =	sadd.s32 $0x4E000, s1;
	[dreg:$0x8] =	wrdreg s25  }
0x16: {  	s0 =	sshrl.u32 s24, $0x3;
	s23 =	simm.s32 $0x16080;
	s24 =	simm.s32 $0x18900  }
0x17: {  	s25 =	simm.s32 $0x1;
	[dreg:$0x5] =	wrdreg s1;
	s11 =	sadd.s32 s0, s6  }
0x18: {  	s18 =	sshrl.u32 @!p0 s18, $0x3;
	s0 =	simm.s32 $0x6;
	s1 =	simm.s32 $0x0  }
.LBB2_1:
0x19: {  	s4 =	rddreg [dreg:$0x4]  }
0x1a: {  	[spmem:s13@s15], [sflag:s5] =	dma.strided [hbm:s4@s16], $0x2700, s9, $0x10   }
0x1b: {  	_ =	swait.ge [sflag:s17], $0x2700  }
0x1c: {  	s6 =	simm.s32 @!p0 $0x80;
	s7 =	simm.s32 @!p0 $0x100;
	[sflag:s17] =	ssyncset.done $0x0  }
0x1d: {  	s4 =	simm.s32 @!p0 $0x8;
	s8 =	rddreg [dreg:$0x5];
	[sflag:s17] =	ssyncadd.s32 $0xFFFFD900  }
0x1e: {  	[spmem:s18@s6], [sflag:s5] =	dma.strided @!p0 [hbm:s8@s7], $0x100, s4, $0x10   }
0x1f: {  	s4 =	simm.s32 @!p0 $0x7  }
0x20: {  	_ =	swait.ge @!p0 [sflag:s4], $0x100  }
0x21: {  	[sflag:s4] =	ssyncset.done @!p0 $0x0  }
0x22: {  	[sflag:s4] =	ssyncadd.s32 @!p0 $0xFFFFFF00  }
0x23: {  	s8 =	sadd.s32 $0x0, s12;
	[bflag:$0x0] =	sbarrier.arrive $0xFFFF  }
0x24: {  	[tilespmem:s21], [sflag:$0x1] =	stream.strided.gather [hbm4b:s8+s19], $0x2800, s20, s19, $0x38;
	[tilespmem:$0x18980] =	vst v63  }
0x25: {  	s9 =	sadd.s32 $0xFFFFFFF6, s10  }
0x26: {  	[tilespmem:s22], [sflag:$0x3] =	stream.linear.gather [hbm4b:s9+s3], $0x50, $0x38;
	[tilespmem:$0x18980] =	vst v63  }
0x27: {  	s14 =	sadd.s32 $0x0, s11  }
0x28: {  	[tilespmem:s23], [sflag:$0x2] =	stream.strided.gather [hbm4b:s14+s19], $0x2800, s20, s19, $0x38;
	[tilespmem:$0x18980] =	vst v63  }
0x29: {  	_ = 	snop  }
0x2a: {  	[tilespmem:s24], [sflag:$0x4] =	stream.linear.gather [hbm4b:s10+s3], $0x50, $0x38;
	[tilespmem:$0x18980] =	vst v63  }
0x2b: {  	_ =	swait.ge [sflag:s25], $0x2800  }
0x2c: {  	[sflag:s25] =	ssyncset.done $0x0  }
0x2d: {  	[sflag:s25] =	ssyncadd.s32 $0xFFFFD800  }
0x2e: {  	_ =	swait.ge [sflag:s26], $0x50  }
0x2f: {  	[sflag:s26] =	ssyncset.done $0x0  }
0x30: {  	[sflag:s26] =	ssyncadd.s32 $0xFFFFFFB0  }
0x31: {  	[spmem:s2] =	stream.indirect.scatter.add.f32 [tilespmem:s21], [sflag:$0x5], $0x80, s22, s28, $0xb8;
	[tilespmem:$0x18980] =	vst v63  }
0x32: {  	_ =	swait.ge [sflag:s29], $0x2800  }
0x33: {  	[sflag:s29] =	ssyncset.done $0x0  }
0x34: {  	[sflag:s29] =	ssyncadd.s32 $0xFFFFD800  }
0x35: {  	_ =	swait.ge [sflag:s30], $0x50  }
0x36: {  	[sflag:s30] =	ssyncset.done $0x0  }
0x37: {  	[sflag:s30] =	ssyncadd.s32 $0xFFFFFFB0  }
0x38: {  	[spmem:s2] =	stream.indirect.scatter.add.f32 [tilespmem:s23], [sflag:$0x6], $0x80, s24, s28, $0xb8;
	[tilespmem:$0x18980] =	vst v63  }
0x39: {  	_ =	swait.ge [sflag:s31], $0x2800  }
0x3a: {  	[sflag:s31] =	ssyncset.done $0x0  }
0x3b: {  	[sflag:s31] =	ssyncadd.s32 $0xFFFFD800  }
0x3c: {  	s7 =	simm.s32 $0x2800;
	_ =	swait.ge [sflag:s0], $0x2800  }
0x3d: {  	s6 =	sadd.s32 $0x14, s10;
	s4 =	simm.s32 $0x1400;
	[sflag:s0] =	ssyncset.done $0x0  }
.LBB2_2:
0x3e: {  	s8 =	sadd.s32 s4, s12  }
0x3f: {  	[sflag:s0] =	ssyncadd.s32 $0xFFFFD800;
	s9 =	smov.u32 s7;
	s14 =	sadd.s32 $0x1400, s7  }
0x40: {  	[tilespmem:s21], [sflag:$0x1] =	stream.strided.gather [hbm4b:s8+s19], $0x2800, s20, s19, $0x38;
	[tilespmem:$0x18980] =	vst v63  }
0x41: {  	p1 =	sne.s32 s7, $0x25800;
	s7 =	sadd.s32 $0xFFFFFFF6, s6  }
0x42: {  	[tilespmem:s22], [sflag:$0x3] =	stream.linear.gather [hbm4b:s7+s3], $0x50, $0x38;
	[tilespmem:$0x18980] =	vst v63  }
0x43: {  	s7 =	sadd.s32 s4, s11;
	s4 =	smov.u32 s9  }
0x44: {  	[tilespmem:s23], [sflag:$0x2] =	stream.strided.gather [hbm4b:s7+s19], $0x2800, s20, s19, $0x38;
	[tilespmem:$0x18980] =	vst v63  }
0x45: {  	_ = 	snop  }
0x46: {  	[tilespmem:s24], [sflag:$0x4] =	stream.linear.gather [hbm4b:s6+s3], $0x50, $0x38;
	[tilespmem:$0x18980] =	vst v63  }
0x47: {  	_ =	swait.ge [sflag:s25], $0x2800  }
0x48: {  	[sflag:s25] =	ssyncset.done $0x0  }
0x49: {  	[sflag:s25] =	ssyncadd.s32 $0xFFFFD800  }
0x4a: {  	_ =	swait.ge [sflag:s26], $0x50  }
0x4b: {  	[sflag:s26] =	ssyncset.done $0x0  }
0x4c: {  	[sflag:s26] =	ssyncadd.s32 $0xFFFFFFB0  }
0x4d: {  	[spmem:s2] =	stream.indirect.scatter.add.f32 [tilespmem:s21], [sflag:$0x5], $0x80, s22, s28, $0xb8;
	[tilespmem:$0x18980] =	vst v63  }
0x4e: {  	_ =	swait.ge [sflag:s29], $0x2800  }
0x4f: {  	[sflag:s29] =	ssyncset.done $0x0  }
0x50: {  	[sflag:s29] =	ssyncadd.s32 $0xFFFFD800  }
0x51: {  	_ =	swait.ge [sflag:s30], $0x50  }
0x52: {  	[sflag:s30] =	ssyncset.done $0x0  }
0x53: {  	[sflag:s30] =	ssyncadd.s32 $0xFFFFFFB0  }
0x54: {  	[spmem:s2] =	stream.indirect.scatter.add.f32 [tilespmem:s23], [sflag:$0x6], $0x80, s24, s28, $0xb8;
	[tilespmem:$0x18980] =	vst v63  }
.Ltmp0:
0x55: {  	_ =	swait.ge [sflag:s31], $0x2800;
	(pc) =	sbr.rel @p1 .LBB2_2-.Ltmp0, $4  }
0x56: {  	[sflag:s31] =	ssyncset.done $0x0  }
0x57: {  	[sflag:s31] =	ssyncadd.s32 $0xFFFFD800  }
0x58: {  	_ =	swait.ge [sflag:s0], $0x2800  }
0x59: {  	s7 =	smov.u32 s14;
	s6 =	sadd.s32 $0x14, s6;
	[sflag:s0] =	ssyncset.done $0x0  }
0x5a: {  	s7 =	sadd.s32 s4, s12;
	[sflag:s0] =	ssyncadd.s32 $0xFFFFD800  }
0x5b: {  	[tilespmem:s21], [sflag:$0x1] =	stream.strided.gather [hbm4b:s7+s19], $0x2800, s20, s19, $0x38;
	[tilespmem:$0x18980] =	vst v63  }
0x5c: {  	s14 =	sadd.s32 $0xFFFFFFF6, s6  }
0x5d: {  	[tilespmem:s22], [sflag:$0x3] =	stream.linear.gather [hbm4b:s14+s3], $0x50, $0x38;
	[tilespmem:$0x18980] =	vst v63  }
0x5e: {  	s7 =	sadd.s32 s4, s11  }
0x5f: {  	[tilespmem:s23], [sflag:$0x2] =	stream.strided.gather [hbm4b:s7+s19], $0x2800, s20, s19, $0x38;
	[tilespmem:$0x18980] =	vst v63  }
0x60: {  	_ = 	snop  }
0x61: {  	[tilespmem:s24], [sflag:$0x4] =	stream.linear.gather [hbm4b:s6+s3], $0x50, $0x38;
	[tilespmem:$0x18980] =	vst v63  }
0x62: {  	_ =	swait.ge [sflag:s25], $0x2800  }
0x63: {  	[sflag:s25] =	ssyncset.done $0x0  }
0x64: {  	[sflag:s25] =	ssyncadd.s32 $0xFFFFD800  }
0x65: {  	_ =	swait.ge [sflag:s26], $0x50  }
0x66: {  	[sflag:s26] =	ssyncset.done $0x0  }
0x67: {  	[sflag:s26] =	ssyncadd.s32 $0xFFFFFFB0  }
0x68: {  	[spmem:s2] =	stream.indirect.scatter.add.f32 [tilespmem:s21], [sflag:$0x5], $0x80, s22, s28, $0xb8;
	[tilespmem:$0x18980] =	vst v63  }
0x69: {  	_ =	swait.ge [sflag:s29], $0x2800  }
0x6a: {  	[sflag:s29] =	ssyncset.done $0x0  }
0x6b: {  	[sflag:s29] =	ssyncadd.s32 $0xFFFFD800  }
0x6c: {  	_ =	swait.ge [sflag:s30], $0x50  }
0x6d: {  	[sflag:s30] =	ssyncset.done $0x0  }
0x6e: {  	[sflag:s30] =	ssyncadd.s32 $0xFFFFFFB0  }
0x6f: {  	[spmem:s2] =	stream.indirect.scatter.add.f32 [tilespmem:s23], [sflag:$0x6], $0x80, s24, s28, $0xb8;
	[tilespmem:$0x18980] =	vst v63  }
0x70: {  	_ =	swait.ge [sflag:s31], $0x2800  }
0x71: {  	[sflag:s31] =	ssyncset.done $0x0  }
0x72: {  	[sflag:s31] =	ssyncadd.s32 $0xFFFFD800  }
0x73: {  	_ =	swait.ge [sflag:s0], $0x2800  }
0x74: {  	[sflag:s0] =	ssyncset.done $0x0  }
0x75: {  	[sflag:s0] =	ssyncadd.s32 $0xFFFFD800  }
0x76: {  	[bflag:$0x0] =	sbarrier.arrive $0xFFFF  }
0x77: {  	s9 =	simm.s32 $0x8;
	s8 =	rddreg [dreg:$0x6]  }
0x78: {  	[hbm:s8@s16], [sflag:s5] =	dma.strided [spmem:s13@s15], $0x2700, s9, $0x10   }
0x79: {  	_ =	swait.ge [sflag:s17], $0x2700  }
0x7a: {  	s4 =	simm.s32 @!p0 $0x8;
	s7 =	simm.s32 @!p0 $0x80;
	[sflag:s17] =	ssyncset.done $0x0  }
0x7b: {  	s6 =	simm.s32 @!p0 $0x100;
	s8 =	rddreg [dreg:$0x7];
	[sflag:s17] =	ssyncadd.s32 $0xFFFFD900  }
0x7c: {  	[hbm:s8@s6], [sflag:s5] =	dma.strided @!p0 [spmem:s18@s7], $0x100, s4, $0x10   }
0x7d: {  	s4 =	simm.s32 @!p0 $0x7  }
0x7e: {  	_ =	swait.ge @!p0 [sflag:s4], $0x100  }
0x7f: {  	s1 =	sadd.s32 $0x1, s1;
	s14 =	rddreg [dreg:$0x8]  }
0x80: {  	p1 =	sne.s32 s1, s14  }
.Ltmp1:
0x81: {  	_ = 	snop;
	(pc) =	sbr.rel @p1 .LBB2_1-.Ltmp1, $3  }
0x82: {  	_ =	sdelay $0x1  }
0x83: {  	[sflag:s4] =	ssyncset.done @!p0 $0x0  }
0x84: {  	[sflag:s4] =	ssyncadd.s32 @!p0 $0xFFFFFF00  }
0x85: {  	_ =	sfence.sel $0x180000  }
0x86: {  	[bflag:$0x0] =	sbarrier.arrive $0xFFFF  }
0x87: {  	_ =	strace $0x9000004D  }
0x88: {  	s0 =	stileid.u32;
	[bflag:$0x2] =	sbarrier.arrive $0xFFFF  }
0x89: {  	p0 =	sne.s32 s0, $0x0;
	s0 =	rddreg [dreg:$0x3]  }
0x8a: {  	s0 =	sadd.s32 @!p0 $0x100000, s0  }
0x8b: {  	[sflag:s0] =	ssyncadd.tile.s32 @!p0 $0x1;
	_ =	shalt  }
.Lfunc_end2:
_tile_overlayer_lowered:
.L_overlay_start_2:
0x8c: {  	(tag) =	ssettag $0x2  }
0x8d: {  	s0 =	rddreg [dreg:$0x0];
	s2 =	stileid.u32  }
0x8e: {  	s1 =	rddreg [dreg:$0x1];
	p0 =	sne.s32 s2, $0x0  }
0x8f: {  	s3 =	rddreg [dreg:$0x2];
	[bflag:$0x3] =	sbarrier.arrive $0xFFFF;
	s2 =	simm.s32 @!p0 $0x1C07  }
0x90: {  	[timem:s3], [sflag:s2] =	dma.local @!p0 [hbm:s0], s1  }
0x91: {  	s0 =	simm.s32 @!p0 $0x7  }
0x92: {  	_ =	swait.ge @!p0 [sflag:s0], s1  }
0x93: {  	s1 =	ssub.s32 @!p0 $0x0, s1;
	[sflag:s0] =	ssyncset.done @!p0 $0x0  }
0x94: {  	[sflag:s0] =	ssyncadd.s32 @!p0 s1  }
0x95: {  	[bflag:$0x3] =	sbarrier.arrive $0xFFFF  }
0x96: {  	_ =	shalt  }

// kernel: kernel.19.cloned.1.call-start
scs
__scs_entry_jumppad:
0x0: {  	(pc) =	sbr.rel $0x88, $3  }
0x1: {  	(tag) =	ssettag $0x0;
	lr =	simm.s32 $0x1  }
0x2: {  	[smem:$0x3F96] =	sst lr;
	_ =	strace $0xD0000000  }
0x3: {  	_ = 	snop  }
0x4: {  	_ = 	snop  }
0x5: {  	_ = 	snop  }
0x6: {  	_ = 	snop  }
0x7: {  	_ = 	snop  }
__scs_overlays_trampoline_lowered:
0x8: {  	[smem:$0x3FA5] =	sst s0  }
0x9: {  	[smem:$0x3FA6] =	sst s1  }
0xa: {  	[smem:$0x3FA7] =	sst s2  }
0xb: {  	[smem:$0x3FA8] =	sst s3  }
0xc: {  	[smem:$0x3FA9] =	sst s4  }
0xd: {  	[smem:$0x3FAA] =	sst s5  }
0xe: {  	[smem:$0x3FAB] =	sst s6  }
0xf: {  	[smem:$0x3FAC] =	sst s7  }
0x10: {  	[smem:$0x3FAD] =	sst s8  }
0x11: {  	[smem:$0x3FAE] =	sst s9;
	s0 =	simm.s32 @!p0 $0x0  }
0x12: {  	s1 =	sld [smem:$0x3F94];
	s0 =	simm.s32 @p0 $0x1  }
0x13: {  	[smem:$0x3FAF] =	sst s0;
	s0 =	simm.s32 @!p1 $0x0  }
0x14: {  	s2 =	sld [smem:$0x3F93];
	s0 =	simm.s32 @p1 $0x1  }
0x15: {  	[smem:$0x3FB0] =	sst s0;
	s0 =	simm.s32 @!p2 $0x0  }
0x16: {  	s3 =	sld [smem:$0x3FDB];
	s0 =	simm.s32 @p2 $0x1  }
0x17: {  	s4 =	simm.s32 $0x1BF5;
	[smem:$0x3FB2] =	sst s0  }
0x18: {  	s0 =	sld [smem:$0x3F95];
	_ =	swait.ge [sflag:s4], $0x0  }
0x19: {  	s7 =	sld [smem:$0x3F96]  }
0x1a: {  	s8 =	sadd.s32 $0xFFFFE003, lr  }
0x1b: {  	s9 =	sadd.s32 $0xFFFFFEF7, lr;
	s5 =	simm.s32 $0xFFFFFFFF;
	p2 =	slt.u32 s8, $0xFFFFF086  }
0x1c: {  	p1 =	slt.u32 s9, $0xF7A;
	s5 =	simm.s32 @!p2 $0x0  }
0x1d: {  	s5 =	simm.s32 @p1 $0x1;
	p0 =	seq.s32 s7, s2  }
0x1e: {  	s7 =	smul.u32 @!p0 $0xF7A, s2;
	p2 =	seq.s32 @!p0 s5, $0x0  }
0x1f: {  	s9 =	smul.u32 $0xF7A, s1;
	s8 =	simm.s32 @!p0 $0x1BF5;
	p2 =	por !p2, p0  }
0x20: {  	[sflag:s8] =	ssyncset.s32 @!p0 $0xFFFFF086;
	s6 =	sadd.s32 @!p0 s3, s7;
	s7 =	simm.s32 @!p0 $0x108  }
0x21: {  	s3 =	sadd.s32 s3, s9;
	s6 =	sadd.s32 @!p0 $0x88, s6;
	s7 =	simm.s32 @p2 $0x1082  }
0x22: {  	[simem:s7], [sflag:s8] =	dma.local @!p0 [hbm:s6], $0xF7A  }
0x23: {  	s9 =	sor.u32 $0xD0000000, s2;
	s6 =	simm.s32 $0x108;
	_ =	swait.ge @!p0 [sflag:s8], $0x0  }
0x24: {  	s3 =	sadd.s32 $0x88, s3;
	s6 =	simm.s32 @!p1 $0x1082;
	[sflag:s4] =	ssyncset.s32 $0xFFFFF086  }
0x25: {  	[simem:s6], [sflag:s4] =	dma.local [hbm:s3], $0xF7A  }
0x26: {  	[smem:$0x3F96] =	sst s1;
	(tag) =	ssettag s2;
	_ =	strace s9  }
0x27: {  	s1 =	sld [smem:$0x3FA6]  }
0x28: {  	s2 =	sld [smem:$0x3FA7]  }
0x29: {  	s4 =	sld [smem:$0x3FA9]  }
0x2a: {  	p0 =	seq.s32 s5, $0x0;
	s5 =	sld [smem:$0x3FAA]  }
0x2b: {  	s6 =	sld [smem:$0x3FAB]  }
0x2c: {  	s7 =	sld [smem:$0x3FAC]  }
0x2d: {  	s3 =	simm.s32 $0x108;
	s8 =	sld [smem:$0x3FAD]  }
0x2e: {  	s3 =	simm.s32 @!p0 $0x1082;
	s9 =	sld [smem:$0x3FAE]  }
0x2f: {  	lr =	sadd.s32 s0, s3;
	s0 =	sld [smem:$0x3FA5]  }
0x30: {  	s3 =	sld [smem:$0x3FA8]  }
0x31: {  	[smem:$0x3FB1] =	sst s10  }
0x32: {  	s10 =	sld [smem:$0x3FAF];
	_ =	sdelay $0x3  }
0x33: {  	p0 =	seq.s32 s10, $0x1;
	s10 =	sld [smem:$0x3FB1];
	_ =	sdelay $0x3  }
0x34: {  	[smem:$0x3FB1] =	sst s10  }
0x35: {  	s10 =	sld [smem:$0x3FB0];
	_ =	sdelay $0x3  }
0x36: {  	p1 =	seq.s32 s10, $0x1;
	s10 =	sld [smem:$0x3FB1];
	_ =	sdelay $0x3  }
0x37: {  	[smem:$0x3FB1] =	sst s10  }
0x38: {  	s10 =	sld [smem:$0x3FB2]  }
0x39: {  	_ = 	snop;
	(pc) =	sbr.ind lr, $3  }
0x3a: {  	_ = 	snop  }
0x3b: {  	_ = 	snop  }
0x3c: {  	p2 =	seq.s32 s10, $0x1;
	s10 =	sld [smem:$0x3FB1]  }
0x3d: {  	_ =	shalt  }
0x3e: {  	_ =	shalt  }
0x3f: {  	_ =	shalt  }
0x40: {  	_ =	shalt  }
0x41: {  	_ =	shalt  }
0x42: {  	_ =	shalt  }
0x43: {  	_ =	shalt  }
0x44: {  	_ =	shalt  }
0x45: {  	_ =	shalt  }
0x46: {  	_ =	shalt  }
0x47: {  	_ =	shalt  }
0x48: {  	_ =	shalt  }
0x49: {  	_ =	shalt  }
0x4a: {  	_ =	shalt  }
0x4b: {  	_ =	shalt  }
0x4c: {  	_ =	shalt  }
0x4d: {  	_ =	shalt  }
0x4e: {  	_ =	shalt  }
0x4f: {  	_ =	shalt  }
0x50: {  	_ =	shalt  }
0x51: {  	_ =	shalt  }
0x52: {  	_ =	shalt  }
0x53: {  	_ =	shalt  }
0x54: {  	_ =	shalt  }
0x55: {  	_ =	shalt  }
0x56: {  	_ =	shalt  }
0x57: {  	_ =	shalt  }
0x58: {  	_ =	shalt  }
0x59: {  	_ =	shalt  }
0x5a: {  	_ =	shalt  }
0x5b: {  	_ =	shalt  }
0x5c: {  	_ =	shalt  }
0x5d: {  	_ =	shalt  }
0x5e: {  	_ =	shalt  }
0x5f: {  	_ =	shalt  }
0x60: {  	_ =	shalt  }
0x61: {  	_ =	shalt  }
0x62: {  	_ =	shalt  }
0x63: {  	_ =	shalt  }
0x64: {  	_ =	shalt  }
0x65: {  	_ =	shalt  }
0x66: {  	_ =	shalt  }
0x67: {  	_ =	shalt  }
0x68: {  	_ =	shalt  }
0x69: {  	_ =	shalt  }
0x6a: {  	_ =	shalt  }
0x6b: {  	_ =	shalt  }
0x6c: {  	_ =	shalt  }
0x6d: {  	_ =	shalt  }
0x6e: {  	_ =	shalt  }
0x6f: {  	_ =	shalt  }
0x70: {  	_ =	shalt  }
0x71: {  	_ =	shalt  }
0x72: {  	_ =	shalt  }
0x73: {  	_ =	shalt  }
0x74: {  	_ =	shalt  }
0x75: {  	_ =	shalt  }
0x76: {  	_ =	shalt  }
0x77: {  	_ =	shalt  }
0x78: {  	_ =	shalt  }
0x79: {  	_ =	shalt  }
0x7a: {  	_ =	shalt  }
0x7b: {  	_ =	shalt  }
0x7c: {  	_ =	shalt  }
0x7d: {  	_ =	shalt  }
0x7e: {  	_ =	shalt  }
0x7f: {  	_ =	shalt  }
0x80: {  	_ =	shalt  }
0x81: {  	_ =	shalt  }
0x82: {  	_ =	shalt  }
0x83: {  	_ =	shalt  }
0x84: {  	_ =	shalt  }
0x85: {  	_ =	shalt  }
0x86: {  	_ =	shalt  }
0x87: {  	_ =	shalt  }
.Lfunc_end0:
.L_simem_size_0:
called_computation.3_lowered:
.L_overlay_start_0:
0x88: {  	s2 =	sld [smem:$0x3FD9]  }
0x89: {  	s3 =	sld [smem:$0x3FFE];
	_ =	sdelay $0x1  }
0x8a: {  	s1 =	srdreg.scid  }
0x8b: {  	s0 =	sand.u32 $0x1, s1  }
0x8c: {  	s17 =	sshll.u32 s0, $0xA;
	s2 =	sadd.s32 s3, s2  }
0x8d: {  	s2 =	sadd.s32 s2, s17  }
0x8e: {  	[smem:$0x3FBD] =	sst s2  }
0x8f: {  	_ = 	snop  }
0x90: {  	s2 =	sld [smem:$0x3FD0];
	(tm) =	ssettm $0x1  }
0x91: {  	s18 =	sld [smem:$0x3FFB];
	_ =	sdelay $0x3  }
0x92: {  	_ =	strace s18  }
0x93: {  	s3 =	sld [smem:$0x3FFC];
	_ =	sdelay $0x3  }
0x94: {  	_ =	strace s3  }
0x95: {  	s3 =	sld [smem:$0x3FFD];
	_ =	sdelay $0x3  }
0x96: {  	_ =	strace s3  }
0x97: {  	_ =	strace $0x8FFFFFFF  }
0x98: {  	s19 =	sld [smem:$0x3FDB];
	_ =	sdelay $0x1  }
0x99: {  	s4 =	simm.s32 $_scs_section_size  }
0x9a: {  	s5 =	simm.s32 $_size__tile_overlayer_lowered;
	s6 =	simm.s32 $_tile_overlayer_lowered  }
0x9b: {  	s22 =	simm.s32 $0x1BFF;
	s21 =	sshll.u32 s6, $0x1;
	s3 =	sadd.s32 s4, s19  }
0x9c: {  	s7 =	simm.s32 $0x0;
	s20 =	sshll.u32 s5, $0x1;
	s5 =	sadd.s32 s21, s3  }
0x9d: {  	[timem:s7], [sflag:s22] =	dma.local [hbm:s5], s20  }
0x9e: {  	_ =	swait.ge [sflag:s22], s20  }
0x9f: {  	s4 =	ssub.s32 $0x0, s20;
	[sflag:s22] =	ssyncset.done $0x0  }
0xa0: {  	[sflag:s22] =	ssyncadd.s32 s4;
	_ =	sdelay $0x1  }
0xa1: {  	s23 =	simm.s32 $0x1B8B  }
0xa2: {  	_ =	swait.ge [sflag:s23], $0x1  }
0xa3: {  	[sflag:s23] =	ssyncset.done $0x0  }
0xa4: {  	s25 =	simm.s32 $0x1B8E;
	s24 =	sld [smem:$0x3FFE];
	[sflag:s23] =	ssyncadd.s32 $0xFFFFFFFF  }
0xa5: {  	s26 =	simm.s32 $execute0_lowered;
	[smem:$0x3FD2] =	sst s25  }
0xa6: {  	s5 =	sshll.u32 s26, $0x1;
	_ =	strace $0x8000004F;
	[dreg:$0x1] =	wrdreg $0xFFFFFFFF  }
0xa7: {  	s28 =	simm.s32 $_size_execute0_lowered;
	s3 =	sadd.s32 s3, s5;
	[dreg:$0x0] =	wrdreg $0x0  }
0xa8: {  	s5 =	sshll.u32 s28, $0x1;
	[dreg:$0x2] =	wrdreg s3  }
0xa9: {  	[dreg:$0x3] =	wrdreg s5  }
0xaa: {  	[dreg:$0x4] =	wrdreg $0xC0  }
0xab: {  	_ =	task [dreg:s7], $0x5FFFF  }
0xac: {  	[dreg:$0x1] =	wrdreg $0xFFFFFFFF  }
0xad: {  	[dreg:$0x0] =	wrdreg $0x60  }
0xae: {  	[dreg:$0x2] =	wrdreg s24  }
0xaf: {  	[dreg:$0x3] =	wrdreg s2  }
0xb0: {  	[dreg:$0x4] =	wrdreg $0x0  }
0xb1: {  	[dreg:$0x5] =	wrdreg $0x9  }
0xb2: {  	_ =	task.clear_ibuf [dreg:s7], $0x6FFFF;
	_ =	strace $0x9000004F  }
0xb3: {  	s29 =	simm.s32 $0x9;
	_ =	strace $0x80000051  }
0xb4: {  	_ =	swait.ge [sflag:s29], $0x1  }
0xb5: {  	[sflag:s29] =	ssyncadd.s32 $0xFFFFFFFF  }
0xb6: {  	_ =	strace $0x90000051  }
0xb7: {  	_ =	sfence  }
0xb8: {  	s30 =	sld [smem:$0x0];
	_ =	sdelay $0x2  }
0xb9: {  	s31 =	sshll.u32 s1, $0xD;
	s1 =	sshrl.u32 s1, $0x2  }
0xba: {  	s3 =	sand.u32 $0x4000, s31;
	s1 =	sadd.s32 s1, s30  }
0xbb: {  	s0 =	sor.u32 s3, s0;
	s1 =	sshll.u32 s1, $0x11  }
0xbc: {  	s0 =	sor.u32 s1, s0  }
0xbd: {  	s0 =	sadd.s32 $0x8F2B, s0  }
0xbe: {  	[sflag:s0] =	ssyncadd.remote.s32 $0x1  }
0xbf: {  	_ =	sfence.sel $0xFFFF  }
0xc0: {  	[dreg:$0x0] =	wrdreg $0xFFFFFFFF;
	(pc) =	sbr.abs _section_cstart, $3  }
0xc1: {  	[dreg:$0x1] =	wrdreg $0xFFFFFFFF  }
0xc2: {  	_ =	task.clear_ibuf [dreg:s7], $0x2FFFF;
	_ =	strace $0x9FFFFFFF  }
0xc3: {  	(tm) =	ssettm $0x7FFFFFFF  }
tec
execute0_lowered:
.L_overlay_start_1:
0x0: {  	(tag) =	ssettag $0x1  }
0x1: {  	s0 =	rddreg [dreg:$0x0]  }
0x2: {  	s2 =	rddreg [dreg:$0x1]  }
0x3: {  	s1 =	rddreg [dreg:$0x2];
	s3 =	simm.s32 $0x0  }
0x4: {  	s4 =	srdreg.scid;
	s16 =	stileid.u32;
	s28 =	simm.s32 $0x1  }
0x5: {  	s29 =	simm.s32 $0x3;
	s30 =	simm.s32 $0x50;
	s5 =	smul.u32 $0x4E000, s16  }
0x6: {  	s31 =	simm.s32 $0x2;
	[smem:$0x7FF] =	sst s3;
	s9 =	smul.u32 $0x27000, s16  }
0x7: {  	s6 =	sadd.s32 $0x191000, s0;
	s4 =	sand.u32 $0x1, s4;
	s12 =	smul.u32 $0x13B0, s16  }
0x8: {  	s7 =	sadd.s32 $0x52E000, s0;
	s0 =	sadd.s32 $0xA1F000, s0;
	s18 =	smul.u32 $0x13B000, s16  }
0x9: {  	s17 =	sshll.u32 s16, $0x6;
	s14 =	sadd.s32 $0x138000, s1;
	s22 =	smul.u32 $0x276, s16  }
0xa: {  	p0 =	sne.s32 s16, $0xF;
	_ =	strace $0x80000050;
	s8 =	ssub.s32 $0x2, s4  }
0xb: {  	s11 =	sshll.u32 s4, $0xA;
	s4 =	sshll.u32 s4, $0x7;
	[dreg:$0x5] =	wrdreg s14  }
0xc: {  	s10 =	sshrl.u32 s8, $0x1;
	s5 =	sshrl.u32 s5, $0x2;
	s9 =	sor.u32 s11, s9  }
0xd: {  	s12 =	sadd.s32 $0x1360, s12;
	s21 =	sadd.s32 s4, s2;
	s25 =	sadd.s32 s22, s7  }
0xe: {  	s22 =	simm.s32 $0x800;
	s8 =	ssub.s32 s8, s10;
	s10 =	sadd.s32 s5, s1  }
0xf: {  	s9 =	sshrl.u32 s9, $0x3;
	s5 =	sor.u32 $0x1C07, s17;
	s13 =	sshll.u32 s12, $0x8  }
0x10: {  	s12 =	sshrl.u32 s12, $0x3;
	s15 =	sadd.s32 s0, s9;
	s0 =	sadd.s32 s4, s0  }
0x11: {  	s13 =	sor.u32 s11, s13;
	s20 =	sadd.s32 s7, s12;
	s2 =	sadd.s32 s2, s9  }
0x12: {  	s24 =	smax.u32 s8, $0x1;
	s16 =	sshrl.u32 s10, $0x3;
	[dreg:$0x4] =	wrdreg s15  }
0x13: {  	s12 =	simm.s32 $0x8;
	s4 =	simm.s32 $0x6;
	[dreg:$0x8] =	wrdreg s20  }
0x14: {  	s13 =	sshrl.u32 s13, $0x3;
	s0 =	sadd.s32 $0x4E000, s0;
	[dreg:$0x9] =	wrdreg s2  }
0x15: {  	s15 =	sor.u32 s11, s18;
	[dreg:$0xb] =	wrdreg s24;
	s18 =	simm.s32 $0x80  }
0x16: {  	s20 =	simm.s32 $0x7;
	s24 =	simm.s32 $0x18880;
	s2 =	simm.s32 $0x5  }
0x17: {  	[dreg:$0x6] =	wrdreg s0;
	s19 =	sadd.s32 s6, s13;
	s0 =	sadd.s32 $0x4E000, s21  }
0x18: {  	s23 =	sadd.s32 $0x5000, s15;
	s13 =	sadd.s32 $0xA, s25;
	s26 =	sshrl.u32 s15, $0x3  }
0x19: {  	s21 =	simm.s32 $0x400;
	s25 =	simm.s32 $0x16080;
	[dreg:$0x7] =	wrdreg s19  }
0x1a: {  	[dreg:$0xa] =	wrdreg s0;
	s0 =	sshrl.u32 s23, $0x3;
	s15 =	sadd.s32 s26, s6  }
0x1b: {  	s19 =	simm.s32 $0x100;
	s23 =	simm.s32 $0x13880;
	s26 =	simm.s32 $0x18900  }
0x1c: {  	s14 =	sadd.s32 s0, s6;
	s0 =	simm.s32 $0x4;
	s6 =	simm.s32 $0x0  }
.LBB2_1:
0x1d: {  	s7 =	rddreg [dreg:$0x4]  }
0x1e: {  	[spmem:s16@s18], [sflag:s5] =	dma.strided [hbm:s7@s19], $0x2700, s12, $0x10   }
0x1f: {  	s8 =	simm.s32 @!p0 $0x8;
	s9 =	simm.s32 @!p0 $0x80;
	_ =	swait.ge [sflag:s20], $0x2700  }
0x20: {  	s10 =	simm.s32 @!p0 $0x100;
	[sflag:s20] =	ssyncset.done $0x0;
	s7 =	rddreg [dreg:$0x5]  }
0x21: {  	s11 =	rddreg [dreg:$0x6];
	[sflag:s20] =	ssyncadd.s32 $0xFFFFD900;
	s7 =	sshrl.u32 @!p0 s7, $0x3  }
0x22: {  	[spmem:s7@s9], [sflag:s5] =	dma.strided @!p0 [hbm:s11@s10], $0x100, s8, $0x10   }
0x23: {  	s8 =	simm.s32 @!p0 $0x7  }
0x24: {  	_ =	swait.ge @!p0 [sflag:s8], $0x100  }
0x25: {  	[sflag:s8] =	ssyncset.done @!p0 $0x0  }
0x26: {  	[sflag:s8] =	ssyncadd.s32 @!p0 $0xFFFFFF00  }
0x27: {  	s11 =	sadd.s32 $0x0, s15;
	[bflag:$0x0] =	sbarrier.arrive $0xFFFF  }
0x28: {  	[tilespmem:s23], [sflag:$0x1] =	stream.strided.gather [hbm4b:s11+s21], $0x2800, s22, s21, $0x38;
	[tilespmem:$0x18980] =	vst v63  }
0x29: {  	s12 =	sadd.s32 $0xFFFFFFF6, s13  }
0x2a: {  	[tilespmem:s24], [sflag:$0x3] =	stream.linear.gather [hbm4b:s12+s3], $0x50, $0x38;
	[tilespmem:$0x18980] =	vst v63  }
0x2b: {  	s17 =	sadd.s32 $0x0, s14  }
0x2c: {  	[tilespmem:s25], [sflag:$0x2] =	stream.strided.gather [hbm4b:s17+s21], $0x2800, s22, s21, $0x38;
	[tilespmem:$0x18980] =	vst v63  }
0x2d: {  	_ = 	snop  }
0x2e: {  	[tilespmem:s26], [sflag:$0x4] =	stream.linear.gather [hbm4b:s13+s3], $0x50, $0x38;
	[tilespmem:$0x18980] =	vst v63  }
0x2f: {  	_ =	swait.ge [sflag:s28], $0x2800  }
0x30: {  	[sflag:s28] =	ssyncset.done $0x0  }
0x31: {  	[sflag:s28] =	ssyncadd.s32 $0xFFFFD800  }
0x32: {  	_ =	swait.ge [sflag:s29], $0x50  }
0x33: {  	[sflag:s29] =	ssyncset.done $0x0  }
0x34: {  	[sflag:s29] =	ssyncadd.s32 $0xFFFFFFB0  }
0x35: {  	[spmem:s1] =	stream.indirect.scatter.add.f32 [tilespmem:s23], [sflag:$0x5], $0x80, s24, s30, $0xb8;
	[tilespmem:$0x18980] =	vst v63  }
0x36: {  	_ =	swait.ge [sflag:s31], $0x2800  }
0x37: {  	[sflag:s31] =	ssyncset.done $0x0  }
0x38: {  	[sflag:s31] =	ssyncadd.s32 $0xFFFFD800  }
0x39: {  	_ =	swait.ge [sflag:s0], $0x50  }
0x3a: {  	[sflag:s0] =	ssyncset.done $0x0  }
0x3b: {  	[sflag:s0] =	ssyncadd.s32 $0xFFFFFFB0  }
0x3c: {  	[spmem:s1] =	stream.indirect.scatter.add.f32 [tilespmem:s25], [sflag:$0x6], $0x80, s26, s30, $0xb8;
	[tilespmem:$0x18980] =	vst v63  }
0x3d: {  	_ =	swait.ge [sflag:s2], $0x2800  }
0x3e: {  	[sflag:s2] =	ssyncset.done $0x0  }
0x3f: {  	[sflag:s2] =	ssyncadd.s32 $0xFFFFD800  }
0x40: {  	s10 =	simm.s32 $0x2800;
	_ =	swait.ge [sflag:s4], $0x2800  }
0x41: {  	s9 =	sadd.s32 $0x14, s13;
	s8 =	simm.s32 $0x1400;
	[sflag:s4] =	ssyncset.done $0x0  }
.LBB2_2:
0x42: {  	s11 =	sadd.s32 s8, s15  }
0x43: {  	[sflag:s4] =	ssyncadd.s32 $0xFFFFD800;
	s12 =	smov.u32 s10;
	s17 =	sadd.s32 $0x1400, s10  }
0x44: {  	[tilespmem:s23], [sflag:$0x1] =	stream.strided.gather [hbm4b:s11+s21], $0x2800, s22, s21, $0x38;
	[tilespmem:$0x18980] =	vst v63  }
0x45: {  	p1 =	sne.s32 s10, $0x25800;
	s10 =	sadd.s32 $0xFFFFFFF6, s9  }
0x46: {  	[tilespmem:s24], [sflag:$0x3] =	stream.linear.gather [hbm4b:s10+s3], $0x50, $0x38;
	[tilespmem:$0x18980] =	vst v63  }
0x47: {  	s10 =	sadd.s32 s8, s14;
	s8 =	smov.u32 s12  }
0x48: {  	[tilespmem:s25], [sflag:$0x2] =	stream.strided.gather [hbm4b:s10+s21], $0x2800, s22, s21, $0x38;
	[tilespmem:$0x18980] =	vst v63  }
0x49: {  	_ = 	snop  }
0x4a: {  	[tilespmem:s26], [sflag:$0x4] =	stream.linear.gather [hbm4b:s9+s3], $0x50, $0x38;
	[tilespmem:$0x18980] =	vst v63  }
0x4b: {  	_ =	swait.ge [sflag:s28], $0x2800  }
0x4c: {  	[sflag:s28] =	ssyncset.done $0x0  }
0x4d: {  	[sflag:s28] =	ssyncadd.s32 $0xFFFFD800  }
0x4e: {  	_ =	swait.ge [sflag:s29], $0x50  }
0x4f: {  	[sflag:s29] =	ssyncset.done $0x0  }
0x50: {  	[sflag:s29] =	ssyncadd.s32 $0xFFFFFFB0  }
0x51: {  	[spmem:s1] =	stream.indirect.scatter.add.f32 [tilespmem:s23], [sflag:$0x5], $0x80, s24, s30, $0xb8;
	[tilespmem:$0x18980] =	vst v63  }
0x52: {  	_ =	swait.ge [sflag:s31], $0x2800  }
0x53: {  	[sflag:s31] =	ssyncset.done $0x0  }
0x54: {  	[sflag:s31] =	ssyncadd.s32 $0xFFFFD800  }
0x55: {  	_ =	swait.ge [sflag:s0], $0x50  }
0x56: {  	[sflag:s0] =	ssyncset.done $0x0  }
0x57: {  	[sflag:s0] =	ssyncadd.s32 $0xFFFFFFB0  }
0x58: {  	[spmem:s1] =	stream.indirect.scatter.add.f32 [tilespmem:s25], [sflag:$0x6], $0x80, s26, s30, $0xb8;
	[tilespmem:$0x18980] =	vst v63  }
.Ltmp0:
0x59: {  	_ =	swait.ge [sflag:s2], $0x2800;
	(pc) =	sbr.rel @p1 .LBB2_2-.Ltmp0, $4  }
0x5a: {  	[sflag:s2] =	ssyncset.done $0x0  }
0x5b: {  	[sflag:s2] =	ssyncadd.s32 $0xFFFFD800  }
0x5c: {  	_ =	swait.ge [sflag:s4], $0x2800  }
0x5d: {  	s10 =	smov.u32 s17;
	s9 =	sadd.s32 $0x14, s9;
	[sflag:s4] =	ssyncset.done $0x0  }
0x5e: {  	s10 =	sadd.s32 s8, s15;
	[sflag:s4] =	ssyncadd.s32 $0xFFFFD800  }
0x5f: {  	[tilespmem:s23], [sflag:$0x1] =	stream.strided.gather [hbm4b:s10+s21], $0x2800, s22, s21, $0x38;
	[tilespmem:$0x18980] =	vst v63  }
0x60: {  	s12 =	sadd.s32 $0xFFFFFFF6, s9  }
0x61: {  	[tilespmem:s24], [sflag:$0x3] =	stream.linear.gather [hbm4b:s12+s3], $0x50, $0x38;
	[tilespmem:$0x18980] =	vst v63  }
0x62: {  	s17 =	sadd.s32 s8, s14  }
0x63: {  	[tilespmem:s25], [sflag:$0x2] =	stream.strided.gather [hbm4b:s17+s21], $0x2800, s22, s21, $0x38;
	[tilespmem:$0x18980] =	vst v63  }
0x64: {  	_ = 	snop  }
0x65: {  	[tilespmem:s26], [sflag:$0x4] =	stream.linear.gather [hbm4b:s9+s3], $0x50, $0x38;
	[tilespmem:$0x18980] =	vst v63  }
0x66: {  	_ =	swait.ge [sflag:s28], $0x2800  }
0x67: {  	[sflag:s28] =	ssyncset.done $0x0  }
0x68: {  	[sflag:s28] =	ssyncadd.s32 $0xFFFFD800  }
0x69: {  	_ =	swait.ge [sflag:s29], $0x50  }
0x6a: {  	[sflag:s29] =	ssyncset.done $0x0  }
0x6b: {  	[sflag:s29] =	ssyncadd.s32 $0xFFFFFFB0  }
0x6c: {  	[spmem:s1] =	stream.indirect.scatter.add.f32 [tilespmem:s23], [sflag:$0x5], $0x80, s24, s30, $0xb8;
	[tilespmem:$0x18980] =	vst v63  }
0x6d: {  	_ =	swait.ge [sflag:s31], $0x2800  }
0x6e: {  	[sflag:s31] =	ssyncset.done $0x0  }
0x6f: {  	[sflag:s31] =	ssyncadd.s32 $0xFFFFD800  }
0x70: {  	_ =	swait.ge [sflag:s0], $0x50  }
0x71: {  	[sflag:s0] =	ssyncset.done $0x0  }
0x72: {  	[sflag:s0] =	ssyncadd.s32 $0xFFFFFFB0  }
0x73: {  	[spmem:s1] =	stream.indirect.scatter.add.f32 [tilespmem:s25], [sflag:$0x6], $0x80, s26, s30, $0xb8;
	[tilespmem:$0x18980] =	vst v63  }
0x74: {  	_ =	swait.ge [sflag:s2], $0x2800  }
0x75: {  	[sflag:s2] =	ssyncset.done $0x0  }
0x76: {  	[sflag:s2] =	ssyncadd.s32 $0xFFFFD800  }
0x77: {  	_ =	swait.ge [sflag:s4], $0x2800  }
0x78: {  	[sflag:s4] =	ssyncset.done $0x0  }
0x79: {  	s9 =	rddreg [dreg:$0x7];
	[sflag:s4] =	ssyncadd.s32 $0xFFFFD800  }
0x7a: {  	[tilespmem:s23], [sflag:$0x1] =	stream.strided.gather [hbm4b:s9+s21], $0x2800, s22, s21, $0x38;
	[tilespmem:$0x18980] =	vst v63  }
0x7b: {  	s10 =	rddreg [dreg:$0x8]  }
0x7c: {  	[tilespmem:s24], [sflag:$0x3] =	stream.linear.gather [hbm4b:s10+s3], $0x50, $0x38;
	[tilespmem:$0x18980] =	vst v63  }
0x7d: {  	_ =	swait.ge [sflag:s28], $0x2800  }
0x7e: {  	[sflag:s28] =	ssyncset.done $0x0  }
0x7f: {  	[sflag:s28] =	ssyncadd.s32 $0xFFFFD800  }
0x80: {  	_ =	swait.ge [sflag:s29], $0x50  }
0x81: {  	[sflag:s29] =	ssyncset.done $0x0  }
0x82: {  	[sflag:s29] =	ssyncadd.s32 $0xFFFFFFB0  }
0x83: {  	[spmem:s1] =	stream.indirect.scatter.add.f32 [tilespmem:s23], [sflag:$0x7], $0x80, s24, s30, $0xb8;
	[tilespmem:$0x18980] =	vst v63  }
0x84: {  	_ =	swait.ge [sflag:s20], $0x2800  }
0x85: {  	[sflag:s20] =	ssyncset.done $0x0  }
0x86: {  	[sflag:s20] =	ssyncadd.s32 $0xFFFFD800  }
0x87: {  	[bflag:$0x0] =	sbarrier.arrive $0xFFFF  }
0x88: {  	s12 =	simm.s32 $0x8;
	s11 =	rddreg [dreg:$0x9]  }
0x89: {  	[hbm:s11@s19], [sflag:s5] =	dma.strided [spmem:s16@s18], $0x2700, s12, $0x10   }
0x8a: {  	_ =	swait.ge [sflag:s20], $0x2700  }
0x8b: {  	s8 =	simm.s32 @!p0 $0x8;
	s9 =	simm.s32 @!p0 $0x100;
	[sflag:s20] =	ssyncset.done $0x0  }
0x8c: {  	s10 =	simm.s32 @!p0 $0x80;
	s11 =	rddreg [dreg:$0xa];
	[sflag:s20] =	ssyncadd.s32 $0xFFFFD900  }
0x8d: {  	[hbm:s11@s9], [sflag:s5] =	dma.strided @!p0 [spmem:s7@s10], $0x100, s8, $0x10   }
0x8e: {  	s7 =	simm.s32 @!p0 $0x7  }
0x8f: {  	_ =	swait.ge @!p0 [sflag:s7], $0x100  }
0x90: {  	s6 =	sadd.s32 $0x1, s6;
	s17 =	rddreg [dreg:$0xb]  }
0x91: {  	p1 =	sne.s32 s6, s17  }
.Ltmp1:
0x92: {  	_ = 	snop;
	(pc) =	sbr.rel @p1 .LBB2_1-.Ltmp1, $3  }
0x93: {  	_ =	sdelay $0x1  }
0x94: {  	[sflag:s7] =	ssyncset.done @!p0 $0x0  }
0x95: {  	[sflag:s7] =	ssyncadd.s32 @!p0 $0xFFFFFF00  }
0x96: {  	_ =	sfence.sel $0x180000  }
0x97: {  	[bflag:$0x0] =	sbarrier.arrive $0xFFFF  }
0x98: {  	_ =	strace $0x90000050  }
0x99: {  	s0 =	stileid.u32;
	[bflag:$0x2] =	sbarrier.arrive $0xFFFF  }
0x9a: {  	p0 =	sne.s32 s0, $0x0;
	s0 =	rddreg [dreg:$0x3]  }
0x9b: {  	s0 =	sadd.s32 @!p0 $0x100000, s0  }
0x9c: {  	[sflag:s0] =	ssyncadd.tile.s32 @!p0 $0x1;
	_ =	shalt  }
.Lfunc_end2:
_tile_overlayer_lowered:
.L_overlay_start_2:
0x9d: {  	(tag) =	ssettag $0x2  }
0x9e: {  	s0 =	rddreg [dreg:$0x0];
	s2 =	stileid.u32  }
0x9f: {  	s1 =	rddreg [dreg:$0x1];
	p0 =	sne.s32 s2, $0x0  }
0xa0: {  	s3 =	rddreg [dreg:$0x2];
	[bflag:$0x3] =	sbarrier.arrive $0xFFFF;
	s2 =	simm.s32 @!p0 $0x1C07  }
0xa1: {  	[timem:s3], [sflag:s2] =	dma.local @!p0 [hbm:s0], s1  }
0xa2: {  	s0 =	simm.s32 @!p0 $0x7  }
0xa3: {  	_ =	swait.ge @!p0 [sflag:s0], s1  }
0xa4: {  	s1 =	ssub.s32 @!p0 $0x0, s1;
	[sflag:s0] =	ssyncset.done @!p0 $0x0  }
0xa5: {  	[sflag:s0] =	ssyncadd.s32 @!p0 s1  }
0xa6: {  	[bflag:$0x3] =	sbarrier.arrive $0xFFFF  }
0xa7: {  	_ =	shalt  }

</sc_bundles>
